<compile_context>
chip_gen: v7x
topology: tpu7x:2x2x1
jax: 0.10.2.dev20260603
libtpu: 0.0.44.dev20260713+nightly
codegen_flags: <defaults>
</compile_context>

<pallas_src>
import functools

import jax
import jax.numpy as jnp
from jax import lax
from jax.experimental import pallas as pl
from jax.experimental.pallas import tpu as pltpu
from jax.experimental.pallas import tpu_sc as plsc

_NUM_CORES = 2
_NUM_SUBCORES = 16
_LANES = 16
_NW = _NUM_CORES * _NUM_SUBCORES

_H_SC = 96


def _sqrt_vec(x):
    i = plsc.bitcast(x, jnp.int32)
    i = jnp.full((_LANES,), 0x5F3759DF, jnp.int32) - (i >> 1)
    r = plsc.bitcast(i, jnp.float32)
    xh = x * 0.5
    r = r * (1.5 - xh * r * r)
    r = r * (1.5 - xh * r * r)
    return x * r


@functools.lru_cache(maxsize=None)
def _sc_chamfer(h, w, n, h_sc):
    rows_w = h_sc // _NW
    groups = w // _LANES
    pts_w = n // _NW
    assert rows_w * _NW == h_sc and groups * _LANES == w and pts_w == _LANES

    mesh = plsc.VectorSubcoreMesh(core_axis_name="c", subcore_axis_name="s")

    @functools.partial(
        pl.kernel,
        out_type=jax.ShapeDtypeStruct((_NW, _LANES), jnp.float32),
        mesh=mesh,
        compiler_params=pltpu.CompilerParams(needs_layout_passes=False),
        scratch_types=[
            pltpu.VMEM((n,), jnp.float32),
            pltpu.VMEM((n,), jnp.float32),
            pltpu.VMEM((_LANES,), jnp.float32),
        ],
    )
    def sc_k(py_hbm, px_hbm, out, py_v, px_v, part_v):
        cid = lax.axis_index("c")
        sid = lax.axis_index("s")
        wid = sid * _NUM_CORES + cid

        pltpu.sync_copy(py_hbm, py_v)
        pltpu.sync_copy(px_hbm, px_v)

        p0 = wid * pts_w
        pyv = py_v[pl.ds(p0, _LANES)]
        pxv = px_v[pl.ds(p0, _LANES)]

        def lattice_d2(v, hi):
            idx = (v + 0.5).astype(jnp.int32)
            idx = jnp.minimum(jnp.maximum(idx, 0), hi)
            d = v - idx.astype(jnp.float32)
            return d * d

        sum_vec = _sqrt_vec(lattice_d2(pyv, h - 1) + lattice_d2(pxv, w - 1))

        row0 = wid * rows_w
        iota = lax.iota(jnp.int32, _LANES).astype(jnp.float32)
        yfs = [(row0 + r).astype(jnp.float32) for r in range(rows_w)]
        chunks = n // _LANES

        tile_w = 14 if rows_w <= 4 else 8
        g0 = 0
        while g0 < groups:
            gw = min(tile_w, groups - g0)
            assert gw % 2 == 0
            xv_t = [iota + float((g0 + g) * _LANES) for g in range(gw)]
            big = jnp.full((_LANES,), 1e30, jnp.float32)
            bigb = plsc.pack(big, big, format=plsc.PackFormat.INTERLEAVED)
            init = tuple(bigb for _ in range(rows_w * (gw // 2)))

            def body(jc, accs, xv_t=xv_t, gw=gw):
                j0 = jc * _LANES
                pyv = py_v[pl.ds(j0, _LANES)]
                pxv = px_v[pl.ds(j0, _LANES)]
                out = list(accs)
                for k in range(_LANES):
                    pyj = pyv[k]
                    pxj = pxv[k]
                    packed = []
                    for g in range(gw // 2):
                        dxa = xv_t[2 * g] - pxj
                        dxb = xv_t[2 * g + 1] - pxj
                        packed.append(plsc.pack(dxa * dxa, dxb * dxb,
                                                format=plsc.PackFormat.INTERLEAVED))
                    for r in range(rows_w):
                        dy = yfs[r] - pyj
                        dy2v = jnp.broadcast_to(dy * dy, (_LANES,))
                        dy2b = plsc.pack(dy2v, dy2v,
                                         format=plsc.PackFormat.INTERLEAVED)
                        for g in range(gw // 2):
                            i = r * (gw // 2) + g
                            out[i] = jnp.minimum(out[i], packed[g] + dy2b)
                return tuple(out)

            accs = lax.fori_loop(0, chunks, body, init)
            for a in accs:
                fa, fb = plsc.unpack(a, format=plsc.PackFormat.INTERLEAVED,
                                     preferred_element_type=jnp.float32)
                sum_vec = sum_vec + _sqrt_vec(fa) + _sqrt_vec(fb)
            g0 += gw

        total = jnp.sum(sum_vec)
        part_v[...] = jnp.broadcast_to(total, (_LANES,))
        pltpu.sync_copy(part_v, out.at[wid])

    return sc_k


@functools.lru_cache(maxsize=None)
def _tc_band_fn(h, w, n, h_sc):
    rows_tc = h - h_sc
    n_strips = rows_tc // 8
    assert n_strips * 8 == rows_tc
    n_cols = (w + 127) // 128

    def tc_k(py_s, px_s, out_ref):
        yv0 = lax.broadcasted_iota(jnp.int32, (8, 128), 0).astype(jnp.float32)
        xv0 = lax.broadcasted_iota(jnp.int32, (8, 128), 1).astype(jnp.float32)
        xvs = [xv0 + float(c * 128) for c in range(n_cols)]
        big = jnp.full((8, 128), 1e30, jnp.float32)
        init = tuple(big for _ in range(n_strips * n_cols))

        def body(j, accs):
            pyj = py_s[j]
            pxj = px_s[j]
            dx2 = []
            for c in range(n_cols):
                dx = xvs[c] - pxj
                dx2.append(dx * dx)
            out = list(accs)
            for s in range(n_strips):
                dy = yv0 - (pyj - float(h_sc + 8 * s))
                dy2 = dy * dy
                for c in range(n_cols):
                    i = s * n_cols + c
                    out[i] = jnp.minimum(out[i], dx2[c] + dy2)
            return tuple(out)

        accs = lax.fori_loop(0, n, body, init)
        total = jnp.float32(0.0)
        for s in range(n_strips):
            for c in range(n_cols):
                d = jnp.sqrt(accs[s * n_cols + c])
                if (c + 1) * 128 > w:
                    d = jnp.where(xvs[c] < float(w), d, 0.0)
                total = total + jnp.sum(d)
        out_ref[...] = jnp.broadcast_to(total, (1, 1))

    return tc_k


def kernel(img_render_points, img_ref):
    pts = img_render_points.reshape(-1, 2).astype(jnp.float32)
    n = pts.shape[0]
    h, w = img_ref.shape
    py = pts[:, 0]
    px = pts[:, 1]

    sc_partials = _sc_chamfer(h, w, n, _H_SC)(py, px)

    tc_out = pl.pallas_call(
        _tc_band_fn(h, w, n, _H_SC),
        in_specs=[
            pl.BlockSpec(memory_space=pltpu.SMEM),
            pl.BlockSpec(memory_space=pltpu.SMEM),
        ],
        out_shape=jax.ShapeDtypeStruct((1, 1), jnp.float32),
    )(py, px)

    return jnp.sum(sc_partials[:, 0]) + tc_out[0, 0]

# --- scband reference (transcript-rebuilt; emitter-appended) ---
"""Pipeline reference for scband-chamfer-loss-whole-image-53206054863124 (READ-ONLY COPY).

The authoritative reference and input builder live on the scoring server;
editing this copy changes nothing except your own understanding.
"""

import jax, jax.numpy as jnp
import numpy as np

H, W = 224, 224
N_PTS = 512

def setup_inputs(seed: int = 0) -> dict:
    key = jax.random.key(seed)
    k1, k2 = jax.random.split(key)
    # rendered projected points, scaled to image coordinate range
    img_render_points = jax.random.uniform(k1, (N_PTS, 2), dtype=jnp.float32) * float(H)
    img_ref = jax.random.uniform(k2, (H, W), dtype=jnp.float32)
    return {"img_render_points": img_render_points, "img_ref": img_ref}

def reference(img_render_points, img_ref):
    # prepare_data: reshape rendered points to (N, 2) and build a full
    # coordinate grid of the reference image reshaped to (H*W, 2)
    pts = img_render_points.reshape(-1, 2)
    h, w = img_ref.shape
    ys, xs = jnp.meshgrid(jnp.arange(h, dtype=jnp.float32), jnp.arange(w, dtype=jnp.float32), indexing='ij')
    coords = jnp.stack([ys.reshape(-1), xs.reshape(-1)], axis=1)  # (h*w, 2)
    # pairwise Euclidean distances (N, h*w)
    diff = pts[:, None, :] - coords[None, :, :]
    distances = jnp.linalg.norm(diff, axis=2)
    min_distances_1 = jnp.min(distances, axis=1)  # nearest grid point for each render point
    min_distances_2 = jnp.min(distances, axis=0)  # nearest render point for each grid point
    chamfer_loss = jnp.sum(min_distances_1) + jnp.sum(min_distances_2)
    return chamfer_loss

if __name__ == "__main__":
    import jax
    _d = setup_inputs()
    print(jax.jit(kernel)(*tuple(_d.values())))

</pallas_src>

<mosaic_0001>
#map = affine_map<(d0, d1) -> (0)>
#map1 = affine_map<(d0, d1) -> (0, 0)>
module attributes {stable_mosaic.version = 14 : i64} {
  func.func @sc_k(%arg0: i32, %arg1: i32, %arg2: memref<512xf32, #tpu.memory_space<hbm>>, %arg3: memref<512xf32, #tpu.memory_space<hbm>>, %arg4: memref<32x16xf32, #tpu.memory_space<hbm>>, %arg5: memref<512xf32, #tpu.memory_space<vmem>>, %arg6: memref<512xf32, #tpu.memory_space<vmem>>, %arg7: memref<16xf32, #tpu.memory_space<vmem>>) attributes {dimension_semantics = [#tpu.dimension_semantics<core_parallel>, #tpu.dimension_semantics<subcore_parallel>], iteration_bounds = array<i64: 2, 16>, scalar_prefetch = 0 : i64, scratch_operands = 3 : i64, tpu.core_type = #tpu.core_type<sc_vector_subcore>, window_params = [{transform_indices = #map}, {transform_indices = #map}, {transform_indices = #map1}]} {
    %mul3A = arith.constant 2 : i32
    %mul3A_0 = arith.muli %arg1, %mul3A : i32
    %add3A = arith.addi %mul3A_0, %arg0 : i32
    "tpu.region"() ({
      %run_scoped3A = tpu.sem_alloc : memref<!tpu.dma_semaphore, #tpu.memory_space<semaphore_mem>>
      tpu.enqueue_dma source(%arg2 : memref<512xf32, #tpu.memory_space<hbm>>) target(%arg5 : memref<512xf32, #tpu.memory_space<vmem>>) target_semaphore(%run_scoped3A : memref<!tpu.dma_semaphore, #tpu.memory_space<semaphore_mem>>)
      tpu.wait_dma2 semaphore(%run_scoped3A : memref<!tpu.dma_semaphore, #tpu.memory_space<semaphore_mem>>) src(%arg2 : memref<512xf32, #tpu.memory_space<hbm>>) dst(%arg5 : memref<512xf32, #tpu.memory_space<vmem>>)
      tpu.yield
    }) : () -> ()
    "tpu.region"() ({
      %run_scoped3A = tpu.sem_alloc : memref<!tpu.dma_semaphore, #tpu.memory_space<semaphore_mem>>
      tpu.enqueue_dma source(%arg3 : memref<512xf32, #tpu.memory_space<hbm>>) target(%arg6 : memref<512xf32, #tpu.memory_space<vmem>>) target_semaphore(%run_scoped3A : memref<!tpu.dma_semaphore, #tpu.memory_space<semaphore_mem>>)
      tpu.wait_dma2 semaphore(%run_scoped3A : memref<!tpu.dma_semaphore, #tpu.memory_space<semaphore_mem>>) src(%arg3 : memref<512xf32, #tpu.memory_space<hbm>>) dst(%arg6 : memref<512xf32, #tpu.memory_space<vmem>>)
      tpu.yield
    }) : () -> ()
    %mul3A_1 = arith.constant 16 : i32
    %mul3A_2 = arith.muli %add3A, %mul3A_1 : i32
    %get3A = arith.index_cast %mul3A_2 : i32 to index
    %get3A_3 = tpu.vector_load %arg5[%get3A] {strides = array<i32>} : memref<512xf32, #tpu.memory_space<vmem>>, vector<16xf32>,
    %get3A_4 = arith.index_cast %mul3A_2 : i32 to index
    %get3A_5 = tpu.vector_load %arg6[%get3A_4] {strides = array<i32>} : memref<512xf32, #tpu.memory_space<vmem>>, vector<16xf32>,
    %add3A_6 = arith.constant 5.000000e-01 : f32
    %add3A_7 = vector.broadcast %add3A_6 : f32 to vector<16xf32>
    %add3A_8 = arith.addf %get3A_3, %add3A_7 : vector<16xf32>
    %convert_element_type3A = arith.fptosi %add3A_8 : vector<16xf32> to vector<16xi32>
    %max3A = arith.constant 0 : i32
    %max3A_9 = vector.broadcast %max3A : i32 to vector<16xi32>
    %max3A_10 = arith.maxsi %convert_element_type3A, %max3A_9 : vector<16xi32>
    %min3A = arith.constant 223 : i32
    %min3A_11 = vector.broadcast %min3A : i32 to vector<16xi32>
    %min3A_12 = arith.minsi %max3A_10, %min3A_11 : vector<16xi32>
    %convert_element_type3A_13 = arith.sitofp %min3A_12 : vector<16xi32> to vector<16xf32>
    %sub3A = arith.subf %get3A_3, %convert_element_type3A_13 : vector<16xf32>
    %mul3A_14 = arith.mulf %sub3A, %sub3A : vector<16xf32>
    %add3A_15 = arith.constant 5.000000e-01 : f32
    %add3A_16 = vector.broadcast %add3A_15 : f32 to vector<16xf32>
    %add3A_17 = arith.addf %get3A_5, %add3A_16 : vector<16xf32>
    %convert_element_type3A_18 = arith.fptosi %add3A_17 : vector<16xf32> to vector<16xi32>
    %max3A_19 = arith.constant 0 : i32
    %max3A_20 = vector.broadcast %max3A_19 : i32 to vector<16xi32>
    %max3A_21 = arith.maxsi %convert_element_type3A_18, %max3A_20 : vector<16xi32>
    %min3A_22 = arith.constant 223 : i32
    %min3A_23 = vector.broadcast %min3A_22 : i32 to vector<16xi32>
    %min3A_24 = arith.minsi %max3A_21, %min3A_23 : vector<16xi32>
    %convert_element_type3A_25 = arith.sitofp %min3A_24 : vector<16xi32> to vector<16xf32>
    %sub3A_26 = arith.subf %get3A_5, %convert_element_type3A_25 : vector<16xf32>
    %mul3A_27 = arith.mulf %sub3A_26, %sub3A_26 : vector<16xf32>
    %add3A_28 = arith.addf %mul3A_14, %mul3A_27 : vector<16xf32>
    %bitcast3A = vector.bitcast %add3A_28 : vector<16xf32> to vector<16xi32>
    %broadcast_in_dim3A = arith.constant 1597463007 : i32
    %broadcast_in_dim3A_29 = vector.broadcast %broadcast_in_dim3A : i32 to vector<16xi32>
    %shift_right_arithmetic3A = arith.constant 1 : i32
    %shift_right_arithmetic3A_30 = vector.broadcast %shift_right_arithmetic3A : i32 to vector<16xi32>
    %shift_right_arithmetic3A_31 = arith.shrsi %bitcast3A, %shift_right_arithmetic3A_30 : vector<16xi32>
    %sub3A_32 = arith.subi %broadcast_in_dim3A_29, %shift_right_arithmetic3A_31 : vector<16xi32>
    %bitcast3A_33 = vector.bitcast %sub3A_32 : vector<16xi32> to vector<16xf32>
    %mul3A_34 = arith.constant 5.000000e-01 : f32
    %mul3A_35 = vector.broadcast %mul3A_34 : f32 to vector<16xf32>
    %mul3A_36 = arith.mulf %add3A_28, %mul3A_35 : vector<16xf32>
    %mul3A_37 = arith.mulf %mul3A_36, %bitcast3A_33 : vector<16xf32>
    %mul3A_38 = arith.mulf %mul3A_37, %bitcast3A_33 : vector<16xf32>
    %sub3A_39 = arith.constant 1.500000e+00 : f32
    %sub3A_40 = vector.broadcast %sub3A_39 : f32 to vector<16xf32>
    %sub3A_41 = arith.subf %sub3A_40, %mul3A_38 : vector<16xf32>
    %mul3A_42 = arith.mulf %bitcast3A_33, %sub3A_41 : vector<16xf32>
    %mul3A_43 = arith.mulf %mul3A_36, %mul3A_42 : vector<16xf32>
    %mul3A_44 = arith.mulf %mul3A_43, %mul3A_42 : vector<16xf32>
    %sub3A_45 = arith.constant 1.500000e+00 : f32
    %sub3A_46 = vector.broadcast %sub3A_45 : f32 to vector<16xf32>
    %sub3A_47 = arith.subf %sub3A_46, %mul3A_44 : vector<16xf32>
    %mul3A_48 = arith.mulf %mul3A_42, %sub3A_47 : vector<16xf32>
    %mul3A_49 = arith.mulf %add3A_28, %mul3A_48 : vector<16xf32>
    %mul3A_50 = arith.constant 3 : i32
    %mul3A_51 = arith.muli %add3A, %mul3A_50 : i32
    %iota3A = tpu.iota {dimensions = array<i32: 0>} : vector<16xi32>
    %convert_element_type3A_52 = arith.sitofp %iota3A : vector<16xi32> to vector<16xf32>
    %add3A_53 = arith.constant 0 : i32
    %add3A_54 = arith.addi %mul3A_51, %add3A_53 : i32
    %convert_element_type3A_55 = arith.sitofp %add3A_54 : i32 to f32
    %add3A_56 = arith.constant 1 : i32
    %add3A_57 = arith.addi %mul3A_51, %add3A_56 : i32
    %convert_element_type3A_58 = arith.sitofp %add3A_57 : i32 to f32
    %add3A_59 = arith.constant 2 : i32
    %add3A_60 = arith.addi %mul3A_51, %add3A_59 : i32
    %convert_element_type3A_61 = arith.sitofp %add3A_60 : i32 to f32
    %add3A_62 = arith.constant 0.000000e+00 : f32
    %add3A_63 = vector.broadcast %add3A_62 : f32 to vector<16xf32>
    %add3A_64 = arith.addf %convert_element_type3A_52, %add3A_63 : vector<16xf32>
    %add3A_65 = arith.constant 1.600000e+01 : f32
    %add3A_66 = vector.broadcast %add3A_65 : f32 to vector<16xf32>
    %add3A_67 = arith.addf %convert_element_type3A_52, %add3A_66 : vector<16xf32>
    %add3A_68 = arith.constant 3.200000e+01 : f32
    %add3A_69 = vector.broadcast %add3A_68 : f32 to vector<16xf32>
    %add3A_70 = arith.addf %convert_element_type3A_52, %add3A_69 : vector<16xf32>
    %add3A_71 = arith.constant 4.800000e+01 : f32
    %add3A_72 = vector.broadcast %add3A_71 : f32 to vector<16xf32>
    %add3A_73 = arith.addf %convert_element_type3A_52, %add3A_72 : vector<16xf32>
    %add3A_74 = arith.constant 6.400000e+01 : f32
    %add3A_75 = vector.broadcast %add3A_74 : f32 to vector<16xf32>
    %add3A_76 = arith.addf %convert_element_type3A_52, %add3A_75 : vector<16xf32>
    %add3A_77 = arith.constant 8.000000e+01 : f32
    %add3A_78 = vector.broadcast %add3A_77 : f32 to vector<16xf32>
    %add3A_79 = arith.addf %convert_element_type3A_52, %add3A_78 : vector<16xf32>
    %add3A_80 = arith.constant 9.600000e+01 : f32
    %add3A_81 = vector.broadcast %add3A_80 : f32 to vector<16xf32>
    %add3A_82 = arith.addf %convert_element_type3A_52, %add3A_81 : vector<16xf32>
    %add3A_83 = arith.constant 1.120000e+02 : f32
    %add3A_84 = vector.broadcast %add3A_83 : f32 to vector<16xf32>
    %add3A_85 = arith.addf %convert_element_type3A_52, %add3A_84 : vector<16xf32>
    %add3A_86 = arith.constant 1.280000e+02 : f32
    %add3A_87 = vector.broadcast %add3A_86 : f32 to vector<16xf32>
    %add3A_88 = arith.addf %convert_element_type3A_52, %add3A_87 : vector<16xf32>
    %add3A_89 = arith.constant 1.440000e+02 : f32
    %add3A_90 = vector.broadcast %add3A_89 : f32 to vector<16xf32>
    %add3A_91 = arith.addf %convert_element_type3A_52, %add3A_90 : vector<16xf32>
    %add3A_92 = arith.constant 1.600000e+02 : f32
    %add3A_93 = vector.broadcast %add3A_92 : f32 to vector<16xf32>
    %add3A_94 = arith.addf %convert_element_type3A_52, %add3A_93 : vector<16xf32>
    %add3A_95 = arith.constant 1.760000e+02 : f32
    %add3A_96 = vector.broadcast %add3A_95 : f32 to vector<16xf32>
    %add3A_97 = arith.addf %convert_element_type3A_52, %add3A_96 : vector<16xf32>
    %add3A_98 = arith.constant 1.920000e+02 : f32
    %add3A_99 = vector.broadcast %add3A_98 : f32 to vector<16xf32>
    %add3A_100 = arith.addf %convert_element_type3A_52, %add3A_99 : vector<16xf32>
    %add3A_101 = arith.constant 2.080000e+02 : f32
    %add3A_102 = vector.broadcast %add3A_101 : f32 to vector<16xf32>
    %add3A_103 = arith.addf %convert_element_type3A_52, %add3A_102 : vector<16xf32>
    %broadcast_in_dim3A_104 = arith.constant 1.000000e+30 : f32
    %broadcast_in_dim3A_105 = vector.broadcast %broadcast_in_dim3A_104 : f32 to vector<16xf32>
    %pack3A = tpu.pack_subelements %broadcast_in_dim3A_105, %broadcast_in_dim3A_105 {pack_format = #tpu.pack_format<interleaved>, positions = array<i32: 0, 1>} : vector<16xf32>, vector<16xf32> -> vector<32xbf16>
    %scan3A = arith.constant 0 : i32
    %scan3A_106 = arith.constant 32 : i32
    %scan3A_107 = arith.addi %scan3A, %scan3A_106 : i32
    %scan3A_108 = arith.constant 1 : i32
    %scan3A_109:21 = scf.for %scan3A_1207 = %scan3A to %scan3A_107 step %scan3A_108 iter_args(%scan3A_1208 = %pack3A, %scan3A_1209 = %pack3A, %scan3A_1210 = %pack3A, %scan3A_1211 = %pack3A, %scan3A_1212 = %pack3A, %scan3A_1213 = %pack3A, %scan3A_1214 = %pack3A, %scan3A_1215 = %pack3A, %scan3A_1216 = %pack3A, %scan3A_1217 = %pack3A, %scan3A_1218 = %pack3A, %scan3A_1219 = %pack3A, %scan3A_1220 = %pack3A, %scan3A_1221 = %pack3A, %scan3A_1222 = %pack3A, %scan3A_1223 = %pack3A, %scan3A_1224 = %pack3A, %scan3A_1225 = %pack3A, %scan3A_1226 = %pack3A, %scan3A_1227 = %pack3A, %scan3A_1228 = %pack3A) -> (vector<32xbf16>, vector<32xbf16>, vector<32xbf16>, vector<32xbf16>, vector<32xbf16>, vector<32xbf16>, vector<32xbf16>, vector<32xbf16>, vector<32xbf16>, vector<32xbf16>, vector<32xbf16>, vector<32xbf16>, vector<32xbf16>, vector<32xbf16>, vector<32xbf16>, vector<32xbf16>, vector<32xbf16>, vector<32xbf16>, vector<32xbf16>, vector<32xbf16>, vector<32xbf16>)  : i32 {
      %mul3A_1229 = arith.constant 16 : i32
      %mul3A_1230 = arith.muli %scan3A_1207, %mul3A_1229 : i32
      %get3A_1231 = arith.index_cast %mul3A_1230 : i32 to index
      %get3A_1232 = tpu.vector_load %arg5[%get3A_1231] {strides = array<i32>} : memref<512xf32, #tpu.memory_space<vmem>>, vector<16xf32>,
      %get3A_1233 = arith.index_cast %mul3A_1230 : i32 to index
      %get3A_1234 = tpu.vector_load %arg6[%get3A_1233] {strides = array<i32>} : memref<512xf32, #tpu.memory_space<vmem>>, vector<16xf32>,
      %slice3A = vector.extract_strided_slice %get3A_1232 {offsets = [0], sizes = [1], strides = [1]} : vector<16xf32> to vector<1xf32>
      %squeeze3A = vector.extract %slice3A[0] : f32 from vector<1xf32>
      %slice3A_1235 = vector.extract_strided_slice %get3A_1234 {offsets = [0], sizes = [1], strides = [1]} : vector<16xf32> to vector<1xf32>
      %squeeze3A_1236 = vector.extract %slice3A_1235[0] : f32 from vector<1xf32>
      %sub3A_1237 = vector.broadcast %squeeze3A_1236 : f32 to vector<16xf32>
      %sub3A_1238 = arith.subf %add3A_64, %sub3A_1237 : vector<16xf32>
      %sub3A_1239 = vector.broadcast %squeeze3A_1236 : f32 to vector<16xf32>
      %sub3A_1240 = arith.subf %add3A_67, %sub3A_1239 : vector<16xf32>
      %mul3A_1241 = arith.mulf %sub3A_1238, %sub3A_1238 : vector<16xf32>
      %mul3A_1242 = arith.mulf %sub3A_1240, %sub3A_1240 : vector<16xf32>
      %pack3A_1243 = tpu.pack_subelements %mul3A_1241, %mul3A_1242 {pack_format = #tpu.pack_format<interleaved>, positions = array<i32: 0, 1>} : vector<16xf32>, vector<16xf32> -> vector<32xbf16>
      %sub3A_1244 = vector.broadcast %squeeze3A_1236 : f32 to vector<16xf32>
      %sub3A_1245 = arith.subf %add3A_70, %sub3A_1244 : vector<16xf32>
      %sub3A_1246 = vector.broadcast %squeeze3A_1236 : f32 to vector<16xf32>
      %sub3A_1247 = arith.subf %add3A_73, %sub3A_1246 : vector<16xf32>
      %mul3A_1248 = arith.mulf %sub3A_1245, %sub3A_1245 : vector<16xf32>
      %mul3A_1249 = arith.mulf %sub3A_1247, %sub3A_1247 : vector<16xf32>
      %pack3A_1250 = tpu.pack_subelements %mul3A_1248, %mul3A_1249 {pack_format = #tpu.pack_format<interleaved>, positions = array<i32: 0, 1>} : vector<16xf32>, vector<16xf32> -> vector<32xbf16>
      %sub3A_1251 = vector.broadcast %squeeze3A_1236 : f32 to vector<16xf32>
      %sub3A_1252 = arith.subf %add3A_76, %sub3A_1251 : vector<16xf32>
      %sub3A_1253 = vector.broadcast %squeeze3A_1236 : f32 to vector<16xf32>
      %sub3A_1254 = arith.subf %add3A_79, %sub3A_1253 : vector<16xf32>
      %mul3A_1255 = arith.mulf %sub3A_1252, %sub3A_1252 : vector<16xf32>
      %mul3A_1256 = arith.mulf %sub3A_1254, %sub3A_1254 : vector<16xf32>
      %pack3A_1257 = tpu.pack_subelements %mul3A_1255, %mul3A_1256 {pack_format = #tpu.pack_format<interleaved>, positions = array<i32: 0, 1>} : vector<16xf32>, vector<16xf32> -> vector<32xbf16>
      %sub3A_1258 = vector.broadcast %squeeze3A_1236 : f32 to vector<16xf32>
      %sub3A_1259 = arith.subf %add3A_82, %sub3A_1258 : vector<16xf32>
      %sub3A_1260 = vector.broadcast %squeeze3A_1236 : f32 to vector<16xf32>
      %sub3A_1261 = arith.subf %add3A_85, %sub3A_1260 : vector<16xf32>
      %mul3A_1262 = arith.mulf %sub3A_1259, %sub3A_1259 : vector<16xf32>
      %mul3A_1263 = arith.mulf %sub3A_1261, %sub3A_1261 : vector<16xf32>
      %pack3A_1264 = tpu.pack_subelements %mul3A_1262, %mul3A_1263 {pack_format = #tpu.pack_format<interleaved>, positions = array<i32: 0, 1>} : vector<16xf32>, vector<16xf32> -> vector<32xbf16>
      %sub3A_1265 = vector.broadcast %squeeze3A_1236 : f32 to vector<16xf32>
      %sub3A_1266 = arith.subf %add3A_88, %sub3A_1265 : vector<16xf32>
      %sub3A_1267 = vector.broadcast %squeeze3A_1236 : f32 to vector<16xf32>
      %sub3A_1268 = arith.subf %add3A_91, %sub3A_1267 : vector<16xf32>
      %mul3A_1269 = arith.mulf %sub3A_1266, %sub3A_1266 : vector<16xf32>
      %mul3A_1270 = arith.mulf %sub3A_1268, %sub3A_1268 : vector<16xf32>
      %pack3A_1271 = tpu.pack_subelements %mul3A_1269, %mul3A_1270 {pack_format = #tpu.pack_format<interleaved>, positions = array<i32: 0, 1>} : vector<16xf32>, vector<16xf32> -> vector<32xbf16>
      %sub3A_1272 = vector.broadcast %squeeze3A_1236 : f32 to vector<16xf32>
      %sub3A_1273 = arith.subf %add3A_94, %sub3A_1272 : vector<16xf32>
      %sub3A_1274 = vector.broadcast %squeeze3A_1236 : f32 to vector<16xf32>
      %sub3A_1275 = arith.subf %add3A_97, %sub3A_1274 : vector<16xf32>
      %mul3A_1276 = arith.mulf %sub3A_1273, %sub3A_1273 : vector<16xf32>
      %mul3A_1277 = arith.mulf %sub3A_1275, %sub3A_1275 : vector<16xf32>
      %pack3A_1278 = tpu.pack_subelements %mul3A_1276, %mul3A_1277 {pack_format = #tpu.pack_format<interleaved>, positions = array<i32: 0, 1>} : vector<16xf32>, vector<16xf32> -> vector<32xbf16>
      %sub3A_1279 = vector.broadcast %squeeze3A_1236 : f32 to vector<16xf32>
      %sub3A_1280 = arith.subf %add3A_100, %sub3A_1279 : vector<16xf32>
      %sub3A_1281 = vector.broadcast %squeeze3A_1236 : f32 to vector<16xf32>
      %sub3A_1282 = arith.subf %add3A_103, %sub3A_1281 : vector<16xf32>
      %mul3A_1283 = arith.mulf %sub3A_1280, %sub3A_1280 : vector<16xf32>
      %mul3A_1284 = arith.mulf %sub3A_1282, %sub3A_1282 : vector<16xf32>
      %pack3A_1285 = tpu.pack_subelements %mul3A_1283, %mul3A_1284 {pack_format = #tpu.pack_format<interleaved>, positions = array<i32: 0, 1>} : vector<16xf32>, vector<16xf32> -> vector<32xbf16>
      %sub3A_1286 = arith.subf %convert_element_type3A_55, %squeeze3A : f32
      %mul3A_1287 = arith.mulf %sub3A_1286, %sub3A_1286 : f32
      %broadcast_in_dim3A_1288 = vector.broadcast %mul3A_1287 : f32 to vector<16xf32>
      %pack3A_1289 = tpu.pack_subelements %broadcast_in_dim3A_1288, %broadcast_in_dim3A_1288 {pack_format = #tpu.pack_format<interleaved>, positions = array<i32: 0, 1>} : vector<16xf32>, vector<16xf32> -> vector<32xbf16>
      %add3A_1290 = arith.addf %pack3A_1243, %pack3A_1289 : vector<32xbf16>
      %min3A_1291 = arith.minimumf %scan3A_1208, %add3A_1290 : vector<32xbf16>
      %add3A_1292 = arith.addf %pack3A_1250, %pack3A_1289 : vector<32xbf16>
      %min3A_1293 = arith.minimumf %scan3A_1209, %add3A_1292 : vector<32xbf16>
      %add3A_1294 = arith.addf %pack3A_1257, %pack3A_1289 : vector<32xbf16>
      %min3A_1295 = arith.minimumf %scan3A_1210, %add3A_1294 : vector<32xbf16>
      %add3A_1296 = arith.addf %pack3A_1264, %pack3A_1289 : vector<32xbf16>
      %min3A_1297 = arith.minimumf %scan3A_1211, %add3A_1296 : vector<32xbf16>
      %add3A_1298 = arith.addf %pack3A_1271, %pack3A_1289 : vector<32xbf16>
      %min3A_1299 = arith.minimumf %scan3A_1212, %add3A_1298 : vector<32xbf16>
      %add3A_1300 = arith.addf %pack3A_1278, %pack3A_1289 : vector<32xbf16>
      %min3A_1301 = arith.minimumf %scan3A_1213, %add3A_1300 : vector<32xbf16>
      %add3A_1302 = arith.addf %pack3A_1285, %pack3A_1289 : vector<32xbf16>
      %min3A_1303 = arith.minimumf %scan3A_1214, %add3A_1302 : vector<32xbf16>
      %sub3A_1304 = arith.subf %convert_element_type3A_58, %squeeze3A : f32
      %mul3A_1305 = arith.mulf %sub3A_1304, %sub3A_1304 : f32
      %broadcast_in_dim3A_1306 = vector.broadcast %mul3A_1305 : f32 to vector<16xf32>
      %pack3A_1307 = tpu.pack_subelements %broadcast_in_dim3A_1306, %broadcast_in_dim3A_1306 {pack_format = #tpu.pack_format<interleaved>, positions = array<i32: 0, 1>} : vector<16xf32>, vector<16xf32> -> vector<32xbf16>
      %add3A_1308 = arith.addf %pack3A_1243, %pack3A_1307 : vector<32xbf16>
      %min3A_1309 = arith.minimumf %scan3A_1215, %add3A_1308 : vector<32xbf16>
      %add3A_1310 = arith.addf %pack3A_1250, %pack3A_1307 : vector<32xbf16>
      %min3A_1311 = arith.minimumf %scan3A_1216, %add3A_1310 : vector<32xbf16>
      %add3A_1312 = arith.addf %pack3A_1257, %pack3A_1307 : vector<32xbf16>
      %min3A_1313 = arith.minimumf %scan3A_1217, %add3A_1312 : vector<32xbf16>
      %add3A_1314 = arith.addf %pack3A_1264, %pack3A_1307 : vector<32xbf16>
      %min3A_1315 = arith.minimumf %scan3A_1218, %add3A_1314 : vector<32xbf16>
      %add3A_1316 = arith.addf %pack3A_1271, %pack3A_1307 : vector<32xbf16>
      %min3A_1317 = arith.minimumf %scan3A_1219, %add3A_1316 : vector<32xbf16>
      %add3A_1318 = arith.addf %pack3A_1278, %pack3A_1307 : vector<32xbf16>
      %min3A_1319 = arith.minimumf %scan3A_1220, %add3A_1318 : vector<32xbf16>
      %add3A_1320 = arith.addf %pack3A_1285, %pack3A_1307 : vector<32xbf16>
      %min3A_1321 = arith.minimumf %scan3A_1221, %add3A_1320 : vector<32xbf16>
      %sub3A_1322 = arith.subf %convert_element_type3A_61, %squeeze3A : f32
      %mul3A_1323 = arith.mulf %sub3A_1322, %sub3A_1322 : f32
      %broadcast_in_dim3A_1324 = vector.broadcast %mul3A_1323 : f32 to vector<16xf32>
      %pack3A_1325 = tpu.pack_subelements %broadcast_in_dim3A_1324, %broadcast_in_dim3A_1324 {pack_format = #tpu.pack_format<interleaved>, positions = array<i32: 0, 1>} : vector<16xf32>, vector<16xf32> -> vector<32xbf16>
      %add3A_1326 = arith.addf %pack3A_1243, %pack3A_1325 : vector<32xbf16>
      %min3A_1327 = arith.minimumf %scan3A_1222, %add3A_1326 : vector<32xbf16>
      %add3A_1328 = arith.addf %pack3A_1250, %pack3A_1325 : vector<32xbf16>
      %min3A_1329 = arith.minimumf %scan3A_1223, %add3A_1328 : vector<32xbf16>
      %add3A_1330 = arith.addf %pack3A_1257, %pack3A_1325 : vector<32xbf16>
      %min3A_1331 = arith.minimumf %scan3A_1224, %add3A_1330 : vector<32xbf16>
      %add3A_1332 = arith.addf %pack3A_1264, %pack3A_1325 : vector<32xbf16>
      %min3A_1333 = arith.minimumf %scan3A_1225, %add3A_1332 : vector<32xbf16>
      %add3A_1334 = arith.addf %pack3A_1271, %pack3A_1325 : vector<32xbf16>
      %min3A_1335 = arith.minimumf %scan3A_1226, %add3A_1334 : vector<32xbf16>
      %add3A_1336 = arith.addf %pack3A_1278, %pack3A_1325 : vector<32xbf16>
      %min3A_1337 = arith.minimumf %scan3A_1227, %add3A_1336 : vector<32xbf16>
      %add3A_1338 = arith.addf %pack3A_1285, %pack3A_1325 : vector<32xbf16>
      %min3A_1339 = arith.minimumf %scan3A_1228, %add3A_1338 : vector<32xbf16>
      %slice3A_1340 = vector.extract_strided_slice %get3A_1232 {offsets = [1], sizes = [1], strides = [1]} : vector<16xf32> to vector<1xf32>
      %squeeze3A_1341 = vector.extract %slice3A_1340[0] : f32 from vector<1xf32>
      %slice3A_1342 = vector.extract_strided_slice %get3A_1234 {offsets = [1], sizes = [1], strides = [1]} : vector<16xf32> to vector<1xf32>
      %squeeze3A_1343 = vector.extract %slice3A_1342[0] : f32 from vector<1xf32>
      %sub3A_1344 = vector.broadcast %squeeze3A_1343 : f32 to vector<16xf32>
      %sub3A_1345 = arith.subf %add3A_64, %sub3A_1344 : vector<16xf32>
      %sub3A_1346 = vector.broadcast %squeeze3A_1343 : f32 to vector<16xf32>
      %sub3A_1347 = arith.subf %add3A_67, %sub3A_1346 : vector<16xf32>
      %mul3A_1348 = arith.mulf %sub3A_1345, %sub3A_1345 : vector<16xf32>
      %mul3A_1349 = arith.mulf %sub3A_1347, %sub3A_1347 : vector<16xf32>
      %pack3A_1350 = tpu.pack_subelements %mul3A_1348, %mul3A_1349 {pack_format = #tpu.pack_format<interleaved>, positions = array<i32: 0, 1>} : vector<16xf32>, vector<16xf32> -> vector<32xbf16>
      %sub3A_1351 = vector.broadcast %squeeze3A_1343 : f32 to vector<16xf32>
      %sub3A_1352 = arith.subf %add3A_70, %sub3A_1351 : vector<16xf32>
      %sub3A_1353 = vector.broadcast %squeeze3A_1343 : f32 to vector<16xf32>
      %sub3A_1354 = arith.subf %add3A_73, %sub3A_1353 : vector<16xf32>
      %mul3A_1355 = arith.mulf %sub3A_1352, %sub3A_1352 : vector<16xf32>
      %mul3A_1356 = arith.mulf %sub3A_1354, %sub3A_1354 : vector<16xf32>
      %pack3A_1357 = tpu.pack_subelements %mul3A_1355, %mul3A_1356 {pack_format = #tpu.pack_format<interleaved>, positions = array<i32: 0, 1>} : vector<16xf32>, vector<16xf32> -> vector<32xbf16>
      %sub3A_1358 = vector.broadcast %squeeze3A_1343 : f32 to vector<16xf32>
      %sub3A_1359 = arith.subf %add3A_76, %sub3A_1358 : vector<16xf32>
      %sub3A_1360 = vector.broadcast %squeeze3A_1343 : f32 to vector<16xf32>
      %sub3A_1361 = arith.subf %add3A_79, %sub3A_1360 : vector<16xf32>
      %mul3A_1362 = arith.mulf %sub3A_1359, %sub3A_1359 : vector<16xf32>
      %mul3A_1363 = arith.mulf %sub3A_1361, %sub3A_1361 : vector<16xf32>
      %pack3A_1364 = tpu.pack_subelements %mul3A_1362, %mul3A_1363 {pack_format = #tpu.pack_format<interleaved>, positions = array<i32: 0, 1>} : vector<16xf32>, vector<16xf32> -> vector<32xbf16>
      %sub3A_1365 = vector.broadcast %squeeze3A_1343 : f32 to vector<16xf32>
      %sub3A_1366 = arith.subf %add3A_82, %sub3A_1365 : vector<16xf32>
      %sub3A_1367 = vector.broadcast %squeeze3A_1343 : f32 to vector<16xf32>
      %sub3A_1368 = arith.subf %add3A_85, %sub3A_1367 : vector<16xf32>
      %mul3A_1369 = arith.mulf %sub3A_1366, %sub3A_1366 : vector<16xf32>
      %mul3A_1370 = arith.mulf %sub3A_1368, %sub3A_1368 : vector<16xf32>
      %pack3A_1371 = tpu.pack_subelements %mul3A_1369, %mul3A_1370 {pack_format = #tpu.pack_format<interleaved>, positions = array<i32: 0, 1>} : vector<16xf32>, vector<16xf32> -> vector<32xbf16>
      %sub3A_1372 = vector.broadcast %squeeze3A_1343 : f32 to vector<16xf32>
      %sub3A_1373 = arith.subf %add3A_88, %sub3A_1372 : vector<16xf32>
      %sub3A_1374 = vector.broadcast %squeeze3A_1343 : f32 to vector<16xf32>
      %sub3A_1375 = arith.subf %add3A_91, %sub3A_1374 : vector<16xf32>
      %mul3A_1376 = arith.mulf %sub3A_1373, %sub3A_1373 : vector<16xf32>
      %mul3A_1377 = arith.mulf %sub3A_1375, %sub3A_1375 : vector<16xf32>
      %pack3A_1378 = tpu.pack_subelements %mul3A_1376, %mul3A_1377 {pack_format = #tpu.pack_format<interleaved>, positions = array<i32: 0, 1>} : vector<16xf32>, vector<16xf32> -> vector<32xbf16>
      %sub3A_1379 = vector.broadcast %squeeze3A_1343 : f32 to vector<16xf32>
      %sub3A_1380 = arith.subf %add3A_94, %sub3A_1379 : vector<16xf32>
      %sub3A_1381 = vector.broadcast %squeeze3A_1343 : f32 to vector<16xf32>
      %sub3A_1382 = arith.subf %add3A_97, %sub3A_1381 : vector<16xf32>
      %mul3A_1383 = arith.mulf %sub3A_1380, %sub3A_1380 : vector<16xf32>
      %mul3A_1384 = arith.mulf %sub3A_1382, %sub3A_1382 : vector<16xf32>
      %pack3A_1385 = tpu.pack_subelements %mul3A_1383, %mul3A_1384 {pack_format = #tpu.pack_format<interleaved>, positions = array<i32: 0, 1>} : vector<16xf32>, vector<16xf32> -> vector<32xbf16>
      %sub3A_1386 = vector.broadcast %squeeze3A_1343 : f32 to vector<16xf32>
      %sub3A_1387 = arith.subf %add3A_100, %sub3A_1386 : vector<16xf32>
      %sub3A_1388 = vector.broadcast %squeeze3A_1343 : f32 to vector<16xf32>
      %sub3A_1389 = arith.subf %add3A_103, %sub3A_1388 : vector<16xf32>
      %mul3A_1390 = arith.mulf %sub3A_1387, %sub3A_1387 : vector<16xf32>
      %mul3A_1391 = arith.mulf %sub3A_1389, %sub3A_1389 : vector<16xf32>
      %pack3A_1392 = tpu.pack_subelements %mul3A_1390, %mul3A_1391 {pack_format = #tpu.pack_format<interleaved>, positions = array<i32: 0, 1>} : vector<16xf32>, vector<16xf32> -> vector<32xbf16>
      %sub3A_1393 = arith.subf %convert_element_type3A_55, %squeeze3A_1341 : f32
      %mul3A_1394 = arith.mulf %sub3A_1393, %sub3A_1393 : f32
      %broadcast_in_dim3A_1395 = vector.broadcast %mul3A_1394 : f32 to vector<16xf32>
      %pack3A_1396 = tpu.pack_subelements %broadcast_in_dim3A_1395, %broadcast_in_dim3A_1395 {pack_format = #tpu.pack_format<interleaved>, positions = array<i32: 0, 1>} : vector<16xf32>, vector<16xf32> -> vector<32xbf16>
      %add3A_1397 = arith.addf %pack3A_1350, %pack3A_1396 : vector<32xbf16>
      %min3A_1398 = arith.minimumf %min3A_1291, %add3A_1397 : vector<32xbf16>
      %add3A_1399 = arith.addf %pack3A_1357, %pack3A_1396 : vector<32xbf16>
      %min3A_1400 = arith.minimumf %min3A_1293, %add3A_1399 : vector<32xbf16>
      %add3A_1401 = arith.addf %pack3A_1364, %pack3A_1396 : vector<32xbf16>
      %min3A_1402 = arith.minimumf %min3A_1295, %add3A_1401 : vector<32xbf16>
      %add3A_1403 = arith.addf %pack3A_1371, %pack3A_1396 : vector<32xbf16>
      %min3A_1404 = arith.minimumf %min3A_1297, %add3A_1403 : vector<32xbf16>
      %add3A_1405 = arith.addf %pack3A_1378, %pack3A_1396 : vector<32xbf16>
      %min3A_1406 = arith.minimumf %min3A_1299, %add3A_1405 : vector<32xbf16>
      %add3A_1407 = arith.addf %pack3A_1385, %pack3A_1396 : vector<32xbf16>
      %min3A_1408 = arith.minimumf %min3A_1301, %add3A_1407 : vector<32xbf16>
      %add3A_1409 = arith.addf %pack3A_1392, %pack3A_1396 : vector<32xbf16>
      %min3A_1410 = arith.minimumf %min3A_1303, %add3A_1409 : vector<32xbf16>
      %sub3A_1411 = arith.subf %convert_element_type3A_58, %squeeze3A_1341 : f32
      %mul3A_1412 = arith.mulf %sub3A_1411, %sub3A_1411 : f32
      %broadcast_in_dim3A_1413 = vector.broadcast %mul3A_1412 : f32 to vector<16xf32>
      %pack3A_1414 = tpu.pack_subelements %broadcast_in_dim3A_1413, %broadcast_in_dim3A_1413 {pack_format = #tpu.pack_format<interleaved>, positions = array<i32: 0, 1>} : vector<16xf32>, vector<16xf32> -> vector<32xbf16>
      %add3A_1415 = arith.addf %pack3A_1350, %pack3A_1414 : vector<32xbf16>
      %min3A_1416 = arith.minimumf %min3A_1309, %add3A_1415 : vector<32xbf16>
      %add3A_1417 = arith.addf %pack3A_1357, %pack3A_1414 : vector<32xbf16>
      %min3A_1418 = arith.minimumf %min3A_1311, %add3A_1417 : vector<32xbf16>
      %add3A_1419 = arith.addf %pack3A_1364, %pack3A_1414 : vector<32xbf16>
      %min3A_1420 = arith.minimumf %min3A_1313, %add3A_1419 : vector<32xbf16>
      %add3A_1421 = arith.addf %pack3A_1371, %pack3A_1414 : vector<32xbf16>
      %min3A_1422 = arith.minimumf %min3A_1315, %add3A_1421 : vector<32xbf16>
      %add3A_1423 = arith.addf %pack3A_1378, %pack3A_1414 : vector<32xbf16>
      %min3A_1424 = arith.minimumf %min3A_1317, %add3A_1423 : vector<32xbf16>
      %add3A_1425 = arith.addf %pack3A_1385, %pack3A_1414 : vector<32xbf16>
      %min3A_1426 = arith.minimumf %min3A_1319, %add3A_1425 : vector<32xbf16>
      %add3A_1427 = arith.addf %pack3A_1392, %pack3A_1414 : vector<32xbf16>
      %min3A_1428 = arith.minimumf %min3A_1321, %add3A_1427 : vector<32xbf16>
      %sub3A_1429 = arith.subf %convert_element_type3A_61, %squeeze3A_1341 : f32
      %mul3A_1430 = arith.mulf %sub3A_1429, %sub3A_1429 : f32
      %broadcast_in_dim3A_1431 = vector.broadcast %mul3A_1430 : f32 to vector<16xf32>
      %pack3A_1432 = tpu.pack_subelements %broadcast_in_dim3A_1431, %broadcast_in_dim3A_1431 {pack_format = #tpu.pack_format<interleaved>, positions = array<i32: 0, 1>} : vector<16xf32>, vector<16xf32> -> vector<32xbf16>
      %add3A_1433 = arith.addf %pack3A_1350, %pack3A_1432 : vector<32xbf16>
      %min3A_1434 = arith.minimumf %min3A_1327, %add3A_1433 : vector<32xbf16>
      %add3A_1435 = arith.addf %pack3A_1357, %pack3A_1432 : vector<32xbf16>
      %min3A_1436 = arith.minimumf %min3A_1329, %add3A_1435 : vector<32xbf16>
      %add3A_1437 = arith.addf %pack3A_1364, %pack3A_1432 : vector<32xbf16>
      %min3A_1438 = arith.minimumf %min3A_1331, %add3A_1437 : vector<32xbf16>
      %add3A_1439 = arith.addf %pack3A_1371, %pack3A_1432 : vector<32xbf16>
      %min3A_1440 = arith.minimumf %min3A_1333, %add3A_1439 : vector<32xbf16>
      %add3A_1441 = arith.addf %pack3A_1378, %pack3A_1432 : vector<32xbf16>
      %min3A_1442 = arith.minimumf %min3A_1335, %add3A_1441 : vector<32xbf16>
      %add3A_1443 = arith.addf %pack3A_1385, %pack3A_1432 : vector<32xbf16>
      %min3A_1444 = arith.minimumf %min3A_1337, %add3A_1443 : vector<32xbf16>
      %add3A_1445 = arith.addf %pack3A_1392, %pack3A_1432 : vector<32xbf16>
      %min3A_1446 = arith.minimumf %min3A_1339, %add3A_1445 : vector<32xbf16>
      %slice3A_1447 = vector.extract_strided_slice %get3A_1232 {offsets = [2], sizes = [1], strides = [1]} : vector<16xf32> to vector<1xf32>
      %squeeze3A_1448 = vector.extract %slice3A_1447[0] : f32 from vector<1xf32>
      %slice3A_1449 = vector.extract_strided_slice %get3A_1234 {offsets = [2], sizes = [1], strides = [1]} : vector<16xf32> to vector<1xf32>
      %squeeze3A_1450 = vector.extract %slice3A_1449[0] : f32 from vector<1xf32>
      %sub3A_1451 = vector.broadcast %squeeze3A_1450 : f32 to vector<16xf32>
      %sub3A_1452 = arith.subf %add3A_64, %sub3A_1451 : vector<16xf32>
      %sub3A_1453 = vector.broadcast %squeeze3A_1450 : f32 to vector<16xf32>
      %sub3A_1454 = arith.subf %add3A_67, %sub3A_1453 : vector<16xf32>
      %mul3A_1455 = arith.mulf %sub3A_1452, %sub3A_1452 : vector<16xf32>
      %mul3A_1456 = arith.mulf %sub3A_1454, %sub3A_1454 : vector<16xf32>
      %pack3A_1457 = tpu.pack_subelements %mul3A_1455, %mul3A_1456 {pack_format = #tpu.pack_format<interleaved>, positions = array<i32: 0, 1>} : vector<16xf32>, vector<16xf32> -> vector<32xbf16>
      %sub3A_1458 = vector.broadcast %squeeze3A_1450 : f32 to vector<16xf32>
      %sub3A_1459 = arith.subf %add3A_70, %sub3A_1458 : vector<16xf32>
      %sub3A_1460 = vector.broadcast %squeeze3A_1450 : f32 to vector<16xf32>
      %sub3A_1461 = arith.subf %add3A_73, %sub3A_1460 : vector<16xf32>
      %mul3A_1462 = arith.mulf %sub3A_1459, %sub3A_1459 : vector<16xf32>
      %mul3A_1463 = arith.mulf %sub3A_1461, %sub3A_1461 : vector<16xf32>
      %pack3A_1464 = tpu.pack_subelements %mul3A_1462, %mul3A_1463 {pack_format = #tpu.pack_format<interleaved>, positions = array<i32: 0, 1>} : vector<16xf32>, vector<16xf32> -> vector<32xbf16>
      %sub3A_1465 = vector.broadcast %squeeze3A_1450 : f32 to vector<16xf32>
      %sub3A_1466 = arith.subf %add3A_76, %sub3A_1465 : vector<16xf32>
      %sub3A_1467 = vector.broadcast %squeeze3A_1450 : f32 to vector<16xf32>
      %sub3A_1468 = arith.subf %add3A_79, %sub3A_1467 : vector<16xf32>
      %mul3A_1469 = arith.mulf %sub3A_1466, %sub3A_1466 : vector<16xf32>
      %mul3A_1470 = arith.mulf %sub3A_1468, %sub3A_1468 : vector<16xf32>
      %pack3A_1471 = tpu.pack_subelements %mul3A_1469, %mul3A_1470 {pack_format = #tpu.pack_format<interleaved>, positions = array<i32: 0, 1>} : vector<16xf32>, vector<16xf32> -> vector<32xbf16>
      %sub3A_1472 = vector.broadcast %squeeze3A_1450 : f32 to vector<16xf32>
      %sub3A_1473 = arith.subf %add3A_82, %sub3A_1472 : vector<16xf32>
      %sub3A_1474 = vector.broadcast %squeeze3A_1450 : f32 to vector<16xf32>
      %sub3A_1475 = arith.subf %add3A_85, %sub3A_1474 : vector<16xf32>
      %mul3A_1476 = arith.mulf %sub3A_1473, %sub3A_1473 : vector<16xf32>
      %mul3A_1477 = arith.mulf %sub3A_1475, %sub3A_1475 : vector<16xf32>
      %pack3A_1478 = tpu.pack_subelements %mul3A_1476, %mul3A_1477 {pack_format = #tpu.pack_format<interleaved>, positions = array<i32: 0, 1>} : vector<16xf32>, vector<16xf32> -> vector<32xbf16>
      %sub3A_1479 = vector.broadcast %squeeze3A_1450 : f32 to vector<16xf32>
      %sub3A_1480 = arith.subf %add3A_88, %sub3A_1479 : vector<16xf32>
      %sub3A_1481 = vector.broadcast %squeeze3A_1450 : f32 to vector<16xf32>
      %sub3A_1482 = arith.subf %add3A_91, %sub3A_1481 : vector<16xf32>
      %mul3A_1483 = arith.mulf %sub3A_1480, %sub3A_1480 : vector<16xf32>
      %mul3A_1484 = arith.mulf %sub3A_1482, %sub3A_1482 : vector<16xf32>
      %pack3A_1485 = tpu.pack_subelements %mul3A_1483, %mul3A_1484 {pack_format = #tpu.pack_format<interleaved>, positions = array<i32: 0, 1>} : vector<16xf32>, vector<16xf32> -> vector<32xbf16>
      %sub3A_1486 = vector.broadcast %squeeze3A_1450 : f32 to vector<16xf32>
      %sub3A_1487 = arith.subf %add3A_94, %sub3A_1486 : vector<16xf32>
      %sub3A_1488 = vector.broadcast %squeeze3A_1450 : f32 to vector<16xf32>
      %sub3A_1489 = arith.subf %add3A_97, %sub3A_1488 : vector<16xf32>
      %mul3A_1490 = arith.mulf %sub3A_1487, %sub3A_1487 : vector<16xf32>
      %mul3A_1491 = arith.mulf %sub3A_1489, %sub3A_1489 : vector<16xf32>
      %pack3A_1492 = tpu.pack_subelements %mul3A_1490, %mul3A_1491 {pack_format = #tpu.pack_format<interleaved>, positions = array<i32: 0, 1>} : vector<16xf32>, vector<16xf32> -> vector<32xbf16>
      %sub3A_1493 = vector.broadcast %squeeze3A_1450 : f32 to vector<16xf32>
      %sub3A_1494 = arith.subf %add3A_100, %sub3A_1493 : vector<16xf32>
      %sub3A_1495 = vector.broadcast %squeeze3A_1450 : f32 to vector<16xf32>
      %sub3A_1496 = arith.subf %add3A_103, %sub3A_1495 : vector<16xf32>
      %mul3A_1497 = arith.mulf %sub3A_1494, %sub3A_1494 : vector<16xf32>
      %mul3A_1498 = arith.mulf %sub3A_1496, %sub3A_1496 : vector<16xf32>
      %pack3A_1499 = tpu.pack_subelements %mul3A_1497, %mul3A_1498 {pack_format = #tpu.pack_format<interleaved>, positions = array<i32: 0, 1>} : vector<16xf32>, vector<16xf32> -> vector<32xbf16>
      %sub3A_1500 = arith.subf %convert_element_type3A_55, %squeeze3A_1448 : f32
      %mul3A_1501 = arith.mulf %sub3A_1500, %sub3A_1500 : f32
      %broadcast_in_dim3A_1502 = vector.broadcast %mul3A_1501 : f32 to vector<16xf32>
      %pack3A_1503 = tpu.pack_subelements %broadcast_in_dim3A_1502, %broadcast_in_dim3A_1502 {pack_format = #tpu.pack_format<interleaved>, positions = array<i32: 0, 1>} : vector<16xf32>, vector<16xf32> -> vector<32xbf16>
      %add3A_1504 = arith.addf %pack3A_1457, %pack3A_1503 : vector<32xbf16>
      %min3A_1505 = arith.minimumf %min3A_1398, %add3A_1504 : vector<32xbf16>
      %add3A_1506 = arith.addf %pack3A_1464, %pack3A_1503 : vector<32xbf16>
      %min3A_1507 = arith.minimumf %min3A_1400, %add3A_1506 : vector<32xbf16>
      %add3A_1508 = arith.addf %pack3A_1471, %pack3A_1503 : vector<32xbf16>
      %min3A_1509 = arith.minimumf %min3A_1402, %add3A_1508 : vector<32xbf16>
      %add3A_1510 = arith.addf %pack3A_1478, %pack3A_1503 : vector<32xbf16>
      %min3A_1511 = arith.minimumf %min3A_1404, %add3A_1510 : vector<32xbf16>
      %add3A_1512 = arith.addf %pack3A_1485, %pack3A_1503 : vector<32xbf16>
      %min3A_1513 = arith.minimumf %min3A_1406, %add3A_1512 : vector<32xbf16>
      %add3A_1514 = arith.addf %pack3A_1492, %pack3A_1503 : vector<32xbf16>
      %min3A_1515 = arith.minimumf %min3A_1408, %add3A_1514 : vector<32xbf16>
      %add3A_1516 = arith.addf %pack3A_1499, %pack3A_1503 : vector<32xbf16>
      %min3A_1517 = arith.minimumf %min3A_1410, %add3A_1516 : vector<32xbf16>
      %sub3A_1518 = arith.subf %convert_element_type3A_58, %squeeze3A_1448 : f32
      %mul3A_1519 = arith.mulf %sub3A_1518, %sub3A_1518 : f32
      %broadcast_in_dim3A_1520 = vector.broadcast %mul3A_1519 : f32 to vector<16xf32>
      %pack3A_1521 = tpu.pack_subelements %broadcast_in_dim3A_1520, %broadcast_in_dim3A_1520 {pack_format = #tpu.pack_format<interleaved>, positions = array<i32: 0, 1>} : vector<16xf32>, vector<16xf32> -> vector<32xbf16>
      %add3A_1522 = arith.addf %pack3A_1457, %pack3A_1521 : vector<32xbf16>
      %min3A_1523 = arith.minimumf %min3A_1416, %add3A_1522 : vector<32xbf16>
      %add3A_1524 = arith.addf %pack3A_1464, %pack3A_1521 : vector<32xbf16>
      %min3A_1525 = arith.minimumf %min3A_1418, %add3A_1524 : vector<32xbf16>
      %add3A_1526 = arith.addf %pack3A_1471, %pack3A_1521 : vector<32xbf16>
      %min3A_1527 = arith.minimumf %min3A_1420, %add3A_1526 : vector<32xbf16>
      %add3A_1528 = arith.addf %pack3A_1478, %pack3A_1521 : vector<32xbf16>
      %min3A_1529 = arith.minimumf %min3A_1422, %add3A_1528 : vector<32xbf16>
      %add3A_1530 = arith.addf %pack3A_1485, %pack3A_1521 : vector<32xbf16>
      %min3A_1531 = arith.minimumf %min3A_1424, %add3A_1530 : vector<32xbf16>
      %add3A_1532 = arith.addf %pack3A_1492, %pack3A_1521 : vector<32xbf16>
      %min3A_1533 = arith.minimumf %min3A_1426, %add3A_1532 : vector<32xbf16>
      %add3A_1534 = arith.addf %pack3A_1499, %pack3A_1521 : vector<32xbf16>
      %min3A_1535 = arith.minimumf %min3A_1428, %add3A_1534 : vector<32xbf16>
      %sub3A_1536 = arith.subf %convert_element_type3A_61, %squeeze3A_1448 : f32
      %mul3A_1537 = arith.mulf %sub3A_1536, %sub3A_1536 : f32
      %broadcast_in_dim3A_1538 = vector.broadcast %mul3A_1537 : f32 to vector<16xf32>
      %pack3A_1539 = tpu.pack_subelements %broadcast_in_dim3A_1538, %broadcast_in_dim3A_1538 {pack_format = #tpu.pack_format<interleaved>, positions = array<i32: 0, 1>} : vector<16xf32>, vector<16xf32> -> vector<32xbf16>
      %add3A_1540 = arith.addf %pack3A_1457, %pack3A_1539 : vector<32xbf16>
      %min3A_1541 = arith.minimumf %min3A_1434, %add3A_1540 : vector<32xbf16>
      %add3A_1542 = arith.addf %pack3A_1464, %pack3A_1539 : vector<32xbf16>
      %min3A_1543 = arith.minimumf %min3A_1436, %add3A_1542 : vector<32xbf16>
      %add3A_1544 = arith.addf %pack3A_1471, %pack3A_1539 : vector<32xbf16>
      %min3A_1545 = arith.minimumf %min3A_1438, %add3A_1544 : vector<32xbf16>
      %add3A_1546 = arith.addf %pack3A_1478, %pack3A_1539 : vector<32xbf16>
      %min3A_1547 = arith.minimumf %min3A_1440, %add3A_1546 : vector<32xbf16>
      %add3A_1548 = arith.addf %pack3A_1485, %pack3A_1539 : vector<32xbf16>
      %min3A_1549 = arith.minimumf %min3A_1442, %add3A_1548 : vector<32xbf16>
      %add3A_1550 = arith.addf %pack3A_1492, %pack3A_1539 : vector<32xbf16>
      %min3A_1551 = arith.minimumf %min3A_1444, %add3A_1550 : vector<32xbf16>
      %add3A_1552 = arith.addf %pack3A_1499, %pack3A_1539 : vector<32xbf16>
      %min3A_1553 = arith.minimumf %min3A_1446, %add3A_1552 : vector<32xbf16>
      %slice3A_1554 = vector.extract_strided_slice %get3A_1232 {offsets = [3], sizes = [1], strides = [1]} : vector<16xf32> to vector<1xf32>
      %squeeze3A_1555 = vector.extract %slice3A_1554[0] : f32 from vector<1xf32>
      %slice3A_1556 = vector.extract_strided_slice %get3A_1234 {offsets = [3], sizes = [1], strides = [1]} : vector<16xf32> to vector<1xf32>
      %squeeze3A_1557 = vector.extract %slice3A_1556[0] : f32 from vector<1xf32>
      %sub3A_1558 = vector.broadcast %squeeze3A_1557 : f32 to vector<16xf32>
      %sub3A_1559 = arith.subf %add3A_64, %sub3A_1558 : vector<16xf32>
      %sub3A_1560 = vector.broadcast %squeeze3A_1557 : f32 to vector<16xf32>
      %sub3A_1561 = arith.subf %add3A_67, %sub3A_1560 : vector<16xf32>
      %mul3A_1562 = arith.mulf %sub3A_1559, %sub3A_1559 : vector<16xf32>
      %mul3A_1563 = arith.mulf %sub3A_1561, %sub3A_1561 : vector<16xf32>
      %pack3A_1564 = tpu.pack_subelements %mul3A_1562, %mul3A_1563 {pack_format = #tpu.pack_format<interleaved>, positions = array<i32: 0, 1>} : vector<16xf32>, vector<16xf32> -> vector<32xbf16>
      %sub3A_1565 = vector.broadcast %squeeze3A_1557 : f32 to vector<16xf32>
      %sub3A_1566 = arith.subf %add3A_70, %sub3A_1565 : vector<16xf32>
      %sub3A_1567 = vector.broadcast %squeeze3A_1557 : f32 to vector<16xf32>
      %sub3A_1568 = arith.subf %add3A_73, %sub3A_1567 : vector<16xf32>
      %mul3A_1569 = arith.mulf %sub3A_1566, %sub3A_1566 : vector<16xf32>
      %mul3A_1570 = arith.mulf %sub3A_1568, %sub3A_1568 : vector<16xf32>
      %pack3A_1571 = tpu.pack_subelements %mul3A_1569, %mul3A_1570 {pack_format = #tpu.pack_format<interleaved>, positions = array<i32: 0, 1>} : vector<16xf32>, vector<16xf32> -> vector<32xbf16>
      %sub3A_1572 = vector.broadcast %squeeze3A_1557 : f32 to vector<16xf32>
      %sub3A_1573 = arith.subf %add3A_76, %sub3A_1572 : vector<16xf32>
      %sub3A_1574 = vector.broadcast %squeeze3A_1557 : f32 to vector<16xf32>
      %sub3A_1575 = arith.subf %add3A_79, %sub3A_1574 : vector<16xf32>
      %mul3A_1576 = arith.mulf %sub3A_1573, %sub3A_1573 : vector<16xf32>
      %mul3A_1577 = arith.mulf %sub3A_1575, %sub3A_1575 : vector<16xf32>
      %pack3A_1578 = tpu.pack_subelements %mul3A_1576, %mul3A_1577 {pack_format = #tpu.pack_format<interleaved>, positions = array<i32: 0, 1>} : vector<16xf32>, vector<16xf32> -> vector<32xbf16>
      %sub3A_1579 = vector.broadcast %squeeze3A_1557 : f32 to vector<16xf32>
      %sub3A_1580 = arith.subf %add3A_82, %sub3A_1579 : vector<16xf32>
      %sub3A_1581 = vector.broadcast %squeeze3A_1557 : f32 to vector<16xf32>
      %sub3A_1582 = arith.subf %add3A_85, %sub3A_1581 : vector<16xf32>
      %mul3A_1583 = arith.mulf %sub3A_1580, %sub3A_1580 : vector<16xf32>
      %mul3A_1584 = arith.mulf %sub3A_1582, %sub3A_1582 : vector<16xf32>
      %pack3A_1585 = tpu.pack_subelements %mul3A_1583, %mul3A_1584 {pack_format = #tpu.pack_format<interleaved>, positions = array<i32: 0, 1>} : vector<16xf32>, vector<16xf32> -> vector<32xbf16>
      %sub3A_1586 = vector.broadcast %squeeze3A_1557 : f32 to vector<16xf32>
      %sub3A_1587 = arith.subf %add3A_88, %sub3A_1586 : vector<16xf32>
      %sub3A_1588 = vector.broadcast %squeeze3A_1557 : f32 to vector<16xf32>
      %sub3A_1589 = arith.subf %add3A_91, %sub3A_1588 : vector<16xf32>
      %mul3A_1590 = arith.mulf %sub3A_1587, %sub3A_1587 : vector<16xf32>
      %mul3A_1591 = arith.mulf %sub3A_1589, %sub3A_1589 : vector<16xf32>
      %pack3A_1592 = tpu.pack_subelements %mul3A_1590, %mul3A_1591 {pack_format = #tpu.pack_format<interleaved>, positions = array<i32: 0, 1>} : vector<16xf32>, vector<16xf32> -> vector<32xbf16>
      %sub3A_1593 = vector.broadcast %squeeze3A_1557 : f32 to vector<16xf32>
      %sub3A_1594 = arith.subf %add3A_94, %sub3A_1593 : vector<16xf32>
      %sub3A_1595 = vector.broadcast %squeeze3A_1557 : f32 to vector<16xf32>
      %sub3A_1596 = arith.subf %add3A_97, %sub3A_1595 : vector<16xf32>
      %mul3A_1597 = arith.mulf %sub3A_1594, %sub3A_1594 : vector<16xf32>
      %mul3A_1598 = arith.mulf %sub3A_1596, %sub3A_1596 : vector<16xf32>
      %pack3A_1599 = tpu.pack_subelements %mul3A_1597, %mul3A_1598 {pack_format = #tpu.pack_format<interleaved>, positions = array<i32: 0, 1>} : vector<16xf32>, vector<16xf32> -> vector<32xbf16>
      %sub3A_1600 = vector.broadcast %squeeze3A_1557 : f32 to vector<16xf32>
      %sub3A_1601 = arith.subf %add3A_100, %sub3A_1600 : vector<16xf32>
      %sub3A_1602 = vector.broadcast %squeeze3A_1557 : f32 to vector<16xf32>
      %sub3A_1603 = arith.subf %add3A_103, %sub3A_1602 : vector<16xf32>
      %mul3A_1604 = arith.mulf %sub3A_1601, %sub3A_1601 : vector<16xf32>
      %mul3A_1605 = arith.mulf %sub3A_1603, %sub3A_1603 : vector<16xf32>
      %pack3A_1606 = tpu.pack_subelements %mul3A_1604, %mul3A_1605 {pack_format = #tpu.pack_format<interleaved>, positions = array<i32: 0, 1>} : vector<16xf32>, vector<16xf32> -> vector<32xbf16>
      %sub3A_1607 = arith.subf %convert_element_type3A_55, %squeeze3A_1555 : f32
      %mul3A_1608 = arith.mulf %sub3A_1607, %sub3A_1607 : f32
      %broadcast_in_dim3A_1609 = vector.broadcast %mul3A_1608 : f32 to vector<16xf32>
      %pack3A_1610 = tpu.pack_subelements %broadcast_in_dim3A_1609, %broadcast_in_dim3A_1609 {pack_format = #tpu.pack_format<interleaved>, positions = array<i32: 0, 1>} : vector<16xf32>, vector<16xf32> -> vector<32xbf16>
      %add3A_1611 = arith.addf %pack3A_1564, %pack3A_1610 : vector<32xbf16>
      %min3A_1612 = arith.minimumf %min3A_1505, %add3A_1611 : vector<32xbf16>
      %add3A_1613 = arith.addf %pack3A_1571, %pack3A_1610 : vector<32xbf16>
      %min3A_1614 = arith.minimumf %min3A_1507, %add3A_1613 : vector<32xbf16>
      %add3A_1615 = arith.addf %pack3A_1578, %pack3A_1610 : vector<32xbf16>
      %min3A_1616 = arith.minimumf %min3A_1509, %add3A_1615 : vector<32xbf16>
      %add3A_1617 = arith.addf %pack3A_1585, %pack3A_1610 : vector<32xbf16>
      %min3A_1618 = arith.minimumf %min3A_1511, %add3A_1617 : vector<32xbf16>
      %add3A_1619 = arith.addf %pack3A_1592, %pack3A_1610 : vector<32xbf16>
      %min3A_1620 = arith.minimumf %min3A_1513, %add3A_1619 : vector<32xbf16>
      %add3A_1621 = arith.addf %pack3A_1599, %pack3A_1610 : vector<32xbf16>
      %min3A_1622 = arith.minimumf %min3A_1515, %add3A_1621 : vector<32xbf16>
      %add3A_1623 = arith.addf %pack3A_1606, %pack3A_1610 : vector<32xbf16>
      %min3A_1624 = arith.minimumf %min3A_1517, %add3A_1623 : vector<32xbf16>
      %sub3A_1625 = arith.subf %convert_element_type3A_58, %squeeze3A_1555 : f32
      %mul3A_1626 = arith.mulf %sub3A_1625, %sub3A_1625 : f32
      %broadcast_in_dim3A_1627 = vector.broadcast %mul3A_1626 : f32 to vector<16xf32>
      %pack3A_1628 = tpu.pack_subelements %broadcast_in_dim3A_1627, %broadcast_in_dim3A_1627 {pack_format = #tpu.pack_format<interleaved>, positions = array<i32: 0, 1>} : vector<16xf32>, vector<16xf32> -> vector<32xbf16>
      %add3A_1629 = arith.addf %pack3A_1564, %pack3A_1628 : vector<32xbf16>
      %min3A_1630 = arith.minimumf %min3A_1523, %add3A_1629 : vector<32xbf16>
      %add3A_1631 = arith.addf %pack3A_1571, %pack3A_1628 : vector<32xbf16>
      %min3A_1632 = arith.minimumf %min3A_1525, %add3A_1631 : vector<32xbf16>
      %add3A_1633 = arith.addf %pack3A_1578, %pack3A_1628 : vector<32xbf16>
      %min3A_1634 = arith.minimumf %min3A_1527, %add3A_1633 : vector<32xbf16>
      %add3A_1635 = arith.addf %pack3A_1585, %pack3A_1628 : vector<32xbf16>
      %min3A_1636 = arith.minimumf %min3A_1529, %add3A_1635 : vector<32xbf16>
      %add3A_1637 = arith.addf %pack3A_1592, %pack3A_1628 : vector<32xbf16>
      %min3A_1638 = arith.minimumf %min3A_1531, %add3A_1637 : vector<32xbf16>
      %add3A_1639 = arith.addf %pack3A_1599, %pack3A_1628 : vector<32xbf16>
      %min3A_1640 = arith.minimumf %min3A_1533, %add3A_1639 : vector<32xbf16>
      %add3A_1641 = arith.addf %pack3A_1606, %pack3A_1628 : vector<32xbf16>
      %min3A_1642 = arith.minimumf %min3A_1535, %add3A_1641 : vector<32xbf16>
      %sub3A_1643 = arith.subf %convert_element_type3A_61, %squeeze3A_1555 : f32
      %mul3A_1644 = arith.mulf %sub3A_1643, %sub3A_1643 : f32
      %broadcast_in_dim3A_1645 = vector.broadcast %mul3A_1644 : f32 to vector<16xf32>
      %pack3A_1646 = tpu.pack_subelements %broadcast_in_dim3A_1645, %broadcast_in_dim3A_1645 {pack_format = #tpu.pack_format<interleaved>, positions = array<i32: 0, 1>} : vector<16xf32>, vector<16xf32> -> vector<32xbf16>
      %add3A_1647 = arith.addf %pack3A_1564, %pack3A_1646 : vector<32xbf16>
      %min3A_1648 = arith.minimumf %min3A_1541, %add3A_1647 : vector<32xbf16>
      %add3A_1649 = arith.addf %pack3A_1571, %pack3A_1646 : vector<32xbf16>
      %min3A_1650 = arith.minimumf %min3A_1543, %add3A_1649 : vector<32xbf16>
      %add3A_1651 = arith.addf %pack3A_1578, %pack3A_1646 : vector<32xbf16>
      %min3A_1652 = arith.minimumf %min3A_1545, %add3A_1651 : vector<32xbf16>
      %add3A_1653 = arith.addf %pack3A_1585, %pack3A_1646 : vector<32xbf16>
      %min3A_1654 = arith.minimumf %min3A_1547, %add3A_1653 : vector<32xbf16>
      %add3A_1655 = arith.addf %pack3A_1592, %pack3A_1646 : vector<32xbf16>
      %min3A_1656 = arith.minimumf %min3A_1549, %add3A_1655 : vector<32xbf16>
      %add3A_1657 = arith.addf %pack3A_1599, %pack3A_1646 : vector<32xbf16>
      %min3A_1658 = arith.minimumf %min3A_1551, %add3A_1657 : vector<32xbf16>
      %add3A_1659 = arith.addf %pack3A_1606, %pack3A_1646 : vector<32xbf16>
      %min3A_1660 = arith.minimumf %min3A_1553, %add3A_1659 : vector<32xbf16>
      %slice3A_1661 = vector.extract_strided_slice %get3A_1232 {offsets = [4], sizes = [1], strides = [1]} : vector<16xf32> to vector<1xf32>
      %squeeze3A_1662 = vector.extract %slice3A_1661[0] : f32 from vector<1xf32>
      %slice3A_1663 = vector.extract_strided_slice %get3A_1234 {offsets = [4], sizes = [1], strides = [1]} : vector<16xf32> to vector<1xf32>
      %squeeze3A_1664 = vector.extract %slice3A_1663[0] : f32 from vector<1xf32>
      %sub3A_1665 = vector.broadcast %squeeze3A_1664 : f32 to vector<16xf32>
      %sub3A_1666 = arith.subf %add3A_64, %sub3A_1665 : vector<16xf32>
      %sub3A_1667 = vector.broadcast %squeeze3A_1664 : f32 to vector<16xf32>
      %sub3A_1668 = arith.subf %add3A_67, %sub3A_1667 : vector<16xf32>
      %mul3A_1669 = arith.mulf %sub3A_1666, %sub3A_1666 : vector<16xf32>
      %mul3A_1670 = arith.mulf %sub3A_1668, %sub3A_1668 : vector<16xf32>
      %pack3A_1671 = tpu.pack_subelements %mul3A_1669, %mul3A_1670 {pack_format = #tpu.pack_format<interleaved>, positions = array<i32: 0, 1>} : vector<16xf32>, vector<16xf32> -> vector<32xbf16>
      %sub3A_1672 = vector.broadcast %squeeze3A_1664 : f32 to vector<16xf32>
      %sub3A_1673 = arith.subf %add3A_70, %sub3A_1672 : vector<16xf32>
      %sub3A_1674 = vector.broadcast %squeeze3A_1664 : f32 to vector<16xf32>
      %sub3A_1675 = arith.subf %add3A_73, %sub3A_1674 : vector<16xf32>
      %mul3A_1676 = arith.mulf %sub3A_1673, %sub3A_1673 : vector<16xf32>
      %mul3A_1677 = arith.mulf %sub3A_1675, %sub3A_1675 : vector<16xf32>
      %pack3A_1678 = tpu.pack_subelements %mul3A_1676, %mul3A_1677 {pack_format = #tpu.pack_format<interleaved>, positions = array<i32: 0, 1>} : vector<16xf32>, vector<16xf32> -> vector<32xbf16>
      %sub3A_1679 = vector.broadcast %squeeze3A_1664 : f32 to vector<16xf32>
      %sub3A_1680 = arith.subf %add3A_76, %sub3A_1679 : vector<16xf32>
      %sub3A_1681 = vector.broadcast %squeeze3A_1664 : f32 to vector<16xf32>
      %sub3A_1682 = arith.subf %add3A_79, %sub3A_1681 : vector<16xf32>
      %mul3A_1683 = arith.mulf %sub3A_1680, %sub3A_1680 : vector<16xf32>
      %mul3A_1684 = arith.mulf %sub3A_1682, %sub3A_1682 : vector<16xf32>
      %pack3A_1685 = tpu.pack_subelements %mul3A_1683, %mul3A_1684 {pack_format = #tpu.pack_format<interleaved>, positions = array<i32: 0, 1>} : vector<16xf32>, vector<16xf32> -> vector<32xbf16>
      %sub3A_1686 = vector.broadcast %squeeze3A_1664 : f32 to vector<16xf32>
      %sub3A_1687 = arith.subf %add3A_82, %sub3A_1686 : vector<16xf32>
      %sub3A_1688 = vector.broadcast %squeeze3A_1664 : f32 to vector<16xf32>
      %sub3A_1689 = arith.subf %add3A_85, %sub3A_1688 : vector<16xf32>
      %mul3A_1690 = arith.mulf %sub3A_1687, %sub3A_1687 : vector<16xf32>
      %mul3A_1691 = arith.mulf %sub3A_1689, %sub3A_1689 : vector<16xf32>
      %pack3A_1692 = tpu.pack_subelements %mul3A_1690, %mul3A_1691 {pack_format = #tpu.pack_format<interleaved>, positions = array<i32: 0, 1>} : vector<16xf32>, vector<16xf32> -> vector<32xbf16>
      %sub3A_1693 = vector.broadcast %squeeze3A_1664 : f32 to vector<16xf32>
      %sub3A_1694 = arith.subf %add3A_88, %sub3A_1693 : vector<16xf32>
      %sub3A_1695 = vector.broadcast %squeeze3A_1664 : f32 to vector<16xf32>
      %sub3A_1696 = arith.subf %add3A_91, %sub3A_1695 : vector<16xf32>
      %mul3A_1697 = arith.mulf %sub3A_1694, %sub3A_1694 : vector<16xf32>
      %mul3A_1698 = arith.mulf %sub3A_1696, %sub3A_1696 : vector<16xf32>
      %pack3A_1699 = tpu.pack_subelements %mul3A_1697, %mul3A_1698 {pack_format = #tpu.pack_format<interleaved>, positions = array<i32: 0, 1>} : vector<16xf32>, vector<16xf32> -> vector<32xbf16>
      %sub3A_1700 = vector.broadcast %squeeze3A_1664 : f32 to vector<16xf32>
      %sub3A_1701 = arith.subf %add3A_94, %sub3A_1700 : vector<16xf32>
      %sub3A_1702 = vector.broadcast %squeeze3A_1664 : f32 to vector<16xf32>
      %sub3A_1703 = arith.subf %add3A_97, %sub3A_1702 : vector<16xf32>
      %mul3A_1704 = arith.mulf %sub3A_1701, %sub3A_1701 : vector<16xf32>
      %mul3A_1705 = arith.mulf %sub3A_1703, %sub3A_1703 : vector<16xf32>
      %pack3A_1706 = tpu.pack_subelements %mul3A_1704, %mul3A_1705 {pack_format = #tpu.pack_format<interleaved>, positions = array<i32: 0, 1>} : vector<16xf32>, vector<16xf32> -> vector<32xbf16>
      %sub3A_1707 = vector.broadcast %squeeze3A_1664 : f32 to vector<16xf32>
      %sub3A_1708 = arith.subf %add3A_100, %sub3A_1707 : vector<16xf32>
      %sub3A_1709 = vector.broadcast %squeeze3A_1664 : f32 to vector<16xf32>
      %sub3A_1710 = arith.subf %add3A_103, %sub3A_1709 : vector<16xf32>
      %mul3A_1711 = arith.mulf %sub3A_1708, %sub3A_1708 : vector<16xf32>
      %mul3A_1712 = arith.mulf %sub3A_1710, %sub3A_1710 : vector<16xf32>
      %pack3A_1713 = tpu.pack_subelements %mul3A_1711, %mul3A_1712 {pack_format = #tpu.pack_format<interleaved>, positions = array<i32: 0, 1>} : vector<16xf32>, vector<16xf32> -> vector<32xbf16>
      %sub3A_1714 = arith.subf %convert_element_type3A_55, %squeeze3A_1662 : f32
      %mul3A_1715 = arith.mulf %sub3A_1714, %sub3A_1714 : f32
      %broadcast_in_dim3A_1716 = vector.broadcast %mul3A_1715 : f32 to vector<16xf32>
      %pack3A_1717 = tpu.pack_subelements %broadcast_in_dim3A_1716, %broadcast_in_dim3A_1716 {pack_format = #tpu.pack_format<interleaved>, positions = array<i32: 0, 1>} : vector<16xf32>, vector<16xf32> -> vector<32xbf16>
      %add3A_1718 = arith.addf %pack3A_1671, %pack3A_1717 : vector<32xbf16>
      %min3A_1719 = arith.minimumf %min3A_1612, %add3A_1718 : vector<32xbf16>
      %add3A_1720 = arith.addf %pack3A_1678, %pack3A_1717 : vector<32xbf16>
      %min3A_1721 = arith.minimumf %min3A_1614, %add3A_1720 : vector<32xbf16>
      %add3A_1722 = arith.addf %pack3A_1685, %pack3A_1717 : vector<32xbf16>
      %min3A_1723 = arith.minimumf %min3A_1616, %add3A_1722 : vector<32xbf16>
      %add3A_1724 = arith.addf %pack3A_1692, %pack3A_1717 : vector<32xbf16>
      %min3A_1725 = arith.minimumf %min3A_1618, %add3A_1724 : vector<32xbf16>
      %add3A_1726 = arith.addf %pack3A_1699, %pack3A_1717 : vector<32xbf16>
      %min3A_1727 = arith.minimumf %min3A_1620, %add3A_1726 : vector<32xbf16>
      %add3A_1728 = arith.addf %pack3A_1706, %pack3A_1717 : vector<32xbf16>
      %min3A_1729 = arith.minimumf %min3A_1622, %add3A_1728 : vector<32xbf16>
      %add3A_1730 = arith.addf %pack3A_1713, %pack3A_1717 : vector<32xbf16>
      %min3A_1731 = arith.minimumf %min3A_1624, %add3A_1730 : vector<32xbf16>
      %sub3A_1732 = arith.subf %convert_element_type3A_58, %squeeze3A_1662 : f32
      %mul3A_1733 = arith.mulf %sub3A_1732, %sub3A_1732 : f32
      %broadcast_in_dim3A_1734 = vector.broadcast %mul3A_1733 : f32 to vector<16xf32>
      %pack3A_1735 = tpu.pack_subelements %broadcast_in_dim3A_1734, %broadcast_in_dim3A_1734 {pack_format = #tpu.pack_format<interleaved>, positions = array<i32: 0, 1>} : vector<16xf32>, vector<16xf32> -> vector<32xbf16>
      %add3A_1736 = arith.addf %pack3A_1671, %pack3A_1735 : vector<32xbf16>
      %min3A_1737 = arith.minimumf %min3A_1630, %add3A_1736 : vector<32xbf16>
      %add3A_1738 = arith.addf %pack3A_1678, %pack3A_1735 : vector<32xbf16>
      %min3A_1739 = arith.minimumf %min3A_1632, %add3A_1738 : vector<32xbf16>
      %add3A_1740 = arith.addf %pack3A_1685, %pack3A_1735 : vector<32xbf16>
      %min3A_1741 = arith.minimumf %min3A_1634, %add3A_1740 : vector<32xbf16>
      %add3A_1742 = arith.addf %pack3A_1692, %pack3A_1735 : vector<32xbf16>
      %min3A_1743 = arith.minimumf %min3A_1636, %add3A_1742 : vector<32xbf16>
      %add3A_1744 = arith.addf %pack3A_1699, %pack3A_1735 : vector<32xbf16>
      %min3A_1745 = arith.minimumf %min3A_1638, %add3A_1744 : vector<32xbf16>
      %add3A_1746 = arith.addf %pack3A_1706, %pack3A_1735 : vector<32xbf16>
      %min3A_1747 = arith.minimumf %min3A_1640, %add3A_1746 : vector<32xbf16>
      %add3A_1748 = arith.addf %pack3A_1713, %pack3A_1735 : vector<32xbf16>
      %min3A_1749 = arith.minimumf %min3A_1642, %add3A_1748 : vector<32xbf16>
      %sub3A_1750 = arith.subf %convert_element_type3A_61, %squeeze3A_1662 : f32
      %mul3A_1751 = arith.mulf %sub3A_1750, %sub3A_1750 : f32
      %broadcast_in_dim3A_1752 = vector.broadcast %mul3A_1751 : f32 to vector<16xf32>
      %pack3A_1753 = tpu.pack_subelements %broadcast_in_dim3A_1752, %broadcast_in_dim3A_1752 {pack_format = #tpu.pack_format<interleaved>, positions = array<i32: 0, 1>} : vector<16xf32>, vector<16xf32> -> vector<32xbf16>
      %add3A_1754 = arith.addf %pack3A_1671, %pack3A_1753 : vector<32xbf16>
      %min3A_1755 = arith.minimumf %min3A_1648, %add3A_1754 : vector<32xbf16>
      %add3A_1756 = arith.addf %pack3A_1678, %pack3A_1753 : vector<32xbf16>
      %min3A_1757 = arith.minimumf %min3A_1650, %add3A_1756 : vector<32xbf16>
      %add3A_1758 = arith.addf %pack3A_1685, %pack3A_1753 : vector<32xbf16>
      %min3A_1759 = arith.minimumf %min3A_1652, %add3A_1758 : vector<32xbf16>
      %add3A_1760 = arith.addf %pack3A_1692, %pack3A_1753 : vector<32xbf16>
      %min3A_1761 = arith.minimumf %min3A_1654, %add3A_1760 : vector<32xbf16>
      %add3A_1762 = arith.addf %pack3A_1699, %pack3A_1753 : vector<32xbf16>
      %min3A_1763 = arith.minimumf %min3A_1656, %add3A_1762 : vector<32xbf16>
      %add3A_1764 = arith.addf %pack3A_1706, %pack3A_1753 : vector<32xbf16>
      %min3A_1765 = arith.minimumf %min3A_1658, %add3A_1764 : vector<32xbf16>
      %add3A_1766 = arith.addf %pack3A_1713, %pack3A_1753 : vector<32xbf16>
      %min3A_1767 = arith.minimumf %min3A_1660, %add3A_1766 : vector<32xbf16>
      %slice3A_1768 = vector.extract_strided_slice %get3A_1232 {offsets = [5], sizes = [1], strides = [1]} : vector<16xf32> to vector<1xf32>
      %squeeze3A_1769 = vector.extract %slice3A_1768[0] : f32 from vector<1xf32>
      %slice3A_1770 = vector.extract_strided_slice %get3A_1234 {offsets = [5], sizes = [1], strides = [1]} : vector<16xf32> to vector<1xf32>
      %squeeze3A_1771 = vector.extract %slice3A_1770[0] : f32 from vector<1xf32>
      %sub3A_1772 = vector.broadcast %squeeze3A_1771 : f32 to vector<16xf32>
      %sub3A_1773 = arith.subf %add3A_64, %sub3A_1772 : vector<16xf32>
      %sub3A_1774 = vector.broadcast %squeeze3A_1771 : f32 to vector<16xf32>
      %sub3A_1775 = arith.subf %add3A_67, %sub3A_1774 : vector<16xf32>
      %mul3A_1776 = arith.mulf %sub3A_1773, %sub3A_1773 : vector<16xf32>
      %mul3A_1777 = arith.mulf %sub3A_1775, %sub3A_1775 : vector<16xf32>
      %pack3A_1778 = tpu.pack_subelements %mul3A_1776, %mul3A_1777 {pack_format = #tpu.pack_format<interleaved>, positions = array<i32: 0, 1>} : vector<16xf32>, vector<16xf32> -> vector<32xbf16>
      %sub3A_1779 = vector.broadcast %squeeze3A_1771 : f32 to vector<16xf32>
      %sub3A_1780 = arith.subf %add3A_70, %sub3A_1779 : vector<16xf32>
      %sub3A_1781 = vector.broadcast %squeeze3A_1771 : f32 to vector<16xf32>
      %sub3A_1782 = arith.subf %add3A_73, %sub3A_1781 : vector<16xf32>
      %mul3A_1783 = arith.mulf %sub3A_1780, %sub3A_1780 : vector<16xf32>
      %mul3A_1784 = arith.mulf %sub3A_1782, %sub3A_1782 : vector<16xf32>
      %pack3A_1785 = tpu.pack_subelements %mul3A_1783, %mul3A_1784 {pack_format = #tpu.pack_format<interleaved>, positions = array<i32: 0, 1>} : vector<16xf32>, vector<16xf32> -> vector<32xbf16>
      %sub3A_1786 = vector.broadcast %squeeze3A_1771 : f32 to vector<16xf32>
      %sub3A_1787 = arith.subf %add3A_76, %sub3A_1786 : vector<16xf32>
      %sub3A_1788 = vector.broadcast %squeeze3A_1771 : f32 to vector<16xf32>
      %sub3A_1789 = arith.subf %add3A_79, %sub3A_1788 : vector<16xf32>
      %mul3A_1790 = arith.mulf %sub3A_1787, %sub3A_1787 : vector<16xf32>
      %mul3A_1791 = arith.mulf %sub3A_1789, %sub3A_1789 : vector<16xf32>
      %pack3A_1792 = tpu.pack_subelements %mul3A_1790, %mul3A_1791 {pack_format = #tpu.pack_format<interleaved>, positions = array<i32: 0, 1>} : vector<16xf32>, vector<16xf32> -> vector<32xbf16>
      %sub3A_1793 = vector.broadcast %squeeze3A_1771 : f32 to vector<16xf32>
      %sub3A_1794 = arith.subf %add3A_82, %sub3A_1793 : vector<16xf32>
      %sub3A_1795 = vector.broadcast %squeeze3A_1771 : f32 to vector<16xf32>
      %sub3A_1796 = arith.subf %add3A_85, %sub3A_1795 : vector<16xf32>
      %mul3A_1797 = arith.mulf %sub3A_1794, %sub3A_1794 : vector<16xf32>
      %mul3A_1798 = arith.mulf %sub3A_1796, %sub3A_1796 : vector<16xf32>
      %pack3A_1799 = tpu.pack_subelements %mul3A_1797, %mul3A_1798 {pack_format = #tpu.pack_format<interleaved>, positions = array<i32: 0, 1>} : vector<16xf32>, vector<16xf32> -> vector<32xbf16>
      %sub3A_1800 = vector.broadcast %squeeze3A_1771 : f32 to vector<16xf32>
      %sub3A_1801 = arith.subf %add3A_88, %sub3A_1800 : vector<16xf32>
      %sub3A_1802 = vector.broadcast %squeeze3A_1771 : f32 to vector<16xf32>
      %sub3A_1803 = arith.subf %add3A_91, %sub3A_1802 : vector<16xf32>
      %mul3A_1804 = arith.mulf %sub3A_1801, %sub3A_1801 : vector<16xf32>
      %mul3A_1805 = arith.mulf %sub3A_1803, %sub3A_1803 : vector<16xf32>
      %pack3A_1806 = tpu.pack_subelements %mul3A_1804, %mul3A_1805 {pack_format = #tpu.pack_format<interleaved>, positions = array<i32: 0, 1>} : vector<16xf32>, vector<16xf32> -> vector<32xbf16>
      %sub3A_1807 = vector.broadcast %squeeze3A_1771 : f32 to vector<16xf32>
      %sub3A_1808 = arith.subf %add3A_94, %sub3A_1807 : vector<16xf32>
      %sub3A_1809 = vector.broadcast %squeeze3A_1771 : f32 to vector<16xf32>
      %sub3A_1810 = arith.subf %add3A_97, %sub3A_1809 : vector<16xf32>
      %mul3A_1811 = arith.mulf %sub3A_1808, %sub3A_1808 : vector<16xf32>
      %mul3A_1812 = arith.mulf %sub3A_1810, %sub3A_1810 : vector<16xf32>
      %pack3A_1813 = tpu.pack_subelements %mul3A_1811, %mul3A_1812 {pack_format = #tpu.pack_format<interleaved>, positions = array<i32: 0, 1>} : vector<16xf32>, vector<16xf32> -> vector<32xbf16>
      %sub3A_1814 = vector.broadcast %squeeze3A_1771 : f32 to vector<16xf32>
      %sub3A_1815 = arith.subf %add3A_100, %sub3A_1814 : vector<16xf32>
      %sub3A_1816 = vector.broadcast %squeeze3A_1771 : f32 to vector<16xf32>
      %sub3A_1817 = arith.subf %add3A_103, %sub3A_1816 : vector<16xf32>
      %mul3A_1818 = arith.mulf %sub3A_1815, %sub3A_1815 : vector<16xf32>
      %mul3A_1819 = arith.mulf %sub3A_1817, %sub3A_1817 : vector<16xf32>
      %pack3A_1820 = tpu.pack_subelements %mul3A_1818, %mul3A_1819 {pack_format = #tpu.pack_format<interleaved>, positions = array<i32: 0, 1>} : vector<16xf32>, vector<16xf32> -> vector<32xbf16>
      %sub3A_1821 = arith.subf %convert_element_type3A_55, %squeeze3A_1769 : f32
      %mul3A_1822 = arith.mulf %sub3A_1821, %sub3A_1821 : f32
      %broadcast_in_dim3A_1823 = vector.broadcast %mul3A_1822 : f32 to vector<16xf32>
      %pack3A_1824 = tpu.pack_subelements %broadcast_in_dim3A_1823, %broadcast_in_dim3A_1823 {pack_format = #tpu.pack_format<interleaved>, positions = array<i32: 0, 1>} : vector<16xf32>, vector<16xf32> -> vector<32xbf16>
      %add3A_1825 = arith.addf %pack3A_1778, %pack3A_1824 : vector<32xbf16>
      %min3A_1826 = arith.minimumf %min3A_1719, %add3A_1825 : vector<32xbf16>
      %add3A_1827 = arith.addf %pack3A_1785, %pack3A_1824 : vector<32xbf16>
      %min3A_1828 = arith.minimumf %min3A_1721, %add3A_1827 : vector<32xbf16>
      %add3A_1829 = arith.addf %pack3A_1792, %pack3A_1824 : vector<32xbf16>
      %min3A_1830 = arith.minimumf %min3A_1723, %add3A_1829 : vector<32xbf16>
      %add3A_1831 = arith.addf %pack3A_1799, %pack3A_1824 : vector<32xbf16>
      %min3A_1832 = arith.minimumf %min3A_1725, %add3A_1831 : vector<32xbf16>
      %add3A_1833 = arith.addf %pack3A_1806, %pack3A_1824 : vector<32xbf16>
      %min3A_1834 = arith.minimumf %min3A_1727, %add3A_1833 : vector<32xbf16>
      %add3A_1835 = arith.addf %pack3A_1813, %pack3A_1824 : vector<32xbf16>
      %min3A_1836 = arith.minimumf %min3A_1729, %add3A_1835 : vector<32xbf16>
      %add3A_1837 = arith.addf %pack3A_1820, %pack3A_1824 : vector<32xbf16>
      %min3A_1838 = arith.minimumf %min3A_1731, %add3A_1837 : vector<32xbf16>
      %sub3A_1839 = arith.subf %convert_element_type3A_58, %squeeze3A_1769 : f32
      %mul3A_1840 = arith.mulf %sub3A_1839, %sub3A_1839 : f32
      %broadcast_in_dim3A_1841 = vector.broadcast %mul3A_1840 : f32 to vector<16xf32>
      %pack3A_1842 = tpu.pack_subelements %broadcast_in_dim3A_1841, %broadcast_in_dim3A_1841 {pack_format = #tpu.pack_format<interleaved>, positions = array<i32: 0, 1>} : vector<16xf32>, vector<16xf32> -> vector<32xbf16>
      %add3A_1843 = arith.addf %pack3A_1778, %pack3A_1842 : vector<32xbf16>
      %min3A_1844 = arith.minimumf %min3A_1737, %add3A_1843 : vector<32xbf16>
      %add3A_1845 = arith.addf %pack3A_1785, %pack3A_1842 : vector<32xbf16>
      %min3A_1846 = arith.minimumf %min3A_1739, %add3A_1845 : vector<32xbf16>
      %add3A_1847 = arith.addf %pack3A_1792, %pack3A_1842 : vector<32xbf16>
      %min3A_1848 = arith.minimumf %min3A_1741, %add3A_1847 : vector<32xbf16>
      %add3A_1849 = arith.addf %pack3A_1799, %pack3A_1842 : vector<32xbf16>
      %min3A_1850 = arith.minimumf %min3A_1743, %add3A_1849 : vector<32xbf16>
      %add3A_1851 = arith.addf %pack3A_1806, %pack3A_1842 : vector<32xbf16>
      %min3A_1852 = arith.minimumf %min3A_1745, %add3A_1851 : vector<32xbf16>
      %add3A_1853 = arith.addf %pack3A_1813, %pack3A_1842 : vector<32xbf16>
      %min3A_1854 = arith.minimumf %min3A_1747, %add3A_1853 : vector<32xbf16>
      %add3A_1855 = arith.addf %pack3A_1820, %pack3A_1842 : vector<32xbf16>
      %min3A_1856 = arith.minimumf %min3A_1749, %add3A_1855 : vector<32xbf16>
      %sub3A_1857 = arith.subf %convert_element_type3A_61, %squeeze3A_1769 : f32
      %mul3A_1858 = arith.mulf %sub3A_1857, %sub3A_1857 : f32
      %broadcast_in_dim3A_1859 = vector.broadcast %mul3A_1858 : f32 to vector<16xf32>
      %pack3A_1860 = tpu.pack_subelements %broadcast_in_dim3A_1859, %broadcast_in_dim3A_1859 {pack_format = #tpu.pack_format<interleaved>, positions = array<i32: 0, 1>} : vector<16xf32>, vector<16xf32> -> vector<32xbf16>
      %add3A_1861 = arith.addf %pack3A_1778, %pack3A_1860 : vector<32xbf16>
      %min3A_1862 = arith.minimumf %min3A_1755, %add3A_1861 : vector<32xbf16>
      %add3A_1863 = arith.addf %pack3A_1785, %pack3A_1860 : vector<32xbf16>
      %min3A_1864 = arith.minimumf %min3A_1757, %add3A_1863 : vector<32xbf16>
      %add3A_1865 = arith.addf %pack3A_1792, %pack3A_1860 : vector<32xbf16>
      %min3A_1866 = arith.minimumf %min3A_1759, %add3A_1865 : vector<32xbf16>
      %add3A_1867 = arith.addf %pack3A_1799, %pack3A_1860 : vector<32xbf16>
      %min3A_1868 = arith.minimumf %min3A_1761, %add3A_1867 : vector<32xbf16>
      %add3A_1869 = arith.addf %pack3A_1806, %pack3A_1860 : vector<32xbf16>
      %min3A_1870 = arith.minimumf %min3A_1763, %add3A_1869 : vector<32xbf16>
      %add3A_1871 = arith.addf %pack3A_1813, %pack3A_1860 : vector<32xbf16>
      %min3A_1872 = arith.minimumf %min3A_1765, %add3A_1871 : vector<32xbf16>
      %add3A_1873 = arith.addf %pack3A_1820, %pack3A_1860 : vector<32xbf16>
      %min3A_1874 = arith.minimumf %min3A_1767, %add3A_1873 : vector<32xbf16>
      %slice3A_1875 = vector.extract_strided_slice %get3A_1232 {offsets = [6], sizes = [1], strides = [1]} : vector<16xf32> to vector<1xf32>
      %squeeze3A_1876 = vector.extract %slice3A_1875[0] : f32 from vector<1xf32>
      %slice3A_1877 = vector.extract_strided_slice %get3A_1234 {offsets = [6], sizes = [1], strides = [1]} : vector<16xf32> to vector<1xf32>
      %squeeze3A_1878 = vector.extract %slice3A_1877[0] : f32 from vector<1xf32>
      %sub3A_1879 = vector.broadcast %squeeze3A_1878 : f32 to vector<16xf32>
      %sub3A_1880 = arith.subf %add3A_64, %sub3A_1879 : vector<16xf32>
      %sub3A_1881 = vector.broadcast %squeeze3A_1878 : f32 to vector<16xf32>
      %sub3A_1882 = arith.subf %add3A_67, %sub3A_1881 : vector<16xf32>
      %mul3A_1883 = arith.mulf %sub3A_1880, %sub3A_1880 : vector<16xf32>
      %mul3A_1884 = arith.mulf %sub3A_1882, %sub3A_1882 : vector<16xf32>
      %pack3A_1885 = tpu.pack_subelements %mul3A_1883, %mul3A_1884 {pack_format = #tpu.pack_format<interleaved>, positions = array<i32: 0, 1>} : vector<16xf32>, vector<16xf32> -> vector<32xbf16>
      %sub3A_1886 = vector.broadcast %squeeze3A_1878 : f32 to vector<16xf32>
      %sub3A_1887 = arith.subf %add3A_70, %sub3A_1886 : vector<16xf32>
      %sub3A_1888 = vector.broadcast %squeeze3A_1878 : f32 to vector<16xf32>
      %sub3A_1889 = arith.subf %add3A_73, %sub3A_1888 : vector<16xf32>
      %mul3A_1890 = arith.mulf %sub3A_1887, %sub3A_1887 : vector<16xf32>
      %mul3A_1891 = arith.mulf %sub3A_1889, %sub3A_1889 : vector<16xf32>
      %pack3A_1892 = tpu.pack_subelements %mul3A_1890, %mul3A_1891 {pack_format = #tpu.pack_format<interleaved>, positions = array<i32: 0, 1>} : vector<16xf32>, vector<16xf32> -> vector<32xbf16>
      %sub3A_1893 = vector.broadcast %squeeze3A_1878 : f32 to vector<16xf32>
      %sub3A_1894 = arith.subf %add3A_76, %sub3A_1893 : vector<16xf32>
      %sub3A_1895 = vector.broadcast %squeeze3A_1878 : f32 to vector<16xf32>
      %sub3A_1896 = arith.subf %add3A_79, %sub3A_1895 : vector<16xf32>
      %mul3A_1897 = arith.mulf %sub3A_1894, %sub3A_1894 : vector<16xf32>
      %mul3A_1898 = arith.mulf %sub3A_1896, %sub3A_1896 : vector<16xf32>
      %pack3A_1899 = tpu.pack_subelements %mul3A_1897, %mul3A_1898 {pack_format = #tpu.pack_format<interleaved>, positions = array<i32: 0, 1>} : vector<16xf32>, vector<16xf32> -> vector<32xbf16>
      %sub3A_1900 = vector.broadcast %squeeze3A_1878 : f32 to vector<16xf32>
      %sub3A_1901 = arith.subf %add3A_82, %sub3A_1900 : vector<16xf32>
      %sub3A_1902 = vector.broadcast %squeeze3A_1878 : f32 to vector<16xf32>
      %sub3A_1903 = arith.subf %add3A_85, %sub3A_1902 : vector<16xf32>
      %mul3A_1904 = arith.mulf %sub3A_1901, %sub3A_1901 : vector<16xf32>
      %mul3A_1905 = arith.mulf %sub3A_1903, %sub3A_1903 : vector<16xf32>
      %pack3A_1906 = tpu.pack_subelements %mul3A_1904, %mul3A_1905 {pack_format = #tpu.pack_format<interleaved>, positions = array<i32: 0, 1>} : vector<16xf32>, vector<16xf32> -> vector<32xbf16>
      %sub3A_1907 = vector.broadcast %squeeze3A_1878 : f32 to vector<16xf32>
      %sub3A_1908 = arith.subf %add3A_88, %sub3A_1907 : vector<16xf32>
      %sub3A_1909 = vector.broadcast %squeeze3A_1878 : f32 to vector<16xf32>
      %sub3A_1910 = arith.subf %add3A_91, %sub3A_1909 : vector<16xf32>
      %mul3A_1911 = arith.mulf %sub3A_1908, %sub3A_1908 : vector<16xf32>
      %mul3A_1912 = arith.mulf %sub3A_1910, %sub3A_1910 : vector<16xf32>
      %pack3A_1913 = tpu.pack_subelements %mul3A_1911, %mul3A_1912 {pack_format = #tpu.pack_format<interleaved>, positions = array<i32: 0, 1>} : vector<16xf32>, vector<16xf32> -> vector<32xbf16>
      %sub3A_1914 = vector.broadcast %squeeze3A_1878 : f32 to vector<16xf32>
      %sub3A_1915 = arith.subf %add3A_94, %sub3A_1914 : vector<16xf32>
      %sub3A_1916 = vector.broadcast %squeeze3A_1878 : f32 to vector<16xf32>
      %sub3A_1917 = arith.subf %add3A_97, %sub3A_1916 : vector<16xf32>
      %mul3A_1918 = arith.mulf %sub3A_1915, %sub3A_1915 : vector<16xf32>
      %mul3A_1919 = arith.mulf %sub3A_1917, %sub3A_1917 : vector<16xf32>
      %pack3A_1920 = tpu.pack_subelements %mul3A_1918, %mul3A_1919 {pack_format = #tpu.pack_format<interleaved>, positions = array<i32: 0, 1>} : vector<16xf32>, vector<16xf32> -> vector<32xbf16>
      %sub3A_1921 = vector.broadcast %squeeze3A_1878 : f32 to vector<16xf32>
      %sub3A_1922 = arith.subf %add3A_100, %sub3A_1921 : vector<16xf32>
      %sub3A_1923 = vector.broadcast %squeeze3A_1878 : f32 to vector<16xf32>
      %sub3A_1924 = arith.subf %add3A_103, %sub3A_1923 : vector<16xf32>
      %mul3A_1925 = arith.mulf %sub3A_1922, %sub3A_1922 : vector<16xf32>
      %mul3A_1926 = arith.mulf %sub3A_1924, %sub3A_1924 : vector<16xf32>
      %pack3A_1927 = tpu.pack_subelements %mul3A_1925, %mul3A_1926 {pack_format = #tpu.pack_format<interleaved>, positions = array<i32: 0, 1>} : vector<16xf32>, vector<16xf32> -> vector<32xbf16>
      %sub3A_1928 = arith.subf %convert_element_type3A_55, %squeeze3A_1876 : f32
      %mul3A_1929 = arith.mulf %sub3A_1928, %sub3A_1928 : f32
      %broadcast_in_dim3A_1930 = vector.broadcast %mul3A_1929 : f32 to vector<16xf32>
      %pack3A_1931 = tpu.pack_subelements %broadcast_in_dim3A_1930, %broadcast_in_dim3A_1930 {pack_format = #tpu.pack_format<interleaved>, positions = array<i32: 0, 1>} : vector<16xf32>, vector<16xf32> -> vector<32xbf16>
      %add3A_1932 = arith.addf %pack3A_1885, %pack3A_1931 : vector<32xbf16>
      %min3A_1933 = arith.minimumf %min3A_1826, %add3A_1932 : vector<32xbf16>
      %add3A_1934 = arith.addf %pack3A_1892, %pack3A_1931 : vector<32xbf16>
      %min3A_1935 = arith.minimumf %min3A_1828, %add3A_1934 : vector<32xbf16>
      %add3A_1936 = arith.addf %pack3A_1899, %pack3A_1931 : vector<32xbf16>
      %min3A_1937 = arith.minimumf %min3A_1830, %add3A_1936 : vector<32xbf16>
      %add3A_1938 = arith.addf %pack3A_1906, %pack3A_1931 : vector<32xbf16>
      %min3A_1939 = arith.minimumf %min3A_1832, %add3A_1938 : vector<32xbf16>
      %add3A_1940 = arith.addf %pack3A_1913, %pack3A_1931 : vector<32xbf16>
      %min3A_1941 = arith.minimumf %min3A_1834, %add3A_1940 : vector<32xbf16>
      %add3A_1942 = arith.addf %pack3A_1920, %pack3A_1931 : vector<32xbf16>
      %min3A_1943 = arith.minimumf %min3A_1836, %add3A_1942 : vector<32xbf16>
      %add3A_1944 = arith.addf %pack3A_1927, %pack3A_1931 : vector<32xbf16>
      %min3A_1945 = arith.minimumf %min3A_1838, %add3A_1944 : vector<32xbf16>
      %sub3A_1946 = arith.subf %convert_element_type3A_58, %squeeze3A_1876 : f32
      %mul3A_1947 = arith.mulf %sub3A_1946, %sub3A_1946 : f32
      %broadcast_in_dim3A_1948 = vector.broadcast %mul3A_1947 : f32 to vector<16xf32>
      %pack3A_1949 = tpu.pack_subelements %broadcast_in_dim3A_1948, %broadcast_in_dim3A_1948 {pack_format = #tpu.pack_format<interleaved>, positions = array<i32: 0, 1>} : vector<16xf32>, vector<16xf32> -> vector<32xbf16>
      %add3A_1950 = arith.addf %pack3A_1885, %pack3A_1949 : vector<32xbf16>
      %min3A_1951 = arith.minimumf %min3A_1844, %add3A_1950 : vector<32xbf16>
      %add3A_1952 = arith.addf %pack3A_1892, %pack3A_1949 : vector<32xbf16>
      %min3A_1953 = arith.minimumf %min3A_1846, %add3A_1952 : vector<32xbf16>
      %add3A_1954 = arith.addf %pack3A_1899, %pack3A_1949 : vector<32xbf16>
      %min3A_1955 = arith.minimumf %min3A_1848, %add3A_1954 : vector<32xbf16>
      %add3A_1956 = arith.addf %pack3A_1906, %pack3A_1949 : vector<32xbf16>
      %min3A_1957 = arith.minimumf %min3A_1850, %add3A_1956 : vector<32xbf16>
      %add3A_1958 = arith.addf %pack3A_1913, %pack3A_1949 : vector<32xbf16>
      %min3A_1959 = arith.minimumf %min3A_1852, %add3A_1958 : vector<32xbf16>
      %add3A_1960 = arith.addf %pack3A_1920, %pack3A_1949 : vector<32xbf16>
      %min3A_1961 = arith.minimumf %min3A_1854, %add3A_1960 : vector<32xbf16>
      %add3A_1962 = arith.addf %pack3A_1927, %pack3A_1949 : vector<32xbf16>
      %min3A_1963 = arith.minimumf %min3A_1856, %add3A_1962 : vector<32xbf16>
      %sub3A_1964 = arith.subf %convert_element_type3A_61, %squeeze3A_1876 : f32
      %mul3A_1965 = arith.mulf %sub3A_1964, %sub3A_1964 : f32
      %broadcast_in_dim3A_1966 = vector.broadcast %mul3A_1965 : f32 to vector<16xf32>
      %pack3A_1967 = tpu.pack_subelements %broadcast_in_dim3A_1966, %broadcast_in_dim3A_1966 {pack_format = #tpu.pack_format<interleaved>, positions = array<i32: 0, 1>} : vector<16xf32>, vector<16xf32> -> vector<32xbf16>
      %add3A_1968 = arith.addf %pack3A_1885, %pack3A_1967 : vector<32xbf16>
      %min3A_1969 = arith.minimumf %min3A_1862, %add3A_1968 : vector<32xbf16>
      %add3A_1970 = arith.addf %pack3A_1892, %pack3A_1967 : vector<32xbf16>
      %min3A_1971 = arith.minimumf %min3A_1864, %add3A_1970 : vector<32xbf16>
      %add3A_1972 = arith.addf %pack3A_1899, %pack3A_1967 : vector<32xbf16>
      %min3A_1973 = arith.minimumf %min3A_1866, %add3A_1972 : vector<32xbf16>
      %add3A_1974 = arith.addf %pack3A_1906, %pack3A_1967 : vector<32xbf16>
      %min3A_1975 = arith.minimumf %min3A_1868, %add3A_1974 : vector<32xbf16>
      %add3A_1976 = arith.addf %pack3A_1913, %pack3A_1967 : vector<32xbf16>
      %min3A_1977 = arith.minimumf %min3A_1870, %add3A_1976 : vector<32xbf16>
      %add3A_1978 = arith.addf %pack3A_1920, %pack3A_1967 : vector<32xbf16>
      %min3A_1979 = arith.minimumf %min3A_1872, %add3A_1978 : vector<32xbf16>
      %add3A_1980 = arith.addf %pack3A_1927, %pack3A_1967 : vector<32xbf16>
      %min3A_1981 = arith.minimumf %min3A_1874, %add3A_1980 : vector<32xbf16>
      %slice3A_1982 = vector.extract_strided_slice %get3A_1232 {offsets = [7], sizes = [1], strides = [1]} : vector<16xf32> to vector<1xf32>
      %squeeze3A_1983 = vector.extract %slice3A_1982[0] : f32 from vector<1xf32>
      %slice3A_1984 = vector.extract_strided_slice %get3A_1234 {offsets = [7], sizes = [1], strides = [1]} : vector<16xf32> to vector<1xf32>
      %squeeze3A_1985 = vector.extract %slice3A_1984[0] : f32 from vector<1xf32>
      %sub3A_1986 = vector.broadcast %squeeze3A_1985 : f32 to vector<16xf32>
      %sub3A_1987 = arith.subf %add3A_64, %sub3A_1986 : vector<16xf32>
      %sub3A_1988 = vector.broadcast %squeeze3A_1985 : f32 to vector<16xf32>
      %sub3A_1989 = arith.subf %add3A_67, %sub3A_1988 : vector<16xf32>
      %mul3A_1990 = arith.mulf %sub3A_1987, %sub3A_1987 : vector<16xf32>
      %mul3A_1991 = arith.mulf %sub3A_1989, %sub3A_1989 : vector<16xf32>
      %pack3A_1992 = tpu.pack_subelements %mul3A_1990, %mul3A_1991 {pack_format = #tpu.pack_format<interleaved>, positions = array<i32: 0, 1>} : vector<16xf32>, vector<16xf32> -> vector<32xbf16>
      %sub3A_1993 = vector.broadcast %squeeze3A_1985 : f32 to vector<16xf32>
      %sub3A_1994 = arith.subf %add3A_70, %sub3A_1993 : vector<16xf32>
      %sub3A_1995 = vector.broadcast %squeeze3A_1985 : f32 to vector<16xf32>
      %sub3A_1996 = arith.subf %add3A_73, %sub3A_1995 : vector<16xf32>
      %mul3A_1997 = arith.mulf %sub3A_1994, %sub3A_1994 : vector<16xf32>
      %mul3A_1998 = arith.mulf %sub3A_1996, %sub3A_1996 : vector<16xf32>
      %pack3A_1999 = tpu.pack_subelements %mul3A_1997, %mul3A_1998 {pack_format = #tpu.pack_format<interleaved>, positions = array<i32: 0, 1>} : vector<16xf32>, vector<16xf32> -> vector<32xbf16>
      %sub3A_2000 = vector.broadcast %squeeze3A_1985 : f32 to vector<16xf32>
      %sub3A_2001 = arith.subf %add3A_76, %sub3A_2000 : vector<16xf32>
      %sub3A_2002 = vector.broadcast %squeeze3A_1985 : f32 to vector<16xf32>
      %sub3A_2003 = arith.subf %add3A_79, %sub3A_2002 : vector<16xf32>
      %mul3A_2004 = arith.mulf %sub3A_2001, %sub3A_2001 : vector<16xf32>
      %mul3A_2005 = arith.mulf %sub3A_2003, %sub3A_2003 : vector<16xf32>
      %pack3A_2006 = tpu.pack_subelements %mul3A_2004, %mul3A_2005 {pack_format = #tpu.pack_format<interleaved>, positions = array<i32: 0, 1>} : vector<16xf32>, vector<16xf32> -> vector<32xbf16>
      %sub3A_2007 = vector.broadcast %squeeze3A_1985 : f32 to vector<16xf32>
      %sub3A_2008 = arith.subf %add3A_82, %sub3A_2007 : vector<16xf32>
      %sub3A_2009 = vector.broadcast %squeeze3A_1985 : f32 to vector<16xf32>
      %sub3A_2010 = arith.subf %add3A_85, %sub3A_2009 : vector<16xf32>
      %mul3A_2011 = arith.mulf %sub3A_2008, %sub3A_2008 : vector<16xf32>
      %mul3A_2012 = arith.mulf %sub3A_2010, %sub3A_2010 : vector<16xf32>
      %pack3A_2013 = tpu.pack_subelements %mul3A_2011, %mul3A_2012 {pack_format = #tpu.pack_format<interleaved>, positions = array<i32: 0, 1>} : vector<16xf32>, vector<16xf32> -> vector<32xbf16>
      %sub3A_2014 = vector.broadcast %squeeze3A_1985 : f32 to vector<16xf32>
      %sub3A_2015 = arith.subf %add3A_88, %sub3A_2014 : vector<16xf32>
      %sub3A_2016 = vector.broadcast %squeeze3A_1985 : f32 to vector<16xf32>
      %sub3A_2017 = arith.subf %add3A_91, %sub3A_2016 : vector<16xf32>
      %mul3A_2018 = arith.mulf %sub3A_2015, %sub3A_2015 : vector<16xf32>
      %mul3A_2019 = arith.mulf %sub3A_2017, %sub3A_2017 : vector<16xf32>
      %pack3A_2020 = tpu.pack_subelements %mul3A_2018, %mul3A_2019 {pack_format = #tpu.pack_format<interleaved>, positions = array<i32: 0, 1>} : vector<16xf32>, vector<16xf32> -> vector<32xbf16>
      %sub3A_2021 = vector.broadcast %squeeze3A_1985 : f32 to vector<16xf32>
      %sub3A_2022 = arith.subf %add3A_94, %sub3A_2021 : vector<16xf32>
      %sub3A_2023 = vector.broadcast %squeeze3A_1985 : f32 to vector<16xf32>
      %sub3A_2024 = arith.subf %add3A_97, %sub3A_2023 : vector<16xf32>
      %mul3A_2025 = arith.mulf %sub3A_2022, %sub3A_2022 : vector<16xf32>
      %mul3A_2026 = arith.mulf %sub3A_2024, %sub3A_2024 : vector<16xf32>
      %pack3A_2027 = tpu.pack_subelements %mul3A_2025, %mul3A_2026 {pack_format = #tpu.pack_format<interleaved>, positions = array<i32: 0, 1>} : vector<16xf32>, vector<16xf32> -> vector<32xbf16>
      %sub3A_2028 = vector.broadcast %squeeze3A_1985 : f32 to vector<16xf32>
      %sub3A_2029 = arith.subf %add3A_100, %sub3A_2028 : vector<16xf32>
      %sub3A_2030 = vector.broadcast %squeeze3A_1985 : f32 to vector<16xf32>
      %sub3A_2031 = arith.subf %add3A_103, %sub3A_2030 : vector<16xf32>
      %mul3A_2032 = arith.mulf %sub3A_2029, %sub3A_2029 : vector<16xf32>
      %mul3A_2033 = arith.mulf %sub3A_2031, %sub3A_2031 : vector<16xf32>
      %pack3A_2034 = tpu.pack_subelements %mul3A_2032, %mul3A_2033 {pack_format = #tpu.pack_format<interleaved>, positions = array<i32: 0, 1>} : vector<16xf32>, vector<16xf32> -> vector<32xbf16>
      %sub3A_2035 = arith.subf %convert_element_type3A_55, %squeeze3A_1983 : f32
      %mul3A_2036 = arith.mulf %sub3A_2035, %sub3A_2035 : f32
      %broadcast_in_dim3A_2037 = vector.broadcast %mul3A_2036 : f32 to vector<16xf32>
      %pack3A_2038 = tpu.pack_subelements %broadcast_in_dim3A_2037, %broadcast_in_dim3A_2037 {pack_format = #tpu.pack_format<interleaved>, positions = array<i32: 0, 1>} : vector<16xf32>, vector<16xf32> -> vector<32xbf16>
      %add3A_2039 = arith.addf %pack3A_1992, %pack3A_2038 : vector<32xbf16>
      %min3A_2040 = arith.minimumf %min3A_1933, %add3A_2039 : vector<32xbf16>
      %add3A_2041 = arith.addf %pack3A_1999, %pack3A_2038 : vector<32xbf16>
      %min3A_2042 = arith.minimumf %min3A_1935, %add3A_2041 : vector<32xbf16>
      %add3A_2043 = arith.addf %pack3A_2006, %pack3A_2038 : vector<32xbf16>
      %min3A_2044 = arith.minimumf %min3A_1937, %add3A_2043 : vector<32xbf16>
      %add3A_2045 = arith.addf %pack3A_2013, %pack3A_2038 : vector<32xbf16>
      %min3A_2046 = arith.minimumf %min3A_1939, %add3A_2045 : vector<32xbf16>
      %add3A_2047 = arith.addf %pack3A_2020, %pack3A_2038 : vector<32xbf16>
      %min3A_2048 = arith.minimumf %min3A_1941, %add3A_2047 : vector<32xbf16>
      %add3A_2049 = arith.addf %pack3A_2027, %pack3A_2038 : vector<32xbf16>
      %min3A_2050 = arith.minimumf %min3A_1943, %add3A_2049 : vector<32xbf16>
      %add3A_2051 = arith.addf %pack3A_2034, %pack3A_2038 : vector<32xbf16>
      %min3A_2052 = arith.minimumf %min3A_1945, %add3A_2051 : vector<32xbf16>
      %sub3A_2053 = arith.subf %convert_element_type3A_58, %squeeze3A_1983 : f32
      %mul3A_2054 = arith.mulf %sub3A_2053, %sub3A_2053 : f32
      %broadcast_in_dim3A_2055 = vector.broadcast %mul3A_2054 : f32 to vector<16xf32>
      %pack3A_2056 = tpu.pack_subelements %broadcast_in_dim3A_2055, %broadcast_in_dim3A_2055 {pack_format = #tpu.pack_format<interleaved>, positions = array<i32: 0, 1>} : vector<16xf32>, vector<16xf32> -> vector<32xbf16>
      %add3A_2057 = arith.addf %pack3A_1992, %pack3A_2056 : vector<32xbf16>
      %min3A_2058 = arith.minimumf %min3A_1951, %add3A_2057 : vector<32xbf16>
      %add3A_2059 = arith.addf %pack3A_1999, %pack3A_2056 : vector<32xbf16>
      %min3A_2060 = arith.minimumf %min3A_1953, %add3A_2059 : vector<32xbf16>
      %add3A_2061 = arith.addf %pack3A_2006, %pack3A_2056 : vector<32xbf16>
      %min3A_2062 = arith.minimumf %min3A_1955, %add3A_2061 : vector<32xbf16>
      %add3A_2063 = arith.addf %pack3A_2013, %pack3A_2056 : vector<32xbf16>
      %min3A_2064 = arith.minimumf %min3A_1957, %add3A_2063 : vector<32xbf16>
      %add3A_2065 = arith.addf %pack3A_2020, %pack3A_2056 : vector<32xbf16>
      %min3A_2066 = arith.minimumf %min3A_1959, %add3A_2065 : vector<32xbf16>
      %add3A_2067 = arith.addf %pack3A_2027, %pack3A_2056 : vector<32xbf16>
      %min3A_2068 = arith.minimumf %min3A_1961, %add3A_2067 : vector<32xbf16>
      %add3A_2069 = arith.addf %pack3A_2034, %pack3A_2056 : vector<32xbf16>
      %min3A_2070 = arith.minimumf %min3A_1963, %add3A_2069 : vector<32xbf16>
      %sub3A_2071 = arith.subf %convert_element_type3A_61, %squeeze3A_1983 : f32
      %mul3A_2072 = arith.mulf %sub3A_2071, %sub3A_2071 : f32
      %broadcast_in_dim3A_2073 = vector.broadcast %mul3A_2072 : f32 to vector<16xf32>
      %pack3A_2074 = tpu.pack_subelements %broadcast_in_dim3A_2073, %broadcast_in_dim3A_2073 {pack_format = #tpu.pack_format<interleaved>, positions = array<i32: 0, 1>} : vector<16xf32>, vector<16xf32> -> vector<32xbf16>
      %add3A_2075 = arith.addf %pack3A_1992, %pack3A_2074 : vector<32xbf16>
      %min3A_2076 = arith.minimumf %min3A_1969, %add3A_2075 : vector<32xbf16>
      %add3A_2077 = arith.addf %pack3A_1999, %pack3A_2074 : vector<32xbf16>
      %min3A_2078 = arith.minimumf %min3A_1971, %add3A_2077 : vector<32xbf16>
      %add3A_2079 = arith.addf %pack3A_2006, %pack3A_2074 : vector<32xbf16>
      %min3A_2080 = arith.minimumf %min3A_1973, %add3A_2079 : vector<32xbf16>
      %add3A_2081 = arith.addf %pack3A_2013, %pack3A_2074 : vector<32xbf16>
      %min3A_2082 = arith.minimumf %min3A_1975, %add3A_2081 : vector<32xbf16>
      %add3A_2083 = arith.addf %pack3A_2020, %pack3A_2074 : vector<32xbf16>
      %min3A_2084 = arith.minimumf %min3A_1977, %add3A_2083 : vector<32xbf16>
      %add3A_2085 = arith.addf %pack3A_2027, %pack3A_2074 : vector<32xbf16>
      %min3A_2086 = arith.minimumf %min3A_1979, %add3A_2085 : vector<32xbf16>
      %add3A_2087 = arith.addf %pack3A_2034, %pack3A_2074 : vector<32xbf16>
      %min3A_2088 = arith.minimumf %min3A_1981, %add3A_2087 : vector<32xbf16>
      %slice3A_2089 = vector.extract_strided_slice %get3A_1232 {offsets = [8], sizes = [1], strides = [1]} : vector<16xf32> to vector<1xf32>
      %squeeze3A_2090 = vector.extract %slice3A_2089[0] : f32 from vector<1xf32>
      %slice3A_2091 = vector.extract_strided_slice %get3A_1234 {offsets = [8], sizes = [1], strides = [1]} : vector<16xf32> to vector<1xf32>
      %squeeze3A_2092 = vector.extract %slice3A_2091[0] : f32 from vector<1xf32>
      %sub3A_2093 = vector.broadcast %squeeze3A_2092 : f32 to vector<16xf32>
      %sub3A_2094 = arith.subf %add3A_64, %sub3A_2093 : vector<16xf32>
      %sub3A_2095 = vector.broadcast %squeeze3A_2092 : f32 to vector<16xf32>
      %sub3A_2096 = arith.subf %add3A_67, %sub3A_2095 : vector<16xf32>
      %mul3A_2097 = arith.mulf %sub3A_2094, %sub3A_2094 : vector<16xf32>
      %mul3A_2098 = arith.mulf %sub3A_2096, %sub3A_2096 : vector<16xf32>
      %pack3A_2099 = tpu.pack_subelements %mul3A_2097, %mul3A_2098 {pack_format = #tpu.pack_format<interleaved>, positions = array<i32: 0, 1>} : vector<16xf32>, vector<16xf32> -> vector<32xbf16>
      %sub3A_2100 = vector.broadcast %squeeze3A_2092 : f32 to vector<16xf32>
      %sub3A_2101 = arith.subf %add3A_70, %sub3A_2100 : vector<16xf32>
      %sub3A_2102 = vector.broadcast %squeeze3A_2092 : f32 to vector<16xf32>
      %sub3A_2103 = arith.subf %add3A_73, %sub3A_2102 : vector<16xf32>
      %mul3A_2104 = arith.mulf %sub3A_2101, %sub3A_2101 : vector<16xf32>
      %mul3A_2105 = arith.mulf %sub3A_2103, %sub3A_2103 : vector<16xf32>
      %pack3A_2106 = tpu.pack_subelements %mul3A_2104, %mul3A_2105 {pack_format = #tpu.pack_format<interleaved>, positions = array<i32: 0, 1>} : vector<16xf32>, vector<16xf32> -> vector<32xbf16>
      %sub3A_2107 = vector.broadcast %squeeze3A_2092 : f32 to vector<16xf32>
      %sub3A_2108 = arith.subf %add3A_76, %sub3A_2107 : vector<16xf32>
      %sub3A_2109 = vector.broadcast %squeeze3A_2092 : f32 to vector<16xf32>
      %sub3A_2110 = arith.subf %add3A_79, %sub3A_2109 : vector<16xf32>
      %mul3A_2111 = arith.mulf %sub3A_2108, %sub3A_2108 : vector<16xf32>
      %mul3A_2112 = arith.mulf %sub3A_2110, %sub3A_2110 : vector<16xf32>
      %pack3A_2113 = tpu.pack_subelements %mul3A_2111, %mul3A_2112 {pack_format = #tpu.pack_format<interleaved>, positions = array<i32: 0, 1>} : vector<16xf32>, vector<16xf32> -> vector<32xbf16>
      %sub3A_2114 = vector.broadcast %squeeze3A_2092 : f32 to vector<16xf32>
      %sub3A_2115 = arith.subf %add3A_82, %sub3A_2114 : vector<16xf32>
      %sub3A_2116 = vector.broadcast %squeeze3A_2092 : f32 to vector<16xf32>
      %sub3A_2117 = arith.subf %add3A_85, %sub3A_2116 : vector<16xf32>
      %mul3A_2118 = arith.mulf %sub3A_2115, %sub3A_2115 : vector<16xf32>
      %mul3A_2119 = arith.mulf %sub3A_2117, %sub3A_2117 : vector<16xf32>
      %pack3A_2120 = tpu.pack_subelements %mul3A_2118, %mul3A_2119 {pack_format = #tpu.pack_format<interleaved>, positions = array<i32: 0, 1>} : vector<16xf32>, vector<16xf32> -> vector<32xbf16>
      %sub3A_2121 = vector.broadcast %squeeze3A_2092 : f32 to vector<16xf32>
      %sub3A_2122 = arith.subf %add3A_88, %sub3A_2121 : vector<16xf32>
      %sub3A_2123 = vector.broadcast %squeeze3A_2092 : f32 to vector<16xf32>
      %sub3A_2124 = arith.subf %add3A_91, %sub3A_2123 : vector<16xf32>
      %mul3A_2125 = arith.mulf %sub3A_2122, %sub3A_2122 : vector<16xf32>
      %mul3A_2126 = arith.mulf %sub3A_2124, %sub3A_2124 : vector<16xf32>
      %pack3A_2127 = tpu.pack_subelements %mul3A_2125, %mul3A_2126 {pack_format = #tpu.pack_format<interleaved>, positions = array<i32: 0, 1>} : vector<16xf32>, vector<16xf32> -> vector<32xbf16>
      %sub3A_2128 = vector.broadcast %squeeze3A_2092 : f32 to vector<16xf32>
      %sub3A_2129 = arith.subf %add3A_94, %sub3A_2128 : vector<16xf32>
      %sub3A_2130 = vector.broadcast %squeeze3A_2092 : f32 to vector<16xf32>
      %sub3A_2131 = arith.subf %add3A_97, %sub3A_2130 : vector<16xf32>
      %mul3A_2132 = arith.mulf %sub3A_2129, %sub3A_2129 : vector<16xf32>
      %mul3A_2133 = arith.mulf %sub3A_2131, %sub3A_2131 : vector<16xf32>
      %pack3A_2134 = tpu.pack_subelements %mul3A_2132, %mul3A_2133 {pack_format = #tpu.pack_format<interleaved>, positions = array<i32: 0, 1>} : vector<16xf32>, vector<16xf32> -> vector<32xbf16>
      %sub3A_2135 = vector.broadcast %squeeze3A_2092 : f32 to vector<16xf32>
      %sub3A_2136 = arith.subf %add3A_100, %sub3A_2135 : vector<16xf32>
      %sub3A_2137 = vector.broadcast %squeeze3A_2092 : f32 to vector<16xf32>
      %sub3A_2138 = arith.subf %add3A_103, %sub3A_2137 : vector<16xf32>
      %mul3A_2139 = arith.mulf %sub3A_2136, %sub3A_2136 : vector<16xf32>
      %mul3A_2140 = arith.mulf %sub3A_2138, %sub3A_2138 : vector<16xf32>
      %pack3A_2141 = tpu.pack_subelements %mul3A_2139, %mul3A_2140 {pack_format = #tpu.pack_format<interleaved>, positions = array<i32: 0, 1>} : vector<16xf32>, vector<16xf32> -> vector<32xbf16>
      %sub3A_2142 = arith.subf %convert_element_type3A_55, %squeeze3A_2090 : f32
      %mul3A_2143 = arith.mulf %sub3A_2142, %sub3A_2142 : f32
      %broadcast_in_dim3A_2144 = vector.broadcast %mul3A_2143 : f32 to vector<16xf32>
      %pack3A_2145 = tpu.pack_subelements %broadcast_in_dim3A_2144, %broadcast_in_dim3A_2144 {pack_format = #tpu.pack_format<interleaved>, positions = array<i32: 0, 1>} : vector<16xf32>, vector<16xf32> -> vector<32xbf16>
      %add3A_2146 = arith.addf %pack3A_2099, %pack3A_2145 : vector<32xbf16>
      %min3A_2147 = arith.minimumf %min3A_2040, %add3A_2146 : vector<32xbf16>
      %add3A_2148 = arith.addf %pack3A_2106, %pack3A_2145 : vector<32xbf16>
      %min3A_2149 = arith.minimumf %min3A_2042, %add3A_2148 : vector<32xbf16>
      %add3A_2150 = arith.addf %pack3A_2113, %pack3A_2145 : vector<32xbf16>
      %min3A_2151 = arith.minimumf %min3A_2044, %add3A_2150 : vector<32xbf16>
      %add3A_2152 = arith.addf %pack3A_2120, %pack3A_2145 : vector<32xbf16>
      %min3A_2153 = arith.minimumf %min3A_2046, %add3A_2152 : vector<32xbf16>
      %add3A_2154 = arith.addf %pack3A_2127, %pack3A_2145 : vector<32xbf16>
      %min3A_2155 = arith.minimumf %min3A_2048, %add3A_2154 : vector<32xbf16>
      %add3A_2156 = arith.addf %pack3A_2134, %pack3A_2145 : vector<32xbf16>
      %min3A_2157 = arith.minimumf %min3A_2050, %add3A_2156 : vector<32xbf16>
      %add3A_2158 = arith.addf %pack3A_2141, %pack3A_2145 : vector<32xbf16>
      %min3A_2159 = arith.minimumf %min3A_2052, %add3A_2158 : vector<32xbf16>
      %sub3A_2160 = arith.subf %convert_element_type3A_58, %squeeze3A_2090 : f32
      %mul3A_2161 = arith.mulf %sub3A_2160, %sub3A_2160 : f32
      %broadcast_in_dim3A_2162 = vector.broadcast %mul3A_2161 : f32 to vector<16xf32>
      %pack3A_2163 = tpu.pack_subelements %broadcast_in_dim3A_2162, %broadcast_in_dim3A_2162 {pack_format = #tpu.pack_format<interleaved>, positions = array<i32: 0, 1>} : vector<16xf32>, vector<16xf32> -> vector<32xbf16>
      %add3A_2164 = arith.addf %pack3A_2099, %pack3A_2163 : vector<32xbf16>
      %min3A_2165 = arith.minimumf %min3A_2058, %add3A_2164 : vector<32xbf16>
      %add3A_2166 = arith.addf %pack3A_2106, %pack3A_2163 : vector<32xbf16>
      %min3A_2167 = arith.minimumf %min3A_2060, %add3A_2166 : vector<32xbf16>
      %add3A_2168 = arith.addf %pack3A_2113, %pack3A_2163 : vector<32xbf16>
      %min3A_2169 = arith.minimumf %min3A_2062, %add3A_2168 : vector<32xbf16>
      %add3A_2170 = arith.addf %pack3A_2120, %pack3A_2163 : vector<32xbf16>
      %min3A_2171 = arith.minimumf %min3A_2064, %add3A_2170 : vector<32xbf16>
      %add3A_2172 = arith.addf %pack3A_2127, %pack3A_2163 : vector<32xbf16>
      %min3A_2173 = arith.minimumf %min3A_2066, %add3A_2172 : vector<32xbf16>
      %add3A_2174 = arith.addf %pack3A_2134, %pack3A_2163 : vector<32xbf16>
      %min3A_2175 = arith.minimumf %min3A_2068, %add3A_2174 : vector<32xbf16>
      %add3A_2176 = arith.addf %pack3A_2141, %pack3A_2163 : vector<32xbf16>
      %min3A_2177 = arith.minimumf %min3A_2070, %add3A_2176 : vector<32xbf16>
      %sub3A_2178 = arith.subf %convert_element_type3A_61, %squeeze3A_2090 : f32
      %mul3A_2179 = arith.mulf %sub3A_2178, %sub3A_2178 : f32
      %broadcast_in_dim3A_2180 = vector.broadcast %mul3A_2179 : f32 to vector<16xf32>
      %pack3A_2181 = tpu.pack_subelements %broadcast_in_dim3A_2180, %broadcast_in_dim3A_2180 {pack_format = #tpu.pack_format<interleaved>, positions = array<i32: 0, 1>} : vector<16xf32>, vector<16xf32> -> vector<32xbf16>
      %add3A_2182 = arith.addf %pack3A_2099, %pack3A_2181 : vector<32xbf16>
      %min3A_2183 = arith.minimumf %min3A_2076, %add3A_2182 : vector<32xbf16>
      %add3A_2184 = arith.addf %pack3A_2106, %pack3A_2181 : vector<32xbf16>
      %min3A_2185 = arith.minimumf %min3A_2078, %add3A_2184 : vector<32xbf16>
      %add3A_2186 = arith.addf %pack3A_2113, %pack3A_2181 : vector<32xbf16>
      %min3A_2187 = arith.minimumf %min3A_2080, %add3A_2186 : vector<32xbf16>
      %add3A_2188 = arith.addf %pack3A_2120, %pack3A_2181 : vector<32xbf16>
      %min3A_2189 = arith.minimumf %min3A_2082, %add3A_2188 : vector<32xbf16>
      %add3A_2190 = arith.addf %pack3A_2127, %pack3A_2181 : vector<32xbf16>
      %min3A_2191 = arith.minimumf %min3A_2084, %add3A_2190 : vector<32xbf16>
      %add3A_2192 = arith.addf %pack3A_2134, %pack3A_2181 : vector<32xbf16>
      %min3A_2193 = arith.minimumf %min3A_2086, %add3A_2192 : vector<32xbf16>
      %add3A_2194 = arith.addf %pack3A_2141, %pack3A_2181 : vector<32xbf16>
      %min3A_2195 = arith.minimumf %min3A_2088, %add3A_2194 : vector<32xbf16>
      %slice3A_2196 = vector.extract_strided_slice %get3A_1232 {offsets = [9], sizes = [1], strides = [1]} : vector<16xf32> to vector<1xf32>
      %squeeze3A_2197 = vector.extract %slice3A_2196[0] : f32 from vector<1xf32>
      %slice3A_2198 = vector.extract_strided_slice %get3A_1234 {offsets = [9], sizes = [1], strides = [1]} : vector<16xf32> to vector<1xf32>
      %squeeze3A_2199 = vector.extract %slice3A_2198[0] : f32 from vector<1xf32>
      %sub3A_2200 = vector.broadcast %squeeze3A_2199 : f32 to vector<16xf32>
      %sub3A_2201 = arith.subf %add3A_64, %sub3A_2200 : vector<16xf32>
      %sub3A_2202 = vector.broadcast %squeeze3A_2199 : f32 to vector<16xf32>
      %sub3A_2203 = arith.subf %add3A_67, %sub3A_2202 : vector<16xf32>
      %mul3A_2204 = arith.mulf %sub3A_2201, %sub3A_2201 : vector<16xf32>
      %mul3A_2205 = arith.mulf %sub3A_2203, %sub3A_2203 : vector<16xf32>
      %pack3A_2206 = tpu.pack_subelements %mul3A_2204, %mul3A_2205 {pack_format = #tpu.pack_format<interleaved>, positions = array<i32: 0, 1>} : vector<16xf32>, vector<16xf32> -> vector<32xbf16>
      %sub3A_2207 = vector.broadcast %squeeze3A_2199 : f32 to vector<16xf32>
      %sub3A_2208 = arith.subf %add3A_70, %sub3A_2207 : vector<16xf32>
      %sub3A_2209 = vector.broadcast %squeeze3A_2199 : f32 to vector<16xf32>
      %sub3A_2210 = arith.subf %add3A_73, %sub3A_2209 : vector<16xf32>
      %mul3A_2211 = arith.mulf %sub3A_2208, %sub3A_2208 : vector<16xf32>
      %mul3A_2212 = arith.mulf %sub3A_2210, %sub3A_2210 : vector<16xf32>
      %pack3A_2213 = tpu.pack_subelements %mul3A_2211, %mul3A_2212 {pack_format = #tpu.pack_format<interleaved>, positions = array<i32: 0, 1>} : vector<16xf32>, vector<16xf32> -> vector<32xbf16>
      %sub3A_2214 = vector.broadcast %squeeze3A_2199 : f32 to vector<16xf32>
      %sub3A_2215 = arith.subf %add3A_76, %sub3A_2214 : vector<16xf32>
      %sub3A_2216 = vector.broadcast %squeeze3A_2199 : f32 to vector<16xf32>
      %sub3A_2217 = arith.subf %add3A_79, %sub3A_2216 : vector<16xf32>
      %mul3A_2218 = arith.mulf %sub3A_2215, %sub3A_2215 : vector<16xf32>
      %mul3A_2219 = arith.mulf %sub3A_2217, %sub3A_2217 : vector<16xf32>
      %pack3A_2220 = tpu.pack_subelements %mul3A_2218, %mul3A_2219 {pack_format = #tpu.pack_format<interleaved>, positions = array<i32: 0, 1>} : vector<16xf32>, vector<16xf32> -> vector<32xbf16>
      %sub3A_2221 = vector.broadcast %squeeze3A_2199 : f32 to vector<16xf32>
      %sub3A_2222 = arith.subf %add3A_82, %sub3A_2221 : vector<16xf32>
      %sub3A_2223 = vector.broadcast %squeeze3A_2199 : f32 to vector<16xf32>
      %sub3A_2224 = arith.subf %add3A_85, %sub3A_2223 : vector<16xf32>
      %mul3A_2225 = arith.mulf %sub3A_2222, %sub3A_2222 : vector<16xf32>
      %mul3A_2226 = arith.mulf %sub3A_2224, %sub3A_2224 : vector<16xf32>
      %pack3A_2227 = tpu.pack_subelements %mul3A_2225, %mul3A_2226 {pack_format = #tpu.pack_format<interleaved>, positions = array<i32: 0, 1>} : vector<16xf32>, vector<16xf32> -> vector<32xbf16>
      %sub3A_2228 = vector.broadcast %squeeze3A_2199 : f32 to vector<16xf32>
      %sub3A_2229 = arith.subf %add3A_88, %sub3A_2228 : vector<16xf32>
      %sub3A_2230 = vector.broadcast %squeeze3A_2199 : f32 to vector<16xf32>
      %sub3A_2231 = arith.subf %add3A_91, %sub3A_2230 : vector<16xf32>
      %mul3A_2232 = arith.mulf %sub3A_2229, %sub3A_2229 : vector<16xf32>
      %mul3A_2233 = arith.mulf %sub3A_2231, %sub3A_2231 : vector<16xf32>
      %pack3A_2234 = tpu.pack_subelements %mul3A_2232, %mul3A_2233 {pack_format = #tpu.pack_format<interleaved>, positions = array<i32: 0, 1>} : vector<16xf32>, vector<16xf32> -> vector<32xbf16>
      %sub3A_2235 = vector.broadcast %squeeze3A_2199 : f32 to vector<16xf32>
      %sub3A_2236 = arith.subf %add3A_94, %sub3A_2235 : vector<16xf32>
      %sub3A_2237 = vector.broadcast %squeeze3A_2199 : f32 to vector<16xf32>
      %sub3A_2238 = arith.subf %add3A_97, %sub3A_2237 : vector<16xf32>
      %mul3A_2239 = arith.mulf %sub3A_2236, %sub3A_2236 : vector<16xf32>
      %mul3A_2240 = arith.mulf %sub3A_2238, %sub3A_2238 : vector<16xf32>
      %pack3A_2241 = tpu.pack_subelements %mul3A_2239, %mul3A_2240 {pack_format = #tpu.pack_format<interleaved>, positions = array<i32: 0, 1>} : vector<16xf32>, vector<16xf32> -> vector<32xbf16>
      %sub3A_2242 = vector.broadcast %squeeze3A_2199 : f32 to vector<16xf32>
      %sub3A_2243 = arith.subf %add3A_100, %sub3A_2242 : vector<16xf32>
      %sub3A_2244 = vector.broadcast %squeeze3A_2199 : f32 to vector<16xf32>
      %sub3A_2245 = arith.subf %add3A_103, %sub3A_2244 : vector<16xf32>
      %mul3A_2246 = arith.mulf %sub3A_2243, %sub3A_2243 : vector<16xf32>
      %mul3A_2247 = arith.mulf %sub3A_2245, %sub3A_2245 : vector<16xf32>
      %pack3A_2248 = tpu.pack_subelements %mul3A_2246, %mul3A_2247 {pack_format = #tpu.pack_format<interleaved>, positions = array<i32: 0, 1>} : vector<16xf32>, vector<16xf32> -> vector<32xbf16>
      %sub3A_2249 = arith.subf %convert_element_type3A_55, %squeeze3A_2197 : f32
      %mul3A_2250 = arith.mulf %sub3A_2249, %sub3A_2249 : f32
      %broadcast_in_dim3A_2251 = vector.broadcast %mul3A_2250 : f32 to vector<16xf32>
      %pack3A_2252 = tpu.pack_subelements %broadcast_in_dim3A_2251, %broadcast_in_dim3A_2251 {pack_format = #tpu.pack_format<interleaved>, positions = array<i32: 0, 1>} : vector<16xf32>, vector<16xf32> -> vector<32xbf16>
      %add3A_2253 = arith.addf %pack3A_2206, %pack3A_2252 : vector<32xbf16>
      %min3A_2254 = arith.minimumf %min3A_2147, %add3A_2253 : vector<32xbf16>
      %add3A_2255 = arith.addf %pack3A_2213, %pack3A_2252 : vector<32xbf16>
      %min3A_2256 = arith.minimumf %min3A_2149, %add3A_2255 : vector<32xbf16>
      %add3A_2257 = arith.addf %pack3A_2220, %pack3A_2252 : vector<32xbf16>
      %min3A_2258 = arith.minimumf %min3A_2151, %add3A_2257 : vector<32xbf16>
      %add3A_2259 = arith.addf %pack3A_2227, %pack3A_2252 : vector<32xbf16>
      %min3A_2260 = arith.minimumf %min3A_2153, %add3A_2259 : vector<32xbf16>
      %add3A_2261 = arith.addf %pack3A_2234, %pack3A_2252 : vector<32xbf16>
      %min3A_2262 = arith.minimumf %min3A_2155, %add3A_2261 : vector<32xbf16>
      %add3A_2263 = arith.addf %pack3A_2241, %pack3A_2252 : vector<32xbf16>
      %min3A_2264 = arith.minimumf %min3A_2157, %add3A_2263 : vector<32xbf16>
      %add3A_2265 = arith.addf %pack3A_2248, %pack3A_2252 : vector<32xbf16>
      %min3A_2266 = arith.minimumf %min3A_2159, %add3A_2265 : vector<32xbf16>
      %sub3A_2267 = arith.subf %convert_element_type3A_58, %squeeze3A_2197 : f32
      %mul3A_2268 = arith.mulf %sub3A_2267, %sub3A_2267 : f32
      %broadcast_in_dim3A_2269 = vector.broadcast %mul3A_2268 : f32 to vector<16xf32>
      %pack3A_2270 = tpu.pack_subelements %broadcast_in_dim3A_2269, %broadcast_in_dim3A_2269 {pack_format = #tpu.pack_format<interleaved>, positions = array<i32: 0, 1>} : vector<16xf32>, vector<16xf32> -> vector<32xbf16>
      %add3A_2271 = arith.addf %pack3A_2206, %pack3A_2270 : vector<32xbf16>
      %min3A_2272 = arith.minimumf %min3A_2165, %add3A_2271 : vector<32xbf16>
      %add3A_2273 = arith.addf %pack3A_2213, %pack3A_2270 : vector<32xbf16>
      %min3A_2274 = arith.minimumf %min3A_2167, %add3A_2273 : vector<32xbf16>
      %add3A_2275 = arith.addf %pack3A_2220, %pack3A_2270 : vector<32xbf16>
      %min3A_2276 = arith.minimumf %min3A_2169, %add3A_2275 : vector<32xbf16>
      %add3A_2277 = arith.addf %pack3A_2227, %pack3A_2270 : vector<32xbf16>
      %min3A_2278 = arith.minimumf %min3A_2171, %add3A_2277 : vector<32xbf16>
      %add3A_2279 = arith.addf %pack3A_2234, %pack3A_2270 : vector<32xbf16>
      %min3A_2280 = arith.minimumf %min3A_2173, %add3A_2279 : vector<32xbf16>
      %add3A_2281 = arith.addf %pack3A_2241, %pack3A_2270 : vector<32xbf16>
      %min3A_2282 = arith.minimumf %min3A_2175, %add3A_2281 : vector<32xbf16>
      %add3A_2283 = arith.addf %pack3A_2248, %pack3A_2270 : vector<32xbf16>
      %min3A_2284 = arith.minimumf %min3A_2177, %add3A_2283 : vector<32xbf16>
      %sub3A_2285 = arith.subf %convert_element_type3A_61, %squeeze3A_2197 : f32
      %mul3A_2286 = arith.mulf %sub3A_2285, %sub3A_2285 : f32
      %broadcast_in_dim3A_2287 = vector.broadcast %mul3A_2286 : f32 to vector<16xf32>
      %pack3A_2288 = tpu.pack_subelements %broadcast_in_dim3A_2287, %broadcast_in_dim3A_2287 {pack_format = #tpu.pack_format<interleaved>, positions = array<i32: 0, 1>} : vector<16xf32>, vector<16xf32> -> vector<32xbf16>
      %add3A_2289 = arith.addf %pack3A_2206, %pack3A_2288 : vector<32xbf16>
      %min3A_2290 = arith.minimumf %min3A_2183, %add3A_2289 : vector<32xbf16>
      %add3A_2291 = arith.addf %pack3A_2213, %pack3A_2288 : vector<32xbf16>
      %min3A_2292 = arith.minimumf %min3A_2185, %add3A_2291 : vector<32xbf16>
      %add3A_2293 = arith.addf %pack3A_2220, %pack3A_2288 : vector<32xbf16>
      %min3A_2294 = arith.minimumf %min3A_2187, %add3A_2293 : vector<32xbf16>
      %add3A_2295 = arith.addf %pack3A_2227, %pack3A_2288 : vector<32xbf16>
      %min3A_2296 = arith.minimumf %min3A_2189, %add3A_2295 : vector<32xbf16>
      %add3A_2297 = arith.addf %pack3A_2234, %pack3A_2288 : vector<32xbf16>
      %min3A_2298 = arith.minimumf %min3A_2191, %add3A_2297 : vector<32xbf16>
      %add3A_2299 = arith.addf %pack3A_2241, %pack3A_2288 : vector<32xbf16>
      %min3A_2300 = arith.minimumf %min3A_2193, %add3A_2299 : vector<32xbf16>
      %add3A_2301 = arith.addf %pack3A_2248, %pack3A_2288 : vector<32xbf16>
      %min3A_2302 = arith.minimumf %min3A_2195, %add3A_2301 : vector<32xbf16>
      %slice3A_2303 = vector.extract_strided_slice %get3A_1232 {offsets = [10], sizes = [1], strides = [1]} : vector<16xf32> to vector<1xf32>
      %squeeze3A_2304 = vector.extract %slice3A_2303[0] : f32 from vector<1xf32>
      %slice3A_2305 = vector.extract_strided_slice %get3A_1234 {offsets = [10], sizes = [1], strides = [1]} : vector<16xf32> to vector<1xf32>
      %squeeze3A_2306 = vector.extract %slice3A_2305[0] : f32 from vector<1xf32>
      %sub3A_2307 = vector.broadcast %squeeze3A_2306 : f32 to vector<16xf32>
      %sub3A_2308 = arith.subf %add3A_64, %sub3A_2307 : vector<16xf32>
      %sub3A_2309 = vector.broadcast %squeeze3A_2306 : f32 to vector<16xf32>
      %sub3A_2310 = arith.subf %add3A_67, %sub3A_2309 : vector<16xf32>
      %mul3A_2311 = arith.mulf %sub3A_2308, %sub3A_2308 : vector<16xf32>
      %mul3A_2312 = arith.mulf %sub3A_2310, %sub3A_2310 : vector<16xf32>
      %pack3A_2313 = tpu.pack_subelements %mul3A_2311, %mul3A_2312 {pack_format = #tpu.pack_format<interleaved>, positions = array<i32: 0, 1>} : vector<16xf32>, vector<16xf32> -> vector<32xbf16>
      %sub3A_2314 = vector.broadcast %squeeze3A_2306 : f32 to vector<16xf32>
      %sub3A_2315 = arith.subf %add3A_70, %sub3A_2314 : vector<16xf32>
      %sub3A_2316 = vector.broadcast %squeeze3A_2306 : f32 to vector<16xf32>
      %sub3A_2317 = arith.subf %add3A_73, %sub3A_2316 : vector<16xf32>
      %mul3A_2318 = arith.mulf %sub3A_2315, %sub3A_2315 : vector<16xf32>
      %mul3A_2319 = arith.mulf %sub3A_2317, %sub3A_2317 : vector<16xf32>
      %pack3A_2320 = tpu.pack_subelements %mul3A_2318, %mul3A_2319 {pack_format = #tpu.pack_format<interleaved>, positions = array<i32: 0, 1>} : vector<16xf32>, vector<16xf32> -> vector<32xbf16>
      %sub3A_2321 = vector.broadcast %squeeze3A_2306 : f32 to vector<16xf32>
      %sub3A_2322 = arith.subf %add3A_76, %sub3A_2321 : vector<16xf32>
      %sub3A_2323 = vector.broadcast %squeeze3A_2306 : f32 to vector<16xf32>
      %sub3A_2324 = arith.subf %add3A_79, %sub3A_2323 : vector<16xf32>
      %mul3A_2325 = arith.mulf %sub3A_2322, %sub3A_2322 : vector<16xf32>
      %mul3A_2326 = arith.mulf %sub3A_2324, %sub3A_2324 : vector<16xf32>
      %pack3A_2327 = tpu.pack_subelements %mul3A_2325, %mul3A_2326 {pack_format = #tpu.pack_format<interleaved>, positions = array<i32: 0, 1>} : vector<16xf32>, vector<16xf32> -> vector<32xbf16>
      %sub3A_2328 = vector.broadcast %squeeze3A_2306 : f32 to vector<16xf32>
      %sub3A_2329 = arith.subf %add3A_82, %sub3A_2328 : vector<16xf32>
      %sub3A_2330 = vector.broadcast %squeeze3A_2306 : f32 to vector<16xf32>
      %sub3A_2331 = arith.subf %add3A_85, %sub3A_2330 : vector<16xf32>
      %mul3A_2332 = arith.mulf %sub3A_2329, %sub3A_2329 : vector<16xf32>
      %mul3A_2333 = arith.mulf %sub3A_2331, %sub3A_2331 : vector<16xf32>
      %pack3A_2334 = tpu.pack_subelements %mul3A_2332, %mul3A_2333 {pack_format = #tpu.pack_format<interleaved>, positions = array<i32: 0, 1>} : vector<16xf32>, vector<16xf32> -> vector<32xbf16>
      %sub3A_2335 = vector.broadcast %squeeze3A_2306 : f32 to vector<16xf32>
      %sub3A_2336 = arith.subf %add3A_88, %sub3A_2335 : vector<16xf32>
      %sub3A_2337 = vector.broadcast %squeeze3A_2306 : f32 to vector<16xf32>
      %sub3A_2338 = arith.subf %add3A_91, %sub3A_2337 : vector<16xf32>
      %mul3A_2339 = arith.mulf %sub3A_2336, %sub3A_2336 : vector<16xf32>
      %mul3A_2340 = arith.mulf %sub3A_2338, %sub3A_2338 : vector<16xf32>
      %pack3A_2341 = tpu.pack_subelements %mul3A_2339, %mul3A_2340 {pack_format = #tpu.pack_format<interleaved>, positions = array<i32: 0, 1>} : vector<16xf32>, vector<16xf32> -> vector<32xbf16>
      %sub3A_2342 = vector.broadcast %squeeze3A_2306 : f32 to vector<16xf32>
      %sub3A_2343 = arith.subf %add3A_94, %sub3A_2342 : vector<16xf32>
      %sub3A_2344 = vector.broadcast %squeeze3A_2306 : f32 to vector<16xf32>
      %sub3A_2345 = arith.subf %add3A_97, %sub3A_2344 : vector<16xf32>
      %mul3A_2346 = arith.mulf %sub3A_2343, %sub3A_2343 : vector<16xf32>
      %mul3A_2347 = arith.mulf %sub3A_2345, %sub3A_2345 : vector<16xf32>
      %pack3A_2348 = tpu.pack_subelements %mul3A_2346, %mul3A_2347 {pack_format = #tpu.pack_format<interleaved>, positions = array<i32: 0, 1>} : vector<16xf32>, vector<16xf32> -> vector<32xbf16>
      %sub3A_2349 = vector.broadcast %squeeze3A_2306 : f32 to vector<16xf32>
      %sub3A_2350 = arith.subf %add3A_100, %sub3A_2349 : vector<16xf32>
      %sub3A_2351 = vector.broadcast %squeeze3A_2306 : f32 to vector<16xf32>
      %sub3A_2352 = arith.subf %add3A_103, %sub3A_2351 : vector<16xf32>
      %mul3A_2353 = arith.mulf %sub3A_2350, %sub3A_2350 : vector<16xf32>
      %mul3A_2354 = arith.mulf %sub3A_2352, %sub3A_2352 : vector<16xf32>
      %pack3A_2355 = tpu.pack_subelements %mul3A_2353, %mul3A_2354 {pack_format = #tpu.pack_format<interleaved>, positions = array<i32: 0, 1>} : vector<16xf32>, vector<16xf32> -> vector<32xbf16>
      %sub3A_2356 = arith.subf %convert_element_type3A_55, %squeeze3A_2304 : f32
      %mul3A_2357 = arith.mulf %sub3A_2356, %sub3A_2356 : f32
      %broadcast_in_dim3A_2358 = vector.broadcast %mul3A_2357 : f32 to vector<16xf32>
      %pack3A_2359 = tpu.pack_subelements %broadcast_in_dim3A_2358, %broadcast_in_dim3A_2358 {pack_format = #tpu.pack_format<interleaved>, positions = array<i32: 0, 1>} : vector<16xf32>, vector<16xf32> -> vector<32xbf16>
      %add3A_2360 = arith.addf %pack3A_2313, %pack3A_2359 : vector<32xbf16>
      %min3A_2361 = arith.minimumf %min3A_2254, %add3A_2360 : vector<32xbf16>
      %add3A_2362 = arith.addf %pack3A_2320, %pack3A_2359 : vector<32xbf16>
      %min3A_2363 = arith.minimumf %min3A_2256, %add3A_2362 : vector<32xbf16>
      %add3A_2364 = arith.addf %pack3A_2327, %pack3A_2359 : vector<32xbf16>
      %min3A_2365 = arith.minimumf %min3A_2258, %add3A_2364 : vector<32xbf16>
      %add3A_2366 = arith.addf %pack3A_2334, %pack3A_2359 : vector<32xbf16>
      %min3A_2367 = arith.minimumf %min3A_2260, %add3A_2366 : vector<32xbf16>
      %add3A_2368 = arith.addf %pack3A_2341, %pack3A_2359 : vector<32xbf16>
      %min3A_2369 = arith.minimumf %min3A_2262, %add3A_2368 : vector<32xbf16>
      %add3A_2370 = arith.addf %pack3A_2348, %pack3A_2359 : vector<32xbf16>
      %min3A_2371 = arith.minimumf %min3A_2264, %add3A_2370 : vector<32xbf16>
      %add3A_2372 = arith.addf %pack3A_2355, %pack3A_2359 : vector<32xbf16>
      %min3A_2373 = arith.minimumf %min3A_2266, %add3A_2372 : vector<32xbf16>
      %sub3A_2374 = arith.subf %convert_element_type3A_58, %squeeze3A_2304 : f32
      %mul3A_2375 = arith.mulf %sub3A_2374, %sub3A_2374 : f32
      %broadcast_in_dim3A_2376 = vector.broadcast %mul3A_2375 : f32 to vector<16xf32>
      %pack3A_2377 = tpu.pack_subelements %broadcast_in_dim3A_2376, %broadcast_in_dim3A_2376 {pack_format = #tpu.pack_format<interleaved>, positions = array<i32: 0, 1>} : vector<16xf32>, vector<16xf32> -> vector<32xbf16>
      %add3A_2378 = arith.addf %pack3A_2313, %pack3A_2377 : vector<32xbf16>
      %min3A_2379 = arith.minimumf %min3A_2272, %add3A_2378 : vector<32xbf16>
      %add3A_2380 = arith.addf %pack3A_2320, %pack3A_2377 : vector<32xbf16>
      %min3A_2381 = arith.minimumf %min3A_2274, %add3A_2380 : vector<32xbf16>
      %add3A_2382 = arith.addf %pack3A_2327, %pack3A_2377 : vector<32xbf16>
      %min3A_2383 = arith.minimumf %min3A_2276, %add3A_2382 : vector<32xbf16>
      %add3A_2384 = arith.addf %pack3A_2334, %pack3A_2377 : vector<32xbf16>
      %min3A_2385 = arith.minimumf %min3A_2278, %add3A_2384 : vector<32xbf16>
      %add3A_2386 = arith.addf %pack3A_2341, %pack3A_2377 : vector<32xbf16>
      %min3A_2387 = arith.minimumf %min3A_2280, %add3A_2386 : vector<32xbf16>
      %add3A_2388 = arith.addf %pack3A_2348, %pack3A_2377 : vector<32xbf16>
      %min3A_2389 = arith.minimumf %min3A_2282, %add3A_2388 : vector<32xbf16>
      %add3A_2390 = arith.addf %pack3A_2355, %pack3A_2377 : vector<32xbf16>
      %min3A_2391 = arith.minimumf %min3A_2284, %add3A_2390 : vector<32xbf16>
      %sub3A_2392 = arith.subf %convert_element_type3A_61, %squeeze3A_2304 : f32
      %mul3A_2393 = arith.mulf %sub3A_2392, %sub3A_2392 : f32
      %broadcast_in_dim3A_2394 = vector.broadcast %mul3A_2393 : f32 to vector<16xf32>
      %pack3A_2395 = tpu.pack_subelements %broadcast_in_dim3A_2394, %broadcast_in_dim3A_2394 {pack_format = #tpu.pack_format<interleaved>, positions = array<i32: 0, 1>} : vector<16xf32>, vector<16xf32> -> vector<32xbf16>
      %add3A_2396 = arith.addf %pack3A_2313, %pack3A_2395 : vector<32xbf16>
      %min3A_2397 = arith.minimumf %min3A_2290, %add3A_2396 : vector<32xbf16>
      %add3A_2398 = arith.addf %pack3A_2320, %pack3A_2395 : vector<32xbf16>
      %min3A_2399 = arith.minimumf %min3A_2292, %add3A_2398 : vector<32xbf16>
      %add3A_2400 = arith.addf %pack3A_2327, %pack3A_2395 : vector<32xbf16>
      %min3A_2401 = arith.minimumf %min3A_2294, %add3A_2400 : vector<32xbf16>
      %add3A_2402 = arith.addf %pack3A_2334, %pack3A_2395 : vector<32xbf16>
      %min3A_2403 = arith.minimumf %min3A_2296, %add3A_2402 : vector<32xbf16>
      %add3A_2404 = arith.addf %pack3A_2341, %pack3A_2395 : vector<32xbf16>
      %min3A_2405 = arith.minimumf %min3A_2298, %add3A_2404 : vector<32xbf16>
      %add3A_2406 = arith.addf %pack3A_2348, %pack3A_2395 : vector<32xbf16>
      %min3A_2407 = arith.minimumf %min3A_2300, %add3A_2406 : vector<32xbf16>
      %add3A_2408 = arith.addf %pack3A_2355, %pack3A_2395 : vector<32xbf16>
      %min3A_2409 = arith.minimumf %min3A_2302, %add3A_2408 : vector<32xbf16>
      %slice3A_2410 = vector.extract_strided_slice %get3A_1232 {offsets = [11], sizes = [1], strides = [1]} : vector<16xf32> to vector<1xf32>
      %squeeze3A_2411 = vector.extract %slice3A_2410[0] : f32 from vector<1xf32>
      %slice3A_2412 = vector.extract_strided_slice %get3A_1234 {offsets = [11], sizes = [1], strides = [1]} : vector<16xf32> to vector<1xf32>
      %squeeze3A_2413 = vector.extract %slice3A_2412[0] : f32 from vector<1xf32>
      %sub3A_2414 = vector.broadcast %squeeze3A_2413 : f32 to vector<16xf32>
      %sub3A_2415 = arith.subf %add3A_64, %sub3A_2414 : vector<16xf32>
      %sub3A_2416 = vector.broadcast %squeeze3A_2413 : f32 to vector<16xf32>
      %sub3A_2417 = arith.subf %add3A_67, %sub3A_2416 : vector<16xf32>
      %mul3A_2418 = arith.mulf %sub3A_2415, %sub3A_2415 : vector<16xf32>
      %mul3A_2419 = arith.mulf %sub3A_2417, %sub3A_2417 : vector<16xf32>
      %pack3A_2420 = tpu.pack_subelements %mul3A_2418, %mul3A_2419 {pack_format = #tpu.pack_format<interleaved>, positions = array<i32: 0, 1>} : vector<16xf32>, vector<16xf32> -> vector<32xbf16>
      %sub3A_2421 = vector.broadcast %squeeze3A_2413 : f32 to vector<16xf32>
      %sub3A_2422 = arith.subf %add3A_70, %sub3A_2421 : vector<16xf32>
      %sub3A_2423 = vector.broadcast %squeeze3A_2413 : f32 to vector<16xf32>
      %sub3A_2424 = arith.subf %add3A_73, %sub3A_2423 : vector<16xf32>
      %mul3A_2425 = arith.mulf %sub3A_2422, %sub3A_2422 : vector<16xf32>
      %mul3A_2426 = arith.mulf %sub3A_2424, %sub3A_2424 : vector<16xf32>
      %pack3A_2427 = tpu.pack_subelements %mul3A_2425, %mul3A_2426 {pack_format = #tpu.pack_format<interleaved>, positions = array<i32: 0, 1>} : vector<16xf32>, vector<16xf32> -> vector<32xbf16>
      %sub3A_2428 = vector.broadcast %squeeze3A_2413 : f32 to vector<16xf32>
      %sub3A_2429 = arith.subf %add3A_76, %sub3A_2428 : vector<16xf32>
      %sub3A_2430 = vector.broadcast %squeeze3A_2413 : f32 to vector<16xf32>
      %sub3A_2431 = arith.subf %add3A_79, %sub3A_2430 : vector<16xf32>
      %mul3A_2432 = arith.mulf %sub3A_2429, %sub3A_2429 : vector<16xf32>
      %mul3A_2433 = arith.mulf %sub3A_2431, %sub3A_2431 : vector<16xf32>
      %pack3A_2434 = tpu.pack_subelements %mul3A_2432, %mul3A_2433 {pack_format = #tpu.pack_format<interleaved>, positions = array<i32: 0, 1>} : vector<16xf32>, vector<16xf32> -> vector<32xbf16>
      %sub3A_2435 = vector.broadcast %squeeze3A_2413 : f32 to vector<16xf32>
      %sub3A_2436 = arith.subf %add3A_82, %sub3A_2435 : vector<16xf32>
      %sub3A_2437 = vector.broadcast %squeeze3A_2413 : f32 to vector<16xf32>
      %sub3A_2438 = arith.subf %add3A_85, %sub3A_2437 : vector<16xf32>
      %mul3A_2439 = arith.mulf %sub3A_2436, %sub3A_2436 : vector<16xf32>
      %mul3A_2440 = arith.mulf %sub3A_2438, %sub3A_2438 : vector<16xf32>
      %pack3A_2441 = tpu.pack_subelements %mul3A_2439, %mul3A_2440 {pack_format = #tpu.pack_format<interleaved>, positions = array<i32: 0, 1>} : vector<16xf32>, vector<16xf32> -> vector<32xbf16>
      %sub3A_2442 = vector.broadcast %squeeze3A_2413 : f32 to vector<16xf32>
      %sub3A_2443 = arith.subf %add3A_88, %sub3A_2442 : vector<16xf32>
      %sub3A_2444 = vector.broadcast %squeeze3A_2413 : f32 to vector<16xf32>
      %sub3A_2445 = arith.subf %add3A_91, %sub3A_2444 : vector<16xf32>
      %mul3A_2446 = arith.mulf %sub3A_2443, %sub3A_2443 : vector<16xf32>
      %mul3A_2447 = arith.mulf %sub3A_2445, %sub3A_2445 : vector<16xf32>
      %pack3A_2448 = tpu.pack_subelements %mul3A_2446, %mul3A_2447 {pack_format = #tpu.pack_format<interleaved>, positions = array<i32: 0, 1>} : vector<16xf32>, vector<16xf32> -> vector<32xbf16>
      %sub3A_2449 = vector.broadcast %squeeze3A_2413 : f32 to vector<16xf32>
      %sub3A_2450 = arith.subf %add3A_94, %sub3A_2449 : vector<16xf32>
      %sub3A_2451 = vector.broadcast %squeeze3A_2413 : f32 to vector<16xf32>
      %sub3A_2452 = arith.subf %add3A_97, %sub3A_2451 : vector<16xf32>
      %mul3A_2453 = arith.mulf %sub3A_2450, %sub3A_2450 : vector<16xf32>
      %mul3A_2454 = arith.mulf %sub3A_2452, %sub3A_2452 : vector<16xf32>
      %pack3A_2455 = tpu.pack_subelements %mul3A_2453, %mul3A_2454 {pack_format = #tpu.pack_format<interleaved>, positions = array<i32: 0, 1>} : vector<16xf32>, vector<16xf32> -> vector<32xbf16>
      %sub3A_2456 = vector.broadcast %squeeze3A_2413 : f32 to vector<16xf32>
      %sub3A_2457 = arith.subf %add3A_100, %sub3A_2456 : vector<16xf32>
      %sub3A_2458 = vector.broadcast %squeeze3A_2413 : f32 to vector<16xf32>
      %sub3A_2459 = arith.subf %add3A_103, %sub3A_2458 : vector<16xf32>
      %mul3A_2460 = arith.mulf %sub3A_2457, %sub3A_2457 : vector<16xf32>
      %mul3A_2461 = arith.mulf %sub3A_2459, %sub3A_2459 : vector<16xf32>
      %pack3A_2462 = tpu.pack_subelements %mul3A_2460, %mul3A_2461 {pack_format = #tpu.pack_format<interleaved>, positions = array<i32: 0, 1>} : vector<16xf32>, vector<16xf32> -> vector<32xbf16>
      %sub3A_2463 = arith.subf %convert_element_type3A_55, %squeeze3A_2411 : f32
      %mul3A_2464 = arith.mulf %sub3A_2463, %sub3A_2463 : f32
      %broadcast_in_dim3A_2465 = vector.broadcast %mul3A_2464 : f32 to vector<16xf32>
      %pack3A_2466 = tpu.pack_subelements %broadcast_in_dim3A_2465, %broadcast_in_dim3A_2465 {pack_format = #tpu.pack_format<interleaved>, positions = array<i32: 0, 1>} : vector<16xf32>, vector<16xf32> -> vector<32xbf16>
      %add3A_2467 = arith.addf %pack3A_2420, %pack3A_2466 : vector<32xbf16>
      %min3A_2468 = arith.minimumf %min3A_2361, %add3A_2467 : vector<32xbf16>
      %add3A_2469 = arith.addf %pack3A_2427, %pack3A_2466 : vector<32xbf16>
      %min3A_2470 = arith.minimumf %min3A_2363, %add3A_2469 : vector<32xbf16>
      %add3A_2471 = arith.addf %pack3A_2434, %pack3A_2466 : vector<32xbf16>
      %min3A_2472 = arith.minimumf %min3A_2365, %add3A_2471 : vector<32xbf16>
      %add3A_2473 = arith.addf %pack3A_2441, %pack3A_2466 : vector<32xbf16>
      %min3A_2474 = arith.minimumf %min3A_2367, %add3A_2473 : vector<32xbf16>
      %add3A_2475 = arith.addf %pack3A_2448, %pack3A_2466 : vector<32xbf16>
      %min3A_2476 = arith.minimumf %min3A_2369, %add3A_2475 : vector<32xbf16>
      %add3A_2477 = arith.addf %pack3A_2455, %pack3A_2466 : vector<32xbf16>
      %min3A_2478 = arith.minimumf %min3A_2371, %add3A_2477 : vector<32xbf16>
      %add3A_2479 = arith.addf %pack3A_2462, %pack3A_2466 : vector<32xbf16>
      %min3A_2480 = arith.minimumf %min3A_2373, %add3A_2479 : vector<32xbf16>
      %sub3A_2481 = arith.subf %convert_element_type3A_58, %squeeze3A_2411 : f32
      %mul3A_2482 = arith.mulf %sub3A_2481, %sub3A_2481 : f32
      %broadcast_in_dim3A_2483 = vector.broadcast %mul3A_2482 : f32 to vector<16xf32>
      %pack3A_2484 = tpu.pack_subelements %broadcast_in_dim3A_2483, %broadcast_in_dim3A_2483 {pack_format = #tpu.pack_format<interleaved>, positions = array<i32: 0, 1>} : vector<16xf32>, vector<16xf32> -> vector<32xbf16>
      %add3A_2485 = arith.addf %pack3A_2420, %pack3A_2484 : vector<32xbf16>
      %min3A_2486 = arith.minimumf %min3A_2379, %add3A_2485 : vector<32xbf16>
      %add3A_2487 = arith.addf %pack3A_2427, %pack3A_2484 : vector<32xbf16>
      %min3A_2488 = arith.minimumf %min3A_2381, %add3A_2487 : vector<32xbf16>
      %add3A_2489 = arith.addf %pack3A_2434, %pack3A_2484 : vector<32xbf16>
      %min3A_2490 = arith.minimumf %min3A_2383, %add3A_2489 : vector<32xbf16>
      %add3A_2491 = arith.addf %pack3A_2441, %pack3A_2484 : vector<32xbf16>
      %min3A_2492 = arith.minimumf %min3A_2385, %add3A_2491 : vector<32xbf16>
      %add3A_2493 = arith.addf %pack3A_2448, %pack3A_2484 : vector<32xbf16>
      %min3A_2494 = arith.minimumf %min3A_2387, %add3A_2493 : vector<32xbf16>
      %add3A_2495 = arith.addf %pack3A_2455, %pack3A_2484 : vector<32xbf16>
      %min3A_2496 = arith.minimumf %min3A_2389, %add3A_2495 : vector<32xbf16>
      %add3A_2497 = arith.addf %pack3A_2462, %pack3A_2484 : vector<32xbf16>
      %min3A_2498 = arith.minimumf %min3A_2391, %add3A_2497 : vector<32xbf16>
      %sub3A_2499 = arith.subf %convert_element_type3A_61, %squeeze3A_2411 : f32
      %mul3A_2500 = arith.mulf %sub3A_2499, %sub3A_2499 : f32
      %broadcast_in_dim3A_2501 = vector.broadcast %mul3A_2500 : f32 to vector<16xf32>
      %pack3A_2502 = tpu.pack_subelements %broadcast_in_dim3A_2501, %broadcast_in_dim3A_2501 {pack_format = #tpu.pack_format<interleaved>, positions = array<i32: 0, 1>} : vector<16xf32>, vector<16xf32> -> vector<32xbf16>
      %add3A_2503 = arith.addf %pack3A_2420, %pack3A_2502 : vector<32xbf16>
      %min3A_2504 = arith.minimumf %min3A_2397, %add3A_2503 : vector<32xbf16>
      %add3A_2505 = arith.addf %pack3A_2427, %pack3A_2502 : vector<32xbf16>
      %min3A_2506 = arith.minimumf %min3A_2399, %add3A_2505 : vector<32xbf16>
      %add3A_2507 = arith.addf %pack3A_2434, %pack3A_2502 : vector<32xbf16>
      %min3A_2508 = arith.minimumf %min3A_2401, %add3A_2507 : vector<32xbf16>
      %add3A_2509 = arith.addf %pack3A_2441, %pack3A_2502 : vector<32xbf16>
      %min3A_2510 = arith.minimumf %min3A_2403, %add3A_2509 : vector<32xbf16>
      %add3A_2511 = arith.addf %pack3A_2448, %pack3A_2502 : vector<32xbf16>
      %min3A_2512 = arith.minimumf %min3A_2405, %add3A_2511 : vector<32xbf16>
      %add3A_2513 = arith.addf %pack3A_2455, %pack3A_2502 : vector<32xbf16>
      %min3A_2514 = arith.minimumf %min3A_2407, %add3A_2513 : vector<32xbf16>
      %add3A_2515 = arith.addf %pack3A_2462, %pack3A_2502 : vector<32xbf16>
      %min3A_2516 = arith.minimumf %min3A_2409, %add3A_2515 : vector<32xbf16>
      %slice3A_2517 = vector.extract_strided_slice %get3A_1232 {offsets = [12], sizes = [1], strides = [1]} : vector<16xf32> to vector<1xf32>
      %squeeze3A_2518 = vector.extract %slice3A_2517[0] : f32 from vector<1xf32>
      %slice3A_2519 = vector.extract_strided_slice %get3A_1234 {offsets = [12], sizes = [1], strides = [1]} : vector<16xf32> to vector<1xf32>
      %squeeze3A_2520 = vector.extract %slice3A_2519[0] : f32 from vector<1xf32>
      %sub3A_2521 = vector.broadcast %squeeze3A_2520 : f32 to vector<16xf32>
      %sub3A_2522 = arith.subf %add3A_64, %sub3A_2521 : vector<16xf32>
      %sub3A_2523 = vector.broadcast %squeeze3A_2520 : f32 to vector<16xf32>
      %sub3A_2524 = arith.subf %add3A_67, %sub3A_2523 : vector<16xf32>
      %mul3A_2525 = arith.mulf %sub3A_2522, %sub3A_2522 : vector<16xf32>
      %mul3A_2526 = arith.mulf %sub3A_2524, %sub3A_2524 : vector<16xf32>
      %pack3A_2527 = tpu.pack_subelements %mul3A_2525, %mul3A_2526 {pack_format = #tpu.pack_format<interleaved>, positions = array<i32: 0, 1>} : vector<16xf32>, vector<16xf32> -> vector<32xbf16>
      %sub3A_2528 = vector.broadcast %squeeze3A_2520 : f32 to vector<16xf32>
      %sub3A_2529 = arith.subf %add3A_70, %sub3A_2528 : vector<16xf32>
      %sub3A_2530 = vector.broadcast %squeeze3A_2520 : f32 to vector<16xf32>
      %sub3A_2531 = arith.subf %add3A_73, %sub3A_2530 : vector<16xf32>
      %mul3A_2532 = arith.mulf %sub3A_2529, %sub3A_2529 : vector<16xf32>
      %mul3A_2533 = arith.mulf %sub3A_2531, %sub3A_2531 : vector<16xf32>
      %pack3A_2534 = tpu.pack_subelements %mul3A_2532, %mul3A_2533 {pack_format = #tpu.pack_format<interleaved>, positions = array<i32: 0, 1>} : vector<16xf32>, vector<16xf32> -> vector<32xbf16>
      %sub3A_2535 = vector.broadcast %squeeze3A_2520 : f32 to vector<16xf32>
      %sub3A_2536 = arith.subf %add3A_76, %sub3A_2535 : vector<16xf32>
      %sub3A_2537 = vector.broadcast %squeeze3A_2520 : f32 to vector<16xf32>
      %sub3A_2538 = arith.subf %add3A_79, %sub3A_2537 : vector<16xf32>
      %mul3A_2539 = arith.mulf %sub3A_2536, %sub3A_2536 : vector<16xf32>
      %mul3A_2540 = arith.mulf %sub3A_2538, %sub3A_2538 : vector<16xf32>
      %pack3A_2541 = tpu.pack_subelements %mul3A_2539, %mul3A_2540 {pack_format = #tpu.pack_format<interleaved>, positions = array<i32: 0, 1>} : vector<16xf32>, vector<16xf32> -> vector<32xbf16>
      %sub3A_2542 = vector.broadcast %squeeze3A_2520 : f32 to vector<16xf32>
      %sub3A_2543 = arith.subf %add3A_82, %sub3A_2542 : vector<16xf32>
      %sub3A_2544 = vector.broadcast %squeeze3A_2520 : f32 to vector<16xf32>
      %sub3A_2545 = arith.subf %add3A_85, %sub3A_2544 : vector<16xf32>
      %mul3A_2546 = arith.mulf %sub3A_2543, %sub3A_2543 : vector<16xf32>
      %mul3A_2547 = arith.mulf %sub3A_2545, %sub3A_2545 : vector<16xf32>
      %pack3A_2548 = tpu.pack_subelements %mul3A_2546, %mul3A_2547 {pack_format = #tpu.pack_format<interleaved>, positions = array<i32: 0, 1>} : vector<16xf32>, vector<16xf32> -> vector<32xbf16>
      %sub3A_2549 = vector.broadcast %squeeze3A_2520 : f32 to vector<16xf32>
      %sub3A_2550 = arith.subf %add3A_88, %sub3A_2549 : vector<16xf32>
      %sub3A_2551 = vector.broadcast %squeeze3A_2520 : f32 to vector<16xf32>
      %sub3A_2552 = arith.subf %add3A_91, %sub3A_2551 : vector<16xf32>
      %mul3A_2553 = arith.mulf %sub3A_2550, %sub3A_2550 : vector<16xf32>
      %mul3A_2554 = arith.mulf %sub3A_2552, %sub3A_2552 : vector<16xf32>
      %pack3A_2555 = tpu.pack_subelements %mul3A_2553, %mul3A_2554 {pack_format = #tpu.pack_format<interleaved>, positions = array<i32: 0, 1>} : vector<16xf32>, vector<16xf32> -> vector<32xbf16>
      %sub3A_2556 = vector.broadcast %squeeze3A_2520 : f32 to vector<16xf32>
      %sub3A_2557 = arith.subf %add3A_94, %sub3A_2556 : vector<16xf32>
      %sub3A_2558 = vector.broadcast %squeeze3A_2520 : f32 to vector<16xf32>
      %sub3A_2559 = arith.subf %add3A_97, %sub3A_2558 : vector<16xf32>
      %mul3A_2560 = arith.mulf %sub3A_2557, %sub3A_2557 : vector<16xf32>
      %mul3A_2561 = arith.mulf %sub3A_2559, %sub3A_2559 : vector<16xf32>
      %pack3A_2562 = tpu.pack_subelements %mul3A_2560, %mul3A_2561 {pack_format = #tpu.pack_format<interleaved>, positions = array<i32: 0, 1>} : vector<16xf32>, vector<16xf32> -> vector<32xbf16>
      %sub3A_2563 = vector.broadcast %squeeze3A_2520 : f32 to vector<16xf32>
      %sub3A_2564 = arith.subf %add3A_100, %sub3A_2563 : vector<16xf32>
      %sub3A_2565 = vector.broadcast %squeeze3A_2520 : f32 to vector<16xf32>
      %sub3A_2566 = arith.subf %add3A_103, %sub3A_2565 : vector<16xf32>
      %mul3A_2567 = arith.mulf %sub3A_2564, %sub3A_2564 : vector<16xf32>
      %mul3A_2568 = arith.mulf %sub3A_2566, %sub3A_2566 : vector<16xf32>
      %pack3A_2569 = tpu.pack_subelements %mul3A_2567, %mul3A_2568 {pack_format = #tpu.pack_format<interleaved>, positions = array<i32: 0, 1>} : vector<16xf32>, vector<16xf32> -> vector<32xbf16>
      %sub3A_2570 = arith.subf %convert_element_type3A_55, %squeeze3A_2518 : f32
      %mul3A_2571 = arith.mulf %sub3A_2570, %sub3A_2570 : f32
      %broadcast_in_dim3A_2572 = vector.broadcast %mul3A_2571 : f32 to vector<16xf32>
      %pack3A_2573 = tpu.pack_subelements %broadcast_in_dim3A_2572, %broadcast_in_dim3A_2572 {pack_format = #tpu.pack_format<interleaved>, positions = array<i32: 0, 1>} : vector<16xf32>, vector<16xf32> -> vector<32xbf16>
      %add3A_2574 = arith.addf %pack3A_2527, %pack3A_2573 : vector<32xbf16>
      %min3A_2575 = arith.minimumf %min3A_2468, %add3A_2574 : vector<32xbf16>
      %add3A_2576 = arith.addf %pack3A_2534, %pack3A_2573 : vector<32xbf16>
      %min3A_2577 = arith.minimumf %min3A_2470, %add3A_2576 : vector<32xbf16>
      %add3A_2578 = arith.addf %pack3A_2541, %pack3A_2573 : vector<32xbf16>
      %min3A_2579 = arith.minimumf %min3A_2472, %add3A_2578 : vector<32xbf16>
      %add3A_2580 = arith.addf %pack3A_2548, %pack3A_2573 : vector<32xbf16>
      %min3A_2581 = arith.minimumf %min3A_2474, %add3A_2580 : vector<32xbf16>
      %add3A_2582 = arith.addf %pack3A_2555, %pack3A_2573 : vector<32xbf16>
      %min3A_2583 = arith.minimumf %min3A_2476, %add3A_2582 : vector<32xbf16>
      %add3A_2584 = arith.addf %pack3A_2562, %pack3A_2573 : vector<32xbf16>
      %min3A_2585 = arith.minimumf %min3A_2478, %add3A_2584 : vector<32xbf16>
      %add3A_2586 = arith.addf %pack3A_2569, %pack3A_2573 : vector<32xbf16>
      %min3A_2587 = arith.minimumf %min3A_2480, %add3A_2586 : vector<32xbf16>
      %sub3A_2588 = arith.subf %convert_element_type3A_58, %squeeze3A_2518 : f32
      %mul3A_2589 = arith.mulf %sub3A_2588, %sub3A_2588 : f32
      %broadcast_in_dim3A_2590 = vector.broadcast %mul3A_2589 : f32 to vector<16xf32>
      %pack3A_2591 = tpu.pack_subelements %broadcast_in_dim3A_2590, %broadcast_in_dim3A_2590 {pack_format = #tpu.pack_format<interleaved>, positions = array<i32: 0, 1>} : vector<16xf32>, vector<16xf32> -> vector<32xbf16>
      %add3A_2592 = arith.addf %pack3A_2527, %pack3A_2591 : vector<32xbf16>
      %min3A_2593 = arith.minimumf %min3A_2486, %add3A_2592 : vector<32xbf16>
      %add3A_2594 = arith.addf %pack3A_2534, %pack3A_2591 : vector<32xbf16>
      %min3A_2595 = arith.minimumf %min3A_2488, %add3A_2594 : vector<32xbf16>
      %add3A_2596 = arith.addf %pack3A_2541, %pack3A_2591 : vector<32xbf16>
      %min3A_2597 = arith.minimumf %min3A_2490, %add3A_2596 : vector<32xbf16>
      %add3A_2598 = arith.addf %pack3A_2548, %pack3A_2591 : vector<32xbf16>
      %min3A_2599 = arith.minimumf %min3A_2492, %add3A_2598 : vector<32xbf16>
      %add3A_2600 = arith.addf %pack3A_2555, %pack3A_2591 : vector<32xbf16>
      %min3A_2601 = arith.minimumf %min3A_2494, %add3A_2600 : vector<32xbf16>
      %add3A_2602 = arith.addf %pack3A_2562, %pack3A_2591 : vector<32xbf16>
      %min3A_2603 = arith.minimumf %min3A_2496, %add3A_2602 : vector<32xbf16>
      %add3A_2604 = arith.addf %pack3A_2569, %pack3A_2591 : vector<32xbf16>
      %min3A_2605 = arith.minimumf %min3A_2498, %add3A_2604 : vector<32xbf16>
      %sub3A_2606 = arith.subf %convert_element_type3A_61, %squeeze3A_2518 : f32
      %mul3A_2607 = arith.mulf %sub3A_2606, %sub3A_2606 : f32
      %broadcast_in_dim3A_2608 = vector.broadcast %mul3A_2607 : f32 to vector<16xf32>
      %pack3A_2609 = tpu.pack_subelements %broadcast_in_dim3A_2608, %broadcast_in_dim3A_2608 {pack_format = #tpu.pack_format<interleaved>, positions = array<i32: 0, 1>} : vector<16xf32>, vector<16xf32> -> vector<32xbf16>
      %add3A_2610 = arith.addf %pack3A_2527, %pack3A_2609 : vector<32xbf16>
      %min3A_2611 = arith.minimumf %min3A_2504, %add3A_2610 : vector<32xbf16>
      %add3A_2612 = arith.addf %pack3A_2534, %pack3A_2609 : vector<32xbf16>
      %min3A_2613 = arith.minimumf %min3A_2506, %add3A_2612 : vector<32xbf16>
      %add3A_2614 = arith.addf %pack3A_2541, %pack3A_2609 : vector<32xbf16>
      %min3A_2615 = arith.minimumf %min3A_2508, %add3A_2614 : vector<32xbf16>
      %add3A_2616 = arith.addf %pack3A_2548, %pack3A_2609 : vector<32xbf16>
      %min3A_2617 = arith.minimumf %min3A_2510, %add3A_2616 : vector<32xbf16>
      %add3A_2618 = arith.addf %pack3A_2555, %pack3A_2609 : vector<32xbf16>
      %min3A_2619 = arith.minimumf %min3A_2512, %add3A_2618 : vector<32xbf16>
      %add3A_2620 = arith.addf %pack3A_2562, %pack3A_2609 : vector<32xbf16>
      %min3A_2621 = arith.minimumf %min3A_2514, %add3A_2620 : vector<32xbf16>
      %add3A_2622 = arith.addf %pack3A_2569, %pack3A_2609 : vector<32xbf16>
      %min3A_2623 = arith.minimumf %min3A_2516, %add3A_2622 : vector<32xbf16>
      %slice3A_2624 = vector.extract_strided_slice %get3A_1232 {offsets = [13], sizes = [1], strides = [1]} : vector<16xf32> to vector<1xf32>
      %squeeze3A_2625 = vector.extract %slice3A_2624[0] : f32 from vector<1xf32>
      %slice3A_2626 = vector.extract_strided_slice %get3A_1234 {offsets = [13], sizes = [1], strides = [1]} : vector<16xf32> to vector<1xf32>
      %squeeze3A_2627 = vector.extract %slice3A_2626[0] : f32 from vector<1xf32>
      %sub3A_2628 = vector.broadcast %squeeze3A_2627 : f32 to vector<16xf32>
      %sub3A_2629 = arith.subf %add3A_64, %sub3A_2628 : vector<16xf32>
      %sub3A_2630 = vector.broadcast %squeeze3A_2627 : f32 to vector<16xf32>
      %sub3A_2631 = arith.subf %add3A_67, %sub3A_2630 : vector<16xf32>
      %mul3A_2632 = arith.mulf %sub3A_2629, %sub3A_2629 : vector<16xf32>
      %mul3A_2633 = arith.mulf %sub3A_2631, %sub3A_2631 : vector<16xf32>
      %pack3A_2634 = tpu.pack_subelements %mul3A_2632, %mul3A_2633 {pack_format = #tpu.pack_format<interleaved>, positions = array<i32: 0, 1>} : vector<16xf32>, vector<16xf32> -> vector<32xbf16>
      %sub3A_2635 = vector.broadcast %squeeze3A_2627 : f32 to vector<16xf32>
      %sub3A_2636 = arith.subf %add3A_70, %sub3A_2635 : vector<16xf32>
      %sub3A_2637 = vector.broadcast %squeeze3A_2627 : f32 to vector<16xf32>
      %sub3A_2638 = arith.subf %add3A_73, %sub3A_2637 : vector<16xf32>
      %mul3A_2639 = arith.mulf %sub3A_2636, %sub3A_2636 : vector<16xf32>
      %mul3A_2640 = arith.mulf %sub3A_2638, %sub3A_2638 : vector<16xf32>
      %pack3A_2641 = tpu.pack_subelements %mul3A_2639, %mul3A_2640 {pack_format = #tpu.pack_format<interleaved>, positions = array<i32: 0, 1>} : vector<16xf32>, vector<16xf32> -> vector<32xbf16>
      %sub3A_2642 = vector.broadcast %squeeze3A_2627 : f32 to vector<16xf32>
      %sub3A_2643 = arith.subf %add3A_76, %sub3A_2642 : vector<16xf32>
      %sub3A_2644 = vector.broadcast %squeeze3A_2627 : f32 to vector<16xf32>
      %sub3A_2645 = arith.subf %add3A_79, %sub3A_2644 : vector<16xf32>
      %mul3A_2646 = arith.mulf %sub3A_2643, %sub3A_2643 : vector<16xf32>
      %mul3A_2647 = arith.mulf %sub3A_2645, %sub3A_2645 : vector<16xf32>
      %pack3A_2648 = tpu.pack_subelements %mul3A_2646, %mul3A_2647 {pack_format = #tpu.pack_format<interleaved>, positions = array<i32: 0, 1>} : vector<16xf32>, vector<16xf32> -> vector<32xbf16>
      %sub3A_2649 = vector.broadcast %squeeze3A_2627 : f32 to vector<16xf32>
      %sub3A_2650 = arith.subf %add3A_82, %sub3A_2649 : vector<16xf32>
      %sub3A_2651 = vector.broadcast %squeeze3A_2627 : f32 to vector<16xf32>
      %sub3A_2652 = arith.subf %add3A_85, %sub3A_2651 : vector<16xf32>
      %mul3A_2653 = arith.mulf %sub3A_2650, %sub3A_2650 : vector<16xf32>
      %mul3A_2654 = arith.mulf %sub3A_2652, %sub3A_2652 : vector<16xf32>
      %pack3A_2655 = tpu.pack_subelements %mul3A_2653, %mul3A_2654 {pack_format = #tpu.pack_format<interleaved>, positions = array<i32: 0, 1>} : vector<16xf32>, vector<16xf32> -> vector<32xbf16>
      %sub3A_2656 = vector.broadcast %squeeze3A_2627 : f32 to vector<16xf32>
      %sub3A_2657 = arith.subf %add3A_88, %sub3A_2656 : vector<16xf32>
      %sub3A_2658 = vector.broadcast %squeeze3A_2627 : f32 to vector<16xf32>
      %sub3A_2659 = arith.subf %add3A_91, %sub3A_2658 : vector<16xf32>
      %mul3A_2660 = arith.mulf %sub3A_2657, %sub3A_2657 : vector<16xf32>
      %mul3A_2661 = arith.mulf %sub3A_2659, %sub3A_2659 : vector<16xf32>
      %pack3A_2662 = tpu.pack_subelements %mul3A_2660, %mul3A_2661 {pack_format = #tpu.pack_format<interleaved>, positions = array<i32: 0, 1>} : vector<16xf32>, vector<16xf32> -> vector<32xbf16>
      %sub3A_2663 = vector.broadcast %squeeze3A_2627 : f32 to vector<16xf32>
      %sub3A_2664 = arith.subf %add3A_94, %sub3A_2663 : vector<16xf32>
      %sub3A_2665 = vector.broadcast %squeeze3A_2627 : f32 to vector<16xf32>
      %sub3A_2666 = arith.subf %add3A_97, %sub3A_2665 : vector<16xf32>
      %mul3A_2667 = arith.mulf %sub3A_2664, %sub3A_2664 : vector<16xf32>
      %mul3A_2668 = arith.mulf %sub3A_2666, %sub3A_2666 : vector<16xf32>
      %pack3A_2669 = tpu.pack_subelements %mul3A_2667, %mul3A_2668 {pack_format = #tpu.pack_format<interleaved>, positions = array<i32: 0, 1>} : vector<16xf32>, vector<16xf32> -> vector<32xbf16>
      %sub3A_2670 = vector.broadcast %squeeze3A_2627 : f32 to vector<16xf32>
      %sub3A_2671 = arith.subf %add3A_100, %sub3A_2670 : vector<16xf32>
      %sub3A_2672 = vector.broadcast %squeeze3A_2627 : f32 to vector<16xf32>
      %sub3A_2673 = arith.subf %add3A_103, %sub3A_2672 : vector<16xf32>
      %mul3A_2674 = arith.mulf %sub3A_2671, %sub3A_2671 : vector<16xf32>
      %mul3A_2675 = arith.mulf %sub3A_2673, %sub3A_2673 : vector<16xf32>
      %pack3A_2676 = tpu.pack_subelements %mul3A_2674, %mul3A_2675 {pack_format = #tpu.pack_format<interleaved>, positions = array<i32: 0, 1>} : vector<16xf32>, vector<16xf32> -> vector<32xbf16>
      %sub3A_2677 = arith.subf %convert_element_type3A_55, %squeeze3A_2625 : f32
      %mul3A_2678 = arith.mulf %sub3A_2677, %sub3A_2677 : f32
      %broadcast_in_dim3A_2679 = vector.broadcast %mul3A_2678 : f32 to vector<16xf32>
      %pack3A_2680 = tpu.pack_subelements %broadcast_in_dim3A_2679, %broadcast_in_dim3A_2679 {pack_format = #tpu.pack_format<interleaved>, positions = array<i32: 0, 1>} : vector<16xf32>, vector<16xf32> -> vector<32xbf16>
      %add3A_2681 = arith.addf %pack3A_2634, %pack3A_2680 : vector<32xbf16>
      %min3A_2682 = arith.minimumf %min3A_2575, %add3A_2681 : vector<32xbf16>
      %add3A_2683 = arith.addf %pack3A_2641, %pack3A_2680 : vector<32xbf16>
      %min3A_2684 = arith.minimumf %min3A_2577, %add3A_2683 : vector<32xbf16>
      %add3A_2685 = arith.addf %pack3A_2648, %pack3A_2680 : vector<32xbf16>
      %min3A_2686 = arith.minimumf %min3A_2579, %add3A_2685 : vector<32xbf16>
      %add3A_2687 = arith.addf %pack3A_2655, %pack3A_2680 : vector<32xbf16>
      %min3A_2688 = arith.minimumf %min3A_2581, %add3A_2687 : vector<32xbf16>
      %add3A_2689 = arith.addf %pack3A_2662, %pack3A_2680 : vector<32xbf16>
      %min3A_2690 = arith.minimumf %min3A_2583, %add3A_2689 : vector<32xbf16>
      %add3A_2691 = arith.addf %pack3A_2669, %pack3A_2680 : vector<32xbf16>
      %min3A_2692 = arith.minimumf %min3A_2585, %add3A_2691 : vector<32xbf16>
      %add3A_2693 = arith.addf %pack3A_2676, %pack3A_2680 : vector<32xbf16>
      %min3A_2694 = arith.minimumf %min3A_2587, %add3A_2693 : vector<32xbf16>
      %sub3A_2695 = arith.subf %convert_element_type3A_58, %squeeze3A_2625 : f32
      %mul3A_2696 = arith.mulf %sub3A_2695, %sub3A_2695 : f32
      %broadcast_in_dim3A_2697 = vector.broadcast %mul3A_2696 : f32 to vector<16xf32>
      %pack3A_2698 = tpu.pack_subelements %broadcast_in_dim3A_2697, %broadcast_in_dim3A_2697 {pack_format = #tpu.pack_format<interleaved>, positions = array<i32: 0, 1>} : vector<16xf32>, vector<16xf32> -> vector<32xbf16>
      %add3A_2699 = arith.addf %pack3A_2634, %pack3A_2698 : vector<32xbf16>
      %min3A_2700 = arith.minimumf %min3A_2593, %add3A_2699 : vector<32xbf16>
      %add3A_2701 = arith.addf %pack3A_2641, %pack3A_2698 : vector<32xbf16>
      %min3A_2702 = arith.minimumf %min3A_2595, %add3A_2701 : vector<32xbf16>
      %add3A_2703 = arith.addf %pack3A_2648, %pack3A_2698 : vector<32xbf16>
      %min3A_2704 = arith.minimumf %min3A_2597, %add3A_2703 : vector<32xbf16>
      %add3A_2705 = arith.addf %pack3A_2655, %pack3A_2698 : vector<32xbf16>
      %min3A_2706 = arith.minimumf %min3A_2599, %add3A_2705 : vector<32xbf16>
      %add3A_2707 = arith.addf %pack3A_2662, %pack3A_2698 : vector<32xbf16>
      %min3A_2708 = arith.minimumf %min3A_2601, %add3A_2707 : vector<32xbf16>
      %add3A_2709 = arith.addf %pack3A_2669, %pack3A_2698 : vector<32xbf16>
      %min3A_2710 = arith.minimumf %min3A_2603, %add3A_2709 : vector<32xbf16>
      %add3A_2711 = arith.addf %pack3A_2676, %pack3A_2698 : vector<32xbf16>
      %min3A_2712 = arith.minimumf %min3A_2605, %add3A_2711 : vector<32xbf16>
      %sub3A_2713 = arith.subf %convert_element_type3A_61, %squeeze3A_2625 : f32
      %mul3A_2714 = arith.mulf %sub3A_2713, %sub3A_2713 : f32
      %broadcast_in_dim3A_2715 = vector.broadcast %mul3A_2714 : f32 to vector<16xf32>
      %pack3A_2716 = tpu.pack_subelements %broadcast_in_dim3A_2715, %broadcast_in_dim3A_2715 {pack_format = #tpu.pack_format<interleaved>, positions = array<i32: 0, 1>} : vector<16xf32>, vector<16xf32> -> vector<32xbf16>
      %add3A_2717 = arith.addf %pack3A_2634, %pack3A_2716 : vector<32xbf16>
      %min3A_2718 = arith.minimumf %min3A_2611, %add3A_2717 : vector<32xbf16>
      %add3A_2719 = arith.addf %pack3A_2641, %pack3A_2716 : vector<32xbf16>
      %min3A_2720 = arith.minimumf %min3A_2613, %add3A_2719 : vector<32xbf16>
      %add3A_2721 = arith.addf %pack3A_2648, %pack3A_2716 : vector<32xbf16>
      %min3A_2722 = arith.minimumf %min3A_2615, %add3A_2721 : vector<32xbf16>
      %add3A_2723 = arith.addf %pack3A_2655, %pack3A_2716 : vector<32xbf16>
      %min3A_2724 = arith.minimumf %min3A_2617, %add3A_2723 : vector<32xbf16>
      %add3A_2725 = arith.addf %pack3A_2662, %pack3A_2716 : vector<32xbf16>
      %min3A_2726 = arith.minimumf %min3A_2619, %add3A_2725 : vector<32xbf16>
      %add3A_2727 = arith.addf %pack3A_2669, %pack3A_2716 : vector<32xbf16>
      %min3A_2728 = arith.minimumf %min3A_2621, %add3A_2727 : vector<32xbf16>
      %add3A_2729 = arith.addf %pack3A_2676, %pack3A_2716 : vector<32xbf16>
      %min3A_2730 = arith.minimumf %min3A_2623, %add3A_2729 : vector<32xbf16>
      %slice3A_2731 = vector.extract_strided_slice %get3A_1232 {offsets = [14], sizes = [1], strides = [1]} : vector<16xf32> to vector<1xf32>
      %squeeze3A_2732 = vector.extract %slice3A_2731[0] : f32 from vector<1xf32>
      %slice3A_2733 = vector.extract_strided_slice %get3A_1234 {offsets = [14], sizes = [1], strides = [1]} : vector<16xf32> to vector<1xf32>
      %squeeze3A_2734 = vector.extract %slice3A_2733[0] : f32 from vector<1xf32>
      %sub3A_2735 = vector.broadcast %squeeze3A_2734 : f32 to vector<16xf32>
      %sub3A_2736 = arith.subf %add3A_64, %sub3A_2735 : vector<16xf32>
      %sub3A_2737 = vector.broadcast %squeeze3A_2734 : f32 to vector<16xf32>
      %sub3A_2738 = arith.subf %add3A_67, %sub3A_2737 : vector<16xf32>
      %mul3A_2739 = arith.mulf %sub3A_2736, %sub3A_2736 : vector<16xf32>
      %mul3A_2740 = arith.mulf %sub3A_2738, %sub3A_2738 : vector<16xf32>
      %pack3A_2741 = tpu.pack_subelements %mul3A_2739, %mul3A_2740 {pack_format = #tpu.pack_format<interleaved>, positions = array<i32: 0, 1>} : vector<16xf32>, vector<16xf32> -> vector<32xbf16>
      %sub3A_2742 = vector.broadcast %squeeze3A_2734 : f32 to vector<16xf32>
      %sub3A_2743 = arith.subf %add3A_70, %sub3A_2742 : vector<16xf32>
      %sub3A_2744 = vector.broadcast %squeeze3A_2734 : f32 to vector<16xf32>
      %sub3A_2745 = arith.subf %add3A_73, %sub3A_2744 : vector<16xf32>
      %mul3A_2746 = arith.mulf %sub3A_2743, %sub3A_2743 : vector<16xf32>
      %mul3A_2747 = arith.mulf %sub3A_2745, %sub3A_2745 : vector<16xf32>
      %pack3A_2748 = tpu.pack_subelements %mul3A_2746, %mul3A_2747 {pack_format = #tpu.pack_format<interleaved>, positions = array<i32: 0, 1>} : vector<16xf32>, vector<16xf32> -> vector<32xbf16>
      %sub3A_2749 = vector.broadcast %squeeze3A_2734 : f32 to vector<16xf32>
      %sub3A_2750 = arith.subf %add3A_76, %sub3A_2749 : vector<16xf32>
      %sub3A_2751 = vector.broadcast %squeeze3A_2734 : f32 to vector<16xf32>
      %sub3A_2752 = arith.subf %add3A_79, %sub3A_2751 : vector<16xf32>
      %mul3A_2753 = arith.mulf %sub3A_2750, %sub3A_2750 : vector<16xf32>
      %mul3A_2754 = arith.mulf %sub3A_2752, %sub3A_2752 : vector<16xf32>
      %pack3A_2755 = tpu.pack_subelements %mul3A_2753, %mul3A_2754 {pack_format = #tpu.pack_format<interleaved>, positions = array<i32: 0, 1>} : vector<16xf32>, vector<16xf32> -> vector<32xbf16>
      %sub3A_2756 = vector.broadcast %squeeze3A_2734 : f32 to vector<16xf32>
      %sub3A_2757 = arith.subf %add3A_82, %sub3A_2756 : vector<16xf32>
      %sub3A_2758 = vector.broadcast %squeeze3A_2734 : f32 to vector<16xf32>
      %sub3A_2759 = arith.subf %add3A_85, %sub3A_2758 : vector<16xf32>
      %mul3A_2760 = arith.mulf %sub3A_2757, %sub3A_2757 : vector<16xf32>
      %mul3A_2761 = arith.mulf %sub3A_2759, %sub3A_2759 : vector<16xf32>
      %pack3A_2762 = tpu.pack_subelements %mul3A_2760, %mul3A_2761 {pack_format = #tpu.pack_format<interleaved>, positions = array<i32: 0, 1>} : vector<16xf32>, vector<16xf32> -> vector<32xbf16>
      %sub3A_2763 = vector.broadcast %squeeze3A_2734 : f32 to vector<16xf32>
      %sub3A_2764 = arith.subf %add3A_88, %sub3A_2763 : vector<16xf32>
      %sub3A_2765 = vector.broadcast %squeeze3A_2734 : f32 to vector<16xf32>
      %sub3A_2766 = arith.subf %add3A_91, %sub3A_2765 : vector<16xf32>
      %mul3A_2767 = arith.mulf %sub3A_2764, %sub3A_2764 : vector<16xf32>
      %mul3A_2768 = arith.mulf %sub3A_2766, %sub3A_2766 : vector<16xf32>
      %pack3A_2769 = tpu.pack_subelements %mul3A_2767, %mul3A_2768 {pack_format = #tpu.pack_format<interleaved>, positions = array<i32: 0, 1>} : vector<16xf32>, vector<16xf32> -> vector<32xbf16>
      %sub3A_2770 = vector.broadcast %squeeze3A_2734 : f32 to vector<16xf32>
      %sub3A_2771 = arith.subf %add3A_94, %sub3A_2770 : vector<16xf32>
      %sub3A_2772 = vector.broadcast %squeeze3A_2734 : f32 to vector<16xf32>
      %sub3A_2773 = arith.subf %add3A_97, %sub3A_2772 : vector<16xf32>
      %mul3A_2774 = arith.mulf %sub3A_2771, %sub3A_2771 : vector<16xf32>
      %mul3A_2775 = arith.mulf %sub3A_2773, %sub3A_2773 : vector<16xf32>
      %pack3A_2776 = tpu.pack_subelements %mul3A_2774, %mul3A_2775 {pack_format = #tpu.pack_format<interleaved>, positions = array<i32: 0, 1>} : vector<16xf32>, vector<16xf32> -> vector<32xbf16>
      %sub3A_2777 = vector.broadcast %squeeze3A_2734 : f32 to vector<16xf32>
      %sub3A_2778 = arith.subf %add3A_100, %sub3A_2777 : vector<16xf32>
      %sub3A_2779 = vector.broadcast %squeeze3A_2734 : f32 to vector<16xf32>
      %sub3A_2780 = arith.subf %add3A_103, %sub3A_2779 : vector<16xf32>
      %mul3A_2781 = arith.mulf %sub3A_2778, %sub3A_2778 : vector<16xf32>
      %mul3A_2782 = arith.mulf %sub3A_2780, %sub3A_2780 : vector<16xf32>
      %pack3A_2783 = tpu.pack_subelements %mul3A_2781, %mul3A_2782 {pack_format = #tpu.pack_format<interleaved>, positions = array<i32: 0, 1>} : vector<16xf32>, vector<16xf32> -> vector<32xbf16>
      %sub3A_2784 = arith.subf %convert_element_type3A_55, %squeeze3A_2732 : f32
      %mul3A_2785 = arith.mulf %sub3A_2784, %sub3A_2784 : f32
      %broadcast_in_dim3A_2786 = vector.broadcast %mul3A_2785 : f32 to vector<16xf32>
      %pack3A_2787 = tpu.pack_subelements %broadcast_in_dim3A_2786, %broadcast_in_dim3A_2786 {pack_format = #tpu.pack_format<interleaved>, positions = array<i32: 0, 1>} : vector<16xf32>, vector<16xf32> -> vector<32xbf16>
      %add3A_2788 = arith.addf %pack3A_2741, %pack3A_2787 : vector<32xbf16>
      %min3A_2789 = arith.minimumf %min3A_2682, %add3A_2788 : vector<32xbf16>
      %add3A_2790 = arith.addf %pack3A_2748, %pack3A_2787 : vector<32xbf16>
      %min3A_2791 = arith.minimumf %min3A_2684, %add3A_2790 : vector<32xbf16>
      %add3A_2792 = arith.addf %pack3A_2755, %pack3A_2787 : vector<32xbf16>
      %min3A_2793 = arith.minimumf %min3A_2686, %add3A_2792 : vector<32xbf16>
      %add3A_2794 = arith.addf %pack3A_2762, %pack3A_2787 : vector<32xbf16>
      %min3A_2795 = arith.minimumf %min3A_2688, %add3A_2794 : vector<32xbf16>
      %add3A_2796 = arith.addf %pack3A_2769, %pack3A_2787 : vector<32xbf16>
      %min3A_2797 = arith.minimumf %min3A_2690, %add3A_2796 : vector<32xbf16>
      %add3A_2798 = arith.addf %pack3A_2776, %pack3A_2787 : vector<32xbf16>
      %min3A_2799 = arith.minimumf %min3A_2692, %add3A_2798 : vector<32xbf16>
      %add3A_2800 = arith.addf %pack3A_2783, %pack3A_2787 : vector<32xbf16>
      %min3A_2801 = arith.minimumf %min3A_2694, %add3A_2800 : vector<32xbf16>
      %sub3A_2802 = arith.subf %convert_element_type3A_58, %squeeze3A_2732 : f32
      %mul3A_2803 = arith.mulf %sub3A_2802, %sub3A_2802 : f32
      %broadcast_in_dim3A_2804 = vector.broadcast %mul3A_2803 : f32 to vector<16xf32>
      %pack3A_2805 = tpu.pack_subelements %broadcast_in_dim3A_2804, %broadcast_in_dim3A_2804 {pack_format = #tpu.pack_format<interleaved>, positions = array<i32: 0, 1>} : vector<16xf32>, vector<16xf32> -> vector<32xbf16>
      %add3A_2806 = arith.addf %pack3A_2741, %pack3A_2805 : vector<32xbf16>
      %min3A_2807 = arith.minimumf %min3A_2700, %add3A_2806 : vector<32xbf16>
      %add3A_2808 = arith.addf %pack3A_2748, %pack3A_2805 : vector<32xbf16>
      %min3A_2809 = arith.minimumf %min3A_2702, %add3A_2808 : vector<32xbf16>
      %add3A_2810 = arith.addf %pack3A_2755, %pack3A_2805 : vector<32xbf16>
      %min3A_2811 = arith.minimumf %min3A_2704, %add3A_2810 : vector<32xbf16>
      %add3A_2812 = arith.addf %pack3A_2762, %pack3A_2805 : vector<32xbf16>
      %min3A_2813 = arith.minimumf %min3A_2706, %add3A_2812 : vector<32xbf16>
      %add3A_2814 = arith.addf %pack3A_2769, %pack3A_2805 : vector<32xbf16>
      %min3A_2815 = arith.minimumf %min3A_2708, %add3A_2814 : vector<32xbf16>
      %add3A_2816 = arith.addf %pack3A_2776, %pack3A_2805 : vector<32xbf16>
      %min3A_2817 = arith.minimumf %min3A_2710, %add3A_2816 : vector<32xbf16>
      %add3A_2818 = arith.addf %pack3A_2783, %pack3A_2805 : vector<32xbf16>
      %min3A_2819 = arith.minimumf %min3A_2712, %add3A_2818 : vector<32xbf16>
      %sub3A_2820 = arith.subf %convert_element_type3A_61, %squeeze3A_2732 : f32
      %mul3A_2821 = arith.mulf %sub3A_2820, %sub3A_2820 : f32
      %broadcast_in_dim3A_2822 = vector.broadcast %mul3A_2821 : f32 to vector<16xf32>
      %pack3A_2823 = tpu.pack_subelements %broadcast_in_dim3A_2822, %broadcast_in_dim3A_2822 {pack_format = #tpu.pack_format<interleaved>, positions = array<i32: 0, 1>} : vector<16xf32>, vector<16xf32> -> vector<32xbf16>
      %add3A_2824 = arith.addf %pack3A_2741, %pack3A_2823 : vector<32xbf16>
      %min3A_2825 = arith.minimumf %min3A_2718, %add3A_2824 : vector<32xbf16>
      %add3A_2826 = arith.addf %pack3A_2748, %pack3A_2823 : vector<32xbf16>
      %min3A_2827 = arith.minimumf %min3A_2720, %add3A_2826 : vector<32xbf16>
      %add3A_2828 = arith.addf %pack3A_2755, %pack3A_2823 : vector<32xbf16>
      %min3A_2829 = arith.minimumf %min3A_2722, %add3A_2828 : vector<32xbf16>
      %add3A_2830 = arith.addf %pack3A_2762, %pack3A_2823 : vector<32xbf16>
      %min3A_2831 = arith.minimumf %min3A_2724, %add3A_2830 : vector<32xbf16>
      %add3A_2832 = arith.addf %pack3A_2769, %pack3A_2823 : vector<32xbf16>
      %min3A_2833 = arith.minimumf %min3A_2726, %add3A_2832 : vector<32xbf16>
      %add3A_2834 = arith.addf %pack3A_2776, %pack3A_2823 : vector<32xbf16>
      %min3A_2835 = arith.minimumf %min3A_2728, %add3A_2834 : vector<32xbf16>
      %add3A_2836 = arith.addf %pack3A_2783, %pack3A_2823 : vector<32xbf16>
      %min3A_2837 = arith.minimumf %min3A_2730, %add3A_2836 : vector<32xbf16>
      %slice3A_2838 = vector.extract_strided_slice %get3A_1232 {offsets = [15], sizes = [1], strides = [1]} : vector<16xf32> to vector<1xf32>
      %squeeze3A_2839 = vector.extract %slice3A_2838[0] : f32 from vector<1xf32>
      %slice3A_2840 = vector.extract_strided_slice %get3A_1234 {offsets = [15], sizes = [1], strides = [1]} : vector<16xf32> to vector<1xf32>
      %squeeze3A_2841 = vector.extract %slice3A_2840[0] : f32 from vector<1xf32>
      %sub3A_2842 = vector.broadcast %squeeze3A_2841 : f32 to vector<16xf32>
      %sub3A_2843 = arith.subf %add3A_64, %sub3A_2842 : vector<16xf32>
      %sub3A_2844 = vector.broadcast %squeeze3A_2841 : f32 to vector<16xf32>
      %sub3A_2845 = arith.subf %add3A_67, %sub3A_2844 : vector<16xf32>
      %mul3A_2846 = arith.mulf %sub3A_2843, %sub3A_2843 : vector<16xf32>
      %mul3A_2847 = arith.mulf %sub3A_2845, %sub3A_2845 : vector<16xf32>
      %pack3A_2848 = tpu.pack_subelements %mul3A_2846, %mul3A_2847 {pack_format = #tpu.pack_format<interleaved>, positions = array<i32: 0, 1>} : vector<16xf32>, vector<16xf32> -> vector<32xbf16>
      %sub3A_2849 = vector.broadcast %squeeze3A_2841 : f32 to vector<16xf32>
      %sub3A_2850 = arith.subf %add3A_70, %sub3A_2849 : vector<16xf32>
      %sub3A_2851 = vector.broadcast %squeeze3A_2841 : f32 to vector<16xf32>
      %sub3A_2852 = arith.subf %add3A_73, %sub3A_2851 : vector<16xf32>
      %mul3A_2853 = arith.mulf %sub3A_2850, %sub3A_2850 : vector<16xf32>
      %mul3A_2854 = arith.mulf %sub3A_2852, %sub3A_2852 : vector<16xf32>
      %pack3A_2855 = tpu.pack_subelements %mul3A_2853, %mul3A_2854 {pack_format = #tpu.pack_format<interleaved>, positions = array<i32: 0, 1>} : vector<16xf32>, vector<16xf32> -> vector<32xbf16>
      %sub3A_2856 = vector.broadcast %squeeze3A_2841 : f32 to vector<16xf32>
      %sub3A_2857 = arith.subf %add3A_76, %sub3A_2856 : vector<16xf32>
      %sub3A_2858 = vector.broadcast %squeeze3A_2841 : f32 to vector<16xf32>
      %sub3A_2859 = arith.subf %add3A_79, %sub3A_2858 : vector<16xf32>
      %mul3A_2860 = arith.mulf %sub3A_2857, %sub3A_2857 : vector<16xf32>
      %mul3A_2861 = arith.mulf %sub3A_2859, %sub3A_2859 : vector<16xf32>
      %pack3A_2862 = tpu.pack_subelements %mul3A_2860, %mul3A_2861 {pack_format = #tpu.pack_format<interleaved>, positions = array<i32: 0, 1>} : vector<16xf32>, vector<16xf32> -> vector<32xbf16>
      %sub3A_2863 = vector.broadcast %squeeze3A_2841 : f32 to vector<16xf32>
      %sub3A_2864 = arith.subf %add3A_82, %sub3A_2863 : vector<16xf32>
      %sub3A_2865 = vector.broadcast %squeeze3A_2841 : f32 to vector<16xf32>
      %sub3A_2866 = arith.subf %add3A_85, %sub3A_2865 : vector<16xf32>
      %mul3A_2867 = arith.mulf %sub3A_2864, %sub3A_2864 : vector<16xf32>
      %mul3A_2868 = arith.mulf %sub3A_2866, %sub3A_2866 : vector<16xf32>
      %pack3A_2869 = tpu.pack_subelements %mul3A_2867, %mul3A_2868 {pack_format = #tpu.pack_format<interleaved>, positions = array<i32: 0, 1>} : vector<16xf32>, vector<16xf32> -> vector<32xbf16>
      %sub3A_2870 = vector.broadcast %squeeze3A_2841 : f32 to vector<16xf32>
      %sub3A_2871 = arith.subf %add3A_88, %sub3A_2870 : vector<16xf32>
      %sub3A_2872 = vector.broadcast %squeeze3A_2841 : f32 to vector<16xf32>
      %sub3A_2873 = arith.subf %add3A_91, %sub3A_2872 : vector<16xf32>
      %mul3A_2874 = arith.mulf %sub3A_2871, %sub3A_2871 : vector<16xf32>
      %mul3A_2875 = arith.mulf %sub3A_2873, %sub3A_2873 : vector<16xf32>
      %pack3A_2876 = tpu.pack_subelements %mul3A_2874, %mul3A_2875 {pack_format = #tpu.pack_format<interleaved>, positions = array<i32: 0, 1>} : vector<16xf32>, vector<16xf32> -> vector<32xbf16>
      %sub3A_2877 = vector.broadcast %squeeze3A_2841 : f32 to vector<16xf32>
      %sub3A_2878 = arith.subf %add3A_94, %sub3A_2877 : vector<16xf32>
      %sub3A_2879 = vector.broadcast %squeeze3A_2841 : f32 to vector<16xf32>
      %sub3A_2880 = arith.subf %add3A_97, %sub3A_2879 : vector<16xf32>
      %mul3A_2881 = arith.mulf %sub3A_2878, %sub3A_2878 : vector<16xf32>
      %mul3A_2882 = arith.mulf %sub3A_2880, %sub3A_2880 : vector<16xf32>
      %pack3A_2883 = tpu.pack_subelements %mul3A_2881, %mul3A_2882 {pack_format = #tpu.pack_format<interleaved>, positions = array<i32: 0, 1>} : vector<16xf32>, vector<16xf32> -> vector<32xbf16>
      %sub3A_2884 = vector.broadcast %squeeze3A_2841 : f32 to vector<16xf32>
      %sub3A_2885 = arith.subf %add3A_100, %sub3A_2884 : vector<16xf32>
      %sub3A_2886 = vector.broadcast %squeeze3A_2841 : f32 to vector<16xf32>
      %sub3A_2887 = arith.subf %add3A_103, %sub3A_2886 : vector<16xf32>
      %mul3A_2888 = arith.mulf %sub3A_2885, %sub3A_2885 : vector<16xf32>
      %mul3A_2889 = arith.mulf %sub3A_2887, %sub3A_2887 : vector<16xf32>
      %pack3A_2890 = tpu.pack_subelements %mul3A_2888, %mul3A_2889 {pack_format = #tpu.pack_format<interleaved>, positions = array<i32: 0, 1>} : vector<16xf32>, vector<16xf32> -> vector<32xbf16>
      %sub3A_2891 = arith.subf %convert_element_type3A_55, %squeeze3A_2839 : f32
      %mul3A_2892 = arith.mulf %sub3A_2891, %sub3A_2891 : f32
      %broadcast_in_dim3A_2893 = vector.broadcast %mul3A_2892 : f32 to vector<16xf32>
      %pack3A_2894 = tpu.pack_subelements %broadcast_in_dim3A_2893, %broadcast_in_dim3A_2893 {pack_format = #tpu.pack_format<interleaved>, positions = array<i32: 0, 1>} : vector<16xf32>, vector<16xf32> -> vector<32xbf16>
      %add3A_2895 = arith.addf %pack3A_2848, %pack3A_2894 : vector<32xbf16>
      %min3A_2896 = arith.minimumf %min3A_2789, %add3A_2895 : vector<32xbf16>
      %add3A_2897 = arith.addf %pack3A_2855, %pack3A_2894 : vector<32xbf16>
      %min3A_2898 = arith.minimumf %min3A_2791, %add3A_2897 : vector<32xbf16>
      %add3A_2899 = arith.addf %pack3A_2862, %pack3A_2894 : vector<32xbf16>
      %min3A_2900 = arith.minimumf %min3A_2793, %add3A_2899 : vector<32xbf16>
      %add3A_2901 = arith.addf %pack3A_2869, %pack3A_2894 : vector<32xbf16>
      %min3A_2902 = arith.minimumf %min3A_2795, %add3A_2901 : vector<32xbf16>
      %add3A_2903 = arith.addf %pack3A_2876, %pack3A_2894 : vector<32xbf16>
      %min3A_2904 = arith.minimumf %min3A_2797, %add3A_2903 : vector<32xbf16>
      %add3A_2905 = arith.addf %pack3A_2883, %pack3A_2894 : vector<32xbf16>
      %min3A_2906 = arith.minimumf %min3A_2799, %add3A_2905 : vector<32xbf16>
      %add3A_2907 = arith.addf %pack3A_2890, %pack3A_2894 : vector<32xbf16>
      %min3A_2908 = arith.minimumf %min3A_2801, %add3A_2907 : vector<32xbf16>
      %sub3A_2909 = arith.subf %convert_element_type3A_58, %squeeze3A_2839 : f32
      %mul3A_2910 = arith.mulf %sub3A_2909, %sub3A_2909 : f32
      %broadcast_in_dim3A_2911 = vector.broadcast %mul3A_2910 : f32 to vector<16xf32>
      %pack3A_2912 = tpu.pack_subelements %broadcast_in_dim3A_2911, %broadcast_in_dim3A_2911 {pack_format = #tpu.pack_format<interleaved>, positions = array<i32: 0, 1>} : vector<16xf32>, vector<16xf32> -> vector<32xbf16>
      %add3A_2913 = arith.addf %pack3A_2848, %pack3A_2912 : vector<32xbf16>
      %min3A_2914 = arith.minimumf %min3A_2807, %add3A_2913 : vector<32xbf16>
      %add3A_2915 = arith.addf %pack3A_2855, %pack3A_2912 : vector<32xbf16>
      %min3A_2916 = arith.minimumf %min3A_2809, %add3A_2915 : vector<32xbf16>
      %add3A_2917 = arith.addf %pack3A_2862, %pack3A_2912 : vector<32xbf16>
      %min3A_2918 = arith.minimumf %min3A_2811, %add3A_2917 : vector<32xbf16>
      %add3A_2919 = arith.addf %pack3A_2869, %pack3A_2912 : vector<32xbf16>
      %min3A_2920 = arith.minimumf %min3A_2813, %add3A_2919 : vector<32xbf16>
      %add3A_2921 = arith.addf %pack3A_2876, %pack3A_2912 : vector<32xbf16>
      %min3A_2922 = arith.minimumf %min3A_2815, %add3A_2921 : vector<32xbf16>
      %add3A_2923 = arith.addf %pack3A_2883, %pack3A_2912 : vector<32xbf16>
      %min3A_2924 = arith.minimumf %min3A_2817, %add3A_2923 : vector<32xbf16>
      %add3A_2925 = arith.addf %pack3A_2890, %pack3A_2912 : vector<32xbf16>
      %min3A_2926 = arith.minimumf %min3A_2819, %add3A_2925 : vector<32xbf16>
      %sub3A_2927 = arith.subf %convert_element_type3A_61, %squeeze3A_2839 : f32
      %mul3A_2928 = arith.mulf %sub3A_2927, %sub3A_2927 : f32
      %broadcast_in_dim3A_2929 = vector.broadcast %mul3A_2928 : f32 to vector<16xf32>
      %pack3A_2930 = tpu.pack_subelements %broadcast_in_dim3A_2929, %broadcast_in_dim3A_2929 {pack_format = #tpu.pack_format<interleaved>, positions = array<i32: 0, 1>} : vector<16xf32>, vector<16xf32> -> vector<32xbf16>
      %add3A_2931 = arith.addf %pack3A_2848, %pack3A_2930 : vector<32xbf16>
      %min3A_2932 = arith.minimumf %min3A_2825, %add3A_2931 : vector<32xbf16>
      %add3A_2933 = arith.addf %pack3A_2855, %pack3A_2930 : vector<32xbf16>
      %min3A_2934 = arith.minimumf %min3A_2827, %add3A_2933 : vector<32xbf16>
      %add3A_2935 = arith.addf %pack3A_2862, %pack3A_2930 : vector<32xbf16>
      %min3A_2936 = arith.minimumf %min3A_2829, %add3A_2935 : vector<32xbf16>
      %add3A_2937 = arith.addf %pack3A_2869, %pack3A_2930 : vector<32xbf16>
      %min3A_2938 = arith.minimumf %min3A_2831, %add3A_2937 : vector<32xbf16>
      %add3A_2939 = arith.addf %pack3A_2876, %pack3A_2930 : vector<32xbf16>
      %min3A_2940 = arith.minimumf %min3A_2833, %add3A_2939 : vector<32xbf16>
      %add3A_2941 = arith.addf %pack3A_2883, %pack3A_2930 : vector<32xbf16>
      %min3A_2942 = arith.minimumf %min3A_2835, %add3A_2941 : vector<32xbf16>
      %add3A_2943 = arith.addf %pack3A_2890, %pack3A_2930 : vector<32xbf16>
      %min3A_2944 = arith.minimumf %min3A_2837, %add3A_2943 : vector<32xbf16>
      scf.yield %min3A_2896, %min3A_2898, %min3A_2900, %min3A_2902, %min3A_2904, %min3A_2906, %min3A_2908, %min3A_2914, %min3A_2916, %min3A_2918, %min3A_2920, %min3A_2922, %min3A_2924, %min3A_2926, %min3A_2932, %min3A_2934, %min3A_2936, %min3A_2938, %min3A_2940, %min3A_2942, %min3A_2944 : vector<32xbf16>, vector<32xbf16>, vector<32xbf16>, vector<32xbf16>, vector<32xbf16>, vector<32xbf16>, vector<32xbf16>, vector<32xbf16>, vector<32xbf16>, vector<32xbf16>, vector<32xbf16>, vector<32xbf16>, vector<32xbf16>, vector<32xbf16>, vector<32xbf16>, vector<32xbf16>, vector<32xbf16>, vector<32xbf16>, vector<32xbf16>, vector<32xbf16>, vector<32xbf16>
    }
    %scan3A_110 = arith.constant 32 : i32
    %unpack3A = tpu.unpack_subelements %scan3A_109#0, 0 {pack_format = #tpu.pack_format<interleaved>} : vector<32xbf16> -> vector<16xf32>
    %unpack3A_111 = tpu.unpack_subelements %scan3A_109#0, 1 {pack_format = #tpu.pack_format<interleaved>} : vector<32xbf16> -> vector<16xf32>
    %bitcast3A_112 = vector.bitcast %unpack3A : vector<16xf32> to vector<16xi32>
    %broadcast_in_dim3A_113 = arith.constant 1597463007 : i32
    %broadcast_in_dim3A_114 = vector.broadcast %broadcast_in_dim3A_113 : i32 to vector<16xi32>
    %shift_right_arithmetic3A_115 = arith.constant 1 : i32
    %shift_right_arithmetic3A_116 = vector.broadcast %shift_right_arithmetic3A_115 : i32 to vector<16xi32>
    %shift_right_arithmetic3A_117 = arith.shrsi %bitcast3A_112, %shift_right_arithmetic3A_116 : vector<16xi32>
    %sub3A_118 = arith.subi %broadcast_in_dim3A_114, %shift_right_arithmetic3A_117 : vector<16xi32>
    %bitcast3A_119 = vector.bitcast %sub3A_118 : vector<16xi32> to vector<16xf32>
    %mul3A_120 = arith.constant 5.000000e-01 : f32
    %mul3A_121 = vector.broadcast %mul3A_120 : f32 to vector<16xf32>
    %mul3A_122 = arith.mulf %unpack3A, %mul3A_121 : vector<16xf32>
    %mul3A_123 = arith.mulf %mul3A_122, %bitcast3A_119 : vector<16xf32>
    %mul3A_124 = arith.mulf %mul3A_123, %bitcast3A_119 : vector<16xf32>
    %sub3A_125 = arith.constant 1.500000e+00 : f32
    %sub3A_126 = vector.broadcast %sub3A_125 : f32 to vector<16xf32>
    %sub3A_127 = arith.subf %sub3A_126, %mul3A_124 : vector<16xf32>
    %mul3A_128 = arith.mulf %bitcast3A_119, %sub3A_127 : vector<16xf32>
    %mul3A_129 = arith.mulf %mul3A_122, %mul3A_128 : vector<16xf32>
    %mul3A_130 = arith.mulf %mul3A_129, %mul3A_128 : vector<16xf32>
    %sub3A_131 = arith.constant 1.500000e+00 : f32
    %sub3A_132 = vector.broadcast %sub3A_131 : f32 to vector<16xf32>
    %sub3A_133 = arith.subf %sub3A_132, %mul3A_130 : vector<16xf32>
    %mul3A_134 = arith.mulf %mul3A_128, %sub3A_133 : vector<16xf32>
    %mul3A_135 = arith.mulf %unpack3A, %mul3A_134 : vector<16xf32>
    %add3A_136 = arith.addf %mul3A_49, %mul3A_135 : vector<16xf32>
    %bitcast3A_137 = vector.bitcast %unpack3A_111 : vector<16xf32> to vector<16xi32>
    %broadcast_in_dim3A_138 = arith.constant 1597463007 : i32
    %broadcast_in_dim3A_139 = vector.broadcast %broadcast_in_dim3A_138 : i32 to vector<16xi32>
    %shift_right_arithmetic3A_140 = arith.constant 1 : i32
    %shift_right_arithmetic3A_141 = vector.broadcast %shift_right_arithmetic3A_140 : i32 to vector<16xi32>
    %shift_right_arithmetic3A_142 = arith.shrsi %bitcast3A_137, %shift_right_arithmetic3A_141 : vector<16xi32>
    %sub3A_143 = arith.subi %broadcast_in_dim3A_139, %shift_right_arithmetic3A_142 : vector<16xi32>
    %bitcast3A_144 = vector.bitcast %sub3A_143 : vector<16xi32> to vector<16xf32>
    %mul3A_145 = arith.constant 5.000000e-01 : f32
    %mul3A_146 = vector.broadcast %mul3A_145 : f32 to vector<16xf32>
    %mul3A_147 = arith.mulf %unpack3A_111, %mul3A_146 : vector<16xf32>
    %mul3A_148 = arith.mulf %mul3A_147, %bitcast3A_144 : vector<16xf32>
    %mul3A_149 = arith.mulf %mul3A_148, %bitcast3A_144 : vector<16xf32>
    %sub3A_150 = arith.constant 1.500000e+00 : f32
    %sub3A_151 = vector.broadcast %sub3A_150 : f32 to vector<16xf32>
    %sub3A_152 = arith.subf %sub3A_151, %mul3A_149 : vector<16xf32>
    %mul3A_153 = arith.mulf %bitcast3A_144, %sub3A_152 : vector<16xf32>
    %mul3A_154 = arith.mulf %mul3A_147, %mul3A_153 : vector<16xf32>
    %mul3A_155 = arith.mulf %mul3A_154, %mul3A_153 : vector<16xf32>
    %sub3A_156 = arith.constant 1.500000e+00 : f32
    %sub3A_157 = vector.broadcast %sub3A_156 : f32 to vector<16xf32>
    %sub3A_158 = arith.subf %sub3A_157, %mul3A_155 : vector<16xf32>
    %mul3A_159 = arith.mulf %mul3A_153, %sub3A_158 : vector<16xf32>
    %mul3A_160 = arith.mulf %unpack3A_111, %mul3A_159 : vector<16xf32>
    %add3A_161 = arith.addf %add3A_136, %mul3A_160 : vector<16xf32>
    %unpack3A_162 = tpu.unpack_subelements %scan3A_109#1, 0 {pack_format = #tpu.pack_format<interleaved>} : vector<32xbf16> -> vector<16xf32>
    %unpack3A_163 = tpu.unpack_subelements %scan3A_109#1, 1 {pack_format = #tpu.pack_format<interleaved>} : vector<32xbf16> -> vector<16xf32>
    %bitcast3A_164 = vector.bitcast %unpack3A_162 : vector<16xf32> to vector<16xi32>
    %broadcast_in_dim3A_165 = arith.constant 1597463007 : i32
    %broadcast_in_dim3A_166 = vector.broadcast %broadcast_in_dim3A_165 : i32 to vector<16xi32>
    %shift_right_arithmetic3A_167 = arith.constant 1 : i32
    %shift_right_arithmetic3A_168 = vector.broadcast %shift_right_arithmetic3A_167 : i32 to vector<16xi32>
    %shift_right_arithmetic3A_169 = arith.shrsi %bitcast3A_164, %shift_right_arithmetic3A_168 : vector<16xi32>
    %sub3A_170 = arith.subi %broadcast_in_dim3A_166, %shift_right_arithmetic3A_169 : vector<16xi32>
    %bitcast3A_171 = vector.bitcast %sub3A_170 : vector<16xi32> to vector<16xf32>
    %mul3A_172 = arith.constant 5.000000e-01 : f32
    %mul3A_173 = vector.broadcast %mul3A_172 : f32 to vector<16xf32>
    %mul3A_174 = arith.mulf %unpack3A_162, %mul3A_173 : vector<16xf32>
    %mul3A_175 = arith.mulf %mul3A_174, %bitcast3A_171 : vector<16xf32>
    %mul3A_176 = arith.mulf %mul3A_175, %bitcast3A_171 : vector<16xf32>
    %sub3A_177 = arith.constant 1.500000e+00 : f32
    %sub3A_178 = vector.broadcast %sub3A_177 : f32 to vector<16xf32>
    %sub3A_179 = arith.subf %sub3A_178, %mul3A_176 : vector<16xf32>
    %mul3A_180 = arith.mulf %bitcast3A_171, %sub3A_179 : vector<16xf32>
    %mul3A_181 = arith.mulf %mul3A_174, %mul3A_180 : vector<16xf32>
    %mul3A_182 = arith.mulf %mul3A_181, %mul3A_180 : vector<16xf32>
    %sub3A_183 = arith.constant 1.500000e+00 : f32
    %sub3A_184 = vector.broadcast %sub3A_183 : f32 to vector<16xf32>
    %sub3A_185 = arith.subf %sub3A_184, %mul3A_182 : vector<16xf32>
    %mul3A_186 = arith.mulf %mul3A_180, %sub3A_185 : vector<16xf32>
    %mul3A_187 = arith.mulf %unpack3A_162, %mul3A_186 : vector<16xf32>
    %add3A_188 = arith.addf %add3A_161, %mul3A_187 : vector<16xf32>
    %bitcast3A_189 = vector.bitcast %unpack3A_163 : vector<16xf32> to vector<16xi32>
    %broadcast_in_dim3A_190 = arith.constant 1597463007 : i32
    %broadcast_in_dim3A_191 = vector.broadcast %broadcast_in_dim3A_190 : i32 to vector<16xi32>
    %shift_right_arithmetic3A_192 = arith.constant 1 : i32
    %shift_right_arithmetic3A_193 = vector.broadcast %shift_right_arithmetic3A_192 : i32 to vector<16xi32>
    %shift_right_arithmetic3A_194 = arith.shrsi %bitcast3A_189, %shift_right_arithmetic3A_193 : vector<16xi32>
    %sub3A_195 = arith.subi %broadcast_in_dim3A_191, %shift_right_arithmetic3A_194 : vector<16xi32>
    %bitcast3A_196 = vector.bitcast %sub3A_195 : vector<16xi32> to vector<16xf32>
    %mul3A_197 = arith.constant 5.000000e-01 : f32
    %mul3A_198 = vector.broadcast %mul3A_197 : f32 to vector<16xf32>
    %mul3A_199 = arith.mulf %unpack3A_163, %mul3A_198 : vector<16xf32>
    %mul3A_200 = arith.mulf %mul3A_199, %bitcast3A_196 : vector<16xf32>
    %mul3A_201 = arith.mulf %mul3A_200, %bitcast3A_196 : vector<16xf32>
    %sub3A_202 = arith.constant 1.500000e+00 : f32
    %sub3A_203 = vector.broadcast %sub3A_202 : f32 to vector<16xf32>
    %sub3A_204 = arith.subf %sub3A_203, %mul3A_201 : vector<16xf32>
    %mul3A_205 = arith.mulf %bitcast3A_196, %sub3A_204 : vector<16xf32>
    %mul3A_206 = arith.mulf %mul3A_199, %mul3A_205 : vector<16xf32>
    %mul3A_207 = arith.mulf %mul3A_206, %mul3A_205 : vector<16xf32>
    %sub3A_208 = arith.constant 1.500000e+00 : f32
    %sub3A_209 = vector.broadcast %sub3A_208 : f32 to vector<16xf32>
    %sub3A_210 = arith.subf %sub3A_209, %mul3A_207 : vector<16xf32>
    %mul3A_211 = arith.mulf %mul3A_205, %sub3A_210 : vector<16xf32>
    %mul3A_212 = arith.mulf %unpack3A_163, %mul3A_211 : vector<16xf32>
    %add3A_213 = arith.addf %add3A_188, %mul3A_212 : vector<16xf32>
    %unpack3A_214 = tpu.unpack_subelements %scan3A_109#2, 0 {pack_format = #tpu.pack_format<interleaved>} : vector<32xbf16> -> vector<16xf32>
    %unpack3A_215 = tpu.unpack_subelements %scan3A_109#2, 1 {pack_format = #tpu.pack_format<interleaved>} : vector<32xbf16> -> vector<16xf32>
    %bitcast3A_216 = vector.bitcast %unpack3A_214 : vector<16xf32> to vector<16xi32>
    %broadcast_in_dim3A_217 = arith.constant 1597463007 : i32
    %broadcast_in_dim3A_218 = vector.broadcast %broadcast_in_dim3A_217 : i32 to vector<16xi32>
    %shift_right_arithmetic3A_219 = arith.constant 1 : i32
    %shift_right_arithmetic3A_220 = vector.broadcast %shift_right_arithmetic3A_219 : i32 to vector<16xi32>
    %shift_right_arithmetic3A_221 = arith.shrsi %bitcast3A_216, %shift_right_arithmetic3A_220 : vector<16xi32>
    %sub3A_222 = arith.subi %broadcast_in_dim3A_218, %shift_right_arithmetic3A_221 : vector<16xi32>
    %bitcast3A_223 = vector.bitcast %sub3A_222 : vector<16xi32> to vector<16xf32>
    %mul3A_224 = arith.constant 5.000000e-01 : f32
    %mul3A_225 = vector.broadcast %mul3A_224 : f32 to vector<16xf32>
    %mul3A_226 = arith.mulf %unpack3A_214, %mul3A_225 : vector<16xf32>
    %mul3A_227 = arith.mulf %mul3A_226, %bitcast3A_223 : vector<16xf32>
    %mul3A_228 = arith.mulf %mul3A_227, %bitcast3A_223 : vector<16xf32>
    %sub3A_229 = arith.constant 1.500000e+00 : f32
    %sub3A_230 = vector.broadcast %sub3A_229 : f32 to vector<16xf32>
    %sub3A_231 = arith.subf %sub3A_230, %mul3A_228 : vector<16xf32>
    %mul3A_232 = arith.mulf %bitcast3A_223, %sub3A_231 : vector<16xf32>
    %mul3A_233 = arith.mulf %mul3A_226, %mul3A_232 : vector<16xf32>
    %mul3A_234 = arith.mulf %mul3A_233, %mul3A_232 : vector<16xf32>
    %sub3A_235 = arith.constant 1.500000e+00 : f32
    %sub3A_236 = vector.broadcast %sub3A_235 : f32 to vector<16xf32>
    %sub3A_237 = arith.subf %sub3A_236, %mul3A_234 : vector<16xf32>
    %mul3A_238 = arith.mulf %mul3A_232, %sub3A_237 : vector<16xf32>
    %mul3A_239 = arith.mulf %unpack3A_214, %mul3A_238 : vector<16xf32>
    %add3A_240 = arith.addf %add3A_213, %mul3A_239 : vector<16xf32>
    %bitcast3A_241 = vector.bitcast %unpack3A_215 : vector<16xf32> to vector<16xi32>
    %broadcast_in_dim3A_242 = arith.constant 1597463007 : i32
    %broadcast_in_dim3A_243 = vector.broadcast %broadcast_in_dim3A_242 : i32 to vector<16xi32>
    %shift_right_arithmetic3A_244 = arith.constant 1 : i32
    %shift_right_arithmetic3A_245 = vector.broadcast %shift_right_arithmetic3A_244 : i32 to vector<16xi32>
    %shift_right_arithmetic3A_246 = arith.shrsi %bitcast3A_241, %shift_right_arithmetic3A_245 : vector<16xi32>
    %sub3A_247 = arith.subi %broadcast_in_dim3A_243, %shift_right_arithmetic3A_246 : vector<16xi32>
    %bitcast3A_248 = vector.bitcast %sub3A_247 : vector<16xi32> to vector<16xf32>
    %mul3A_249 = arith.constant 5.000000e-01 : f32
    %mul3A_250 = vector.broadcast %mul3A_249 : f32 to vector<16xf32>
    %mul3A_251 = arith.mulf %unpack3A_215, %mul3A_250 : vector<16xf32>
    %mul3A_252 = arith.mulf %mul3A_251, %bitcast3A_248 : vector<16xf32>
    %mul3A_253 = arith.mulf %mul3A_252, %bitcast3A_248 : vector<16xf32>
    %sub3A_254 = arith.constant 1.500000e+00 : f32
    %sub3A_255 = vector.broadcast %sub3A_254 : f32 to vector<16xf32>
    %sub3A_256 = arith.subf %sub3A_255, %mul3A_253 : vector<16xf32>
    %mul3A_257 = arith.mulf %bitcast3A_248, %sub3A_256 : vector<16xf32>
    %mul3A_258 = arith.mulf %mul3A_251, %mul3A_257 : vector<16xf32>
    %mul3A_259 = arith.mulf %mul3A_258, %mul3A_257 : vector<16xf32>
    %sub3A_260 = arith.constant 1.500000e+00 : f32
    %sub3A_261 = vector.broadcast %sub3A_260 : f32 to vector<16xf32>
    %sub3A_262 = arith.subf %sub3A_261, %mul3A_259 : vector<16xf32>
    %mul3A_263 = arith.mulf %mul3A_257, %sub3A_262 : vector<16xf32>
    %mul3A_264 = arith.mulf %unpack3A_215, %mul3A_263 : vector<16xf32>
    %add3A_265 = arith.addf %add3A_240, %mul3A_264 : vector<16xf32>
    %unpack3A_266 = tpu.unpack_subelements %scan3A_109#3, 0 {pack_format = #tpu.pack_format<interleaved>} : vector<32xbf16> -> vector<16xf32>
    %unpack3A_267 = tpu.unpack_subelements %scan3A_109#3, 1 {pack_format = #tpu.pack_format<interleaved>} : vector<32xbf16> -> vector<16xf32>
    %bitcast3A_268 = vector.bitcast %unpack3A_266 : vector<16xf32> to vector<16xi32>
    %broadcast_in_dim3A_269 = arith.constant 1597463007 : i32
    %broadcast_in_dim3A_270 = vector.broadcast %broadcast_in_dim3A_269 : i32 to vector<16xi32>
    %shift_right_arithmetic3A_271 = arith.constant 1 : i32
    %shift_right_arithmetic3A_272 = vector.broadcast %shift_right_arithmetic3A_271 : i32 to vector<16xi32>
    %shift_right_arithmetic3A_273 = arith.shrsi %bitcast3A_268, %shift_right_arithmetic3A_272 : vector<16xi32>
    %sub3A_274 = arith.subi %broadcast_in_dim3A_270, %shift_right_arithmetic3A_273 : vector<16xi32>
    %bitcast3A_275 = vector.bitcast %sub3A_274 : vector<16xi32> to vector<16xf32>
    %mul3A_276 = arith.constant 5.000000e-01 : f32
    %mul3A_277 = vector.broadcast %mul3A_276 : f32 to vector<16xf32>
    %mul3A_278 = arith.mulf %unpack3A_266, %mul3A_277 : vector<16xf32>
    %mul3A_279 = arith.mulf %mul3A_278, %bitcast3A_275 : vector<16xf32>
    %mul3A_280 = arith.mulf %mul3A_279, %bitcast3A_275 : vector<16xf32>
    %sub3A_281 = arith.constant 1.500000e+00 : f32
    %sub3A_282 = vector.broadcast %sub3A_281 : f32 to vector<16xf32>
    %sub3A_283 = arith.subf %sub3A_282, %mul3A_280 : vector<16xf32>
    %mul3A_284 = arith.mulf %bitcast3A_275, %sub3A_283 : vector<16xf32>
    %mul3A_285 = arith.mulf %mul3A_278, %mul3A_284 : vector<16xf32>
    %mul3A_286 = arith.mulf %mul3A_285, %mul3A_284 : vector<16xf32>
    %sub3A_287 = arith.constant 1.500000e+00 : f32
    %sub3A_288 = vector.broadcast %sub3A_287 : f32 to vector<16xf32>
    %sub3A_289 = arith.subf %sub3A_288, %mul3A_286 : vector<16xf32>
    %mul3A_290 = arith.mulf %mul3A_284, %sub3A_289 : vector<16xf32>
    %mul3A_291 = arith.mulf %unpack3A_266, %mul3A_290 : vector<16xf32>
    %add3A_292 = arith.addf %add3A_265, %mul3A_291 : vector<16xf32>
    %bitcast3A_293 = vector.bitcast %unpack3A_267 : vector<16xf32> to vector<16xi32>
    %broadcast_in_dim3A_294 = arith.constant 1597463007 : i32
    %broadcast_in_dim3A_295 = vector.broadcast %broadcast_in_dim3A_294 : i32 to vector<16xi32>
    %shift_right_arithmetic3A_296 = arith.constant 1 : i32
    %shift_right_arithmetic3A_297 = vector.broadcast %shift_right_arithmetic3A_296 : i32 to vector<16xi32>
    %shift_right_arithmetic3A_298 = arith.shrsi %bitcast3A_293, %shift_right_arithmetic3A_297 : vector<16xi32>
    %sub3A_299 = arith.subi %broadcast_in_dim3A_295, %shift_right_arithmetic3A_298 : vector<16xi32>
    %bitcast3A_300 = vector.bitcast %sub3A_299 : vector<16xi32> to vector<16xf32>
    %mul3A_301 = arith.constant 5.000000e-01 : f32
    %mul3A_302 = vector.broadcast %mul3A_301 : f32 to vector<16xf32>
    %mul3A_303 = arith.mulf %unpack3A_267, %mul3A_302 : vector<16xf32>
    %mul3A_304 = arith.mulf %mul3A_303, %bitcast3A_300 : vector<16xf32>
    %mul3A_305 = arith.mulf %mul3A_304, %bitcast3A_300 : vector<16xf32>
    %sub3A_306 = arith.constant 1.500000e+00 : f32
    %sub3A_307 = vector.broadcast %sub3A_306 : f32 to vector<16xf32>
    %sub3A_308 = arith.subf %sub3A_307, %mul3A_305 : vector<16xf32>
    %mul3A_309 = arith.mulf %bitcast3A_300, %sub3A_308 : vector<16xf32>
    %mul3A_310 = arith.mulf %mul3A_303, %mul3A_309 : vector<16xf32>
    %mul3A_311 = arith.mulf %mul3A_310, %mul3A_309 : vector<16xf32>
    %sub3A_312 = arith.constant 1.500000e+00 : f32
    %sub3A_313 = vector.broadcast %sub3A_312 : f32 to vector<16xf32>
    %sub3A_314 = arith.subf %sub3A_313, %mul3A_311 : vector<16xf32>
    %mul3A_315 = arith.mulf %mul3A_309, %sub3A_314 : vector<16xf32>
    %mul3A_316 = arith.mulf %unpack3A_267, %mul3A_315 : vector<16xf32>
    %add3A_317 = arith.addf %add3A_292, %mul3A_316 : vector<16xf32>
    %unpack3A_318 = tpu.unpack_subelements %scan3A_109#4, 0 {pack_format = #tpu.pack_format<interleaved>} : vector<32xbf16> -> vector<16xf32>
    %unpack3A_319 = tpu.unpack_subelements %scan3A_109#4, 1 {pack_format = #tpu.pack_format<interleaved>} : vector<32xbf16> -> vector<16xf32>
    %bitcast3A_320 = vector.bitcast %unpack3A_318 : vector<16xf32> to vector<16xi32>
    %broadcast_in_dim3A_321 = arith.constant 1597463007 : i32
    %broadcast_in_dim3A_322 = vector.broadcast %broadcast_in_dim3A_321 : i32 to vector<16xi32>
    %shift_right_arithmetic3A_323 = arith.constant 1 : i32
    %shift_right_arithmetic3A_324 = vector.broadcast %shift_right_arithmetic3A_323 : i32 to vector<16xi32>
    %shift_right_arithmetic3A_325 = arith.shrsi %bitcast3A_320, %shift_right_arithmetic3A_324 : vector<16xi32>
    %sub3A_326 = arith.subi %broadcast_in_dim3A_322, %shift_right_arithmetic3A_325 : vector<16xi32>
    %bitcast3A_327 = vector.bitcast %sub3A_326 : vector<16xi32> to vector<16xf32>
    %mul3A_328 = arith.constant 5.000000e-01 : f32
    %mul3A_329 = vector.broadcast %mul3A_328 : f32 to vector<16xf32>
    %mul3A_330 = arith.mulf %unpack3A_318, %mul3A_329 : vector<16xf32>
    %mul3A_331 = arith.mulf %mul3A_330, %bitcast3A_327 : vector<16xf32>
    %mul3A_332 = arith.mulf %mul3A_331, %bitcast3A_327 : vector<16xf32>
    %sub3A_333 = arith.constant 1.500000e+00 : f32
    %sub3A_334 = vector.broadcast %sub3A_333 : f32 to vector<16xf32>
    %sub3A_335 = arith.subf %sub3A_334, %mul3A_332 : vector<16xf32>
    %mul3A_336 = arith.mulf %bitcast3A_327, %sub3A_335 : vector<16xf32>
    %mul3A_337 = arith.mulf %mul3A_330, %mul3A_336 : vector<16xf32>
    %mul3A_338 = arith.mulf %mul3A_337, %mul3A_336 : vector<16xf32>
    %sub3A_339 = arith.constant 1.500000e+00 : f32
    %sub3A_340 = vector.broadcast %sub3A_339 : f32 to vector<16xf32>
    %sub3A_341 = arith.subf %sub3A_340, %mul3A_338 : vector<16xf32>
    %mul3A_342 = arith.mulf %mul3A_336, %sub3A_341 : vector<16xf32>
    %mul3A_343 = arith.mulf %unpack3A_318, %mul3A_342 : vector<16xf32>
    %add3A_344 = arith.addf %add3A_317, %mul3A_343 : vector<16xf32>
    %bitcast3A_345 = vector.bitcast %unpack3A_319 : vector<16xf32> to vector<16xi32>
    %broadcast_in_dim3A_346 = arith.constant 1597463007 : i32
    %broadcast_in_dim3A_347 = vector.broadcast %broadcast_in_dim3A_346 : i32 to vector<16xi32>
    %shift_right_arithmetic3A_348 = arith.constant 1 : i32
    %shift_right_arithmetic3A_349 = vector.broadcast %shift_right_arithmetic3A_348 : i32 to vector<16xi32>
    %shift_right_arithmetic3A_350 = arith.shrsi %bitcast3A_345, %shift_right_arithmetic3A_349 : vector<16xi32>
    %sub3A_351 = arith.subi %broadcast_in_dim3A_347, %shift_right_arithmetic3A_350 : vector<16xi32>
    %bitcast3A_352 = vector.bitcast %sub3A_351 : vector<16xi32> to vector<16xf32>
    %mul3A_353 = arith.constant 5.000000e-01 : f32
    %mul3A_354 = vector.broadcast %mul3A_353 : f32 to vector<16xf32>
    %mul3A_355 = arith.mulf %unpack3A_319, %mul3A_354 : vector<16xf32>
    %mul3A_356 = arith.mulf %mul3A_355, %bitcast3A_352 : vector<16xf32>
    %mul3A_357 = arith.mulf %mul3A_356, %bitcast3A_352 : vector<16xf32>
    %sub3A_358 = arith.constant 1.500000e+00 : f32
    %sub3A_359 = vector.broadcast %sub3A_358 : f32 to vector<16xf32>
    %sub3A_360 = arith.subf %sub3A_359, %mul3A_357 : vector<16xf32>
    %mul3A_361 = arith.mulf %bitcast3A_352, %sub3A_360 : vector<16xf32>
    %mul3A_362 = arith.mulf %mul3A_355, %mul3A_361 : vector<16xf32>
    %mul3A_363 = arith.mulf %mul3A_362, %mul3A_361 : vector<16xf32>
    %sub3A_364 = arith.constant 1.500000e+00 : f32
    %sub3A_365 = vector.broadcast %sub3A_364 : f32 to vector<16xf32>
    %sub3A_366 = arith.subf %sub3A_365, %mul3A_363 : vector<16xf32>
    %mul3A_367 = arith.mulf %mul3A_361, %sub3A_366 : vector<16xf32>
    %mul3A_368 = arith.mulf %unpack3A_319, %mul3A_367 : vector<16xf32>
    %add3A_369 = arith.addf %add3A_344, %mul3A_368 : vector<16xf32>
    %unpack3A_370 = tpu.unpack_subelements %scan3A_109#5, 0 {pack_format = #tpu.pack_format<interleaved>} : vector<32xbf16> -> vector<16xf32>
    %unpack3A_371 = tpu.unpack_subelements %scan3A_109#5, 1 {pack_format = #tpu.pack_format<interleaved>} : vector<32xbf16> -> vector<16xf32>
    %bitcast3A_372 = vector.bitcast %unpack3A_370 : vector<16xf32> to vector<16xi32>
    %broadcast_in_dim3A_373 = arith.constant 1597463007 : i32
    %broadcast_in_dim3A_374 = vector.broadcast %broadcast_in_dim3A_373 : i32 to vector<16xi32>
    %shift_right_arithmetic3A_375 = arith.constant 1 : i32
    %shift_right_arithmetic3A_376 = vector.broadcast %shift_right_arithmetic3A_375 : i32 to vector<16xi32>
    %shift_right_arithmetic3A_377 = arith.shrsi %bitcast3A_372, %shift_right_arithmetic3A_376 : vector<16xi32>
    %sub3A_378 = arith.subi %broadcast_in_dim3A_374, %shift_right_arithmetic3A_377 : vector<16xi32>
    %bitcast3A_379 = vector.bitcast %sub3A_378 : vector<16xi32> to vector<16xf32>
    %mul3A_380 = arith.constant 5.000000e-01 : f32
    %mul3A_381 = vector.broadcast %mul3A_380 : f32 to vector<16xf32>
    %mul3A_382 = arith.mulf %unpack3A_370, %mul3A_381 : vector<16xf32>
    %mul3A_383 = arith.mulf %mul3A_382, %bitcast3A_379 : vector<16xf32>
    %mul3A_384 = arith.mulf %mul3A_383, %bitcast3A_379 : vector<16xf32>
    %sub3A_385 = arith.constant 1.500000e+00 : f32
    %sub3A_386 = vector.broadcast %sub3A_385 : f32 to vector<16xf32>
    %sub3A_387 = arith.subf %sub3A_386, %mul3A_384 : vector<16xf32>
    %mul3A_388 = arith.mulf %bitcast3A_379, %sub3A_387 : vector<16xf32>
    %mul3A_389 = arith.mulf %mul3A_382, %mul3A_388 : vector<16xf32>
    %mul3A_390 = arith.mulf %mul3A_389, %mul3A_388 : vector<16xf32>
    %sub3A_391 = arith.constant 1.500000e+00 : f32
    %sub3A_392 = vector.broadcast %sub3A_391 : f32 to vector<16xf32>
    %sub3A_393 = arith.subf %sub3A_392, %mul3A_390 : vector<16xf32>
    %mul3A_394 = arith.mulf %mul3A_388, %sub3A_393 : vector<16xf32>
    %mul3A_395 = arith.mulf %unpack3A_370, %mul3A_394 : vector<16xf32>
    %add3A_396 = arith.addf %add3A_369, %mul3A_395 : vector<16xf32>
    %bitcast3A_397 = vector.bitcast %unpack3A_371 : vector<16xf32> to vector<16xi32>
    %broadcast_in_dim3A_398 = arith.constant 1597463007 : i32
    %broadcast_in_dim3A_399 = vector.broadcast %broadcast_in_dim3A_398 : i32 to vector<16xi32>
    %shift_right_arithmetic3A_400 = arith.constant 1 : i32
    %shift_right_arithmetic3A_401 = vector.broadcast %shift_right_arithmetic3A_400 : i32 to vector<16xi32>
    %shift_right_arithmetic3A_402 = arith.shrsi %bitcast3A_397, %shift_right_arithmetic3A_401 : vector<16xi32>
    %sub3A_403 = arith.subi %broadcast_in_dim3A_399, %shift_right_arithmetic3A_402 : vector<16xi32>
    %bitcast3A_404 = vector.bitcast %sub3A_403 : vector<16xi32> to vector<16xf32>
    %mul3A_405 = arith.constant 5.000000e-01 : f32
    %mul3A_406 = vector.broadcast %mul3A_405 : f32 to vector<16xf32>
    %mul3A_407 = arith.mulf %unpack3A_371, %mul3A_406 : vector<16xf32>
    %mul3A_408 = arith.mulf %mul3A_407, %bitcast3A_404 : vector<16xf32>
    %mul3A_409 = arith.mulf %mul3A_408, %bitcast3A_404 : vector<16xf32>
    %sub3A_410 = arith.constant 1.500000e+00 : f32
    %sub3A_411 = vector.broadcast %sub3A_410 : f32 to vector<16xf32>
    %sub3A_412 = arith.subf %sub3A_411, %mul3A_409 : vector<16xf32>
    %mul3A_413 = arith.mulf %bitcast3A_404, %sub3A_412 : vector<16xf32>
    %mul3A_414 = arith.mulf %mul3A_407, %mul3A_413 : vector<16xf32>
    %mul3A_415 = arith.mulf %mul3A_414, %mul3A_413 : vector<16xf32>
    %sub3A_416 = arith.constant 1.500000e+00 : f32
    %sub3A_417 = vector.broadcast %sub3A_416 : f32 to vector<16xf32>
    %sub3A_418 = arith.subf %sub3A_417, %mul3A_415 : vector<16xf32>
    %mul3A_419 = arith.mulf %mul3A_413, %sub3A_418 : vector<16xf32>
    %mul3A_420 = arith.mulf %unpack3A_371, %mul3A_419 : vector<16xf32>
    %add3A_421 = arith.addf %add3A_396, %mul3A_420 : vector<16xf32>
    %unpack3A_422 = tpu.unpack_subelements %scan3A_109#6, 0 {pack_format = #tpu.pack_format<interleaved>} : vector<32xbf16> -> vector<16xf32>
    %unpack3A_423 = tpu.unpack_subelements %scan3A_109#6, 1 {pack_format = #tpu.pack_format<interleaved>} : vector<32xbf16> -> vector<16xf32>
    %bitcast3A_424 = vector.bitcast %unpack3A_422 : vector<16xf32> to vector<16xi32>
    %broadcast_in_dim3A_425 = arith.constant 1597463007 : i32
    %broadcast_in_dim3A_426 = vector.broadcast %broadcast_in_dim3A_425 : i32 to vector<16xi32>
    %shift_right_arithmetic3A_427 = arith.constant 1 : i32
    %shift_right_arithmetic3A_428 = vector.broadcast %shift_right_arithmetic3A_427 : i32 to vector<16xi32>
    %shift_right_arithmetic3A_429 = arith.shrsi %bitcast3A_424, %shift_right_arithmetic3A_428 : vector<16xi32>
    %sub3A_430 = arith.subi %broadcast_in_dim3A_426, %shift_right_arithmetic3A_429 : vector<16xi32>
    %bitcast3A_431 = vector.bitcast %sub3A_430 : vector<16xi32> to vector<16xf32>
    %mul3A_432 = arith.constant 5.000000e-01 : f32
    %mul3A_433 = vector.broadcast %mul3A_432 : f32 to vector<16xf32>
    %mul3A_434 = arith.mulf %unpack3A_422, %mul3A_433 : vector<16xf32>
    %mul3A_435 = arith.mulf %mul3A_434, %bitcast3A_431 : vector<16xf32>
    %mul3A_436 = arith.mulf %mul3A_435, %bitcast3A_431 : vector<16xf32>
    %sub3A_437 = arith.constant 1.500000e+00 : f32
    %sub3A_438 = vector.broadcast %sub3A_437 : f32 to vector<16xf32>
    %sub3A_439 = arith.subf %sub3A_438, %mul3A_436 : vector<16xf32>
    %mul3A_440 = arith.mulf %bitcast3A_431, %sub3A_439 : vector<16xf32>
    %mul3A_441 = arith.mulf %mul3A_434, %mul3A_440 : vector<16xf32>
    %mul3A_442 = arith.mulf %mul3A_441, %mul3A_440 : vector<16xf32>
    %sub3A_443 = arith.constant 1.500000e+00 : f32
    %sub3A_444 = vector.broadcast %sub3A_443 : f32 to vector<16xf32>
    %sub3A_445 = arith.subf %sub3A_444, %mul3A_442 : vector<16xf32>
    %mul3A_446 = arith.mulf %mul3A_440, %sub3A_445 : vector<16xf32>
    %mul3A_447 = arith.mulf %unpack3A_422, %mul3A_446 : vector<16xf32>
    %add3A_448 = arith.addf %add3A_421, %mul3A_447 : vector<16xf32>
    %bitcast3A_449 = vector.bitcast %unpack3A_423 : vector<16xf32> to vector<16xi32>
    %broadcast_in_dim3A_450 = arith.constant 1597463007 : i32
    %broadcast_in_dim3A_451 = vector.broadcast %broadcast_in_dim3A_450 : i32 to vector<16xi32>
    %shift_right_arithmetic3A_452 = arith.constant 1 : i32
    %shift_right_arithmetic3A_453 = vector.broadcast %shift_right_arithmetic3A_452 : i32 to vector<16xi32>
    %shift_right_arithmetic3A_454 = arith.shrsi %bitcast3A_449, %shift_right_arithmetic3A_453 : vector<16xi32>
    %sub3A_455 = arith.subi %broadcast_in_dim3A_451, %shift_right_arithmetic3A_454 : vector<16xi32>
    %bitcast3A_456 = vector.bitcast %sub3A_455 : vector<16xi32> to vector<16xf32>
    %mul3A_457 = arith.constant 5.000000e-01 : f32
    %mul3A_458 = vector.broadcast %mul3A_457 : f32 to vector<16xf32>
    %mul3A_459 = arith.mulf %unpack3A_423, %mul3A_458 : vector<16xf32>
    %mul3A_460 = arith.mulf %mul3A_459, %bitcast3A_456 : vector<16xf32>
    %mul3A_461 = arith.mulf %mul3A_460, %bitcast3A_456 : vector<16xf32>
    %sub3A_462 = arith.constant 1.500000e+00 : f32
    %sub3A_463 = vector.broadcast %sub3A_462 : f32 to vector<16xf32>
    %sub3A_464 = arith.subf %sub3A_463, %mul3A_461 : vector<16xf32>
    %mul3A_465 = arith.mulf %bitcast3A_456, %sub3A_464 : vector<16xf32>
    %mul3A_466 = arith.mulf %mul3A_459, %mul3A_465 : vector<16xf32>
    %mul3A_467 = arith.mulf %mul3A_466, %mul3A_465 : vector<16xf32>
    %sub3A_468 = arith.constant 1.500000e+00 : f32
    %sub3A_469 = vector.broadcast %sub3A_468 : f32 to vector<16xf32>
    %sub3A_470 = arith.subf %sub3A_469, %mul3A_467 : vector<16xf32>
    %mul3A_471 = arith.mulf %mul3A_465, %sub3A_470 : vector<16xf32>
    %mul3A_472 = arith.mulf %unpack3A_423, %mul3A_471 : vector<16xf32>
    %add3A_473 = arith.addf %add3A_448, %mul3A_472 : vector<16xf32>
    %unpack3A_474 = tpu.unpack_subelements %scan3A_109#7, 0 {pack_format = #tpu.pack_format<interleaved>} : vector<32xbf16> -> vector<16xf32>
    %unpack3A_475 = tpu.unpack_subelements %scan3A_109#7, 1 {pack_format = #tpu.pack_format<interleaved>} : vector<32xbf16> -> vector<16xf32>
    %bitcast3A_476 = vector.bitcast %unpack3A_474 : vector<16xf32> to vector<16xi32>
    %broadcast_in_dim3A_477 = arith.constant 1597463007 : i32
    %broadcast_in_dim3A_478 = vector.broadcast %broadcast_in_dim3A_477 : i32 to vector<16xi32>
    %shift_right_arithmetic3A_479 = arith.constant 1 : i32
    %shift_right_arithmetic3A_480 = vector.broadcast %shift_right_arithmetic3A_479 : i32 to vector<16xi32>
    %shift_right_arithmetic3A_481 = arith.shrsi %bitcast3A_476, %shift_right_arithmetic3A_480 : vector<16xi32>
    %sub3A_482 = arith.subi %broadcast_in_dim3A_478, %shift_right_arithmetic3A_481 : vector<16xi32>
    %bitcast3A_483 = vector.bitcast %sub3A_482 : vector<16xi32> to vector<16xf32>
    %mul3A_484 = arith.constant 5.000000e-01 : f32
    %mul3A_485 = vector.broadcast %mul3A_484 : f32 to vector<16xf32>
    %mul3A_486 = arith.mulf %unpack3A_474, %mul3A_485 : vector<16xf32>
    %mul3A_487 = arith.mulf %mul3A_486, %bitcast3A_483 : vector<16xf32>
    %mul3A_488 = arith.mulf %mul3A_487, %bitcast3A_483 : vector<16xf32>
    %sub3A_489 = arith.constant 1.500000e+00 : f32
    %sub3A_490 = vector.broadcast %sub3A_489 : f32 to vector<16xf32>
    %sub3A_491 = arith.subf %sub3A_490, %mul3A_488 : vector<16xf32>
    %mul3A_492 = arith.mulf %bitcast3A_483, %sub3A_491 : vector<16xf32>
    %mul3A_493 = arith.mulf %mul3A_486, %mul3A_492 : vector<16xf32>
    %mul3A_494 = arith.mulf %mul3A_493, %mul3A_492 : vector<16xf32>
    %sub3A_495 = arith.constant 1.500000e+00 : f32
    %sub3A_496 = vector.broadcast %sub3A_495 : f32 to vector<16xf32>
    %sub3A_497 = arith.subf %sub3A_496, %mul3A_494 : vector<16xf32>
    %mul3A_498 = arith.mulf %mul3A_492, %sub3A_497 : vector<16xf32>
    %mul3A_499 = arith.mulf %unpack3A_474, %mul3A_498 : vector<16xf32>
    %add3A_500 = arith.addf %add3A_473, %mul3A_499 : vector<16xf32>
    %bitcast3A_501 = vector.bitcast %unpack3A_475 : vector<16xf32> to vector<16xi32>
    %broadcast_in_dim3A_502 = arith.constant 1597463007 : i32
    %broadcast_in_dim3A_503 = vector.broadcast %broadcast_in_dim3A_502 : i32 to vector<16xi32>
    %shift_right_arithmetic3A_504 = arith.constant 1 : i32
    %shift_right_arithmetic3A_505 = vector.broadcast %shift_right_arithmetic3A_504 : i32 to vector<16xi32>
    %shift_right_arithmetic3A_506 = arith.shrsi %bitcast3A_501, %shift_right_arithmetic3A_505 : vector<16xi32>
    %sub3A_507 = arith.subi %broadcast_in_dim3A_503, %shift_right_arithmetic3A_506 : vector<16xi32>
    %bitcast3A_508 = vector.bitcast %sub3A_507 : vector<16xi32> to vector<16xf32>
    %mul3A_509 = arith.constant 5.000000e-01 : f32
    %mul3A_510 = vector.broadcast %mul3A_509 : f32 to vector<16xf32>
    %mul3A_511 = arith.mulf %unpack3A_475, %mul3A_510 : vector<16xf32>
    %mul3A_512 = arith.mulf %mul3A_511, %bitcast3A_508 : vector<16xf32>
    %mul3A_513 = arith.mulf %mul3A_512, %bitcast3A_508 : vector<16xf32>
    %sub3A_514 = arith.constant 1.500000e+00 : f32
    %sub3A_515 = vector.broadcast %sub3A_514 : f32 to vector<16xf32>
    %sub3A_516 = arith.subf %sub3A_515, %mul3A_513 : vector<16xf32>
    %mul3A_517 = arith.mulf %bitcast3A_508, %sub3A_516 : vector<16xf32>
    %mul3A_518 = arith.mulf %mul3A_511, %mul3A_517 : vector<16xf32>
    %mul3A_519 = arith.mulf %mul3A_518, %mul3A_517 : vector<16xf32>
    %sub3A_520 = arith.constant 1.500000e+00 : f32
    %sub3A_521 = vector.broadcast %sub3A_520 : f32 to vector<16xf32>
    %sub3A_522 = arith.subf %sub3A_521, %mul3A_519 : vector<16xf32>
    %mul3A_523 = arith.mulf %mul3A_517, %sub3A_522 : vector<16xf32>
    %mul3A_524 = arith.mulf %unpack3A_475, %mul3A_523 : vector<16xf32>
    %add3A_525 = arith.addf %add3A_500, %mul3A_524 : vector<16xf32>
    %unpack3A_526 = tpu.unpack_subelements %scan3A_109#8, 0 {pack_format = #tpu.pack_format<interleaved>} : vector<32xbf16> -> vector<16xf32>
    %unpack3A_527 = tpu.unpack_subelements %scan3A_109#8, 1 {pack_format = #tpu.pack_format<interleaved>} : vector<32xbf16> -> vector<16xf32>
    %bitcast3A_528 = vector.bitcast %unpack3A_526 : vector<16xf32> to vector<16xi32>
    %broadcast_in_dim3A_529 = arith.constant 1597463007 : i32
    %broadcast_in_dim3A_530 = vector.broadcast %broadcast_in_dim3A_529 : i32 to vector<16xi32>
    %shift_right_arithmetic3A_531 = arith.constant 1 : i32
    %shift_right_arithmetic3A_532 = vector.broadcast %shift_right_arithmetic3A_531 : i32 to vector<16xi32>
    %shift_right_arithmetic3A_533 = arith.shrsi %bitcast3A_528, %shift_right_arithmetic3A_532 : vector<16xi32>
    %sub3A_534 = arith.subi %broadcast_in_dim3A_530, %shift_right_arithmetic3A_533 : vector<16xi32>
    %bitcast3A_535 = vector.bitcast %sub3A_534 : vector<16xi32> to vector<16xf32>
    %mul3A_536 = arith.constant 5.000000e-01 : f32
    %mul3A_537 = vector.broadcast %mul3A_536 : f32 to vector<16xf32>
    %mul3A_538 = arith.mulf %unpack3A_526, %mul3A_537 : vector<16xf32>
    %mul3A_539 = arith.mulf %mul3A_538, %bitcast3A_535 : vector<16xf32>
    %mul3A_540 = arith.mulf %mul3A_539, %bitcast3A_535 : vector<16xf32>
    %sub3A_541 = arith.constant 1.500000e+00 : f32
    %sub3A_542 = vector.broadcast %sub3A_541 : f32 to vector<16xf32>
    %sub3A_543 = arith.subf %sub3A_542, %mul3A_540 : vector<16xf32>
    %mul3A_544 = arith.mulf %bitcast3A_535, %sub3A_543 : vector<16xf32>
    %mul3A_545 = arith.mulf %mul3A_538, %mul3A_544 : vector<16xf32>
    %mul3A_546 = arith.mulf %mul3A_545, %mul3A_544 : vector<16xf32>
    %sub3A_547 = arith.constant 1.500000e+00 : f32
    %sub3A_548 = vector.broadcast %sub3A_547 : f32 to vector<16xf32>
    %sub3A_549 = arith.subf %sub3A_548, %mul3A_546 : vector<16xf32>
    %mul3A_550 = arith.mulf %mul3A_544, %sub3A_549 : vector<16xf32>
    %mul3A_551 = arith.mulf %unpack3A_526, %mul3A_550 : vector<16xf32>
    %add3A_552 = arith.addf %add3A_525, %mul3A_551 : vector<16xf32>
    %bitcast3A_553 = vector.bitcast %unpack3A_527 : vector<16xf32> to vector<16xi32>
    %broadcast_in_dim3A_554 = arith.constant 1597463007 : i32
    %broadcast_in_dim3A_555 = vector.broadcast %broadcast_in_dim3A_554 : i32 to vector<16xi32>
    %shift_right_arithmetic3A_556 = arith.constant 1 : i32
    %shift_right_arithmetic3A_557 = vector.broadcast %shift_right_arithmetic3A_556 : i32 to vector<16xi32>
    %shift_right_arithmetic3A_558 = arith.shrsi %bitcast3A_553, %shift_right_arithmetic3A_557 : vector<16xi32>
    %sub3A_559 = arith.subi %broadcast_in_dim3A_555, %shift_right_arithmetic3A_558 : vector<16xi32>
    %bitcast3A_560 = vector.bitcast %sub3A_559 : vector<16xi32> to vector<16xf32>
    %mul3A_561 = arith.constant 5.000000e-01 : f32
    %mul3A_562 = vector.broadcast %mul3A_561 : f32 to vector<16xf32>
    %mul3A_563 = arith.mulf %unpack3A_527, %mul3A_562 : vector<16xf32>
    %mul3A_564 = arith.mulf %mul3A_563, %bitcast3A_560 : vector<16xf32>
    %mul3A_565 = arith.mulf %mul3A_564, %bitcast3A_560 : vector<16xf32>
    %sub3A_566 = arith.constant 1.500000e+00 : f32
    %sub3A_567 = vector.broadcast %sub3A_566 : f32 to vector<16xf32>
    %sub3A_568 = arith.subf %sub3A_567, %mul3A_565 : vector<16xf32>
    %mul3A_569 = arith.mulf %bitcast3A_560, %sub3A_568 : vector<16xf32>
    %mul3A_570 = arith.mulf %mul3A_563, %mul3A_569 : vector<16xf32>
    %mul3A_571 = arith.mulf %mul3A_570, %mul3A_569 : vector<16xf32>
    %sub3A_572 = arith.constant 1.500000e+00 : f32
    %sub3A_573 = vector.broadcast %sub3A_572 : f32 to vector<16xf32>
    %sub3A_574 = arith.subf %sub3A_573, %mul3A_571 : vector<16xf32>
    %mul3A_575 = arith.mulf %mul3A_569, %sub3A_574 : vector<16xf32>
    %mul3A_576 = arith.mulf %unpack3A_527, %mul3A_575 : vector<16xf32>
    %add3A_577 = arith.addf %add3A_552, %mul3A_576 : vector<16xf32>
    %unpack3A_578 = tpu.unpack_subelements %scan3A_109#9, 0 {pack_format = #tpu.pack_format<interleaved>} : vector<32xbf16> -> vector<16xf32>
    %unpack3A_579 = tpu.unpack_subelements %scan3A_109#9, 1 {pack_format = #tpu.pack_format<interleaved>} : vector<32xbf16> -> vector<16xf32>
    %bitcast3A_580 = vector.bitcast %unpack3A_578 : vector<16xf32> to vector<16xi32>
    %broadcast_in_dim3A_581 = arith.constant 1597463007 : i32
    %broadcast_in_dim3A_582 = vector.broadcast %broadcast_in_dim3A_581 : i32 to vector<16xi32>
    %shift_right_arithmetic3A_583 = arith.constant 1 : i32
    %shift_right_arithmetic3A_584 = vector.broadcast %shift_right_arithmetic3A_583 : i32 to vector<16xi32>
    %shift_right_arithmetic3A_585 = arith.shrsi %bitcast3A_580, %shift_right_arithmetic3A_584 : vector<16xi32>
    %sub3A_586 = arith.subi %broadcast_in_dim3A_582, %shift_right_arithmetic3A_585 : vector<16xi32>
    %bitcast3A_587 = vector.bitcast %sub3A_586 : vector<16xi32> to vector<16xf32>
    %mul3A_588 = arith.constant 5.000000e-01 : f32
    %mul3A_589 = vector.broadcast %mul3A_588 : f32 to vector<16xf32>
    %mul3A_590 = arith.mulf %unpack3A_578, %mul3A_589 : vector<16xf32>
    %mul3A_591 = arith.mulf %mul3A_590, %bitcast3A_587 : vector<16xf32>
    %mul3A_592 = arith.mulf %mul3A_591, %bitcast3A_587 : vector<16xf32>
    %sub3A_593 = arith.constant 1.500000e+00 : f32
    %sub3A_594 = vector.broadcast %sub3A_593 : f32 to vector<16xf32>
    %sub3A_595 = arith.subf %sub3A_594, %mul3A_592 : vector<16xf32>
    %mul3A_596 = arith.mulf %bitcast3A_587, %sub3A_595 : vector<16xf32>
    %mul3A_597 = arith.mulf %mul3A_590, %mul3A_596 : vector<16xf32>
    %mul3A_598 = arith.mulf %mul3A_597, %mul3A_596 : vector<16xf32>
    %sub3A_599 = arith.constant 1.500000e+00 : f32
    %sub3A_600 = vector.broadcast %sub3A_599 : f32 to vector<16xf32>
    %sub3A_601 = arith.subf %sub3A_600, %mul3A_598 : vector<16xf32>
    %mul3A_602 = arith.mulf %mul3A_596, %sub3A_601 : vector<16xf32>
    %mul3A_603 = arith.mulf %unpack3A_578, %mul3A_602 : vector<16xf32>
    %add3A_604 = arith.addf %add3A_577, %mul3A_603 : vector<16xf32>
    %bitcast3A_605 = vector.bitcast %unpack3A_579 : vector<16xf32> to vector<16xi32>
    %broadcast_in_dim3A_606 = arith.constant 1597463007 : i32
    %broadcast_in_dim3A_607 = vector.broadcast %broadcast_in_dim3A_606 : i32 to vector<16xi32>
    %shift_right_arithmetic3A_608 = arith.constant 1 : i32
    %shift_right_arithmetic3A_609 = vector.broadcast %shift_right_arithmetic3A_608 : i32 to vector<16xi32>
    %shift_right_arithmetic3A_610 = arith.shrsi %bitcast3A_605, %shift_right_arithmetic3A_609 : vector<16xi32>
    %sub3A_611 = arith.subi %broadcast_in_dim3A_607, %shift_right_arithmetic3A_610 : vector<16xi32>
    %bitcast3A_612 = vector.bitcast %sub3A_611 : vector<16xi32> to vector<16xf32>
    %mul3A_613 = arith.constant 5.000000e-01 : f32
    %mul3A_614 = vector.broadcast %mul3A_613 : f32 to vector<16xf32>
    %mul3A_615 = arith.mulf %unpack3A_579, %mul3A_614 : vector<16xf32>
    %mul3A_616 = arith.mulf %mul3A_615, %bitcast3A_612 : vector<16xf32>
    %mul3A_617 = arith.mulf %mul3A_616, %bitcast3A_612 : vector<16xf32>
    %sub3A_618 = arith.constant 1.500000e+00 : f32
    %sub3A_619 = vector.broadcast %sub3A_618 : f32 to vector<16xf32>
    %sub3A_620 = arith.subf %sub3A_619, %mul3A_617 : vector<16xf32>
    %mul3A_621 = arith.mulf %bitcast3A_612, %sub3A_620 : vector<16xf32>
    %mul3A_622 = arith.mulf %mul3A_615, %mul3A_621 : vector<16xf32>
    %mul3A_623 = arith.mulf %mul3A_622, %mul3A_621 : vector<16xf32>
    %sub3A_624 = arith.constant 1.500000e+00 : f32
    %sub3A_625 = vector.broadcast %sub3A_624 : f32 to vector<16xf32>
    %sub3A_626 = arith.subf %sub3A_625, %mul3A_623 : vector<16xf32>
    %mul3A_627 = arith.mulf %mul3A_621, %sub3A_626 : vector<16xf32>
    %mul3A_628 = arith.mulf %unpack3A_579, %mul3A_627 : vector<16xf32>
    %add3A_629 = arith.addf %add3A_604, %mul3A_628 : vector<16xf32>
    %unpack3A_630 = tpu.unpack_subelements %scan3A_109#10, 0 {pack_format = #tpu.pack_format<interleaved>} : vector<32xbf16> -> vector<16xf32>
    %unpack3A_631 = tpu.unpack_subelements %scan3A_109#10, 1 {pack_format = #tpu.pack_format<interleaved>} : vector<32xbf16> -> vector<16xf32>
    %bitcast3A_632 = vector.bitcast %unpack3A_630 : vector<16xf32> to vector<16xi32>
    %broadcast_in_dim3A_633 = arith.constant 1597463007 : i32
    %broadcast_in_dim3A_634 = vector.broadcast %broadcast_in_dim3A_633 : i32 to vector<16xi32>
    %shift_right_arithmetic3A_635 = arith.constant 1 : i32
    %shift_right_arithmetic3A_636 = vector.broadcast %shift_right_arithmetic3A_635 : i32 to vector<16xi32>
    %shift_right_arithmetic3A_637 = arith.shrsi %bitcast3A_632, %shift_right_arithmetic3A_636 : vector<16xi32>
    %sub3A_638 = arith.subi %broadcast_in_dim3A_634, %shift_right_arithmetic3A_637 : vector<16xi32>
    %bitcast3A_639 = vector.bitcast %sub3A_638 : vector<16xi32> to vector<16xf32>
    %mul3A_640 = arith.constant 5.000000e-01 : f32
    %mul3A_641 = vector.broadcast %mul3A_640 : f32 to vector<16xf32>
    %mul3A_642 = arith.mulf %unpack3A_630, %mul3A_641 : vector<16xf32>
    %mul3A_643 = arith.mulf %mul3A_642, %bitcast3A_639 : vector<16xf32>
    %mul3A_644 = arith.mulf %mul3A_643, %bitcast3A_639 : vector<16xf32>
    %sub3A_645 = arith.constant 1.500000e+00 : f32
    %sub3A_646 = vector.broadcast %sub3A_645 : f32 to vector<16xf32>
    %sub3A_647 = arith.subf %sub3A_646, %mul3A_644 : vector<16xf32>
    %mul3A_648 = arith.mulf %bitcast3A_639, %sub3A_647 : vector<16xf32>
    %mul3A_649 = arith.mulf %mul3A_642, %mul3A_648 : vector<16xf32>
    %mul3A_650 = arith.mulf %mul3A_649, %mul3A_648 : vector<16xf32>
    %sub3A_651 = arith.constant 1.500000e+00 : f32
    %sub3A_652 = vector.broadcast %sub3A_651 : f32 to vector<16xf32>
    %sub3A_653 = arith.subf %sub3A_652, %mul3A_650 : vector<16xf32>
    %mul3A_654 = arith.mulf %mul3A_648, %sub3A_653 : vector<16xf32>
    %mul3A_655 = arith.mulf %unpack3A_630, %mul3A_654 : vector<16xf32>
    %add3A_656 = arith.addf %add3A_629, %mul3A_655 : vector<16xf32>
    %bitcast3A_657 = vector.bitcast %unpack3A_631 : vector<16xf32> to vector<16xi32>
    %broadcast_in_dim3A_658 = arith.constant 1597463007 : i32
    %broadcast_in_dim3A_659 = vector.broadcast %broadcast_in_dim3A_658 : i32 to vector<16xi32>
    %shift_right_arithmetic3A_660 = arith.constant 1 : i32
    %shift_right_arithmetic3A_661 = vector.broadcast %shift_right_arithmetic3A_660 : i32 to vector<16xi32>
    %shift_right_arithmetic3A_662 = arith.shrsi %bitcast3A_657, %shift_right_arithmetic3A_661 : vector<16xi32>
    %sub3A_663 = arith.subi %broadcast_in_dim3A_659, %shift_right_arithmetic3A_662 : vector<16xi32>
    %bitcast3A_664 = vector.bitcast %sub3A_663 : vector<16xi32> to vector<16xf32>
    %mul3A_665 = arith.constant 5.000000e-01 : f32
    %mul3A_666 = vector.broadcast %mul3A_665 : f32 to vector<16xf32>
    %mul3A_667 = arith.mulf %unpack3A_631, %mul3A_666 : vector<16xf32>
    %mul3A_668 = arith.mulf %mul3A_667, %bitcast3A_664 : vector<16xf32>
    %mul3A_669 = arith.mulf %mul3A_668, %bitcast3A_664 : vector<16xf32>
    %sub3A_670 = arith.constant 1.500000e+00 : f32
    %sub3A_671 = vector.broadcast %sub3A_670 : f32 to vector<16xf32>
    %sub3A_672 = arith.subf %sub3A_671, %mul3A_669 : vector<16xf32>
    %mul3A_673 = arith.mulf %bitcast3A_664, %sub3A_672 : vector<16xf32>
    %mul3A_674 = arith.mulf %mul3A_667, %mul3A_673 : vector<16xf32>
    %mul3A_675 = arith.mulf %mul3A_674, %mul3A_673 : vector<16xf32>
    %sub3A_676 = arith.constant 1.500000e+00 : f32
    %sub3A_677 = vector.broadcast %sub3A_676 : f32 to vector<16xf32>
    %sub3A_678 = arith.subf %sub3A_677, %mul3A_675 : vector<16xf32>
    %mul3A_679 = arith.mulf %mul3A_673, %sub3A_678 : vector<16xf32>
    %mul3A_680 = arith.mulf %unpack3A_631, %mul3A_679 : vector<16xf32>
    %add3A_681 = arith.addf %add3A_656, %mul3A_680 : vector<16xf32>
    %unpack3A_682 = tpu.unpack_subelements %scan3A_109#11, 0 {pack_format = #tpu.pack_format<interleaved>} : vector<32xbf16> -> vector<16xf32>
    %unpack3A_683 = tpu.unpack_subelements %scan3A_109#11, 1 {pack_format = #tpu.pack_format<interleaved>} : vector<32xbf16> -> vector<16xf32>
    %bitcast3A_684 = vector.bitcast %unpack3A_682 : vector<16xf32> to vector<16xi32>
    %broadcast_in_dim3A_685 = arith.constant 1597463007 : i32
    %broadcast_in_dim3A_686 = vector.broadcast %broadcast_in_dim3A_685 : i32 to vector<16xi32>
    %shift_right_arithmetic3A_687 = arith.constant 1 : i32
    %shift_right_arithmetic3A_688 = vector.broadcast %shift_right_arithmetic3A_687 : i32 to vector<16xi32>
    %shift_right_arithmetic3A_689 = arith.shrsi %bitcast3A_684, %shift_right_arithmetic3A_688 : vector<16xi32>
    %sub3A_690 = arith.subi %broadcast_in_dim3A_686, %shift_right_arithmetic3A_689 : vector<16xi32>
    %bitcast3A_691 = vector.bitcast %sub3A_690 : vector<16xi32> to vector<16xf32>
    %mul3A_692 = arith.constant 5.000000e-01 : f32
    %mul3A_693 = vector.broadcast %mul3A_692 : f32 to vector<16xf32>
    %mul3A_694 = arith.mulf %unpack3A_682, %mul3A_693 : vector<16xf32>
    %mul3A_695 = arith.mulf %mul3A_694, %bitcast3A_691 : vector<16xf32>
    %mul3A_696 = arith.mulf %mul3A_695, %bitcast3A_691 : vector<16xf32>
    %sub3A_697 = arith.constant 1.500000e+00 : f32
    %sub3A_698 = vector.broadcast %sub3A_697 : f32 to vector<16xf32>
    %sub3A_699 = arith.subf %sub3A_698, %mul3A_696 : vector<16xf32>
    %mul3A_700 = arith.mulf %bitcast3A_691, %sub3A_699 : vector<16xf32>
    %mul3A_701 = arith.mulf %mul3A_694, %mul3A_700 : vector<16xf32>
    %mul3A_702 = arith.mulf %mul3A_701, %mul3A_700 : vector<16xf32>
    %sub3A_703 = arith.constant 1.500000e+00 : f32
    %sub3A_704 = vector.broadcast %sub3A_703 : f32 to vector<16xf32>
    %sub3A_705 = arith.subf %sub3A_704, %mul3A_702 : vector<16xf32>
    %mul3A_706 = arith.mulf %mul3A_700, %sub3A_705 : vector<16xf32>
    %mul3A_707 = arith.mulf %unpack3A_682, %mul3A_706 : vector<16xf32>
    %add3A_708 = arith.addf %add3A_681, %mul3A_707 : vector<16xf32>
    %bitcast3A_709 = vector.bitcast %unpack3A_683 : vector<16xf32> to vector<16xi32>
    %broadcast_in_dim3A_710 = arith.constant 1597463007 : i32
    %broadcast_in_dim3A_711 = vector.broadcast %broadcast_in_dim3A_710 : i32 to vector<16xi32>
    %shift_right_arithmetic3A_712 = arith.constant 1 : i32
    %shift_right_arithmetic3A_713 = vector.broadcast %shift_right_arithmetic3A_712 : i32 to vector<16xi32>
    %shift_right_arithmetic3A_714 = arith.shrsi %bitcast3A_709, %shift_right_arithmetic3A_713 : vector<16xi32>
    %sub3A_715 = arith.subi %broadcast_in_dim3A_711, %shift_right_arithmetic3A_714 : vector<16xi32>
    %bitcast3A_716 = vector.bitcast %sub3A_715 : vector<16xi32> to vector<16xf32>
    %mul3A_717 = arith.constant 5.000000e-01 : f32
    %mul3A_718 = vector.broadcast %mul3A_717 : f32 to vector<16xf32>
    %mul3A_719 = arith.mulf %unpack3A_683, %mul3A_718 : vector<16xf32>
    %mul3A_720 = arith.mulf %mul3A_719, %bitcast3A_716 : vector<16xf32>
    %mul3A_721 = arith.mulf %mul3A_720, %bitcast3A_716 : vector<16xf32>
    %sub3A_722 = arith.constant 1.500000e+00 : f32
    %sub3A_723 = vector.broadcast %sub3A_722 : f32 to vector<16xf32>
    %sub3A_724 = arith.subf %sub3A_723, %mul3A_721 : vector<16xf32>
    %mul3A_725 = arith.mulf %bitcast3A_716, %sub3A_724 : vector<16xf32>
    %mul3A_726 = arith.mulf %mul3A_719, %mul3A_725 : vector<16xf32>
    %mul3A_727 = arith.mulf %mul3A_726, %mul3A_725 : vector<16xf32>
    %sub3A_728 = arith.constant 1.500000e+00 : f32
    %sub3A_729 = vector.broadcast %sub3A_728 : f32 to vector<16xf32>
    %sub3A_730 = arith.subf %sub3A_729, %mul3A_727 : vector<16xf32>
    %mul3A_731 = arith.mulf %mul3A_725, %sub3A_730 : vector<16xf32>
    %mul3A_732 = arith.mulf %unpack3A_683, %mul3A_731 : vector<16xf32>
    %add3A_733 = arith.addf %add3A_708, %mul3A_732 : vector<16xf32>
    %unpack3A_734 = tpu.unpack_subelements %scan3A_109#12, 0 {pack_format = #tpu.pack_format<interleaved>} : vector<32xbf16> -> vector<16xf32>
    %unpack3A_735 = tpu.unpack_subelements %scan3A_109#12, 1 {pack_format = #tpu.pack_format<interleaved>} : vector<32xbf16> -> vector<16xf32>
    %bitcast3A_736 = vector.bitcast %unpack3A_734 : vector<16xf32> to vector<16xi32>
    %broadcast_in_dim3A_737 = arith.constant 1597463007 : i32
    %broadcast_in_dim3A_738 = vector.broadcast %broadcast_in_dim3A_737 : i32 to vector<16xi32>
    %shift_right_arithmetic3A_739 = arith.constant 1 : i32
    %shift_right_arithmetic3A_740 = vector.broadcast %shift_right_arithmetic3A_739 : i32 to vector<16xi32>
    %shift_right_arithmetic3A_741 = arith.shrsi %bitcast3A_736, %shift_right_arithmetic3A_740 : vector<16xi32>
    %sub3A_742 = arith.subi %broadcast_in_dim3A_738, %shift_right_arithmetic3A_741 : vector<16xi32>
    %bitcast3A_743 = vector.bitcast %sub3A_742 : vector<16xi32> to vector<16xf32>
    %mul3A_744 = arith.constant 5.000000e-01 : f32
    %mul3A_745 = vector.broadcast %mul3A_744 : f32 to vector<16xf32>
    %mul3A_746 = arith.mulf %unpack3A_734, %mul3A_745 : vector<16xf32>
    %mul3A_747 = arith.mulf %mul3A_746, %bitcast3A_743 : vector<16xf32>
    %mul3A_748 = arith.mulf %mul3A_747, %bitcast3A_743 : vector<16xf32>
    %sub3A_749 = arith.constant 1.500000e+00 : f32
    %sub3A_750 = vector.broadcast %sub3A_749 : f32 to vector<16xf32>
    %sub3A_751 = arith.subf %sub3A_750, %mul3A_748 : vector<16xf32>
    %mul3A_752 = arith.mulf %bitcast3A_743, %sub3A_751 : vector<16xf32>
    %mul3A_753 = arith.mulf %mul3A_746, %mul3A_752 : vector<16xf32>
    %mul3A_754 = arith.mulf %mul3A_753, %mul3A_752 : vector<16xf32>
    %sub3A_755 = arith.constant 1.500000e+00 : f32
    %sub3A_756 = vector.broadcast %sub3A_755 : f32 to vector<16xf32>
    %sub3A_757 = arith.subf %sub3A_756, %mul3A_754 : vector<16xf32>
    %mul3A_758 = arith.mulf %mul3A_752, %sub3A_757 : vector<16xf32>
    %mul3A_759 = arith.mulf %unpack3A_734, %mul3A_758 : vector<16xf32>
    %add3A_760 = arith.addf %add3A_733, %mul3A_759 : vector<16xf32>
    %bitcast3A_761 = vector.bitcast %unpack3A_735 : vector<16xf32> to vector<16xi32>
    %broadcast_in_dim3A_762 = arith.constant 1597463007 : i32
    %broadcast_in_dim3A_763 = vector.broadcast %broadcast_in_dim3A_762 : i32 to vector<16xi32>
    %shift_right_arithmetic3A_764 = arith.constant 1 : i32
    %shift_right_arithmetic3A_765 = vector.broadcast %shift_right_arithmetic3A_764 : i32 to vector<16xi32>
    %shift_right_arithmetic3A_766 = arith.shrsi %bitcast3A_761, %shift_right_arithmetic3A_765 : vector<16xi32>
    %sub3A_767 = arith.subi %broadcast_in_dim3A_763, %shift_right_arithmetic3A_766 : vector<16xi32>
    %bitcast3A_768 = vector.bitcast %sub3A_767 : vector<16xi32> to vector<16xf32>
    %mul3A_769 = arith.constant 5.000000e-01 : f32
    %mul3A_770 = vector.broadcast %mul3A_769 : f32 to vector<16xf32>
    %mul3A_771 = arith.mulf %unpack3A_735, %mul3A_770 : vector<16xf32>
    %mul3A_772 = arith.mulf %mul3A_771, %bitcast3A_768 : vector<16xf32>
    %mul3A_773 = arith.mulf %mul3A_772, %bitcast3A_768 : vector<16xf32>
    %sub3A_774 = arith.constant 1.500000e+00 : f32
    %sub3A_775 = vector.broadcast %sub3A_774 : f32 to vector<16xf32>
    %sub3A_776 = arith.subf %sub3A_775, %mul3A_773 : vector<16xf32>
    %mul3A_777 = arith.mulf %bitcast3A_768, %sub3A_776 : vector<16xf32>
    %mul3A_778 = arith.mulf %mul3A_771, %mul3A_777 : vector<16xf32>
    %mul3A_779 = arith.mulf %mul3A_778, %mul3A_777 : vector<16xf32>
    %sub3A_780 = arith.constant 1.500000e+00 : f32
    %sub3A_781 = vector.broadcast %sub3A_780 : f32 to vector<16xf32>
    %sub3A_782 = arith.subf %sub3A_781, %mul3A_779 : vector<16xf32>
    %mul3A_783 = arith.mulf %mul3A_777, %sub3A_782 : vector<16xf32>
    %mul3A_784 = arith.mulf %unpack3A_735, %mul3A_783 : vector<16xf32>
    %add3A_785 = arith.addf %add3A_760, %mul3A_784 : vector<16xf32>
    %unpack3A_786 = tpu.unpack_subelements %scan3A_109#13, 0 {pack_format = #tpu.pack_format<interleaved>} : vector<32xbf16> -> vector<16xf32>
    %unpack3A_787 = tpu.unpack_subelements %scan3A_109#13, 1 {pack_format = #tpu.pack_format<interleaved>} : vector<32xbf16> -> vector<16xf32>
    %bitcast3A_788 = vector.bitcast %unpack3A_786 : vector<16xf32> to vector<16xi32>
    %broadcast_in_dim3A_789 = arith.constant 1597463007 : i32
    %broadcast_in_dim3A_790 = vector.broadcast %broadcast_in_dim3A_789 : i32 to vector<16xi32>
    %shift_right_arithmetic3A_791 = arith.constant 1 : i32
    %shift_right_arithmetic3A_792 = vector.broadcast %shift_right_arithmetic3A_791 : i32 to vector<16xi32>
    %shift_right_arithmetic3A_793 = arith.shrsi %bitcast3A_788, %shift_right_arithmetic3A_792 : vector<16xi32>
    %sub3A_794 = arith.subi %broadcast_in_dim3A_790, %shift_right_arithmetic3A_793 : vector<16xi32>
    %bitcast3A_795 = vector.bitcast %sub3A_794 : vector<16xi32> to vector<16xf32>
    %mul3A_796 = arith.constant 5.000000e-01 : f32
    %mul3A_797 = vector.broadcast %mul3A_796 : f32 to vector<16xf32>
    %mul3A_798 = arith.mulf %unpack3A_786, %mul3A_797 : vector<16xf32>
    %mul3A_799 = arith.mulf %mul3A_798, %bitcast3A_795 : vector<16xf32>
    %mul3A_800 = arith.mulf %mul3A_799, %bitcast3A_795 : vector<16xf32>
    %sub3A_801 = arith.constant 1.500000e+00 : f32
    %sub3A_802 = vector.broadcast %sub3A_801 : f32 to vector<16xf32>
    %sub3A_803 = arith.subf %sub3A_802, %mul3A_800 : vector<16xf32>
    %mul3A_804 = arith.mulf %bitcast3A_795, %sub3A_803 : vector<16xf32>
    %mul3A_805 = arith.mulf %mul3A_798, %mul3A_804 : vector<16xf32>
    %mul3A_806 = arith.mulf %mul3A_805, %mul3A_804 : vector<16xf32>
    %sub3A_807 = arith.constant 1.500000e+00 : f32
    %sub3A_808 = vector.broadcast %sub3A_807 : f32 to vector<16xf32>
    %sub3A_809 = arith.subf %sub3A_808, %mul3A_806 : vector<16xf32>
    %mul3A_810 = arith.mulf %mul3A_804, %sub3A_809 : vector<16xf32>
    %mul3A_811 = arith.mulf %unpack3A_786, %mul3A_810 : vector<16xf32>
    %add3A_812 = arith.addf %add3A_785, %mul3A_811 : vector<16xf32>
    %bitcast3A_813 = vector.bitcast %unpack3A_787 : vector<16xf32> to vector<16xi32>
    %broadcast_in_dim3A_814 = arith.constant 1597463007 : i32
    %broadcast_in_dim3A_815 = vector.broadcast %broadcast_in_dim3A_814 : i32 to vector<16xi32>
    %shift_right_arithmetic3A_816 = arith.constant 1 : i32
    %shift_right_arithmetic3A_817 = vector.broadcast %shift_right_arithmetic3A_816 : i32 to vector<16xi32>
    %shift_right_arithmetic3A_818 = arith.shrsi %bitcast3A_813, %shift_right_arithmetic3A_817 : vector<16xi32>
    %sub3A_819 = arith.subi %broadcast_in_dim3A_815, %shift_right_arithmetic3A_818 : vector<16xi32>
    %bitcast3A_820 = vector.bitcast %sub3A_819 : vector<16xi32> to vector<16xf32>
    %mul3A_821 = arith.constant 5.000000e-01 : f32
    %mul3A_822 = vector.broadcast %mul3A_821 : f32 to vector<16xf32>
    %mul3A_823 = arith.mulf %unpack3A_787, %mul3A_822 : vector<16xf32>
    %mul3A_824 = arith.mulf %mul3A_823, %bitcast3A_820 : vector<16xf32>
    %mul3A_825 = arith.mulf %mul3A_824, %bitcast3A_820 : vector<16xf32>
    %sub3A_826 = arith.constant 1.500000e+00 : f32
    %sub3A_827 = vector.broadcast %sub3A_826 : f32 to vector<16xf32>
    %sub3A_828 = arith.subf %sub3A_827, %mul3A_825 : vector<16xf32>
    %mul3A_829 = arith.mulf %bitcast3A_820, %sub3A_828 : vector<16xf32>
    %mul3A_830 = arith.mulf %mul3A_823, %mul3A_829 : vector<16xf32>
    %mul3A_831 = arith.mulf %mul3A_830, %mul3A_829 : vector<16xf32>
    %sub3A_832 = arith.constant 1.500000e+00 : f32
    %sub3A_833 = vector.broadcast %sub3A_832 : f32 to vector<16xf32>
    %sub3A_834 = arith.subf %sub3A_833, %mul3A_831 : vector<16xf32>
    %mul3A_835 = arith.mulf %mul3A_829, %sub3A_834 : vector<16xf32>
    %mul3A_836 = arith.mulf %unpack3A_787, %mul3A_835 : vector<16xf32>
    %add3A_837 = arith.addf %add3A_812, %mul3A_836 : vector<16xf32>
    %unpack3A_838 = tpu.unpack_subelements %scan3A_109#14, 0 {pack_format = #tpu.pack_format<interleaved>} : vector<32xbf16> -> vector<16xf32>
    %unpack3A_839 = tpu.unpack_subelements %scan3A_109#14, 1 {pack_format = #tpu.pack_format<interleaved>} : vector<32xbf16> -> vector<16xf32>
    %bitcast3A_840 = vector.bitcast %unpack3A_838 : vector<16xf32> to vector<16xi32>
    %broadcast_in_dim3A_841 = arith.constant 1597463007 : i32
    %broadcast_in_dim3A_842 = vector.broadcast %broadcast_in_dim3A_841 : i32 to vector<16xi32>
    %shift_right_arithmetic3A_843 = arith.constant 1 : i32
    %shift_right_arithmetic3A_844 = vector.broadcast %shift_right_arithmetic3A_843 : i32 to vector<16xi32>
    %shift_right_arithmetic3A_845 = arith.shrsi %bitcast3A_840, %shift_right_arithmetic3A_844 : vector<16xi32>
    %sub3A_846 = arith.subi %broadcast_in_dim3A_842, %shift_right_arithmetic3A_845 : vector<16xi32>
    %bitcast3A_847 = vector.bitcast %sub3A_846 : vector<16xi32> to vector<16xf32>
    %mul3A_848 = arith.constant 5.000000e-01 : f32
    %mul3A_849 = vector.broadcast %mul3A_848 : f32 to vector<16xf32>
    %mul3A_850 = arith.mulf %unpack3A_838, %mul3A_849 : vector<16xf32>
    %mul3A_851 = arith.mulf %mul3A_850, %bitcast3A_847 : vector<16xf32>
    %mul3A_852 = arith.mulf %mul3A_851, %bitcast3A_847 : vector<16xf32>
    %sub3A_853 = arith.constant 1.500000e+00 : f32
    %sub3A_854 = vector.broadcast %sub3A_853 : f32 to vector<16xf32>
    %sub3A_855 = arith.subf %sub3A_854, %mul3A_852 : vector<16xf32>
    %mul3A_856 = arith.mulf %bitcast3A_847, %sub3A_855 : vector<16xf32>
    %mul3A_857 = arith.mulf %mul3A_850, %mul3A_856 : vector<16xf32>
    %mul3A_858 = arith.mulf %mul3A_857, %mul3A_856 : vector<16xf32>
    %sub3A_859 = arith.constant 1.500000e+00 : f32
    %sub3A_860 = vector.broadcast %sub3A_859 : f32 to vector<16xf32>
    %sub3A_861 = arith.subf %sub3A_860, %mul3A_858 : vector<16xf32>
    %mul3A_862 = arith.mulf %mul3A_856, %sub3A_861 : vector<16xf32>
    %mul3A_863 = arith.mulf %unpack3A_838, %mul3A_862 : vector<16xf32>
    %add3A_864 = arith.addf %add3A_837, %mul3A_863 : vector<16xf32>
    %bitcast3A_865 = vector.bitcast %unpack3A_839 : vector<16xf32> to vector<16xi32>
    %broadcast_in_dim3A_866 = arith.constant 1597463007 : i32
    %broadcast_in_dim3A_867 = vector.broadcast %broadcast_in_dim3A_866 : i32 to vector<16xi32>
    %shift_right_arithmetic3A_868 = arith.constant 1 : i32
    %shift_right_arithmetic3A_869 = vector.broadcast %shift_right_arithmetic3A_868 : i32 to vector<16xi32>
    %shift_right_arithmetic3A_870 = arith.shrsi %bitcast3A_865, %shift_right_arithmetic3A_869 : vector<16xi32>
    %sub3A_871 = arith.subi %broadcast_in_dim3A_867, %shift_right_arithmetic3A_870 : vector<16xi32>
    %bitcast3A_872 = vector.bitcast %sub3A_871 : vector<16xi32> to vector<16xf32>
    %mul3A_873 = arith.constant 5.000000e-01 : f32
    %mul3A_874 = vector.broadcast %mul3A_873 : f32 to vector<16xf32>
    %mul3A_875 = arith.mulf %unpack3A_839, %mul3A_874 : vector<16xf32>
    %mul3A_876 = arith.mulf %mul3A_875, %bitcast3A_872 : vector<16xf32>
    %mul3A_877 = arith.mulf %mul3A_876, %bitcast3A_872 : vector<16xf32>
    %sub3A_878 = arith.constant 1.500000e+00 : f32
    %sub3A_879 = vector.broadcast %sub3A_878 : f32 to vector<16xf32>
    %sub3A_880 = arith.subf %sub3A_879, %mul3A_877 : vector<16xf32>
    %mul3A_881 = arith.mulf %bitcast3A_872, %sub3A_880 : vector<16xf32>
    %mul3A_882 = arith.mulf %mul3A_875, %mul3A_881 : vector<16xf32>
    %mul3A_883 = arith.mulf %mul3A_882, %mul3A_881 : vector<16xf32>
    %sub3A_884 = arith.constant 1.500000e+00 : f32
    %sub3A_885 = vector.broadcast %sub3A_884 : f32 to vector<16xf32>
    %sub3A_886 = arith.subf %sub3A_885, %mul3A_883 : vector<16xf32>
    %mul3A_887 = arith.mulf %mul3A_881, %sub3A_886 : vector<16xf32>
    %mul3A_888 = arith.mulf %unpack3A_839, %mul3A_887 : vector<16xf32>
    %add3A_889 = arith.addf %add3A_864, %mul3A_888 : vector<16xf32>
    %unpack3A_890 = tpu.unpack_subelements %scan3A_109#15, 0 {pack_format = #tpu.pack_format<interleaved>} : vector<32xbf16> -> vector<16xf32>
    %unpack3A_891 = tpu.unpack_subelements %scan3A_109#15, 1 {pack_format = #tpu.pack_format<interleaved>} : vector<32xbf16> -> vector<16xf32>
    %bitcast3A_892 = vector.bitcast %unpack3A_890 : vector<16xf32> to vector<16xi32>
    %broadcast_in_dim3A_893 = arith.constant 1597463007 : i32
    %broadcast_in_dim3A_894 = vector.broadcast %broadcast_in_dim3A_893 : i32 to vector<16xi32>
    %shift_right_arithmetic3A_895 = arith.constant 1 : i32
    %shift_right_arithmetic3A_896 = vector.broadcast %shift_right_arithmetic3A_895 : i32 to vector<16xi32>
    %shift_right_arithmetic3A_897 = arith.shrsi %bitcast3A_892, %shift_right_arithmetic3A_896 : vector<16xi32>
    %sub3A_898 = arith.subi %broadcast_in_dim3A_894, %shift_right_arithmetic3A_897 : vector<16xi32>
    %bitcast3A_899 = vector.bitcast %sub3A_898 : vector<16xi32> to vector<16xf32>
    %mul3A_900 = arith.constant 5.000000e-01 : f32
    %mul3A_901 = vector.broadcast %mul3A_900 : f32 to vector<16xf32>
    %mul3A_902 = arith.mulf %unpack3A_890, %mul3A_901 : vector<16xf32>
    %mul3A_903 = arith.mulf %mul3A_902, %bitcast3A_899 : vector<16xf32>
    %mul3A_904 = arith.mulf %mul3A_903, %bitcast3A_899 : vector<16xf32>
    %sub3A_905 = arith.constant 1.500000e+00 : f32
    %sub3A_906 = vector.broadcast %sub3A_905 : f32 to vector<16xf32>
    %sub3A_907 = arith.subf %sub3A_906, %mul3A_904 : vector<16xf32>
    %mul3A_908 = arith.mulf %bitcast3A_899, %sub3A_907 : vector<16xf32>
    %mul3A_909 = arith.mulf %mul3A_902, %mul3A_908 : vector<16xf32>
    %mul3A_910 = arith.mulf %mul3A_909, %mul3A_908 : vector<16xf32>
    %sub3A_911 = arith.constant 1.500000e+00 : f32
    %sub3A_912 = vector.broadcast %sub3A_911 : f32 to vector<16xf32>
    %sub3A_913 = arith.subf %sub3A_912, %mul3A_910 : vector<16xf32>
    %mul3A_914 = arith.mulf %mul3A_908, %sub3A_913 : vector<16xf32>
    %mul3A_915 = arith.mulf %unpack3A_890, %mul3A_914 : vector<16xf32>
    %add3A_916 = arith.addf %add3A_889, %mul3A_915 : vector<16xf32>
    %bitcast3A_917 = vector.bitcast %unpack3A_891 : vector<16xf32> to vector<16xi32>
    %broadcast_in_dim3A_918 = arith.constant 1597463007 : i32
    %broadcast_in_dim3A_919 = vector.broadcast %broadcast_in_dim3A_918 : i32 to vector<16xi32>
    %shift_right_arithmetic3A_920 = arith.constant 1 : i32
    %shift_right_arithmetic3A_921 = vector.broadcast %shift_right_arithmetic3A_920 : i32 to vector<16xi32>
    %shift_right_arithmetic3A_922 = arith.shrsi %bitcast3A_917, %shift_right_arithmetic3A_921 : vector<16xi32>
    %sub3A_923 = arith.subi %broadcast_in_dim3A_919, %shift_right_arithmetic3A_922 : vector<16xi32>
    %bitcast3A_924 = vector.bitcast %sub3A_923 : vector<16xi32> to vector<16xf32>
    %mul3A_925 = arith.constant 5.000000e-01 : f32
    %mul3A_926 = vector.broadcast %mul3A_925 : f32 to vector<16xf32>
    %mul3A_927 = arith.mulf %unpack3A_891, %mul3A_926 : vector<16xf32>
    %mul3A_928 = arith.mulf %mul3A_927, %bitcast3A_924 : vector<16xf32>
    %mul3A_929 = arith.mulf %mul3A_928, %bitcast3A_924 : vector<16xf32>
    %sub3A_930 = arith.constant 1.500000e+00 : f32
    %sub3A_931 = vector.broadcast %sub3A_930 : f32 to vector<16xf32>
    %sub3A_932 = arith.subf %sub3A_931, %mul3A_929 : vector<16xf32>
    %mul3A_933 = arith.mulf %bitcast3A_924, %sub3A_932 : vector<16xf32>
    %mul3A_934 = arith.mulf %mul3A_927, %mul3A_933 : vector<16xf32>
    %mul3A_935 = arith.mulf %mul3A_934, %mul3A_933 : vector<16xf32>
    %sub3A_936 = arith.constant 1.500000e+00 : f32
    %sub3A_937 = vector.broadcast %sub3A_936 : f32 to vector<16xf32>
    %sub3A_938 = arith.subf %sub3A_937, %mul3A_935 : vector<16xf32>
    %mul3A_939 = arith.mulf %mul3A_933, %sub3A_938 : vector<16xf32>
    %mul3A_940 = arith.mulf %unpack3A_891, %mul3A_939 : vector<16xf32>
    %add3A_941 = arith.addf %add3A_916, %mul3A_940 : vector<16xf32>
    %unpack3A_942 = tpu.unpack_subelements %scan3A_109#16, 0 {pack_format = #tpu.pack_format<interleaved>} : vector<32xbf16> -> vector<16xf32>
    %unpack3A_943 = tpu.unpack_subelements %scan3A_109#16, 1 {pack_format = #tpu.pack_format<interleaved>} : vector<32xbf16> -> vector<16xf32>
    %bitcast3A_944 = vector.bitcast %unpack3A_942 : vector<16xf32> to vector<16xi32>
    %broadcast_in_dim3A_945 = arith.constant 1597463007 : i32
    %broadcast_in_dim3A_946 = vector.broadcast %broadcast_in_dim3A_945 : i32 to vector<16xi32>
    %shift_right_arithmetic3A_947 = arith.constant 1 : i32
    %shift_right_arithmetic3A_948 = vector.broadcast %shift_right_arithmetic3A_947 : i32 to vector<16xi32>
    %shift_right_arithmetic3A_949 = arith.shrsi %bitcast3A_944, %shift_right_arithmetic3A_948 : vector<16xi32>
    %sub3A_950 = arith.subi %broadcast_in_dim3A_946, %shift_right_arithmetic3A_949 : vector<16xi32>
    %bitcast3A_951 = vector.bitcast %sub3A_950 : vector<16xi32> to vector<16xf32>
    %mul3A_952 = arith.constant 5.000000e-01 : f32
    %mul3A_953 = vector.broadcast %mul3A_952 : f32 to vector<16xf32>
    %mul3A_954 = arith.mulf %unpack3A_942, %mul3A_953 : vector<16xf32>
    %mul3A_955 = arith.mulf %mul3A_954, %bitcast3A_951 : vector<16xf32>
    %mul3A_956 = arith.mulf %mul3A_955, %bitcast3A_951 : vector<16xf32>
    %sub3A_957 = arith.constant 1.500000e+00 : f32
    %sub3A_958 = vector.broadcast %sub3A_957 : f32 to vector<16xf32>
    %sub3A_959 = arith.subf %sub3A_958, %mul3A_956 : vector<16xf32>
    %mul3A_960 = arith.mulf %bitcast3A_951, %sub3A_959 : vector<16xf32>
    %mul3A_961 = arith.mulf %mul3A_954, %mul3A_960 : vector<16xf32>
    %mul3A_962 = arith.mulf %mul3A_961, %mul3A_960 : vector<16xf32>
    %sub3A_963 = arith.constant 1.500000e+00 : f32
    %sub3A_964 = vector.broadcast %sub3A_963 : f32 to vector<16xf32>
    %sub3A_965 = arith.subf %sub3A_964, %mul3A_962 : vector<16xf32>
    %mul3A_966 = arith.mulf %mul3A_960, %sub3A_965 : vector<16xf32>
    %mul3A_967 = arith.mulf %unpack3A_942, %mul3A_966 : vector<16xf32>
    %add3A_968 = arith.addf %add3A_941, %mul3A_967 : vector<16xf32>
    %bitcast3A_969 = vector.bitcast %unpack3A_943 : vector<16xf32> to vector<16xi32>
    %broadcast_in_dim3A_970 = arith.constant 1597463007 : i32
    %broadcast_in_dim3A_971 = vector.broadcast %broadcast_in_dim3A_970 : i32 to vector<16xi32>
    %shift_right_arithmetic3A_972 = arith.constant 1 : i32
    %shift_right_arithmetic3A_973 = vector.broadcast %shift_right_arithmetic3A_972 : i32 to vector<16xi32>
    %shift_right_arithmetic3A_974 = arith.shrsi %bitcast3A_969, %shift_right_arithmetic3A_973 : vector<16xi32>
    %sub3A_975 = arith.subi %broadcast_in_dim3A_971, %shift_right_arithmetic3A_974 : vector<16xi32>
    %bitcast3A_976 = vector.bitcast %sub3A_975 : vector<16xi32> to vector<16xf32>
    %mul3A_977 = arith.constant 5.000000e-01 : f32
    %mul3A_978 = vector.broadcast %mul3A_977 : f32 to vector<16xf32>
    %mul3A_979 = arith.mulf %unpack3A_943, %mul3A_978 : vector<16xf32>
    %mul3A_980 = arith.mulf %mul3A_979, %bitcast3A_976 : vector<16xf32>
    %mul3A_981 = arith.mulf %mul3A_980, %bitcast3A_976 : vector<16xf32>
    %sub3A_982 = arith.constant 1.500000e+00 : f32
    %sub3A_983 = vector.broadcast %sub3A_982 : f32 to vector<16xf32>
    %sub3A_984 = arith.subf %sub3A_983, %mul3A_981 : vector<16xf32>
    %mul3A_985 = arith.mulf %bitcast3A_976, %sub3A_984 : vector<16xf32>
    %mul3A_986 = arith.mulf %mul3A_979, %mul3A_985 : vector<16xf32>
    %mul3A_987 = arith.mulf %mul3A_986, %mul3A_985 : vector<16xf32>
    %sub3A_988 = arith.constant 1.500000e+00 : f32
    %sub3A_989 = vector.broadcast %sub3A_988 : f32 to vector<16xf32>
    %sub3A_990 = arith.subf %sub3A_989, %mul3A_987 : vector<16xf32>
    %mul3A_991 = arith.mulf %mul3A_985, %sub3A_990 : vector<16xf32>
    %mul3A_992 = arith.mulf %unpack3A_943, %mul3A_991 : vector<16xf32>
    %add3A_993 = arith.addf %add3A_968, %mul3A_992 : vector<16xf32>
    %unpack3A_994 = tpu.unpack_subelements %scan3A_109#17, 0 {pack_format = #tpu.pack_format<interleaved>} : vector<32xbf16> -> vector<16xf32>
    %unpack3A_995 = tpu.unpack_subelements %scan3A_109#17, 1 {pack_format = #tpu.pack_format<interleaved>} : vector<32xbf16> -> vector<16xf32>
    %bitcast3A_996 = vector.bitcast %unpack3A_994 : vector<16xf32> to vector<16xi32>
    %broadcast_in_dim3A_997 = arith.constant 1597463007 : i32
    %broadcast_in_dim3A_998 = vector.broadcast %broadcast_in_dim3A_997 : i32 to vector<16xi32>
    %shift_right_arithmetic3A_999 = arith.constant 1 : i32
    %shift_right_arithmetic3A_1000 = vector.broadcast %shift_right_arithmetic3A_999 : i32 to vector<16xi32>
    %shift_right_arithmetic3A_1001 = arith.shrsi %bitcast3A_996, %shift_right_arithmetic3A_1000 : vector<16xi32>
    %sub3A_1002 = arith.subi %broadcast_in_dim3A_998, %shift_right_arithmetic3A_1001 : vector<16xi32>
    %bitcast3A_1003 = vector.bitcast %sub3A_1002 : vector<16xi32> to vector<16xf32>
    %mul3A_1004 = arith.constant 5.000000e-01 : f32
    %mul3A_1005 = vector.broadcast %mul3A_1004 : f32 to vector<16xf32>
    %mul3A_1006 = arith.mulf %unpack3A_994, %mul3A_1005 : vector<16xf32>
    %mul3A_1007 = arith.mulf %mul3A_1006, %bitcast3A_1003 : vector<16xf32>
    %mul3A_1008 = arith.mulf %mul3A_1007, %bitcast3A_1003 : vector<16xf32>
    %sub3A_1009 = arith.constant 1.500000e+00 : f32
    %sub3A_1010 = vector.broadcast %sub3A_1009 : f32 to vector<16xf32>
    %sub3A_1011 = arith.subf %sub3A_1010, %mul3A_1008 : vector<16xf32>
    %mul3A_1012 = arith.mulf %bitcast3A_1003, %sub3A_1011 : vector<16xf32>
    %mul3A_1013 = arith.mulf %mul3A_1006, %mul3A_1012 : vector<16xf32>
    %mul3A_1014 = arith.mulf %mul3A_1013, %mul3A_1012 : vector<16xf32>
    %sub3A_1015 = arith.constant 1.500000e+00 : f32
    %sub3A_1016 = vector.broadcast %sub3A_1015 : f32 to vector<16xf32>
    %sub3A_1017 = arith.subf %sub3A_1016, %mul3A_1014 : vector<16xf32>
    %mul3A_1018 = arith.mulf %mul3A_1012, %sub3A_1017 : vector<16xf32>
    %mul3A_1019 = arith.mulf %unpack3A_994, %mul3A_1018 : vector<16xf32>
    %add3A_1020 = arith.addf %add3A_993, %mul3A_1019 : vector<16xf32>
    %bitcast3A_1021 = vector.bitcast %unpack3A_995 : vector<16xf32> to vector<16xi32>
    %broadcast_in_dim3A_1022 = arith.constant 1597463007 : i32
    %broadcast_in_dim3A_1023 = vector.broadcast %broadcast_in_dim3A_1022 : i32 to vector<16xi32>
    %shift_right_arithmetic3A_1024 = arith.constant 1 : i32
    %shift_right_arithmetic3A_1025 = vector.broadcast %shift_right_arithmetic3A_1024 : i32 to vector<16xi32>
    %shift_right_arithmetic3A_1026 = arith.shrsi %bitcast3A_1021, %shift_right_arithmetic3A_1025 : vector<16xi32>
    %sub3A_1027 = arith.subi %broadcast_in_dim3A_1023, %shift_right_arithmetic3A_1026 : vector<16xi32>
    %bitcast3A_1028 = vector.bitcast %sub3A_1027 : vector<16xi32> to vector<16xf32>
    %mul3A_1029 = arith.constant 5.000000e-01 : f32
    %mul3A_1030 = vector.broadcast %mul3A_1029 : f32 to vector<16xf32>
    %mul3A_1031 = arith.mulf %unpack3A_995, %mul3A_1030 : vector<16xf32>
    %mul3A_1032 = arith.mulf %mul3A_1031, %bitcast3A_1028 : vector<16xf32>
    %mul3A_1033 = arith.mulf %mul3A_1032, %bitcast3A_1028 : vector<16xf32>
    %sub3A_1034 = arith.constant 1.500000e+00 : f32
    %sub3A_1035 = vector.broadcast %sub3A_1034 : f32 to vector<16xf32>
    %sub3A_1036 = arith.subf %sub3A_1035, %mul3A_1033 : vector<16xf32>
    %mul3A_1037 = arith.mulf %bitcast3A_1028, %sub3A_1036 : vector<16xf32>
    %mul3A_1038 = arith.mulf %mul3A_1031, %mul3A_1037 : vector<16xf32>
    %mul3A_1039 = arith.mulf %mul3A_1038, %mul3A_1037 : vector<16xf32>
    %sub3A_1040 = arith.constant 1.500000e+00 : f32
    %sub3A_1041 = vector.broadcast %sub3A_1040 : f32 to vector<16xf32>
    %sub3A_1042 = arith.subf %sub3A_1041, %mul3A_1039 : vector<16xf32>
    %mul3A_1043 = arith.mulf %mul3A_1037, %sub3A_1042 : vector<16xf32>
    %mul3A_1044 = arith.mulf %unpack3A_995, %mul3A_1043 : vector<16xf32>
    %add3A_1045 = arith.addf %add3A_1020, %mul3A_1044 : vector<16xf32>
    %unpack3A_1046 = tpu.unpack_subelements %scan3A_109#18, 0 {pack_format = #tpu.pack_format<interleaved>} : vector<32xbf16> -> vector<16xf32>
    %unpack3A_1047 = tpu.unpack_subelements %scan3A_109#18, 1 {pack_format = #tpu.pack_format<interleaved>} : vector<32xbf16> -> vector<16xf32>
    %bitcast3A_1048 = vector.bitcast %unpack3A_1046 : vector<16xf32> to vector<16xi32>
    %broadcast_in_dim3A_1049 = arith.constant 1597463007 : i32
    %broadcast_in_dim3A_1050 = vector.broadcast %broadcast_in_dim3A_1049 : i32 to vector<16xi32>
    %shift_right_arithmetic3A_1051 = arith.constant 1 : i32
    %shift_right_arithmetic3A_1052 = vector.broadcast %shift_right_arithmetic3A_1051 : i32 to vector<16xi32>
    %shift_right_arithmetic3A_1053 = arith.shrsi %bitcast3A_1048, %shift_right_arithmetic3A_1052 : vector<16xi32>
    %sub3A_1054 = arith.subi %broadcast_in_dim3A_1050, %shift_right_arithmetic3A_1053 : vector<16xi32>
    %bitcast3A_1055 = vector.bitcast %sub3A_1054 : vector<16xi32> to vector<16xf32>
    %mul3A_1056 = arith.constant 5.000000e-01 : f32
    %mul3A_1057 = vector.broadcast %mul3A_1056 : f32 to vector<16xf32>
    %mul3A_1058 = arith.mulf %unpack3A_1046, %mul3A_1057 : vector<16xf32>
    %mul3A_1059 = arith.mulf %mul3A_1058, %bitcast3A_1055 : vector<16xf32>
    %mul3A_1060 = arith.mulf %mul3A_1059, %bitcast3A_1055 : vector<16xf32>
    %sub3A_1061 = arith.constant 1.500000e+00 : f32
    %sub3A_1062 = vector.broadcast %sub3A_1061 : f32 to vector<16xf32>
    %sub3A_1063 = arith.subf %sub3A_1062, %mul3A_1060 : vector<16xf32>
    %mul3A_1064 = arith.mulf %bitcast3A_1055, %sub3A_1063 : vector<16xf32>
    %mul3A_1065 = arith.mulf %mul3A_1058, %mul3A_1064 : vector<16xf32>
    %mul3A_1066 = arith.mulf %mul3A_1065, %mul3A_1064 : vector<16xf32>
    %sub3A_1067 = arith.constant 1.500000e+00 : f32
    %sub3A_1068 = vector.broadcast %sub3A_1067 : f32 to vector<16xf32>
    %sub3A_1069 = arith.subf %sub3A_1068, %mul3A_1066 : vector<16xf32>
    %mul3A_1070 = arith.mulf %mul3A_1064, %sub3A_1069 : vector<16xf32>
    %mul3A_1071 = arith.mulf %unpack3A_1046, %mul3A_1070 : vector<16xf32>
    %add3A_1072 = arith.addf %add3A_1045, %mul3A_1071 : vector<16xf32>
    %bitcast3A_1073 = vector.bitcast %unpack3A_1047 : vector<16xf32> to vector<16xi32>
    %broadcast_in_dim3A_1074 = arith.constant 1597463007 : i32
    %broadcast_in_dim3A_1075 = vector.broadcast %broadcast_in_dim3A_1074 : i32 to vector<16xi32>
    %shift_right_arithmetic3A_1076 = arith.constant 1 : i32
    %shift_right_arithmetic3A_1077 = vector.broadcast %shift_right_arithmetic3A_1076 : i32 to vector<16xi32>
    %shift_right_arithmetic3A_1078 = arith.shrsi %bitcast3A_1073, %shift_right_arithmetic3A_1077 : vector<16xi32>
    %sub3A_1079 = arith.subi %broadcast_in_dim3A_1075, %shift_right_arithmetic3A_1078 : vector<16xi32>
    %bitcast3A_1080 = vector.bitcast %sub3A_1079 : vector<16xi32> to vector<16xf32>
    %mul3A_1081 = arith.constant 5.000000e-01 : f32
    %mul3A_1082 = vector.broadcast %mul3A_1081 : f32 to vector<16xf32>
    %mul3A_1083 = arith.mulf %unpack3A_1047, %mul3A_1082 : vector<16xf32>
    %mul3A_1084 = arith.mulf %mul3A_1083, %bitcast3A_1080 : vector<16xf32>
    %mul3A_1085 = arith.mulf %mul3A_1084, %bitcast3A_1080 : vector<16xf32>
    %sub3A_1086 = arith.constant 1.500000e+00 : f32
    %sub3A_1087 = vector.broadcast %sub3A_1086 : f32 to vector<16xf32>
    %sub3A_1088 = arith.subf %sub3A_1087, %mul3A_1085 : vector<16xf32>
    %mul3A_1089 = arith.mulf %bitcast3A_1080, %sub3A_1088 : vector<16xf32>
    %mul3A_1090 = arith.mulf %mul3A_1083, %mul3A_1089 : vector<16xf32>
    %mul3A_1091 = arith.mulf %mul3A_1090, %mul3A_1089 : vector<16xf32>
    %sub3A_1092 = arith.constant 1.500000e+00 : f32
    %sub3A_1093 = vector.broadcast %sub3A_1092 : f32 to vector<16xf32>
    %sub3A_1094 = arith.subf %sub3A_1093, %mul3A_1091 : vector<16xf32>
    %mul3A_1095 = arith.mulf %mul3A_1089, %sub3A_1094 : vector<16xf32>
    %mul3A_1096 = arith.mulf %unpack3A_1047, %mul3A_1095 : vector<16xf32>
    %add3A_1097 = arith.addf %add3A_1072, %mul3A_1096 : vector<16xf32>
    %unpack3A_1098 = tpu.unpack_subelements %scan3A_109#19, 0 {pack_format = #tpu.pack_format<interleaved>} : vector<32xbf16> -> vector<16xf32>
    %unpack3A_1099 = tpu.unpack_subelements %scan3A_109#19, 1 {pack_format = #tpu.pack_format<interleaved>} : vector<32xbf16> -> vector<16xf32>
    %bitcast3A_1100 = vector.bitcast %unpack3A_1098 : vector<16xf32> to vector<16xi32>
    %broadcast_in_dim3A_1101 = arith.constant 1597463007 : i32
    %broadcast_in_dim3A_1102 = vector.broadcast %broadcast_in_dim3A_1101 : i32 to vector<16xi32>
    %shift_right_arithmetic3A_1103 = arith.constant 1 : i32
    %shift_right_arithmetic3A_1104 = vector.broadcast %shift_right_arithmetic3A_1103 : i32 to vector<16xi32>
    %shift_right_arithmetic3A_1105 = arith.shrsi %bitcast3A_1100, %shift_right_arithmetic3A_1104 : vector<16xi32>
    %sub3A_1106 = arith.subi %broadcast_in_dim3A_1102, %shift_right_arithmetic3A_1105 : vector<16xi32>
    %bitcast3A_1107 = vector.bitcast %sub3A_1106 : vector<16xi32> to vector<16xf32>
    %mul3A_1108 = arith.constant 5.000000e-01 : f32
    %mul3A_1109 = vector.broadcast %mul3A_1108 : f32 to vector<16xf32>
    %mul3A_1110 = arith.mulf %unpack3A_1098, %mul3A_1109 : vector<16xf32>
    %mul3A_1111 = arith.mulf %mul3A_1110, %bitcast3A_1107 : vector<16xf32>
    %mul3A_1112 = arith.mulf %mul3A_1111, %bitcast3A_1107 : vector<16xf32>
    %sub3A_1113 = arith.constant 1.500000e+00 : f32
    %sub3A_1114 = vector.broadcast %sub3A_1113 : f32 to vector<16xf32>
    %sub3A_1115 = arith.subf %sub3A_1114, %mul3A_1112 : vector<16xf32>
    %mul3A_1116 = arith.mulf %bitcast3A_1107, %sub3A_1115 : vector<16xf32>
    %mul3A_1117 = arith.mulf %mul3A_1110, %mul3A_1116 : vector<16xf32>
    %mul3A_1118 = arith.mulf %mul3A_1117, %mul3A_1116 : vector<16xf32>
    %sub3A_1119 = arith.constant 1.500000e+00 : f32
    %sub3A_1120 = vector.broadcast %sub3A_1119 : f32 to vector<16xf32>
    %sub3A_1121 = arith.subf %sub3A_1120, %mul3A_1118 : vector<16xf32>
    %mul3A_1122 = arith.mulf %mul3A_1116, %sub3A_1121 : vector<16xf32>
    %mul3A_1123 = arith.mulf %unpack3A_1098, %mul3A_1122 : vector<16xf32>
    %add3A_1124 = arith.addf %add3A_1097, %mul3A_1123 : vector<16xf32>
    %bitcast3A_1125 = vector.bitcast %unpack3A_1099 : vector<16xf32> to vector<16xi32>
    %broadcast_in_dim3A_1126 = arith.constant 1597463007 : i32
    %broadcast_in_dim3A_1127 = vector.broadcast %broadcast_in_dim3A_1126 : i32 to vector<16xi32>
    %shift_right_arithmetic3A_1128 = arith.constant 1 : i32
    %shift_right_arithmetic3A_1129 = vector.broadcast %shift_right_arithmetic3A_1128 : i32 to vector<16xi32>
    %shift_right_arithmetic3A_1130 = arith.shrsi %bitcast3A_1125, %shift_right_arithmetic3A_1129 : vector<16xi32>
    %sub3A_1131 = arith.subi %broadcast_in_dim3A_1127, %shift_right_arithmetic3A_1130 : vector<16xi32>
    %bitcast3A_1132 = vector.bitcast %sub3A_1131 : vector<16xi32> to vector<16xf32>
    %mul3A_1133 = arith.constant 5.000000e-01 : f32
    %mul3A_1134 = vector.broadcast %mul3A_1133 : f32 to vector<16xf32>
    %mul3A_1135 = arith.mulf %unpack3A_1099, %mul3A_1134 : vector<16xf32>
    %mul3A_1136 = arith.mulf %mul3A_1135, %bitcast3A_1132 : vector<16xf32>
    %mul3A_1137 = arith.mulf %mul3A_1136, %bitcast3A_1132 : vector<16xf32>
    %sub3A_1138 = arith.constant 1.500000e+00 : f32
    %sub3A_1139 = vector.broadcast %sub3A_1138 : f32 to vector<16xf32>
    %sub3A_1140 = arith.subf %sub3A_1139, %mul3A_1137 : vector<16xf32>
    %mul3A_1141 = arith.mulf %bitcast3A_1132, %sub3A_1140 : vector<16xf32>
    %mul3A_1142 = arith.mulf %mul3A_1135, %mul3A_1141 : vector<16xf32>
    %mul3A_1143 = arith.mulf %mul3A_1142, %mul3A_1141 : vector<16xf32>
    %sub3A_1144 = arith.constant 1.500000e+00 : f32
    %sub3A_1145 = vector.broadcast %sub3A_1144 : f32 to vector<16xf32>
    %sub3A_1146 = arith.subf %sub3A_1145, %mul3A_1143 : vector<16xf32>
    %mul3A_1147 = arith.mulf %mul3A_1141, %sub3A_1146 : vector<16xf32>
    %mul3A_1148 = arith.mulf %unpack3A_1099, %mul3A_1147 : vector<16xf32>
    %add3A_1149 = arith.addf %add3A_1124, %mul3A_1148 : vector<16xf32>
    %unpack3A_1150 = tpu.unpack_subelements %scan3A_109#20, 0 {pack_format = #tpu.pack_format<interleaved>} : vector<32xbf16> -> vector<16xf32>
    %unpack3A_1151 = tpu.unpack_subelements %scan3A_109#20, 1 {pack_format = #tpu.pack_format<interleaved>} : vector<32xbf16> -> vector<16xf32>
    %bitcast3A_1152 = vector.bitcast %unpack3A_1150 : vector<16xf32> to vector<16xi32>
    %broadcast_in_dim3A_1153 = arith.constant 1597463007 : i32
    %broadcast_in_dim3A_1154 = vector.broadcast %broadcast_in_dim3A_1153 : i32 to vector<16xi32>
    %shift_right_arithmetic3A_1155 = arith.constant 1 : i32
    %shift_right_arithmetic3A_1156 = vector.broadcast %shift_right_arithmetic3A_1155 : i32 to vector<16xi32>
    %shift_right_arithmetic3A_1157 = arith.shrsi %bitcast3A_1152, %shift_right_arithmetic3A_1156 : vector<16xi32>
    %sub3A_1158 = arith.subi %broadcast_in_dim3A_1154, %shift_right_arithmetic3A_1157 : vector<16xi32>
    %bitcast3A_1159 = vector.bitcast %sub3A_1158 : vector<16xi32> to vector<16xf32>
    %mul3A_1160 = arith.constant 5.000000e-01 : f32
    %mul3A_1161 = vector.broadcast %mul3A_1160 : f32 to vector<16xf32>
    %mul3A_1162 = arith.mulf %unpack3A_1150, %mul3A_1161 : vector<16xf32>
    %mul3A_1163 = arith.mulf %mul3A_1162, %bitcast3A_1159 : vector<16xf32>
    %mul3A_1164 = arith.mulf %mul3A_1163, %bitcast3A_1159 : vector<16xf32>
    %sub3A_1165 = arith.constant 1.500000e+00 : f32
    %sub3A_1166 = vector.broadcast %sub3A_1165 : f32 to vector<16xf32>
    %sub3A_1167 = arith.subf %sub3A_1166, %mul3A_1164 : vector<16xf32>
    %mul3A_1168 = arith.mulf %bitcast3A_1159, %sub3A_1167 : vector<16xf32>
    %mul3A_1169 = arith.mulf %mul3A_1162, %mul3A_1168 : vector<16xf32>
    %mul3A_1170 = arith.mulf %mul3A_1169, %mul3A_1168 : vector<16xf32>
    %sub3A_1171 = arith.constant 1.500000e+00 : f32
    %sub3A_1172 = vector.broadcast %sub3A_1171 : f32 to vector<16xf32>
    %sub3A_1173 = arith.subf %sub3A_1172, %mul3A_1170 : vector<16xf32>
    %mul3A_1174 = arith.mulf %mul3A_1168, %sub3A_1173 : vector<16xf32>
    %mul3A_1175 = arith.mulf %unpack3A_1150, %mul3A_1174 : vector<16xf32>
    %add3A_1176 = arith.addf %add3A_1149, %mul3A_1175 : vector<16xf32>
    %bitcast3A_1177 = vector.bitcast %unpack3A_1151 : vector<16xf32> to vector<16xi32>
    %broadcast_in_dim3A_1178 = arith.constant 1597463007 : i32
    %broadcast_in_dim3A_1179 = vector.broadcast %broadcast_in_dim3A_1178 : i32 to vector<16xi32>
    %shift_right_arithmetic3A_1180 = arith.constant 1 : i32
    %shift_right_arithmetic3A_1181 = vector.broadcast %shift_right_arithmetic3A_1180 : i32 to vector<16xi32>
    %shift_right_arithmetic3A_1182 = arith.shrsi %bitcast3A_1177, %shift_right_arithmetic3A_1181 : vector<16xi32>
    %sub3A_1183 = arith.subi %broadcast_in_dim3A_1179, %shift_right_arithmetic3A_1182 : vector<16xi32>
    %bitcast3A_1184 = vector.bitcast %sub3A_1183 : vector<16xi32> to vector<16xf32>
    %mul3A_1185 = arith.constant 5.000000e-01 : f32
    %mul3A_1186 = vector.broadcast %mul3A_1185 : f32 to vector<16xf32>
    %mul3A_1187 = arith.mulf %unpack3A_1151, %mul3A_1186 : vector<16xf32>
    %mul3A_1188 = arith.mulf %mul3A_1187, %bitcast3A_1184 : vector<16xf32>
    %mul3A_1189 = arith.mulf %mul3A_1188, %bitcast3A_1184 : vector<16xf32>
    %sub3A_1190 = arith.constant 1.500000e+00 : f32
    %sub3A_1191 = vector.broadcast %sub3A_1190 : f32 to vector<16xf32>
    %sub3A_1192 = arith.subf %sub3A_1191, %mul3A_1189 : vector<16xf32>
    %mul3A_1193 = arith.mulf %bitcast3A_1184, %sub3A_1192 : vector<16xf32>
    %mul3A_1194 = arith.mulf %mul3A_1187, %mul3A_1193 : vector<16xf32>
    %mul3A_1195 = arith.mulf %mul3A_1194, %mul3A_1193 : vector<16xf32>
    %sub3A_1196 = arith.constant 1.500000e+00 : f32
    %sub3A_1197 = vector.broadcast %sub3A_1196 : f32 to vector<16xf32>
    %sub3A_1198 = arith.subf %sub3A_1197, %mul3A_1195 : vector<16xf32>
    %mul3A_1199 = arith.mulf %mul3A_1193, %sub3A_1198 : vector<16xf32>
    %mul3A_1200 = arith.mulf %unpack3A_1151, %mul3A_1199 : vector<16xf32>
    %add3A_1201 = arith.addf %add3A_1176, %mul3A_1200 : vector<16xf32>
    %reduce_sum3A = arith.constant true
    %reduce_sum3A_1202 = vector.broadcast %reduce_sum3A : i1 to vector<16xi1>
    %reduce_sum3A_1203 = tpu.scan <sum>, %add3A_1201 masked %reduce_sum3A_1202 : vector<16xf32>, vector<16xi1> -> vector<16xf32>
    %reduce_sum3A_1204 = vector.extract %reduce_sum3A_1203[15] : f32 from vector<16xf32>
    %broadcast_in_dim3A_1205 = vector.broadcast %reduce_sum3A_1204 : f32 to vector<16xf32>
    %swap3A = arith.constant 0 : index
    %swap3A_1206 = tpu.vector_load %arg7[%swap3A] {strides = array<i32>} : memref<16xf32, #tpu.memory_space<vmem>>, vector<16xf32>,
    tpu.vector_store %arg7[%swap3A], %broadcast_in_dim3A_1205 {strides = array<i32>} : memref<16xf32, #tpu.memory_space<vmem>>, vector<16xf32>,
    "tpu.region"() ({
      %run_scoped3A = tpu.sem_alloc : memref<!tpu.dma_semaphore, #tpu.memory_space<semaphore_mem>>
      %dma_start3A = arith.constant 0 : i32
      %dma_start3A_1207 = tpu.memref_slice %arg4[%add3A, %dma_start3A] : memref<32x16xf32, #tpu.memory_space<hbm>> -> memref<1x16xf32, #tpu.memory_space<hbm>>
      %dma_start3A_1208 = tpu.memref_squeeze %dma_start3A_1207 : memref<1x16xf32, #tpu.memory_space<hbm>> -> memref<16xf32, #tpu.memory_space<hbm>>
      %dma_start3A_1209 = arith.constant 0 : i32
      %dma_start3A_1210 = tpu.memref_slice %arg4[%add3A, %dma_start3A_1209] : memref<32x16xf32, #tpu.memory_space<hbm>> -> memref<1x16xf32, #tpu.memory_space<hbm>>
      %dma_start3A_1211 = tpu.memref_squeeze %dma_start3A_1210 : memref<1x16xf32, #tpu.memory_space<hbm>> -> memref<16xf32, #tpu.memory_space<hbm>>
      tpu.enqueue_dma source(%arg7 : memref<16xf32, #tpu.memory_space<vmem>>) target(%dma_start3A_1211 : memref<16xf32, #tpu.memory_space<hbm>>) target_semaphore(%run_scoped3A : memref<!tpu.dma_semaphore, #tpu.memory_space<semaphore_mem>>)
      %dma_wait3A = arith.constant 0 : i32
      %dma_wait3A_1212 = tpu.memref_slice %arg4[%add3A, %dma_wait3A] : memref<32x16xf32, #tpu.memory_space<hbm>> -> memref<1x16xf32, #tpu.memory_space<hbm>>
      %dma_wait3A_1213 = tpu.memref_squeeze %dma_wait3A_1212 : memref<1x16xf32, #tpu.memory_space<hbm>> -> memref<16xf32, #tpu.memory_space<hbm>>
      %dma_wait3A_1214 = arith.constant 0 : i32
      %dma_wait3A_1215 = tpu.memref_slice %arg4[%add3A, %dma_wait3A_1214] : memref<32x16xf32, #tpu.memory_space<hbm>> -> memref<1x16xf32, #tpu.memory_space<hbm>>
      %dma_wait3A_1216 = tpu.memref_squeeze %dma_wait3A_1215 : memref<1x16xf32, #tpu.memory_space<hbm>> -> memref<16xf32, #tpu.memory_space<hbm>>
      tpu.wait_dma2 semaphore(%run_scoped3A : memref<!tpu.dma_semaphore, #tpu.memory_space<semaphore_mem>>) src(%arg7 : memref<16xf32, #tpu.memory_space<vmem>>) dst(%dma_wait3A_1216 : memref<16xf32, #tpu.memory_space<hbm>>)
      tpu.yield
    }) : () -> ()
    return
  }
}

module attributes {stable_mosaic.version = 14 : i64} {
  func.func @tc_k(%arg0: memref<512xf32, #tpu.memory_space<smem>>, %arg1: memref<512xf32, #tpu.memory_space<smem>>, %arg2: memref<1x1xf32, #tpu.memory_space<vmem>>) attributes {dimension_semantics = [], scalar_prefetch = 0 : i64, scratch_operands = 0 : i64, tpu.core_type = #tpu.core_type<tc>} {
    %iota3A = tpu.iota {dimensions = array<i32: 0>} : vector<8x128xi32>
    %convert_element_type3A = arith.sitofp %iota3A : vector<8x128xi32> to vector<8x128xf32>
    %iota3A_0 = tpu.iota {dimensions = array<i32: 1>} : vector<8x128xi32>
    %convert_element_type3A_1 = arith.sitofp %iota3A_0 : vector<8x128xi32> to vector<8x128xf32>
    %add3A = arith.constant 0.000000e+00 : f32
    %add3A_2 = vector.broadcast %add3A : f32 to vector<8x128xf32>
    %add3A_3 = arith.addf %convert_element_type3A_1, %add3A_2 : vector<8x128xf32>
    %add3A_4 = arith.constant 1.280000e+02 : f32
    %add3A_5 = vector.broadcast %add3A_4 : f32 to vector<8x128xf32>
    %add3A_6 = arith.addf %convert_element_type3A_1, %add3A_5 : vector<8x128xf32>
    %broadcast_in_dim3A = arith.constant 1.000000e+30 : f32
    %broadcast_in_dim3A_7 = vector.broadcast %broadcast_in_dim3A : f32 to vector<8x128xf32>
    %scan3A = arith.constant 0 : i32
    %scan3A_8 = arith.constant 512 : i32
    %scan3A_9 = arith.addi %scan3A, %scan3A_8 : i32
    %scan3A_10 = arith.constant 1 : i32
    %scan3A_11:32 = scf.for %scan3A_332 = %scan3A to %scan3A_9 step %scan3A_10 iter_args(%scan3A_333 = %broadcast_in_dim3A_7, %scan3A_334 = %broadcast_in_dim3A_7, %scan3A_335 = %broadcast_in_dim3A_7, %scan3A_336 = %broadcast_in_dim3A_7, %scan3A_337 = %broadcast_in_dim3A_7, %scan3A_338 = %broadcast_in_dim3A_7, %scan3A_339 = %broadcast_in_dim3A_7, %scan3A_340 = %broadcast_in_dim3A_7, %scan3A_341 = %broadcast_in_dim3A_7, %scan3A_342 = %broadcast_in_dim3A_7, %scan3A_343 = %broadcast_in_dim3A_7, %scan3A_344 = %broadcast_in_dim3A_7, %scan3A_345 = %broadcast_in_dim3A_7, %scan3A_346 = %broadcast_in_dim3A_7, %scan3A_347 = %broadcast_in_dim3A_7, %scan3A_348 = %broadcast_in_dim3A_7, %scan3A_349 = %broadcast_in_dim3A_7, %scan3A_350 = %broadcast_in_dim3A_7, %scan3A_351 = %broadcast_in_dim3A_7, %scan3A_352 = %broadcast_in_dim3A_7, %scan3A_353 = %broadcast_in_dim3A_7, %scan3A_354 = %broadcast_in_dim3A_7, %scan3A_355 = %broadcast_in_dim3A_7, %scan3A_356 = %broadcast_in_dim3A_7, %scan3A_357 = %broadcast_in_dim3A_7, %scan3A_358 = %broadcast_in_dim3A_7, %scan3A_359 = %broadcast_in_dim3A_7, %scan3A_360 = %broadcast_in_dim3A_7, %scan3A_361 = %broadcast_in_dim3A_7, %scan3A_362 = %broadcast_in_dim3A_7, %scan3A_363 = %broadcast_in_dim3A_7, %scan3A_364 = %broadcast_in_dim3A_7) -> (vector<8x128xf32>, vector<8x128xf32>, vector<8x128xf32>, vector<8x128xf32>, vector<8x128xf32>, vector<8x128xf32>, vector<8x128xf32>, vector<8x128xf32>, vector<8x128xf32>, vector<8x128xf32>, vector<8x128xf32>, vector<8x128xf32>, vector<8x128xf32>, vector<8x128xf32>, vector<8x128xf32>, vector<8x128xf32>, vector<8x128xf32>, vector<8x128xf32>, vector<8x128xf32>, vector<8x128xf32>, vector<8x128xf32>, vector<8x128xf32>, vector<8x128xf32>, vector<8x128xf32>, vector<8x128xf32>, vector<8x128xf32>, vector<8x128xf32>, vector<8x128xf32>, vector<8x128xf32>, vector<8x128xf32>, vector<8x128xf32>, vector<8x128xf32>)  : i32 {
      %get3A = arith.index_cast %scan3A_332 : i32 to index
      %get3A_365 = memref.load %arg0[%get3A] : memref<512xf32, #tpu.memory_space<smem>>
      %get3A_366 = arith.index_cast %scan3A_332 : i32 to index
      %get3A_367 = memref.load %arg1[%get3A_366] : memref<512xf32, #tpu.memory_space<smem>>
      %sub3A = vector.broadcast %get3A_367 : f32 to vector<8x128xf32>
      %sub3A_368 = arith.subf %add3A_3, %sub3A : vector<8x128xf32>
      %mul3A = arith.mulf %sub3A_368, %sub3A_368 : vector<8x128xf32>
      %sub3A_369 = vector.broadcast %get3A_367 : f32 to vector<8x128xf32>
      %sub3A_370 = arith.subf %add3A_6, %sub3A_369 : vector<8x128xf32>
      %mul3A_371 = arith.mulf %sub3A_370, %sub3A_370 : vector<8x128xf32>
      %sub3A_372 = arith.constant 9.600000e+01 : f32
      %sub3A_373 = arith.subf %get3A_365, %sub3A_372 : f32
      %sub3A_374 = vector.broadcast %sub3A_373 : f32 to vector<8x128xf32>
      %sub3A_375 = arith.subf %convert_element_type3A, %sub3A_374 : vector<8x128xf32>
      %mul3A_376 = arith.mulf %sub3A_375, %sub3A_375 : vector<8x128xf32>
      %add3A_377 = arith.addf %mul3A, %mul3A_376 : vector<8x128xf32>
      %min3A = arith.minimumf %scan3A_333, %add3A_377 : vector<8x128xf32>
      %add3A_378 = arith.addf %mul3A_371, %mul3A_376 : vector<8x128xf32>
      %min3A_379 = arith.minimumf %scan3A_334, %add3A_378 : vector<8x128xf32>
      %sub3A_380 = arith.constant 1.040000e+02 : f32
      %sub3A_381 = arith.subf %get3A_365, %sub3A_380 : f32
      %sub3A_382 = vector.broadcast %sub3A_381 : f32 to vector<8x128xf32>
      %sub3A_383 = arith.subf %convert_element_type3A, %sub3A_382 : vector<8x128xf32>
      %mul3A_384 = arith.mulf %sub3A_383, %sub3A_383 : vector<8x128xf32>
      %add3A_385 = arith.addf %mul3A, %mul3A_384 : vector<8x128xf32>
      %min3A_386 = arith.minimumf %scan3A_335, %add3A_385 : vector<8x128xf32>
      %add3A_387 = arith.addf %mul3A_371, %mul3A_384 : vector<8x128xf32>
      %min3A_388 = arith.minimumf %scan3A_336, %add3A_387 : vector<8x128xf32>
      %sub3A_389 = arith.constant 1.120000e+02 : f32
      %sub3A_390 = arith.subf %get3A_365, %sub3A_389 : f32
      %sub3A_391 = vector.broadcast %sub3A_390 : f32 to vector<8x128xf32>
      %sub3A_392 = arith.subf %convert_element_type3A, %sub3A_391 : vector<8x128xf32>
      %mul3A_393 = arith.mulf %sub3A_392, %sub3A_392 : vector<8x128xf32>
      %add3A_394 = arith.addf %mul3A, %mul3A_393 : vector<8x128xf32>
      %min3A_395 = arith.minimumf %scan3A_337, %add3A_394 : vector<8x128xf32>
      %add3A_396 = arith.addf %mul3A_371, %mul3A_393 : vector<8x128xf32>
      %min3A_397 = arith.minimumf %scan3A_338, %add3A_396 : vector<8x128xf32>
      %sub3A_398 = arith.constant 1.200000e+02 : f32
      %sub3A_399 = arith.subf %get3A_365, %sub3A_398 : f32
      %sub3A_400 = vector.broadcast %sub3A_399 : f32 to vector<8x128xf32>
      %sub3A_401 = arith.subf %convert_element_type3A, %sub3A_400 : vector<8x128xf32>
      %mul3A_402 = arith.mulf %sub3A_401, %sub3A_401 : vector<8x128xf32>
      %add3A_403 = arith.addf %mul3A, %mul3A_402 : vector<8x128xf32>
      %min3A_404 = arith.minimumf %scan3A_339, %add3A_403 : vector<8x128xf32>
      %add3A_405 = arith.addf %mul3A_371, %mul3A_402 : vector<8x128xf32>
      %min3A_406 = arith.minimumf %scan3A_340, %add3A_405 : vector<8x128xf32>
      %sub3A_407 = arith.constant 1.280000e+02 : f32
      %sub3A_408 = arith.subf %get3A_365, %sub3A_407 : f32
      %sub3A_409 = vector.broadcast %sub3A_408 : f32 to vector<8x128xf32>
      %sub3A_410 = arith.subf %convert_element_type3A, %sub3A_409 : vector<8x128xf32>
      %mul3A_411 = arith.mulf %sub3A_410, %sub3A_410 : vector<8x128xf32>
      %add3A_412 = arith.addf %mul3A, %mul3A_411 : vector<8x128xf32>
      %min3A_413 = arith.minimumf %scan3A_341, %add3A_412 : vector<8x128xf32>
      %add3A_414 = arith.addf %mul3A_371, %mul3A_411 : vector<8x128xf32>
      %min3A_415 = arith.minimumf %scan3A_342, %add3A_414 : vector<8x128xf32>
      %sub3A_416 = arith.constant 1.360000e+02 : f32
      %sub3A_417 = arith.subf %get3A_365, %sub3A_416 : f32
      %sub3A_418 = vector.broadcast %sub3A_417 : f32 to vector<8x128xf32>
      %sub3A_419 = arith.subf %convert_element_type3A, %sub3A_418 : vector<8x128xf32>
      %mul3A_420 = arith.mulf %sub3A_419, %sub3A_419 : vector<8x128xf32>
      %add3A_421 = arith.addf %mul3A, %mul3A_420 : vector<8x128xf32>
      %min3A_422 = arith.minimumf %scan3A_343, %add3A_421 : vector<8x128xf32>
      %add3A_423 = arith.addf %mul3A_371, %mul3A_420 : vector<8x128xf32>
      %min3A_424 = arith.minimumf %scan3A_344, %add3A_423 : vector<8x128xf32>
      %sub3A_425 = arith.constant 1.440000e+02 : f32
      %sub3A_426 = arith.subf %get3A_365, %sub3A_425 : f32
      %sub3A_427 = vector.broadcast %sub3A_426 : f32 to vector<8x128xf32>
      %sub3A_428 = arith.subf %convert_element_type3A, %sub3A_427 : vector<8x128xf32>
      %mul3A_429 = arith.mulf %sub3A_428, %sub3A_428 : vector<8x128xf32>
      %add3A_430 = arith.addf %mul3A, %mul3A_429 : vector<8x128xf32>
      %min3A_431 = arith.minimumf %scan3A_345, %add3A_430 : vector<8x128xf32>
      %add3A_432 = arith.addf %mul3A_371, %mul3A_429 : vector<8x128xf32>
      %min3A_433 = arith.minimumf %scan3A_346, %add3A_432 : vector<8x128xf32>
      %sub3A_434 = arith.constant 1.520000e+02 : f32
      %sub3A_435 = arith.subf %get3A_365, %sub3A_434 : f32
      %sub3A_436 = vector.broadcast %sub3A_435 : f32 to vector<8x128xf32>
      %sub3A_437 = arith.subf %convert_element_type3A, %sub3A_436 : vector<8x128xf32>
      %mul3A_438 = arith.mulf %sub3A_437, %sub3A_437 : vector<8x128xf32>
      %add3A_439 = arith.addf %mul3A, %mul3A_438 : vector<8x128xf32>
      %min3A_440 = arith.minimumf %scan3A_347, %add3A_439 : vector<8x128xf32>
      %add3A_441 = arith.addf %mul3A_371, %mul3A_438 : vector<8x128xf32>
      %min3A_442 = arith.minimumf %scan3A_348, %add3A_441 : vector<8x128xf32>
      %sub3A_443 = arith.constant 1.600000e+02 : f32
      %sub3A_444 = arith.subf %get3A_365, %sub3A_443 : f32
      %sub3A_445 = vector.broadcast %sub3A_444 : f32 to vector<8x128xf32>
      %sub3A_446 = arith.subf %convert_element_type3A, %sub3A_445 : vector<8x128xf32>
      %mul3A_447 = arith.mulf %sub3A_446, %sub3A_446 : vector<8x128xf32>
      %add3A_448 = arith.addf %mul3A, %mul3A_447 : vector<8x128xf32>
      %min3A_449 = arith.minimumf %scan3A_349, %add3A_448 : vector<8x128xf32>
      %add3A_450 = arith.addf %mul3A_371, %mul3A_447 : vector<8x128xf32>
      %min3A_451 = arith.minimumf %scan3A_350, %add3A_450 : vector<8x128xf32>
      %sub3A_452 = arith.constant 1.680000e+02 : f32
      %sub3A_453 = arith.subf %get3A_365, %sub3A_452 : f32
      %sub3A_454 = vector.broadcast %sub3A_453 : f32 to vector<8x128xf32>
      %sub3A_455 = arith.subf %convert_element_type3A, %sub3A_454 : vector<8x128xf32>
      %mul3A_456 = arith.mulf %sub3A_455, %sub3A_455 : vector<8x128xf32>
      %add3A_457 = arith.addf %mul3A, %mul3A_456 : vector<8x128xf32>
      %min3A_458 = arith.minimumf %scan3A_351, %add3A_457 : vector<8x128xf32>
      %add3A_459 = arith.addf %mul3A_371, %mul3A_456 : vector<8x128xf32>
      %min3A_460 = arith.minimumf %scan3A_352, %add3A_459 : vector<8x128xf32>
      %sub3A_461 = arith.constant 1.760000e+02 : f32
      %sub3A_462 = arith.subf %get3A_365, %sub3A_461 : f32
      %sub3A_463 = vector.broadcast %sub3A_462 : f32 to vector<8x128xf32>
      %sub3A_464 = arith.subf %convert_element_type3A, %sub3A_463 : vector<8x128xf32>
      %mul3A_465 = arith.mulf %sub3A_464, %sub3A_464 : vector<8x128xf32>
      %add3A_466 = arith.addf %mul3A, %mul3A_465 : vector<8x128xf32>
      %min3A_467 = arith.minimumf %scan3A_353, %add3A_466 : vector<8x128xf32>
      %add3A_468 = arith.addf %mul3A_371, %mul3A_465 : vector<8x128xf32>
      %min3A_469 = arith.minimumf %scan3A_354, %add3A_468 : vector<8x128xf32>
      %sub3A_470 = arith.constant 1.840000e+02 : f32
      %sub3A_471 = arith.subf %get3A_365, %sub3A_470 : f32
      %sub3A_472 = vector.broadcast %sub3A_471 : f32 to vector<8x128xf32>
      %sub3A_473 = arith.subf %convert_element_type3A, %sub3A_472 : vector<8x128xf32>
      %mul3A_474 = arith.mulf %sub3A_473, %sub3A_473 : vector<8x128xf32>
      %add3A_475 = arith.addf %mul3A, %mul3A_474 : vector<8x128xf32>
      %min3A_476 = arith.minimumf %scan3A_355, %add3A_475 : vector<8x128xf32>
      %add3A_477 = arith.addf %mul3A_371, %mul3A_474 : vector<8x128xf32>
      %min3A_478 = arith.minimumf %scan3A_356, %add3A_477 : vector<8x128xf32>
      %sub3A_479 = arith.constant 1.920000e+02 : f32
      %sub3A_480 = arith.subf %get3A_365, %sub3A_479 : f32
      %sub3A_481 = vector.broadcast %sub3A_480 : f32 to vector<8x128xf32>
      %sub3A_482 = arith.subf %convert_element_type3A, %sub3A_481 : vector<8x128xf32>
      %mul3A_483 = arith.mulf %sub3A_482, %sub3A_482 : vector<8x128xf32>
      %add3A_484 = arith.addf %mul3A, %mul3A_483 : vector<8x128xf32>
      %min3A_485 = arith.minimumf %scan3A_357, %add3A_484 : vector<8x128xf32>
      %add3A_486 = arith.addf %mul3A_371, %mul3A_483 : vector<8x128xf32>
      %min3A_487 = arith.minimumf %scan3A_358, %add3A_486 : vector<8x128xf32>
      %sub3A_488 = arith.constant 2.000000e+02 : f32
      %sub3A_489 = arith.subf %get3A_365, %sub3A_488 : f32
      %sub3A_490 = vector.broadcast %sub3A_489 : f32 to vector<8x128xf32>
      %sub3A_491 = arith.subf %convert_element_type3A, %sub3A_490 : vector<8x128xf32>
      %mul3A_492 = arith.mulf %sub3A_491, %sub3A_491 : vector<8x128xf32>
      %add3A_493 = arith.addf %mul3A, %mul3A_492 : vector<8x128xf32>
      %min3A_494 = arith.minimumf %scan3A_359, %add3A_493 : vector<8x128xf32>
      %add3A_495 = arith.addf %mul3A_371, %mul3A_492 : vector<8x128xf32>
      %min3A_496 = arith.minimumf %scan3A_360, %add3A_495 : vector<8x128xf32>
      %sub3A_497 = arith.constant 2.080000e+02 : f32
      %sub3A_498 = arith.subf %get3A_365, %sub3A_497 : f32
      %sub3A_499 = vector.broadcast %sub3A_498 : f32 to vector<8x128xf32>
      %sub3A_500 = arith.subf %convert_element_type3A, %sub3A_499 : vector<8x128xf32>
      %mul3A_501 = arith.mulf %sub3A_500, %sub3A_500 : vector<8x128xf32>
      %add3A_502 = arith.addf %mul3A, %mul3A_501 : vector<8x128xf32>
      %min3A_503 = arith.minimumf %scan3A_361, %add3A_502 : vector<8x128xf32>
      %add3A_504 = arith.addf %mul3A_371, %mul3A_501 : vector<8x128xf32>
      %min3A_505 = arith.minimumf %scan3A_362, %add3A_504 : vector<8x128xf32>
      %sub3A_506 = arith.constant 2.160000e+02 : f32
      %sub3A_507 = arith.subf %get3A_365, %sub3A_506 : f32
      %sub3A_508 = vector.broadcast %sub3A_507 : f32 to vector<8x128xf32>
      %sub3A_509 = arith.subf %convert_element_type3A, %sub3A_508 : vector<8x128xf32>
      %mul3A_510 = arith.mulf %sub3A_509, %sub3A_509 : vector<8x128xf32>
      %add3A_511 = arith.addf %mul3A, %mul3A_510 : vector<8x128xf32>
      %min3A_512 = arith.minimumf %scan3A_363, %add3A_511 : vector<8x128xf32>
      %add3A_513 = arith.addf %mul3A_371, %mul3A_510 : vector<8x128xf32>
      %min3A_514 = arith.minimumf %scan3A_364, %add3A_513 : vector<8x128xf32>
      scf.yield %min3A, %min3A_379, %min3A_386, %min3A_388, %min3A_395, %min3A_397, %min3A_404, %min3A_406, %min3A_413, %min3A_415, %min3A_422, %min3A_424, %min3A_431, %min3A_433, %min3A_440, %min3A_442, %min3A_449, %min3A_451, %min3A_458, %min3A_460, %min3A_467, %min3A_469, %min3A_476, %min3A_478, %min3A_485, %min3A_487, %min3A_494, %min3A_496, %min3A_503, %min3A_505, %min3A_512, %min3A_514 : vector<8x128xf32>, vector<8x128xf32>, vector<8x128xf32>, vector<8x128xf32>, vector<8x128xf32>, vector<8x128xf32>, vector<8x128xf32>, vector<8x128xf32>, vector<8x128xf32>, vector<8x128xf32>, vector<8x128xf32>, vector<8x128xf32>, vector<8x128xf32>, vector<8x128xf32>, vector<8x128xf32>, vector<8x128xf32>, vector<8x128xf32>, vector<8x128xf32>, vector<8x128xf32>, vector<8x128xf32>, vector<8x128xf32>, vector<8x128xf32>, vector<8x128xf32>, vector<8x128xf32>, vector<8x128xf32>, vector<8x128xf32>, vector<8x128xf32>, vector<8x128xf32>, vector<8x128xf32>, vector<8x128xf32>, vector<8x128xf32>, vector<8x128xf32>
    }
    %scan3A_12 = arith.constant 512 : i32
    %sqrt3A = math.sqrt %scan3A_11#0 : vector<8x128xf32>
    %reduce_sum3A = vector.shape_cast %sqrt3A : vector<8x128xf32> to vector<1x8x128xf32>
    %reduce_sum3A_13 = arith.constant dense<0.000000e+00> : vector<1xf32>
    %reduce_sum3A_14 = vector.multi_reduction <add>, %reduce_sum3A, %reduce_sum3A_13 [1, 2] : vector<1x8x128xf32> to vector<1xf32>
    %reduce_sum3A_15 = vector.shape_cast %reduce_sum3A_14 : vector<1xf32> to vector<1x1x1xf32>
    %reduce_sum3A_16 = vector.extract %reduce_sum3A_15[0, 0, 0] : f32 from vector<1x1x1xf32>
    %add3A_17 = arith.constant 0.000000e+00 : f32
    %add3A_18 = arith.addf %add3A_17, %reduce_sum3A_16 : f32
    %sqrt3A_19 = math.sqrt %scan3A_11#1 : vector<8x128xf32>
    %lt3A = arith.constant 2.240000e+02 : f32
    %lt3A_20 = vector.broadcast %lt3A : f32 to vector<8x128xf32>
    %lt3A_21 = arith.cmpf olt, %add3A_6, %lt3A_20 : vector<8x128xf32>
    %jit3A = arith.constant 0.000000e+00 : f32
    %broadcast_in_dim3A_22 = vector.broadcast %jit3A : f32 to vector<8x128xf32>
    %select_n3A = arith.select %lt3A_21, %sqrt3A_19, %broadcast_in_dim3A_22 : vector<8x128xi1>, vector<8x128xf32>
    %reduce_sum3A_23 = vector.shape_cast %select_n3A : vector<8x128xf32> to vector<1x8x128xf32>
    %reduce_sum3A_24 = arith.constant dense<0.000000e+00> : vector<1xf32>
    %reduce_sum3A_25 = vector.multi_reduction <add>, %reduce_sum3A_23, %reduce_sum3A_24 [1, 2] : vector<1x8x128xf32> to vector<1xf32>
    %reduce_sum3A_26 = vector.shape_cast %reduce_sum3A_25 : vector<1xf32> to vector<1x1x1xf32>
    %reduce_sum3A_27 = vector.extract %reduce_sum3A_26[0, 0, 0] : f32 from vector<1x1x1xf32>
    %add3A_28 = arith.addf %add3A_18, %reduce_sum3A_27 : f32
    %sqrt3A_29 = math.sqrt %scan3A_11#2 : vector<8x128xf32>
    %reduce_sum3A_30 = vector.shape_cast %sqrt3A_29 : vector<8x128xf32> to vector<1x8x128xf32>
    %reduce_sum3A_31 = arith.constant dense<0.000000e+00> : vector<1xf32>
    %reduce_sum3A_32 = vector.multi_reduction <add>, %reduce_sum3A_30, %reduce_sum3A_31 [1, 2] : vector<1x8x128xf32> to vector<1xf32>
    %reduce_sum3A_33 = vector.shape_cast %reduce_sum3A_32 : vector<1xf32> to vector<1x1x1xf32>
    %reduce_sum3A_34 = vector.extract %reduce_sum3A_33[0, 0, 0] : f32 from vector<1x1x1xf32>
    %add3A_35 = arith.addf %add3A_28, %reduce_sum3A_34 : f32
    %sqrt3A_36 = math.sqrt %scan3A_11#3 : vector<8x128xf32>
    %lt3A_37 = arith.constant 2.240000e+02 : f32
    %lt3A_38 = vector.broadcast %lt3A_37 : f32 to vector<8x128xf32>
    %lt3A_39 = arith.cmpf olt, %add3A_6, %lt3A_38 : vector<8x128xf32>
    %jit3A_40 = arith.constant 0.000000e+00 : f32
    %broadcast_in_dim3A_41 = vector.broadcast %jit3A_40 : f32 to vector<8x128xf32>
    %select_n3A_42 = arith.select %lt3A_39, %sqrt3A_36, %broadcast_in_dim3A_41 : vector<8x128xi1>, vector<8x128xf32>
    %reduce_sum3A_43 = vector.shape_cast %select_n3A_42 : vector<8x128xf32> to vector<1x8x128xf32>
    %reduce_sum3A_44 = arith.constant dense<0.000000e+00> : vector<1xf32>
    %reduce_sum3A_45 = vector.multi_reduction <add>, %reduce_sum3A_43, %reduce_sum3A_44 [1, 2] : vector<1x8x128xf32> to vector<1xf32>
    %reduce_sum3A_46 = vector.shape_cast %reduce_sum3A_45 : vector<1xf32> to vector<1x1x1xf32>
    %reduce_sum3A_47 = vector.extract %reduce_sum3A_46[0, 0, 0] : f32 from vector<1x1x1xf32>
    %add3A_48 = arith.addf %add3A_35, %reduce_sum3A_47 : f32
    %sqrt3A_49 = math.sqrt %scan3A_11#4 : vector<8x128xf32>
    %reduce_sum3A_50 = vector.shape_cast %sqrt3A_49 : vector<8x128xf32> to vector<1x8x128xf32>
    %reduce_sum3A_51 = arith.constant dense<0.000000e+00> : vector<1xf32>
    %reduce_sum3A_52 = vector.multi_reduction <add>, %reduce_sum3A_50, %reduce_sum3A_51 [1, 2] : vector<1x8x128xf32> to vector<1xf32>
    %reduce_sum3A_53 = vector.shape_cast %reduce_sum3A_52 : vector<1xf32> to vector<1x1x1xf32>
    %reduce_sum3A_54 = vector.extract %reduce_sum3A_53[0, 0, 0] : f32 from vector<1x1x1xf32>
    %add3A_55 = arith.addf %add3A_48, %reduce_sum3A_54 : f32
    %sqrt3A_56 = math.sqrt %scan3A_11#5 : vector<8x128xf32>
    %lt3A_57 = arith.constant 2.240000e+02 : f32
    %lt3A_58 = vector.broadcast %lt3A_57 : f32 to vector<8x128xf32>
    %lt3A_59 = arith.cmpf olt, %add3A_6, %lt3A_58 : vector<8x128xf32>
    %jit3A_60 = arith.constant 0.000000e+00 : f32
    %broadcast_in_dim3A_61 = vector.broadcast %jit3A_60 : f32 to vector<8x128xf32>
    %select_n3A_62 = arith.select %lt3A_59, %sqrt3A_56, %broadcast_in_dim3A_61 : vector<8x128xi1>, vector<8x128xf32>
    %reduce_sum3A_63 = vector.shape_cast %select_n3A_62 : vector<8x128xf32> to vector<1x8x128xf32>
    %reduce_sum3A_64 = arith.constant dense<0.000000e+00> : vector<1xf32>
    %reduce_sum3A_65 = vector.multi_reduction <add>, %reduce_sum3A_63, %reduce_sum3A_64 [1, 2] : vector<1x8x128xf32> to vector<1xf32>
    %reduce_sum3A_66 = vector.shape_cast %reduce_sum3A_65 : vector<1xf32> to vector<1x1x1xf32>
    %reduce_sum3A_67 = vector.extract %reduce_sum3A_66[0, 0, 0] : f32 from vector<1x1x1xf32>
    %add3A_68 = arith.addf %add3A_55, %reduce_sum3A_67 : f32
    %sqrt3A_69 = math.sqrt %scan3A_11#6 : vector<8x128xf32>
    %reduce_sum3A_70 = vector.shape_cast %sqrt3A_69 : vector<8x128xf32> to vector<1x8x128xf32>
    %reduce_sum3A_71 = arith.constant dense<0.000000e+00> : vector<1xf32>
    %reduce_sum3A_72 = vector.multi_reduction <add>, %reduce_sum3A_70, %reduce_sum3A_71 [1, 2] : vector<1x8x128xf32> to vector<1xf32>
    %reduce_sum3A_73 = vector.shape_cast %reduce_sum3A_72 : vector<1xf32> to vector<1x1x1xf32>
    %reduce_sum3A_74 = vector.extract %reduce_sum3A_73[0, 0, 0] : f32 from vector<1x1x1xf32>
    %add3A_75 = arith.addf %add3A_68, %reduce_sum3A_74 : f32
    %sqrt3A_76 = math.sqrt %scan3A_11#7 : vector<8x128xf32>
    %lt3A_77 = arith.constant 2.240000e+02 : f32
    %lt3A_78 = vector.broadcast %lt3A_77 : f32 to vector<8x128xf32>
    %lt3A_79 = arith.cmpf olt, %add3A_6, %lt3A_78 : vector<8x128xf32>
    %jit3A_80 = arith.constant 0.000000e+00 : f32
    %broadcast_in_dim3A_81 = vector.broadcast %jit3A_80 : f32 to vector<8x128xf32>
    %select_n3A_82 = arith.select %lt3A_79, %sqrt3A_76, %broadcast_in_dim3A_81 : vector<8x128xi1>, vector<8x128xf32>
    %reduce_sum3A_83 = vector.shape_cast %select_n3A_82 : vector<8x128xf32> to vector<1x8x128xf32>
    %reduce_sum3A_84 = arith.constant dense<0.000000e+00> : vector<1xf32>
    %reduce_sum3A_85 = vector.multi_reduction <add>, %reduce_sum3A_83, %reduce_sum3A_84 [1, 2] : vector<1x8x128xf32> to vector<1xf32>
    %reduce_sum3A_86 = vector.shape_cast %reduce_sum3A_85 : vector<1xf32> to vector<1x1x1xf32>
    %reduce_sum3A_87 = vector.extract %reduce_sum3A_86[0, 0, 0] : f32 from vector<1x1x1xf32>
    %add3A_88 = arith.addf %add3A_75, %reduce_sum3A_87 : f32
    %sqrt3A_89 = math.sqrt %scan3A_11#8 : vector<8x128xf32>
    %reduce_sum3A_90 = vector.shape_cast %sqrt3A_89 : vector<8x128xf32> to vector<1x8x128xf32>
    %reduce_sum3A_91 = arith.constant dense<0.000000e+00> : vector<1xf32>
    %reduce_sum3A_92 = vector.multi_reduction <add>, %reduce_sum3A_90, %reduce_sum3A_91 [1, 2] : vector<1x8x128xf32> to vector<1xf32>
    %reduce_sum3A_93 = vector.shape_cast %reduce_sum3A_92 : vector<1xf32> to vector<1x1x1xf32>
    %reduce_sum3A_94 = vector.extract %reduce_sum3A_93[0, 0, 0] : f32 from vector<1x1x1xf32>
    %add3A_95 = arith.addf %add3A_88, %reduce_sum3A_94 : f32
    %sqrt3A_96 = math.sqrt %scan3A_11#9 : vector<8x128xf32>
    %lt3A_97 = arith.constant 2.240000e+02 : f32
    %lt3A_98 = vector.broadcast %lt3A_97 : f32 to vector<8x128xf32>
    %lt3A_99 = arith.cmpf olt, %add3A_6, %lt3A_98 : vector<8x128xf32>
    %jit3A_100 = arith.constant 0.000000e+00 : f32
    %broadcast_in_dim3A_101 = vector.broadcast %jit3A_100 : f32 to vector<8x128xf32>
    %select_n3A_102 = arith.select %lt3A_99, %sqrt3A_96, %broadcast_in_dim3A_101 : vector<8x128xi1>, vector<8x128xf32>
    %reduce_sum3A_103 = vector.shape_cast %select_n3A_102 : vector<8x128xf32> to vector<1x8x128xf32>
    %reduce_sum3A_104 = arith.constant dense<0.000000e+00> : vector<1xf32>
    %reduce_sum3A_105 = vector.multi_reduction <add>, %reduce_sum3A_103, %reduce_sum3A_104 [1, 2] : vector<1x8x128xf32> to vector<1xf32>
    %reduce_sum3A_106 = vector.shape_cast %reduce_sum3A_105 : vector<1xf32> to vector<1x1x1xf32>
    %reduce_sum3A_107 = vector.extract %reduce_sum3A_106[0, 0, 0] : f32 from vector<1x1x1xf32>
    %add3A_108 = arith.addf %add3A_95, %reduce_sum3A_107 : f32
    %sqrt3A_109 = math.sqrt %scan3A_11#10 : vector<8x128xf32>
    %reduce_sum3A_110 = vector.shape_cast %sqrt3A_109 : vector<8x128xf32> to vector<1x8x128xf32>
    %reduce_sum3A_111 = arith.constant dense<0.000000e+00> : vector<1xf32>
    %reduce_sum3A_112 = vector.multi_reduction <add>, %reduce_sum3A_110, %reduce_sum3A_111 [1, 2] : vector<1x8x128xf32> to vector<1xf32>
    %reduce_sum3A_113 = vector.shape_cast %reduce_sum3A_112 : vector<1xf32> to vector<1x1x1xf32>
    %reduce_sum3A_114 = vector.extract %reduce_sum3A_113[0, 0, 0] : f32 from vector<1x1x1xf32>
    %add3A_115 = arith.addf %add3A_108, %reduce_sum3A_114 : f32
    %sqrt3A_116 = math.sqrt %scan3A_11#11 : vector<8x128xf32>
    %lt3A_117 = arith.constant 2.240000e+02 : f32
    %lt3A_118 = vector.broadcast %lt3A_117 : f32 to vector<8x128xf32>
    %lt3A_119 = arith.cmpf olt, %add3A_6, %lt3A_118 : vector<8x128xf32>
    %jit3A_120 = arith.constant 0.000000e+00 : f32
    %broadcast_in_dim3A_121 = vector.broadcast %jit3A_120 : f32 to vector<8x128xf32>
    %select_n3A_122 = arith.select %lt3A_119, %sqrt3A_116, %broadcast_in_dim3A_121 : vector<8x128xi1>, vector<8x128xf32>
    %reduce_sum3A_123 = vector.shape_cast %select_n3A_122 : vector<8x128xf32> to vector<1x8x128xf32>
    %reduce_sum3A_124 = arith.constant dense<0.000000e+00> : vector<1xf32>
    %reduce_sum3A_125 = vector.multi_reduction <add>, %reduce_sum3A_123, %reduce_sum3A_124 [1, 2] : vector<1x8x128xf32> to vector<1xf32>
    %reduce_sum3A_126 = vector.shape_cast %reduce_sum3A_125 : vector<1xf32> to vector<1x1x1xf32>
    %reduce_sum3A_127 = vector.extract %reduce_sum3A_126[0, 0, 0] : f32 from vector<1x1x1xf32>
    %add3A_128 = arith.addf %add3A_115, %reduce_sum3A_127 : f32
    %sqrt3A_129 = math.sqrt %scan3A_11#12 : vector<8x128xf32>
    %reduce_sum3A_130 = vector.shape_cast %sqrt3A_129 : vector<8x128xf32> to vector<1x8x128xf32>
    %reduce_sum3A_131 = arith.constant dense<0.000000e+00> : vector<1xf32>
    %reduce_sum3A_132 = vector.multi_reduction <add>, %reduce_sum3A_130, %reduce_sum3A_131 [1, 2] : vector<1x8x128xf32> to vector<1xf32>
    %reduce_sum3A_133 = vector.shape_cast %reduce_sum3A_132 : vector<1xf32> to vector<1x1x1xf32>
    %reduce_sum3A_134 = vector.extract %reduce_sum3A_133[0, 0, 0] : f32 from vector<1x1x1xf32>
    %add3A_135 = arith.addf %add3A_128, %reduce_sum3A_134 : f32
    %sqrt3A_136 = math.sqrt %scan3A_11#13 : vector<8x128xf32>
    %lt3A_137 = arith.constant 2.240000e+02 : f32
    %lt3A_138 = vector.broadcast %lt3A_137 : f32 to vector<8x128xf32>
    %lt3A_139 = arith.cmpf olt, %add3A_6, %lt3A_138 : vector<8x128xf32>
    %jit3A_140 = arith.constant 0.000000e+00 : f32
    %broadcast_in_dim3A_141 = vector.broadcast %jit3A_140 : f32 to vector<8x128xf32>
    %select_n3A_142 = arith.select %lt3A_139, %sqrt3A_136, %broadcast_in_dim3A_141 : vector<8x128xi1>, vector<8x128xf32>
    %reduce_sum3A_143 = vector.shape_cast %select_n3A_142 : vector<8x128xf32> to vector<1x8x128xf32>
    %reduce_sum3A_144 = arith.constant dense<0.000000e+00> : vector<1xf32>
    %reduce_sum3A_145 = vector.multi_reduction <add>, %reduce_sum3A_143, %reduce_sum3A_144 [1, 2] : vector<1x8x128xf32> to vector<1xf32>
    %reduce_sum3A_146 = vector.shape_cast %reduce_sum3A_145 : vector<1xf32> to vector<1x1x1xf32>
    %reduce_sum3A_147 = vector.extract %reduce_sum3A_146[0, 0, 0] : f32 from vector<1x1x1xf32>
    %add3A_148 = arith.addf %add3A_135, %reduce_sum3A_147 : f32
    %sqrt3A_149 = math.sqrt %scan3A_11#14 : vector<8x128xf32>
    %reduce_sum3A_150 = vector.shape_cast %sqrt3A_149 : vector<8x128xf32> to vector<1x8x128xf32>
    %reduce_sum3A_151 = arith.constant dense<0.000000e+00> : vector<1xf32>
    %reduce_sum3A_152 = vector.multi_reduction <add>, %reduce_sum3A_150, %reduce_sum3A_151 [1, 2] : vector<1x8x128xf32> to vector<1xf32>
    %reduce_sum3A_153 = vector.shape_cast %reduce_sum3A_152 : vector<1xf32> to vector<1x1x1xf32>
    %reduce_sum3A_154 = vector.extract %reduce_sum3A_153[0, 0, 0] : f32 from vector<1x1x1xf32>
    %add3A_155 = arith.addf %add3A_148, %reduce_sum3A_154 : f32
    %sqrt3A_156 = math.sqrt %scan3A_11#15 : vector<8x128xf32>
    %lt3A_157 = arith.constant 2.240000e+02 : f32
    %lt3A_158 = vector.broadcast %lt3A_157 : f32 to vector<8x128xf32>
    %lt3A_159 = arith.cmpf olt, %add3A_6, %lt3A_158 : vector<8x128xf32>
    %jit3A_160 = arith.constant 0.000000e+00 : f32
    %broadcast_in_dim3A_161 = vector.broadcast %jit3A_160 : f32 to vector<8x128xf32>
    %select_n3A_162 = arith.select %lt3A_159, %sqrt3A_156, %broadcast_in_dim3A_161 : vector<8x128xi1>, vector<8x128xf32>
    %reduce_sum3A_163 = vector.shape_cast %select_n3A_162 : vector<8x128xf32> to vector<1x8x128xf32>
    %reduce_sum3A_164 = arith.constant dense<0.000000e+00> : vector<1xf32>
    %reduce_sum3A_165 = vector.multi_reduction <add>, %reduce_sum3A_163, %reduce_sum3A_164 [1, 2] : vector<1x8x128xf32> to vector<1xf32>
    %reduce_sum3A_166 = vector.shape_cast %reduce_sum3A_165 : vector<1xf32> to vector<1x1x1xf32>
    %reduce_sum3A_167 = vector.extract %reduce_sum3A_166[0, 0, 0] : f32 from vector<1x1x1xf32>
    %add3A_168 = arith.addf %add3A_155, %reduce_sum3A_167 : f32
    %sqrt3A_169 = math.sqrt %scan3A_11#16 : vector<8x128xf32>
    %reduce_sum3A_170 = vector.shape_cast %sqrt3A_169 : vector<8x128xf32> to vector<1x8x128xf32>
    %reduce_sum3A_171 = arith.constant dense<0.000000e+00> : vector<1xf32>
    %reduce_sum3A_172 = vector.multi_reduction <add>, %reduce_sum3A_170, %reduce_sum3A_171 [1, 2] : vector<1x8x128xf32> to vector<1xf32>
    %reduce_sum3A_173 = vector.shape_cast %reduce_sum3A_172 : vector<1xf32> to vector<1x1x1xf32>
    %reduce_sum3A_174 = vector.extract %reduce_sum3A_173[0, 0, 0] : f32 from vector<1x1x1xf32>
    %add3A_175 = arith.addf %add3A_168, %reduce_sum3A_174 : f32
    %sqrt3A_176 = math.sqrt %scan3A_11#17 : vector<8x128xf32>
    %lt3A_177 = arith.constant 2.240000e+02 : f32
    %lt3A_178 = vector.broadcast %lt3A_177 : f32 to vector<8x128xf32>
    %lt3A_179 = arith.cmpf olt, %add3A_6, %lt3A_178 : vector<8x128xf32>
    %jit3A_180 = arith.constant 0.000000e+00 : f32
    %broadcast_in_dim3A_181 = vector.broadcast %jit3A_180 : f32 to vector<8x128xf32>
    %select_n3A_182 = arith.select %lt3A_179, %sqrt3A_176, %broadcast_in_dim3A_181 : vector<8x128xi1>, vector<8x128xf32>
    %reduce_sum3A_183 = vector.shape_cast %select_n3A_182 : vector<8x128xf32> to vector<1x8x128xf32>
    %reduce_sum3A_184 = arith.constant dense<0.000000e+00> : vector<1xf32>
    %reduce_sum3A_185 = vector.multi_reduction <add>, %reduce_sum3A_183, %reduce_sum3A_184 [1, 2] : vector<1x8x128xf32> to vector<1xf32>
    %reduce_sum3A_186 = vector.shape_cast %reduce_sum3A_185 : vector<1xf32> to vector<1x1x1xf32>
    %reduce_sum3A_187 = vector.extract %reduce_sum3A_186[0, 0, 0] : f32 from vector<1x1x1xf32>
    %add3A_188 = arith.addf %add3A_175, %reduce_sum3A_187 : f32
    %sqrt3A_189 = math.sqrt %scan3A_11#18 : vector<8x128xf32>
    %reduce_sum3A_190 = vector.shape_cast %sqrt3A_189 : vector<8x128xf32> to vector<1x8x128xf32>
    %reduce_sum3A_191 = arith.constant dense<0.000000e+00> : vector<1xf32>
    %reduce_sum3A_192 = vector.multi_reduction <add>, %reduce_sum3A_190, %reduce_sum3A_191 [1, 2] : vector<1x8x128xf32> to vector<1xf32>
    %reduce_sum3A_193 = vector.shape_cast %reduce_sum3A_192 : vector<1xf32> to vector<1x1x1xf32>
    %reduce_sum3A_194 = vector.extract %reduce_sum3A_193[0, 0, 0] : f32 from vector<1x1x1xf32>
    %add3A_195 = arith.addf %add3A_188, %reduce_sum3A_194 : f32
    %sqrt3A_196 = math.sqrt %scan3A_11#19 : vector<8x128xf32>
    %lt3A_197 = arith.constant 2.240000e+02 : f32
    %lt3A_198 = vector.broadcast %lt3A_197 : f32 to vector<8x128xf32>
    %lt3A_199 = arith.cmpf olt, %add3A_6, %lt3A_198 : vector<8x128xf32>
    %jit3A_200 = arith.constant 0.000000e+00 : f32
    %broadcast_in_dim3A_201 = vector.broadcast %jit3A_200 : f32 to vector<8x128xf32>
    %select_n3A_202 = arith.select %lt3A_199, %sqrt3A_196, %broadcast_in_dim3A_201 : vector<8x128xi1>, vector<8x128xf32>
    %reduce_sum3A_203 = vector.shape_cast %select_n3A_202 : vector<8x128xf32> to vector<1x8x128xf32>
    %reduce_sum3A_204 = arith.constant dense<0.000000e+00> : vector<1xf32>
    %reduce_sum3A_205 = vector.multi_reduction <add>, %reduce_sum3A_203, %reduce_sum3A_204 [1, 2] : vector<1x8x128xf32> to vector<1xf32>
    %reduce_sum3A_206 = vector.shape_cast %reduce_sum3A_205 : vector<1xf32> to vector<1x1x1xf32>
    %reduce_sum3A_207 = vector.extract %reduce_sum3A_206[0, 0, 0] : f32 from vector<1x1x1xf32>
    %add3A_208 = arith.addf %add3A_195, %reduce_sum3A_207 : f32
    %sqrt3A_209 = math.sqrt %scan3A_11#20 : vector<8x128xf32>
    %reduce_sum3A_210 = vector.shape_cast %sqrt3A_209 : vector<8x128xf32> to vector<1x8x128xf32>
    %reduce_sum3A_211 = arith.constant dense<0.000000e+00> : vector<1xf32>
    %reduce_sum3A_212 = vector.multi_reduction <add>, %reduce_sum3A_210, %reduce_sum3A_211 [1, 2] : vector<1x8x128xf32> to vector<1xf32>
    %reduce_sum3A_213 = vector.shape_cast %reduce_sum3A_212 : vector<1xf32> to vector<1x1x1xf32>
    %reduce_sum3A_214 = vector.extract %reduce_sum3A_213[0, 0, 0] : f32 from vector<1x1x1xf32>
    %add3A_215 = arith.addf %add3A_208, %reduce_sum3A_214 : f32
    %sqrt3A_216 = math.sqrt %scan3A_11#21 : vector<8x128xf32>
    %lt3A_217 = arith.constant 2.240000e+02 : f32
    %lt3A_218 = vector.broadcast %lt3A_217 : f32 to vector<8x128xf32>
    %lt3A_219 = arith.cmpf olt, %add3A_6, %lt3A_218 : vector<8x128xf32>
    %jit3A_220 = arith.constant 0.000000e+00 : f32
    %broadcast_in_dim3A_221 = vector.broadcast %jit3A_220 : f32 to vector<8x128xf32>
    %select_n3A_222 = arith.select %lt3A_219, %sqrt3A_216, %broadcast_in_dim3A_221 : vector<8x128xi1>, vector<8x128xf32>
    %reduce_sum3A_223 = vector.shape_cast %select_n3A_222 : vector<8x128xf32> to vector<1x8x128xf32>
    %reduce_sum3A_224 = arith.constant dense<0.000000e+00> : vector<1xf32>
    %reduce_sum3A_225 = vector.multi_reduction <add>, %reduce_sum3A_223, %reduce_sum3A_224 [1, 2] : vector<1x8x128xf32> to vector<1xf32>
    %reduce_sum3A_226 = vector.shape_cast %reduce_sum3A_225 : vector<1xf32> to vector<1x1x1xf32>
    %reduce_sum3A_227 = vector.extract %reduce_sum3A_226[0, 0, 0] : f32 from vector<1x1x1xf32>
    %add3A_228 = arith.addf %add3A_215, %reduce_sum3A_227 : f32
    %sqrt3A_229 = math.sqrt %scan3A_11#22 : vector<8x128xf32>
    %reduce_sum3A_230 = vector.shape_cast %sqrt3A_229 : vector<8x128xf32> to vector<1x8x128xf32>
    %reduce_sum3A_231 = arith.constant dense<0.000000e+00> : vector<1xf32>
    %reduce_sum3A_232 = vector.multi_reduction <add>, %reduce_sum3A_230, %reduce_sum3A_231 [1, 2] : vector<1x8x128xf32> to vector<1xf32>
    %reduce_sum3A_233 = vector.shape_cast %reduce_sum3A_232 : vector<1xf32> to vector<1x1x1xf32>
    %reduce_sum3A_234 = vector.extract %reduce_sum3A_233[0, 0, 0] : f32 from vector<1x1x1xf32>
    %add3A_235 = arith.addf %add3A_228, %reduce_sum3A_234 : f32
    %sqrt3A_236 = math.sqrt %scan3A_11#23 : vector<8x128xf32>
    %lt3A_237 = arith.constant 2.240000e+02 : f32
    %lt3A_238 = vector.broadcast %lt3A_237 : f32 to vector<8x128xf32>
    %lt3A_239 = arith.cmpf olt, %add3A_6, %lt3A_238 : vector<8x128xf32>
    %jit3A_240 = arith.constant 0.000000e+00 : f32
    %broadcast_in_dim3A_241 = vector.broadcast %jit3A_240 : f32 to vector<8x128xf32>
    %select_n3A_242 = arith.select %lt3A_239, %sqrt3A_236, %broadcast_in_dim3A_241 : vector<8x128xi1>, vector<8x128xf32>
    %reduce_sum3A_243 = vector.shape_cast %select_n3A_242 : vector<8x128xf32> to vector<1x8x128xf32>
    %reduce_sum3A_244 = arith.constant dense<0.000000e+00> : vector<1xf32>
    %reduce_sum3A_245 = vector.multi_reduction <add>, %reduce_sum3A_243, %reduce_sum3A_244 [1, 2] : vector<1x8x128xf32> to vector<1xf32>
    %reduce_sum3A_246 = vector.shape_cast %reduce_sum3A_245 : vector<1xf32> to vector<1x1x1xf32>
    %reduce_sum3A_247 = vector.extract %reduce_sum3A_246[0, 0, 0] : f32 from vector<1x1x1xf32>
    %add3A_248 = arith.addf %add3A_235, %reduce_sum3A_247 : f32
    %sqrt3A_249 = math.sqrt %scan3A_11#24 : vector<8x128xf32>
    %reduce_sum3A_250 = vector.shape_cast %sqrt3A_249 : vector<8x128xf32> to vector<1x8x128xf32>
    %reduce_sum3A_251 = arith.constant dense<0.000000e+00> : vector<1xf32>
    %reduce_sum3A_252 = vector.multi_reduction <add>, %reduce_sum3A_250, %reduce_sum3A_251 [1, 2] : vector<1x8x128xf32> to vector<1xf32>
    %reduce_sum3A_253 = vector.shape_cast %reduce_sum3A_252 : vector<1xf32> to vector<1x1x1xf32>
    %reduce_sum3A_254 = vector.extract %reduce_sum3A_253[0, 0, 0] : f32 from vector<1x1x1xf32>
    %add3A_255 = arith.addf %add3A_248, %reduce_sum3A_254 : f32
    %sqrt3A_256 = math.sqrt %scan3A_11#25 : vector<8x128xf32>
    %lt3A_257 = arith.constant 2.240000e+02 : f32
    %lt3A_258 = vector.broadcast %lt3A_257 : f32 to vector<8x128xf32>
    %lt3A_259 = arith.cmpf olt, %add3A_6, %lt3A_258 : vector<8x128xf32>
    %jit3A_260 = arith.constant 0.000000e+00 : f32
    %broadcast_in_dim3A_261 = vector.broadcast %jit3A_260 : f32 to vector<8x128xf32>
    %select_n3A_262 = arith.select %lt3A_259, %sqrt3A_256, %broadcast_in_dim3A_261 : vector<8x128xi1>, vector<8x128xf32>
    %reduce_sum3A_263 = vector.shape_cast %select_n3A_262 : vector<8x128xf32> to vector<1x8x128xf32>
    %reduce_sum3A_264 = arith.constant dense<0.000000e+00> : vector<1xf32>
    %reduce_sum3A_265 = vector.multi_reduction <add>, %reduce_sum3A_263, %reduce_sum3A_264 [1, 2] : vector<1x8x128xf32> to vector<1xf32>
    %reduce_sum3A_266 = vector.shape_cast %reduce_sum3A_265 : vector<1xf32> to vector<1x1x1xf32>
    %reduce_sum3A_267 = vector.extract %reduce_sum3A_266[0, 0, 0] : f32 from vector<1x1x1xf32>
    %add3A_268 = arith.addf %add3A_255, %reduce_sum3A_267 : f32
    %sqrt3A_269 = math.sqrt %scan3A_11#26 : vector<8x128xf32>
    %reduce_sum3A_270 = vector.shape_cast %sqrt3A_269 : vector<8x128xf32> to vector<1x8x128xf32>
    %reduce_sum3A_271 = arith.constant dense<0.000000e+00> : vector<1xf32>
    %reduce_sum3A_272 = vector.multi_reduction <add>, %reduce_sum3A_270, %reduce_sum3A_271 [1, 2] : vector<1x8x128xf32> to vector<1xf32>
    %reduce_sum3A_273 = vector.shape_cast %reduce_sum3A_272 : vector<1xf32> to vector<1x1x1xf32>
    %reduce_sum3A_274 = vector.extract %reduce_sum3A_273[0, 0, 0] : f32 from vector<1x1x1xf32>
    %add3A_275 = arith.addf %add3A_268, %reduce_sum3A_274 : f32
    %sqrt3A_276 = math.sqrt %scan3A_11#27 : vector<8x128xf32>
    %lt3A_277 = arith.constant 2.240000e+02 : f32
    %lt3A_278 = vector.broadcast %lt3A_277 : f32 to vector<8x128xf32>
    %lt3A_279 = arith.cmpf olt, %add3A_6, %lt3A_278 : vector<8x128xf32>
    %jit3A_280 = arith.constant 0.000000e+00 : f32
    %broadcast_in_dim3A_281 = vector.broadcast %jit3A_280 : f32 to vector<8x128xf32>
    %select_n3A_282 = arith.select %lt3A_279, %sqrt3A_276, %broadcast_in_dim3A_281 : vector<8x128xi1>, vector<8x128xf32>
    %reduce_sum3A_283 = vector.shape_cast %select_n3A_282 : vector<8x128xf32> to vector<1x8x128xf32>
    %reduce_sum3A_284 = arith.constant dense<0.000000e+00> : vector<1xf32>
    %reduce_sum3A_285 = vector.multi_reduction <add>, %reduce_sum3A_283, %reduce_sum3A_284 [1, 2] : vector<1x8x128xf32> to vector<1xf32>
    %reduce_sum3A_286 = vector.shape_cast %reduce_sum3A_285 : vector<1xf32> to vector<1x1x1xf32>
    %reduce_sum3A_287 = vector.extract %reduce_sum3A_286[0, 0, 0] : f32 from vector<1x1x1xf32>
    %add3A_288 = arith.addf %add3A_275, %reduce_sum3A_287 : f32
    %sqrt3A_289 = math.sqrt %scan3A_11#28 : vector<8x128xf32>
    %reduce_sum3A_290 = vector.shape_cast %sqrt3A_289 : vector<8x128xf32> to vector<1x8x128xf32>
    %reduce_sum3A_291 = arith.constant dense<0.000000e+00> : vector<1xf32>
    %reduce_sum3A_292 = vector.multi_reduction <add>, %reduce_sum3A_290, %reduce_sum3A_291 [1, 2] : vector<1x8x128xf32> to vector<1xf32>
    %reduce_sum3A_293 = vector.shape_cast %reduce_sum3A_292 : vector<1xf32> to vector<1x1x1xf32>
    %reduce_sum3A_294 = vector.extract %reduce_sum3A_293[0, 0, 0] : f32 from vector<1x1x1xf32>
    %add3A_295 = arith.addf %add3A_288, %reduce_sum3A_294 : f32
    %sqrt3A_296 = math.sqrt %scan3A_11#29 : vector<8x128xf32>
    %lt3A_297 = arith.constant 2.240000e+02 : f32
    %lt3A_298 = vector.broadcast %lt3A_297 : f32 to vector<8x128xf32>
    %lt3A_299 = arith.cmpf olt, %add3A_6, %lt3A_298 : vector<8x128xf32>
    %jit3A_300 = arith.constant 0.000000e+00 : f32
    %broadcast_in_dim3A_301 = vector.broadcast %jit3A_300 : f32 to vector<8x128xf32>
    %select_n3A_302 = arith.select %lt3A_299, %sqrt3A_296, %broadcast_in_dim3A_301 : vector<8x128xi1>, vector<8x128xf32>
    %reduce_sum3A_303 = vector.shape_cast %select_n3A_302 : vector<8x128xf32> to vector<1x8x128xf32>
    %reduce_sum3A_304 = arith.constant dense<0.000000e+00> : vector<1xf32>
    %reduce_sum3A_305 = vector.multi_reduction <add>, %reduce_sum3A_303, %reduce_sum3A_304 [1, 2] : vector<1x8x128xf32> to vector<1xf32>
    %reduce_sum3A_306 = vector.shape_cast %reduce_sum3A_305 : vector<1xf32> to vector<1x1x1xf32>
    %reduce_sum3A_307 = vector.extract %reduce_sum3A_306[0, 0, 0] : f32 from vector<1x1x1xf32>
    %add3A_308 = arith.addf %add3A_295, %reduce_sum3A_307 : f32
    %sqrt3A_309 = math.sqrt %scan3A_11#30 : vector<8x128xf32>
    %reduce_sum3A_310 = vector.shape_cast %sqrt3A_309 : vector<8x128xf32> to vector<1x8x128xf32>
    %reduce_sum3A_311 = arith.constant dense<0.000000e+00> : vector<1xf32>
    %reduce_sum3A_312 = vector.multi_reduction <add>, %reduce_sum3A_310, %reduce_sum3A_311 [1, 2] : vector<1x8x128xf32> to vector<1xf32>
    %reduce_sum3A_313 = vector.shape_cast %reduce_sum3A_312 : vector<1xf32> to vector<1x1x1xf32>
    %reduce_sum3A_314 = vector.extract %reduce_sum3A_313[0, 0, 0] : f32 from vector<1x1x1xf32>
    %add3A_315 = arith.addf %add3A_308, %reduce_sum3A_314 : f32
    %sqrt3A_316 = math.sqrt %scan3A_11#31 : vector<8x128xf32>
    %lt3A_317 = arith.constant 2.240000e+02 : f32
    %lt3A_318 = vector.broadcast %lt3A_317 : f32 to vector<8x128xf32>
    %lt3A_319 = arith.cmpf olt, %add3A_6, %lt3A_318 : vector<8x128xf32>
    %jit3A_320 = arith.constant 0.000000e+00 : f32
    %broadcast_in_dim3A_321 = vector.broadcast %jit3A_320 : f32 to vector<8x128xf32>
    %select_n3A_322 = arith.select %lt3A_319, %sqrt3A_316, %broadcast_in_dim3A_321 : vector<8x128xi1>, vector<8x128xf32>
    %reduce_sum3A_323 = vector.shape_cast %select_n3A_322 : vector<8x128xf32> to vector<1x8x128xf32>
    %reduce_sum3A_324 = arith.constant dense<0.000000e+00> : vector<1xf32>
    %reduce_sum3A_325 = vector.multi_reduction <add>, %reduce_sum3A_323, %reduce_sum3A_324 [1, 2] : vector<1x8x128xf32> to vector<1xf32>
    %reduce_sum3A_326 = vector.shape_cast %reduce_sum3A_325 : vector<1xf32> to vector<1x1x1xf32>
    %reduce_sum3A_327 = vector.extract %reduce_sum3A_326[0, 0, 0] : f32 from vector<1x1x1xf32>
    %add3A_328 = arith.addf %add3A_315, %reduce_sum3A_327 : f32
    %broadcast_in_dim3A_329 = vector.broadcast %add3A_328 : f32 to vector<1x1xf32>
    %swap3A = arith.constant 0 : index
    %swap3A_330 = arith.constant 0 : index
    %swap3A_331 = vector.load %arg2[%swap3A, %swap3A_330] : memref<1x1xf32, #tpu.memory_space<vmem>>, vector<1x1xf32>
    tpu.vector_store %arg2[%swap3A, %swap3A_330], %broadcast_in_dim3A_329 {strides = array<i32>} : memref<1x1xf32, #tpu.memory_space<vmem>>, vector<1x1xf32>,
    return
  }
}

</mosaic_0001>

<sc_bundles>
// kernel: kernel.4.cloned.1.call-start
scs
__scs_entry_jumppad:
0x0: {  	(pc) =	sbr.rel $0x88, $3  }
0x1: {  	(tag) =	ssettag $0x0;
	lr =	simm.s32 $0x1  }
0x2: {  	[smem:$0x3FA0] =	sst lr;
	_ =	strace $0xD0000000  }
0x3: {  	_ = 	snop  }
0x4: {  	_ = 	snop  }
0x5: {  	_ = 	snop  }
0x6: {  	_ = 	snop  }
0x7: {  	_ = 	snop  }
__scs_overlays_trampoline_lowered:
0x8: {  	[smem:$0x3FAF] =	sst s0  }
0x9: {  	[smem:$0x3FB0] =	sst s1  }
0xa: {  	[smem:$0x3FB1] =	sst s2  }
0xb: {  	[smem:$0x3FB2] =	sst s3  }
0xc: {  	[smem:$0x3FB3] =	sst s4  }
0xd: {  	[smem:$0x3FB4] =	sst s5  }
0xe: {  	[smem:$0x3FB5] =	sst s6  }
0xf: {  	[smem:$0x3FB6] =	sst s7  }
0x10: {  	[smem:$0x3FB7] =	sst s8  }
0x11: {  	[smem:$0x3FB8] =	sst s9;
	s0 =	simm.s32 @!p0 $0x0  }
0x12: {  	s1 =	sld [smem:$0x3F9E];
	s0 =	simm.s32 @p0 $0x1  }
0x13: {  	[smem:$0x3FB9] =	sst s0;
	s0 =	simm.s32 @!p1 $0x0  }
0x14: {  	s2 =	sld [smem:$0x3F9D];
	s0 =	simm.s32 @p1 $0x1  }
0x15: {  	[smem:$0x3FBA] =	sst s0;
	s0 =	simm.s32 @!p2 $0x0  }
0x16: {  	s3 =	sld [smem:$0x3FDB];
	s0 =	simm.s32 @p2 $0x1  }
0x17: {  	s4 =	simm.s32 $0x1BF5;
	[smem:$0x3FBC] =	sst s0  }
0x18: {  	s0 =	sld [smem:$0x3F9F];
	_ =	swait.ge [sflag:s4], $0x0  }
0x19: {  	s7 =	sld [smem:$0x3FA0]  }
0x1a: {  	s8 =	sadd.s32 $0xFFFFE003, lr  }
0x1b: {  	s9 =	sadd.s32 $0xFFFFFEF7, lr;
	s5 =	simm.s32 $0xFFFFFFFF;
	p2 =	slt.u32 s8, $0xFFFFF086  }
0x1c: {  	p1 =	slt.u32 s9, $0xF7A;
	s5 =	simm.s32 @!p2 $0x0  }
0x1d: {  	s5 =	simm.s32 @p1 $0x1;
	p0 =	seq.s32 s7, s2  }
0x1e: {  	s7 =	smul.u32 @!p0 $0xF7A, s2;
	p2 =	seq.s32 @!p0 s5, $0x0  }
0x1f: {  	s9 =	smul.u32 $0xF7A, s1;
	s8 =	simm.s32 @!p0 $0x1BF5;
	p2 =	por !p2, p0  }
0x20: {  	[sflag:s8] =	ssyncset.s32 @!p0 $0xFFFFF086;
	s6 =	sadd.s32 @!p0 s3, s7;
	s7 =	simm.s32 @!p0 $0x108  }
0x21: {  	s3 =	sadd.s32 s3, s9;
	s6 =	sadd.s32 @!p0 $0x88, s6;
	s7 =	simm.s32 @p2 $0x1082  }
0x22: {  	[simem:s7], [sflag:s8] =	dma.local @!p0 [hbm:s6], $0xF7A  }
0x23: {  	s9 =	sor.u32 $0xD0000000, s2;
	s6 =	simm.s32 $0x108;
	_ =	swait.ge @!p0 [sflag:s8], $0x0  }
0x24: {  	s3 =	sadd.s32 $0x88, s3;
	s6 =	simm.s32 @!p1 $0x1082;
	[sflag:s4] =	ssyncset.s32 $0xFFFFF086  }
0x25: {  	[simem:s6], [sflag:s4] =	dma.local [hbm:s3], $0xF7A  }
0x26: {  	[smem:$0x3FA0] =	sst s1;
	(tag) =	ssettag s2;
	_ =	strace s9  }
0x27: {  	s1 =	sld [smem:$0x3FB0]  }
0x28: {  	s2 =	sld [smem:$0x3FB1]  }
0x29: {  	s4 =	sld [smem:$0x3FB3]  }
0x2a: {  	p0 =	seq.s32 s5, $0x0;
	s5 =	sld [smem:$0x3FB4]  }
0x2b: {  	s6 =	sld [smem:$0x3FB5]  }
0x2c: {  	s7 =	sld [smem:$0x3FB6]  }
0x2d: {  	s3 =	simm.s32 $0x108;
	s8 =	sld [smem:$0x3FB7]  }
0x2e: {  	s3 =	simm.s32 @!p0 $0x1082;
	s9 =	sld [smem:$0x3FB8]  }
0x2f: {  	lr =	sadd.s32 s0, s3;
	s0 =	sld [smem:$0x3FAF]  }
0x30: {  	s3 =	sld [smem:$0x3FB2]  }
0x31: {  	[smem:$0x3FBB] =	sst s10  }
0x32: {  	s10 =	sld [smem:$0x3FB9];
	_ =	sdelay $0x3  }
0x33: {  	p0 =	seq.s32 s10, $0x1;
	s10 =	sld [smem:$0x3FBB];
	_ =	sdelay $0x3  }
0x34: {  	[smem:$0x3FBB] =	sst s10  }
0x35: {  	s10 =	sld [smem:$0x3FBA];
	_ =	sdelay $0x3  }
0x36: {  	p1 =	seq.s32 s10, $0x1;
	s10 =	sld [smem:$0x3FBB];
	_ =	sdelay $0x3  }
0x37: {  	[smem:$0x3FBB] =	sst s10  }
0x38: {  	s10 =	sld [smem:$0x3FBC]  }
0x39: {  	_ = 	snop;
	(pc) =	sbr.ind lr, $3  }
0x3a: {  	_ = 	snop  }
0x3b: {  	_ = 	snop  }
0x3c: {  	p2 =	seq.s32 s10, $0x1;
	s10 =	sld [smem:$0x3FBB]  }
0x3d: {  	_ =	shalt  }
0x3e: {  	_ =	shalt  }
0x3f: {  	_ =	shalt  }
0x40: {  	_ =	shalt  }
0x41: {  	_ =	shalt  }
0x42: {  	_ =	shalt  }
0x43: {  	_ =	shalt  }
0x44: {  	_ =	shalt  }
0x45: {  	_ =	shalt  }
0x46: {  	_ =	shalt  }
0x47: {  	_ =	shalt  }
0x48: {  	_ =	shalt  }
0x49: {  	_ =	shalt  }
0x4a: {  	_ =	shalt  }
0x4b: {  	_ =	shalt  }
0x4c: {  	_ =	shalt  }
0x4d: {  	_ =	shalt  }
0x4e: {  	_ =	shalt  }
0x4f: {  	_ =	shalt  }
0x50: {  	_ =	shalt  }
0x51: {  	_ =	shalt  }
0x52: {  	_ =	shalt  }
0x53: {  	_ =	shalt  }
0x54: {  	_ =	shalt  }
0x55: {  	_ =	shalt  }
0x56: {  	_ =	shalt  }
0x57: {  	_ =	shalt  }
0x58: {  	_ =	shalt  }
0x59: {  	_ =	shalt  }
0x5a: {  	_ =	shalt  }
0x5b: {  	_ =	shalt  }
0x5c: {  	_ =	shalt  }
0x5d: {  	_ =	shalt  }
0x5e: {  	_ =	shalt  }
0x5f: {  	_ =	shalt  }
0x60: {  	_ =	shalt  }
0x61: {  	_ =	shalt  }
0x62: {  	_ =	shalt  }
0x63: {  	_ =	shalt  }
0x64: {  	_ =	shalt  }
0x65: {  	_ =	shalt  }
0x66: {  	_ =	shalt  }
0x67: {  	_ =	shalt  }
0x68: {  	_ =	shalt  }
0x69: {  	_ =	shalt  }
0x6a: {  	_ =	shalt  }
0x6b: {  	_ =	shalt  }
0x6c: {  	_ =	shalt  }
0x6d: {  	_ =	shalt  }
0x6e: {  	_ =	shalt  }
0x6f: {  	_ =	shalt  }
0x70: {  	_ =	shalt  }
0x71: {  	_ =	shalt  }
0x72: {  	_ =	shalt  }
0x73: {  	_ =	shalt  }
0x74: {  	_ =	shalt  }
0x75: {  	_ =	shalt  }
0x76: {  	_ =	shalt  }
0x77: {  	_ =	shalt  }
0x78: {  	_ =	shalt  }
0x79: {  	_ =	shalt  }
0x7a: {  	_ =	shalt  }
0x7b: {  	_ =	shalt  }
0x7c: {  	_ =	shalt  }
0x7d: {  	_ =	shalt  }
0x7e: {  	_ =	shalt  }
0x7f: {  	_ =	shalt  }
0x80: {  	_ =	shalt  }
0x81: {  	_ =	shalt  }
0x82: {  	_ =	shalt  }
0x83: {  	_ =	shalt  }
0x84: {  	_ =	shalt  }
0x85: {  	_ =	shalt  }
0x86: {  	_ =	shalt  }
0x87: {  	_ =	shalt  }
.Lfunc_end0:
.L_simem_size_0:
called_computation_lowered:
.L_overlay_start_0:
0x88: {  	s2 =	sld [smem:$0x3FD9]  }
0x89: {  	s3 =	sld [smem:$0x3FFE];
	_ =	sdelay $0x1  }
0x8a: {  	s1 =	srdreg.scid  }
0x8b: {  	s0 =	sand.u32 $0x1, s1  }
0x8c: {  	s16 =	sshll.u32 s0, $0xA;
	s2 =	sadd.s32 s3, s2  }
0x8d: {  	s2 =	sadd.s32 s2, s16  }
0x8e: {  	[smem:$0x3FC7] =	sst s2  }
0x8f: {  	_ = 	snop  }
0x90: {  	(tm) =	ssettm $0x1  }
0x91: {  	s17 =	sld [smem:$0x3FFB];
	_ =	sdelay $0x3  }
0x92: {  	_ =	strace s17  }
0x93: {  	s2 =	sld [smem:$0x3FFC];
	_ =	sdelay $0x3  }
0x94: {  	_ =	strace s2  }
0x95: {  	s2 =	sld [smem:$0x3FFD];
	_ =	sdelay $0x3  }
0x96: {  	_ =	strace s2  }
0x97: {  	_ =	strace $0x8FFFFFFF  }
0x98: {  	s18 =	sld [smem:$0x3FDB];
	_ =	sdelay $0x1  }
0x99: {  	s19 =	simm.s32 $_scs_section_size  }
0x9a: {  	s4 =	simm.s32 $_size__tile_overlayer_lowered;
	s5 =	simm.s32 $_tile_overlayer_lowered  }
0x9b: {  	s22 =	simm.s32 $0x1BFF;
	s21 =	sshll.u32 s5, $0x1;
	s2 =	sadd.s32 s19, s18  }
0x9c: {  	s6 =	simm.s32 $0x0;
	s20 =	sshll.u32 s4, $0x1;
	s4 =	sadd.s32 s21, s2  }
0x9d: {  	[timem:s6], [sflag:s22] =	dma.local [hbm:s4], s20  }
0x9e: {  	_ =	swait.ge [sflag:s22], s20  }
0x9f: {  	s3 =	ssub.s32 $0x0, s20;
	[sflag:s22] =	ssyncset.done $0x0  }
0xa0: {  	[sflag:s22] =	ssyncadd.s32 s3;
	_ =	sdelay $0x1  }
0xa1: {  	s23 =	simm.s32 $0x1B8B  }
0xa2: {  	_ =	swait.ge [sflag:s23], $0x1  }
0xa3: {  	[sflag:s23] =	ssyncset.done $0x0  }
0xa4: {  	s25 =	simm.s32 $0x1B8E;
	s24 =	sld [smem:$0x3FFE];
	[sflag:s23] =	ssyncadd.s32 $0xFFFFFFFF  }
0xa5: {  	s26 =	simm.s32 $execute0_lowered;
	[smem:$0x3FD2] =	sst s25  }
0xa6: {  	s4 =	sshll.u32 s26, $0x1;
	_ =	strace $0x80000046;
	[dreg:$0x1] =	wrdreg $0xFFFFFFFF  }
0xa7: {  	s28 =	simm.s32 $_size_execute0_lowered;
	s2 =	sadd.s32 s2, s4;
	[dreg:$0x0] =	wrdreg $0x0  }
0xa8: {  	s4 =	sshll.u32 s28, $0x1;
	[dreg:$0x2] =	wrdreg s2  }
0xa9: {  	[dreg:$0x3] =	wrdreg s4  }
0xaa: {  	[dreg:$0x4] =	wrdreg $0xC0  }
0xab: {  	_ =	task [dreg:s6], $0x5FFFF  }
0xac: {  	[dreg:$0x1] =	wrdreg $0xFFFFFFFF  }
0xad: {  	[dreg:$0x0] =	wrdreg $0x60  }
0xae: {  	[dreg:$0x2] =	wrdreg s24  }
0xaf: {  	[dreg:$0x3] =	wrdreg $0x9  }
0xb0: {  	_ =	task.clear_ibuf [dreg:s6], $0x4FFFF;
	_ =	strace $0x90000046  }
0xb1: {  	s29 =	simm.s32 $0x9;
	_ =	strace $0x80000048  }
0xb2: {  	_ =	swait.ge [sflag:s29], $0x1  }
0xb3: {  	[sflag:s29] =	ssyncadd.s32 $0xFFFFFFFF  }
0xb4: {  	_ =	strace $0x90000048  }
0xb5: {  	_ =	sfence  }
0xb6: {  	s30 =	sld [smem:$0x0];
	_ =	sdelay $0x2  }
0xb7: {  	s31 =	sshll.u32 s1, $0xD;
	s1 =	sshrl.u32 s1, $0x2  }
0xb8: {  	s3 =	sand.u32 $0x4000, s31;
	s1 =	sadd.s32 s1, s30  }
0xb9: {  	s0 =	sor.u32 s3, s0;
	s1 =	sshll.u32 s1, $0x11  }
0xba: {  	s0 =	sor.u32 s1, s0  }
0xbb: {  	s0 =	sadd.s32 $0x8F2B, s0  }
0xbc: {  	[sflag:s0] =	ssyncadd.remote.s32 $0x1  }
0xbd: {  	_ =	sfence.sel $0xFFFF  }
0xbe: {  	[dreg:$0x0] =	wrdreg $0xFFFFFFFF;
	(pc) =	sbr.abs _section_cstart, $3  }
0xbf: {  	[dreg:$0x1] =	wrdreg $0xFFFFFFFF  }
0xc0: {  	_ =	task.clear_ibuf [dreg:s6], $0x2FFFF;
	_ =	strace $0x9FFFFFFF  }
0xc1: {  	(tm) =	ssettm $0x7FFFFFFF  }
tec
execute0_lowered:
.L_overlay_start_1:
0x0: {  	(tag) =	ssettag $0x1  }
0x1: {  	v0 =	vimm.f32 $1.000000020e+30  }
0x2: {  	v1 =	vimm.f32 $1.500000000e+01;
	vm11 =	vcmask $0x300;
	v2 =	vimm.f32 $3.100000000e+01  }
0x3: {  	vm12 =	vcmask $0x704;
	vm13 =	vcmask $0xB08;
	vm14 =	vcmask $0xF0C  }
0x4: {  	vm10 =	vcmask $0x1310;
	vm9 =	vcmask $0x1714;
	vm8 =	vcmask $0x1B18  }
0x5: {  	vm7 =	vcmask $0x1F1C;
	vm6 =	vcmask $0x2320;
	vm5 =	vcmask $0x2724  }
0x6: {  	vm4 =	vcmask $0x2B28;
	vm3 =	vcmask $0x2F2C;
	vm2 =	vcmask $0x3330  }
0x7: {  	vm1 =	vcmask $0x3734;
	vm0 =	vcmask $0x3B38;
	v3 =	vimm.f32 $4.700000000e+01  }
0x8: {  	v4 =	vimm.f32 $6.300000000e+01;
	v5 =	vimm.f32 $7.900000000e+01;
	v6 =	vimm.f32 $9.500000000e+01  }
0x9: {  	v7 =	vimm.f32 $1.110000000e+02;
	v8 =	vimm.f32 $1.270000000e+02;
	v9 =	vimm.f32 $1.430000000e+02  }
0xa: {  	v10 =	vimm.f32 $1.590000000e+02;
	v11 =	vimm.f32 $1.750000000e+02;
	v12 =	vimm.f32 $1.910000000e+02  }
0xb: {  	v13 =	vimm.f32 $2.070000000e+02;
	v14 =	vimm.f32 $2.230000000e+02;
	v1 =	vsel vm11, $0x0, v1  }
0xc: {  	v2 =	vsel vm11, $0x41800000, v2;
	v0 =	vpack.i.f32.bf16 v0, v0;
	v3 =	vsel vm11, $0x42000000, v3  }
0xd: {  	v4 =	vsel vm11, $0x42400000, v4;
	v5 =	vsel vm11, $0x42800000, v5;
	v6 =	vsel vm11, $0x42A00000, v6  }
0xe: {  	v7 =	vsel vm11, $0x42C00000, v7;
	v8 =	vsel vm11, $0x42E00000, v8;
	v9 =	vsel vm11, $0x43000000, v9  }
0xf: {  	v10 =	vsel vm11, $0x43100000, v10;
	v11 =	vsel vm11, $0x43200000, v11;
	v12 =	vsel vm11, $0x43300000, v12  }
0x10: {  	v13 =	vsel vm11, $0x43400000, v13;
	v14 =	vsel vm11, $0x43500000, v14;
	v1 =	vsel vm12, $0x3F800000, v1  }
0x11: {  	v2 =	vsel vm12, $0x41880000, v2;
	v3 =	vsel vm12, $0x42040000, v3;
	v4 =	vsel vm12, $0x42440000, v4  }
0x12: {  	v5 =	vsel vm12, $0x42820000, v5;
	v6 =	vsel vm12, $0x42A20000, v6;
	v7 =	vsel vm12, $0x42C20000, v7  }
0x13: {  	v8 =	vsel vm12, $0x42E20000, v8;
	v9 =	vsel vm12, $0x43010000, v9;
	v10 =	vsel vm12, $0x43110000, v10  }
0x14: {  	v11 =	vsel vm12, $0x43210000, v11;
	v12 =	vsel vm12, $0x43310000, v12;
	v13 =	vsel vm12, $0x43410000, v13  }
0x15: {  	v14 =	vsel vm12, $0x43510000, v14;
	v1 =	vsel vm13, $0x40000000, v1;
	v2 =	vsel vm13, $0x41900000, v2  }
0x16: {  	v3 =	vsel vm13, $0x42080000, v3;
	v4 =	vsel vm13, $0x42480000, v4;
	v5 =	vsel vm13, $0x42840000, v5  }
0x17: {  	v6 =	vsel vm13, $0x42A40000, v6;
	v7 =	vsel vm13, $0x42C40000, v7;
	v8 =	vsel vm13, $0x42E40000, v8  }
0x18: {  	v9 =	vsel vm13, $0x43020000, v9;
	v10 =	vsel vm13, $0x43120000, v10;
	v11 =	vsel vm13, $0x43220000, v11  }
0x19: {  	v12 =	vsel vm13, $0x43320000, v12;
	v13 =	vsel vm13, $0x43420000, v13;
	v14 =	vsel vm13, $0x43520000, v14  }
0x1a: {  	v1 =	vsel vm14, $0x40400000, v1;
	v2 =	vsel vm14, $0x41980000, v2;
	v3 =	vsel vm14, $0x420C0000, v3  }
0x1b: {  	v4 =	vsel vm14, $0x424C0000, v4;
	v5 =	vsel vm14, $0x42860000, v5;
	v6 =	vsel vm14, $0x42A60000, v6  }
0x1c: {  	v7 =	vsel vm14, $0x42C60000, v7;
	v8 =	vsel vm14, $0x42E60000, v8;
	v9 =	vsel vm14, $0x43030000, v9  }
0x1d: {  	v10 =	vsel vm14, $0x43130000, v10;
	v11 =	vsel vm14, $0x43230000, v11;
	v12 =	vsel vm14, $0x43330000, v12  }
0x1e: {  	v13 =	vsel vm14, $0x43430000, v13;
	v14 =	vsel vm14, $0x43530000, v14;
	v1 =	vsel vm10, $0x40800000, v1  }
0x1f: {  	v2 =	vsel vm10, $0x41A00000, v2;
	v3 =	vsel vm10, $0x42100000, v3;
	v4 =	vsel vm10, $0x42500000, v4  }
0x20: {  	v5 =	vsel vm10, $0x42880000, v5;
	v6 =	vsel vm10, $0x42A80000, v6;
	v7 =	vsel vm10, $0x42C80000, v7  }
0x21: {  	v8 =	vsel vm10, $0x42E80000, v8;
	v9 =	vsel vm10, $0x43040000, v9;
	v10 =	vsel vm10, $0x43140000, v10  }
0x22: {  	v11 =	vsel vm10, $0x43240000, v11;
	v12 =	vsel vm10, $0x43340000, v12;
	v13 =	vsel vm10, $0x43440000, v13  }
0x23: {  	v14 =	vsel vm10, $0x43540000, v14;
	v1 =	vsel vm9, $0x40A00000, v1;
	v2 =	vsel vm9, $0x41A80000, v2  }
0x24: {  	v3 =	vsel vm9, $0x42140000, v3;
	v4 =	vsel vm9, $0x42540000, v4;
	v5 =	vsel vm9, $0x428A0000, v5  }
0x25: {  	v6 =	vsel vm9, $0x42AA0000, v6;
	v7 =	vsel vm9, $0x42CA0000, v7;
	v8 =	vsel vm9, $0x42EA0000, v8  }
0x26: {  	v9 =	vsel vm9, $0x43050000, v9;
	v10 =	vsel vm9, $0x43150000, v10;
	v11 =	vsel vm9, $0x43250000, v11  }
0x27: {  	v12 =	vsel vm9, $0x43350000, v12;
	v13 =	vsel vm9, $0x43450000, v13;
	v14 =	vsel vm9, $0x43550000, v14  }
0x28: {  	v1 =	vsel vm8, $0x40C00000, v1;
	v2 =	vsel vm8, $0x41B00000, v2;
	v3 =	vsel vm8, $0x42180000, v3  }
0x29: {  	v4 =	vsel vm8, $0x42580000, v4;
	v5 =	vsel vm8, $0x428C0000, v5;
	v6 =	vsel vm8, $0x42AC0000, v6  }
0x2a: {  	v7 =	vsel vm8, $0x42CC0000, v7;
	v8 =	vsel vm8, $0x42EC0000, v8;
	v9 =	vsel vm8, $0x43060000, v9  }
0x2b: {  	v10 =	vsel vm8, $0x43160000, v10;
	v11 =	vsel vm8, $0x43260000, v11;
	v12 =	vsel vm8, $0x43360000, v12  }
0x2c: {  	v13 =	vsel vm8, $0x43460000, v13;
	v14 =	vsel vm8, $0x43560000, v14;
	v1 =	vsel vm7, $0x40E00000, v1  }
0x2d: {  	v2 =	vsel vm7, $0x41B80000, v2;
	v3 =	vsel vm7, $0x421C0000, v3;
	v4 =	vsel vm7, $0x425C0000, v4  }
0x2e: {  	v5 =	vsel vm7, $0x428E0000, v5;
	v6 =	vsel vm7, $0x42AE0000, v6;
	v7 =	vsel vm7, $0x42CE0000, v7  }
0x2f: {  	v8 =	vsel vm7, $0x42EE0000, v8;
	v9 =	vsel vm7, $0x43070000, v9;
	v10 =	vsel vm7, $0x43170000, v10  }
0x30: {  	v11 =	vsel vm7, $0x43270000, v11;
	v12 =	vsel vm7, $0x43370000, v12;
	v13 =	vsel vm7, $0x43470000, v13  }
0x31: {  	v14 =	vsel vm7, $0x43570000, v14;
	v1 =	vsel vm6, $0x41000000, v1;
	v2 =	vsel vm6, $0x41C00000, v2  }
0x32: {  	v3 =	vsel vm6, $0x42200000, v3;
	v4 =	vsel vm6, $0x42600000, v4;
	v5 =	vsel vm6, $0x42900000, v5  }
0x33: {  	v6 =	vsel vm6, $0x42B00000, v6;
	v7 =	vsel vm6, $0x42D00000, v7;
	v8 =	vsel vm6, $0x42F00000, v8  }
0x34: {  	v9 =	vsel vm6, $0x43080000, v9;
	v10 =	vsel vm6, $0x43180000, v10;
	v11 =	vsel vm6, $0x43280000, v11  }
0x35: {  	v12 =	vsel vm6, $0x43380000, v12;
	v13 =	vsel vm6, $0x43480000, v13;
	v14 =	vsel vm6, $0x43580000, v14  }
0x36: {  	v1 =	vsel vm5, $0x41100000, v1;
	v2 =	vsel vm5, $0x41C80000, v2;
	v3 =	vsel vm5, $0x42240000, v3  }
0x37: {  	v4 =	vsel vm5, $0x42640000, v4;
	v5 =	vsel vm5, $0x42920000, v5;
	v6 =	vsel vm5, $0x42B20000, v6  }
0x38: {  	v7 =	vsel vm5, $0x42D20000, v7;
	v8 =	vsel vm5, $0x42F20000, v8;
	v9 =	vsel vm5, $0x43090000, v9  }
0x39: {  	v10 =	vsel vm5, $0x43190000, v10;
	v11 =	vsel vm5, $0x43290000, v11;
	v12 =	vsel vm5, $0x43390000, v12  }
0x3a: {  	v13 =	vsel vm5, $0x43490000, v13;
	v14 =	vsel vm5, $0x43590000, v14;
	v1 =	vsel vm4, $0x41200000, v1  }
0x3b: {  	v2 =	vsel vm4, $0x41D00000, v2;
	v3 =	vsel vm4, $0x42280000, v3;
	v4 =	vsel vm4, $0x42680000, v4  }
0x3c: {  	v5 =	vsel vm4, $0x42940000, v5;
	v6 =	vsel vm4, $0x42B40000, v6;
	v7 =	vsel vm4, $0x42D40000, v7  }
0x3d: {  	v8 =	vsel vm4, $0x42F40000, v8;
	v9 =	vsel vm4, $0x430A0000, v9;
	v10 =	vsel vm4, $0x431A0000, v10  }
0x3e: {  	v11 =	vsel vm4, $0x432A0000, v11;
	v12 =	vsel vm4, $0x433A0000, v12;
	v13 =	vsel vm4, $0x434A0000, v13  }
0x3f: {  	v14 =	vsel vm4, $0x435A0000, v14;
	v1 =	vsel vm3, $0x41300000, v1;
	v2 =	vsel vm3, $0x41D80000, v2  }
0x40: {  	v3 =	vsel vm3, $0x422C0000, v3;
	v4 =	vsel vm3, $0x426C0000, v4;
	v5 =	vsel vm3, $0x42960000, v5  }
0x41: {  	v6 =	vsel vm3, $0x42B60000, v6;
	v7 =	vsel vm3, $0x42D60000, v7;
	v8 =	vsel vm3, $0x42F60000, v8  }
0x42: {  	v9 =	vsel vm3, $0x430B0000, v9;
	v10 =	vsel vm3, $0x431B0000, v10;
	v11 =	vsel vm3, $0x432B0000, v11  }
0x43: {  	v12 =	vsel vm3, $0x433B0000, v12;
	v13 =	vsel vm3, $0x434B0000, v13;
	v14 =	vsel vm3, $0x435B0000, v14  }
0x44: {  	v1 =	vsel vm2, $0x41400000, v1;
	v2 =	vsel vm2, $0x41E00000, v2;
	v3 =	vsel vm2, $0x42300000, v3  }
0x45: {  	v4 =	vsel vm2, $0x42700000, v4;
	v5 =	vsel vm2, $0x42980000, v5;
	v6 =	vsel vm2, $0x42B80000, v6  }
0x46: {  	v7 =	vsel vm2, $0x42D80000, v7;
	v8 =	vsel vm2, $0x42F80000, v8;
	v9 =	vsel vm2, $0x430C0000, v9  }
0x47: {  	s6 =	rddreg [dreg:$0x0];
	v10 =	vsel vm2, $0x431C0000, v10;
	v11 =	vsel vm2, $0x432C0000, v11;
	v12 =	vsel vm2, $0x433C0000, v12  }
0x48: {  	s0 =	rddreg [dreg:$0x1];
	v13 =	vsel vm2, $0x434C0000, v13;
	v14 =	vsel vm2, $0x435C0000, v14;
	v1 =	vsel vm1, $0x41500000, v1  }
0x49: {  	s2 =	simm.s32 $0x0;
	s3 =	srdreg.scid;
	s1 =	stileid.u32;
	v2 =	vsel vm1, $0x41E80000, v2;
	v3 =	vsel vm1, $0x42340000, v3;
	v4 =	vsel vm1, $0x42740000, v4  }
0x4a: {  	s13 =	simm.s32 $0x400;
	s14 =	simm.s32 $0x0;
	[smem:$0x7FF] =	sst s2;
	v5 =	vsel vm1, $0x429A0000, v5;
	v6 =	vsel vm1, $0x42BA0000, v6;
	v7 =	vsel vm1, $0x42DA0000, v7  }
0x4b: {  	s5 =	sand.u32 $0x1, s3;
	s4 =	sshll.u32 s1, $0x1;
	s3 =	sadd.s32 $0x800, s6;
	v8 =	vsel vm1, $0x42FA0000, v8;
	v9 =	vsel vm1, $0x430D0000, v9;
	v10 =	vsel vm1, $0x431D0000, v10  }
0x4c: {  	_ =	strace $0x80000047;
	s7 =	sor.u32 s5, s4;
	s8 =	ssub.s32 $0x2, s5;
	v11 =	vsel vm1, $0x432D0000, v11;
	v12 =	vsel vm1, $0x433D0000, v12;
	v13 =	vsel vm1, $0x434D0000, v13  }
0x4d: {  	s4 =	sshll.u32 s7, $0x4;
	s7 =	smul.u32 $0x3, s7;
	s10 =	sshrl.u32 s8, $0x1;
	v14 =	vsel vm1, $0x435D0000, v14;
	v1 =	vsel vm0, $0x41600000, v1;
	v2 =	vsel vm0, $0x41F00000, v2  }
0x4e: {  	s5 =	sadd.s32 $0x600, s6;
	s9 =	sadd.s32 s4, s6;
	s10 =	ssub.s32 s8, s10;
	v3 =	vsel vm0, $0x42380000, v3;
	v4 =	vsel vm0, $0x42780000, v4;
	v5 =	vsel vm0, $0x429C0000, v5  }
0x4f: {  	s6 =	scvt.s32.f32 s7;
	s11 =	sadd.s32 $0x1, s7;
	s12 =	sadd.s32 $0x2, s7;
	v6 =	vsel vm0, $0x42BC0000, v6;
	v7 =	vsel vm0, $0x42DC0000, v7;
	v8 =	vsel vm0, $0x42FC0000, v8  }
0x50: {  	s9 =	sadd.s32 $0xA00, s9;
	s10 =	smax.u32 s10, $0x1;
	s7 =	scvt.s32.f32 s11;
	v9 =	vsel vm0, $0x430E0000, v9;
	v10 =	vsel vm0, $0x431E0000, v10;
	v11 =	vsel vm0, $0x432E0000, v11  }
0x51: {  	s8 =	scvt.s32.f32 s12;
	s11 =	simm.s32 $0x1;
	s12 =	simm.s32 $0x200;
	v12 =	vsel vm0, $0x433E0000, v12;
	v13 =	vsel vm0, $0x434E0000, v13;
	v14 =	vsel vm0, $0x435E0000, v14  }
.LBB2_1:
0x52: {  	[tilespmem:s2], [sflag:$0x1] =	stream.linear.gather [hbm4b:s3+s2], $0x200, $0x38;
	[tilespmem:$0x480] =	vst v63  }
0x53: {  	_ =	swait.ge [sflag:s11], $0x200  }
0x54: {  	[sflag:s11] =	ssyncset.done $0x0  }
0x55: {  	[sflag:s11] =	ssyncadd.s32 $0xFFFFFE00  }
0x56: {  	[tilespmem:s12], [sflag:$0x1] =	stream.linear.gather [hbm4b:s5+s2], $0x200, $0x38;
	[tilespmem:$0x480] =	vst v63  }
0x57: {  	v19 =	vmov v0;
	_ =	swait.ge [sflag:s11], $0x200  }
0x58: {  	v20 =	vmovc v0;
	v21 =	vmovc v0;
	v22 =	vmov v0;
	v23 =	vmov v0;
	v24 =	vmov v0;
	[sflag:s11] =	ssyncset.done $0x0  }
0x59: {  	v25 =	vmovc v0;
	v26 =	vmovc v0;
	v27 =	vmov v0;
	v28 =	vmov v0;
	v29 =	vmov v0;
	[sflag:s11] =	ssyncadd.s32 $0xFFFFFE00  }
0x5a: {  	v30 =	vmovc v0;
	v31 =	vmovc v0;
	v32 =	vmov v0;
	v33 =	vmov v0;
	v34 =	vmov v0;
	v15 =	vld [tilespmem:s4+$0x0]  }
0x5b: {  	s15 =	simm.s32 $0x0;
	v35 =	vmovc v0;
	v36 =	vmovc v0;
	v37 =	vmov v0;
	v38 =	vmov v0;
	v39 =	vmov v0;
	v16 =	vld [tilespmem:s4+$0x200]  }
.LBB2_2:
0x5c: {  	s16 =	sshra.s32 s15, $0x2  }
0x5d: {  	v18 =	vld [tilespmem:s16+$0x0];
	_ =	sdelay $0x4  }
0x5e: {  	(v2sf) =	vpush v18, $0x0  }
0x5f: {  	v17 =	vld [tilespmem:s16+$0x200];
	_ =	sdelay $0x4  }
0x60: {  	v40 =	vbroadcast v17, $0x0;
	_ =	sdelay $0x1  }
0x61: {  	v41 =	vsub.f32 v1, v40  }
0x62: {  	v42 =	vsub.f32 v2, v40;
	v43 =	vsub.f32 v3, v40  }
0x63: {  	v44 =	vsub.f32 v4, v40;
	v45 =	vsub.f32 v5, v40  }
0x64: {  	v46 =	vsub.f32 v6, v40;
	v61 =	vsub.f32 v7, v40  }
0x65: {  	v62 =	vsub.f32 v8, v40;
	v47 =	vsub.f32 v9, v40  }
0x66: {  	v56 =	vsub.f32 v10, v40;
	v41 =	vmul.f32 v41, v41;
	v42 =	vmul.f32 v42, v42  }
0x67: {  	v48 =	vsub.f32 v11, v40;
	v57 =	vmul.f32 v43, v43;
	v58 =	vmul.f32 v44, v44  }
0x68: {  	v49 =	vsub.f32 v12, v40;
	v59 =	vmul.f32 v45, v45;
	v60 =	vmul.f32 v46, v46;
	s23 =	spop (v2sf)  }
0x69: {  	v50 =	vsub.f32 v13, v40;
	v63 =	vmul.f32 v61, v61;
	v43 =	vmul.f32 v62, v62;
	s17 =	ssub.f32 s6, s23  }
0x6a: {  	v40 =	vsub.f32 v14, v40;
	v47 =	vmul.f32 v47, v47;
	v46 =	vmul.f32 v56, v56  }
0x6b: {  	v48 =	vmul.f32 v48, v48;
	v49 =	vmul.f32 v49, v49;
	s17 =	smul.f32 s17, s17  }
0x6c: {  	v50 =	vmul.f32 v50, v50;
	v40 =	vmul.f32 v40, v40;
	v41 =	vpack.i.f32.bf16 v42, v41  }
0x6d: {  	v42 =	vpack.i.f32.bf16 v58, v57;
	v44 =	vpack.i.f32.bf16 v60, v59;
	s24 =	ssub.f32 s7, s23;
	v51 =	vmov s17  }
0x6e: {  	v43 =	vpack.i.f32.bf16 v43, v63;
	v45 =	vpack.i.f32.bf16 v46, v47;
	v51 =	vpack.i.f32.bf16 v51, v51  }
0x6f: {  	v46 =	vpack.i.f32.bf16 v49, v48;
	(v2sf) =	vpush v18, $0x1;
	s17 =	smul.f32 s24, s24;
	v52 =	vadd.bf16 v51, v41  }
0x70: {  	v40 =	vpack.i.f32.bf16 v40, v50;
	v53 =	vadd.bf16 v51, v42;
	v57 =	vadd.bf16 v51, v44  }
0x71: {  	v58 =	vadd.bf16 v51, v43;
	v59 =	vmov s17;
	v60 =	vadd.bf16 v51, v45  }
0x72: {  	v61 =	vadd.bf16 v51, v46;
	v62 =	vadd.bf16 v51, v40;
	v49 =	vpack.i.f32.bf16 v59, v59  }
0x73: {  	s16 =	ssub.f32 s8, s23;
	v39 =	vmin.bf16 v39, v52;
	v38 =	vmin.bf16 v38, v53;
	v37 =	vmin.bf16 v37, v57  }
0x74: {  	v63 =	vadd.bf16 v49, v41;
	v36 =	vmin.bf16 v36, v58;
	v54 =	vadd.bf16 v49, v42  }
0x75: {  	s16 =	smul.f32 s16, s16;
	v35 =	vmin.bf16 v35, v60;
	v34 =	vmin.bf16 v34, v61;
	v55 =	vadd.bf16 v49, v44  }
0x76: {  	v33 =	vmin.bf16 v33, v62;
	v56 =	vadd.bf16 v49, v43;
	v58 =	vadd.bf16 v49, v45  }
0x77: {  	v57 =	vmov s16;
	v59 =	vadd.bf16 v49, v46;
	v60 =	vadd.bf16 v49, v40  }
0x78: {  	v48 =	vpack.i.f32.bf16 v57, v57;
	v32 =	vmin.bf16 v32, v63;
	v31 =	vmin.bf16 v31, v54  }
0x79: {  	v30 =	vmin.bf16 v30, v55;
	v29 =	vmin.bf16 v29, v56;
	v41 =	vadd.bf16 v48, v41  }
0x7a: {  	v28 =	vmin.bf16 v28, v58;
	v27 =	vmin.bf16 v27, v59;
	v42 =	vadd.bf16 v48, v42  }
0x7b: {  	v26 =	vmin.bf16 v26, v60;
	v61 =	vadd.bf16 v48, v44;
	v62 =	vadd.bf16 v48, v43  }
0x7c: {  	v43 =	vbroadcast v17, $0x1;
	v63 =	vadd.bf16 v48, v45;
	v49 =	vadd.bf16 v48, v46  }
0x7d: {  	v40 =	vadd.bf16 v48, v40;
	v25 =	vmin.bf16 v25, v41;
	v24 =	vmin.bf16 v24, v42  }
0x7e: {  	v23 =	vmin.bf16 v23, v61;
	v22 =	vmin.bf16 v22, v62;
	v50 =	vsub.f32 v1, v43  }
0x7f: {  	v51 =	vsub.f32 v2, v43;
	v21 =	vmin.bf16 v21, v63;
	v54 =	vsub.f32 v3, v43  }
0x80: {  	v19 =	vmin.bf16 v19, v40;
	v55 =	vsub.f32 v4, v43;
	v56 =	vsub.f32 v5, v43  }
0x81: {  	v58 =	vsub.f32 v6, v43;
	v59 =	vsub.f32 v7, v43;
	v52 =	vmul.f32 v50, v50  }
0x82: {  	v60 =	vsub.f32 v8, v43;
	v53 =	vmul.f32 v51, v51;
	v57 =	vmul.f32 v54, v54  }
0x83: {  	v61 =	vsub.f32 v9, v43;
	v40 =	vmul.f32 v55, v55;
	v45 =	vmul.f32 v56, v56  }
0x84: {  	v62 =	vsub.f32 v10, v43;
	s25 =	spop (v2sf);
	v44 =	vmul.f32 v58, v58;
	v42 =	vmul.f32 v59, v59  }
0x85: {  	v20 =	vmin.bf16 v20, v49;
	v63 =	vmul.f32 v60, v60;
	v56 =	vmul.f32 v61, v61;
	s26 =	ssub.f32 s6, s25  }
0x86: {  	v46 =	vmul.f32 v62, v62;
	v58 =	vsub.f32 v12, v43;
	v59 =	vsub.f32 v13, v43  }
0x87: {  	(v2sf) =	vpush v18, $0x2;
	v41 =	vpack.i.f32.bf16 v53, v52;
	v40 =	vpack.i.f32.bf16 v40, v57;
	s17 =	smul.f32 s26, s26  }
0x88: {  	v44 =	vpack.i.f32.bf16 v44, v45;
	v57 =	vsub.f32 v11, v43;
	v43 =	vsub.f32 v14, v43  }
0x89: {  	v49 =	vmul.f32 v58, v58;
	v50 =	vmul.f32 v59, v59;
	v60 =	vmov s17  }
0x8a: {  	s28 =	ssub.f32 s7, s25;
	v42 =	vpack.i.f32.bf16 v63, v42;
	v48 =	vmul.f32 v57, v57;
	v51 =	vpack.i.f32.bf16 v60, v60  }
0x8b: {  	v46 =	vpack.i.f32.bf16 v46, v56;
	v43 =	vmul.f32 v43, v43;
	v61 =	vadd.bf16 v51, v41  }
0x8c: {  	s17 =	smul.f32 s28, s28;
	v47 =	vpack.i.f32.bf16 v49, v48;
	v62 =	vadd.bf16 v51, v40;
	v63 =	vadd.bf16 v51, v44  }
0x8d: {  	v43 =	vpack.i.f32.bf16 v43, v50;
	v56 =	vadd.bf16 v51, v42;
	v57 =	vadd.bf16 v51, v46  }
0x8e: {  	v58 =	vmov s17;
	v59 =	vadd.bf16 v51, v47;
	v51 =	vadd.bf16 v51, v43  }
0x8f: {  	s16 =	ssub.f32 s8, s25;
	v49 =	vpack.i.f32.bf16 v58, v58;
	v39 =	vmin.bf16 v39, v61;
	v38 =	vmin.bf16 v38, v62  }
0x90: {  	v37 =	vmin.bf16 v37, v63;
	v36 =	vmin.bf16 v36, v56;
	v60 =	vadd.bf16 v49, v41  }
0x91: {  	s16 =	smul.f32 s16, s16;
	v61 =	vadd.bf16 v49, v40;
	v35 =	vmin.bf16 v35, v57;
	v62 =	vadd.bf16 v49, v44  }
0x92: {  	v34 =	vmin.bf16 v34, v59;
	v33 =	vmin.bf16 v33, v51;
	v63 =	vadd.bf16 v49, v42  }
0x93: {  	v54 =	vadd.bf16 v49, v46;
	v55 =	vadd.bf16 v49, v47;
	v56 =	vmov s16  }
0x94: {  	v57 =	vadd.bf16 v49, v43;
	v58 =	vpack.i.f32.bf16 v56, v56;
	v32 =	vmin.bf16 v32, v60  }
0x95: {  	v31 =	vmin.bf16 v31, v61;
	v30 =	vmin.bf16 v30, v62;
	v29 =	vmin.bf16 v29, v63  }
0x96: {  	v28 =	vmin.bf16 v28, v54;
	v27 =	vmin.bf16 v27, v55;
	v41 =	vadd.bf16 v58, v41  }
0x97: {  	v26 =	vmin.bf16 v26, v57;
	v40 =	vadd.bf16 v58, v40;
	v44 =	vadd.bf16 v58, v44  }
0x98: {  	v59 =	vadd.bf16 v58, v42;
	v42 =	vbroadcast v17, $0x2;
	v60 =	vadd.bf16 v58, v46  }
0x99: {  	v61 =	vadd.bf16 v58, v47;
	v63 =	vadd.bf16 v58, v43;
	v25 =	vmin.bf16 v25, v41  }
0x9a: {  	v24 =	vmin.bf16 v24, v40;
	v23 =	vmin.bf16 v23, v44;
	v62 =	vsub.f32 v1, v42  }
0x9b: {  	v22 =	vmin.bf16 v22, v59;
	v51 =	vsub.f32 v2, v42;
	v52 =	vsub.f32 v3, v42  }
0x9c: {  	v21 =	vmin.bf16 v21, v60;
	v53 =	vsub.f32 v4, v42;
	v54 =	vsub.f32 v5, v42  }
0x9d: {  	v55 =	vsub.f32 v6, v42;
	v20 =	vmin.bf16 v20, v61;
	v19 =	vmin.bf16 v19, v63  }
0x9e: {  	v60 =	vsub.f32 v7, v42;
	v44 =	vmul.f32 v62, v62;
	v43 =	vmul.f32 v51, v51  }
0x9f: {  	v61 =	vsub.f32 v8, v42;
	v56 =	vmul.f32 v52, v52;
	v57 =	vmul.f32 v53, v53  }
0xa0: {  	v58 =	vmul.f32 v54, v54;
	v59 =	vmul.f32 v55, v55;
	v62 =	vsub.f32 v9, v42  }
0xa1: {  	s29 =	spop (v2sf);
	v63 =	vmul.f32 v61, v61;
	v54 =	vsub.f32 v10, v42;
	v55 =	vsub.f32 v11, v42  }
0xa2: {  	(v2sf) =	vpush v18, $0x3;
	s30 =	ssub.f32 s6, s29;
	v43 =	vpack.i.f32.bf16 v43, v44;
	v41 =	vpack.i.f32.bf16 v57, v56  }
0xa3: {  	v44 =	vmul.f32 v60, v60;
	v45 =	vmul.f32 v62, v62;
	v56 =	vsub.f32 v12, v42  }
0xa4: {  	v47 =	vmul.f32 v54, v54;
	v57 =	vsub.f32 v13, v42;
	v42 =	vsub.f32 v14, v42;
	s17 =	smul.f32 s30, s30  }
0xa5: {  	v40 =	vpack.i.f32.bf16 v59, v58;
	v48 =	vmul.f32 v55, v55;
	v49 =	vmul.f32 v56, v56  }
0xa6: {  	s31 =	ssub.f32 s7, s29;
	v50 =	vmul.f32 v57, v57;
	v42 =	vmul.f32 v42, v42;
	v58 =	vmov s17  }
0xa7: {  	v44 =	vpack.i.f32.bf16 v63, v44;
	v45 =	vpack.i.f32.bf16 v47, v45;
	v51 =	vpack.i.f32.bf16 v58, v58  }
0xa8: {  	s17 =	smul.f32 s31, s31;
	v47 =	vpack.i.f32.bf16 v49, v48;
	v59 =	vadd.bf16 v51, v43;
	v60 =	vadd.bf16 v51, v41  }
0xa9: {  	v42 =	vpack.i.f32.bf16 v42, v50;
	v61 =	vadd.bf16 v51, v40;
	v62 =	vadd.bf16 v51, v44  }
0xaa: {  	v63 =	vadd.bf16 v51, v45;
	v56 =	vmov s17;
	v57 =	vadd.bf16 v51, v47  }
0xab: {  	s16 =	ssub.f32 s8, s29;
	v51 =	vadd.bf16 v51, v42;
	v50 =	vpack.i.f32.bf16 v56, v56;
	v39 =	vmin.bf16 v39, v59  }
0xac: {  	v38 =	vmin.bf16 v38, v60;
	v37 =	vmin.bf16 v37, v61;
	v58 =	vadd.bf16 v50, v43  }
0xad: {  	s16 =	smul.f32 s16, s16;
	v59 =	vadd.bf16 v50, v41;
	v36 =	vmin.bf16 v36, v62;
	v60 =	vadd.bf16 v50, v40  }
0xae: {  	v35 =	vmin.bf16 v35, v63;
	v34 =	vmin.bf16 v34, v57;
	v33 =	vmin.bf16 v33, v51  }
0xaf: {  	v61 =	vadd.bf16 v50, v44;
	v62 =	vadd.bf16 v50, v45;
	v63 =	vmov s16  }
0xb0: {  	v54 =	vadd.bf16 v50, v47;
	v50 =	vadd.bf16 v50, v42;
	v49 =	vpack.i.f32.bf16 v63, v63  }
0xb1: {  	v32 =	vmin.bf16 v32, v58;
	v31 =	vmin.bf16 v31, v59;
	v30 =	vmin.bf16 v30, v60  }
0xb2: {  	v29 =	vmin.bf16 v29, v61;
	v28 =	vmin.bf16 v28, v62;
	v43 =	vadd.bf16 v49, v43  }
0xb3: {  	v27 =	vmin.bf16 v27, v54;
	v41 =	vadd.bf16 v49, v41;
	v40 =	vadd.bf16 v49, v40  }
0xb4: {  	v26 =	vmin.bf16 v26, v50;
	v55 =	vadd.bf16 v49, v44;
	v56 =	vadd.bf16 v49, v45  }
0xb5: {  	v57 =	vadd.bf16 v49, v47;
	v25 =	vmin.bf16 v25, v43;
	v43 =	vbroadcast v17, $0x3  }
0xb6: {  	v60 =	vadd.bf16 v49, v42;
	v24 =	vmin.bf16 v24, v41;
	v23 =	vmin.bf16 v23, v40  }
0xb7: {  	v22 =	vmin.bf16 v22, v55;
	v58 =	vsub.f32 v1, v43;
	v59 =	vsub.f32 v2, v43  }
0xb8: {  	v21 =	vmin.bf16 v21, v56;
	v62 =	vsub.f32 v3, v43;
	v63 =	vsub.f32 v4, v43  }
0xb9: {  	v20 =	vmin.bf16 v20, v57;
	v48 =	vsub.f32 v5, v43;
	v49 =	vsub.f32 v6, v43  }
0xba: {  	v19 =	vmin.bf16 v19, v60;
	v53 =	vsub.f32 v7, v43;
	v54 =	vsub.f32 v8, v43  }
0xbb: {  	v55 =	vsub.f32 v9, v43;
	v61 =	vmul.f32 v58, v58;
	v41 =	vmul.f32 v59, v59  }
0xbc: {  	v57 =	vsub.f32 v10, v43;
	v50 =	vmul.f32 v62, v62;
	v51 =	vmul.f32 v63, v63  }
0xbd: {  	v60 =	vsub.f32 v13, v43;
	v40 =	vmul.f32 v48, v48;
	v52 =	vmul.f32 v49, v49  }
0xbe: {  	s18 =	spop (v2sf);
	(v2sf) =	vpush v18, $0x4;
	v56 =	vmul.f32 v53, v53;
	v44 =	vmul.f32 v54, v54  }
0xbf: {  	s19 =	ssub.f32 s6, s18;
	v47 =	vmul.f32 v55, v55;
	v58 =	vsub.f32 v11, v43;
	v59 =	vsub.f32 v12, v43  }
0xc0: {  	s16 =	ssub.f32 s8, s18;
	v46 =	vmul.f32 v57, v57;
	v43 =	vsub.f32 v14, v43;
	v41 =	vpack.i.f32.bf16 v41, v61  }
0xc1: {  	s17 =	smul.f32 s19, s19;
	v42 =	vpack.i.f32.bf16 v51, v50;
	v48 =	vmul.f32 v58, v58;
	v49 =	vmul.f32 v59, v59  }
0xc2: {  	s16 =	smul.f32 s16, s16;
	v40 =	vpack.i.f32.bf16 v52, v40;
	v50 =	vmul.f32 v60, v60;
	v43 =	vmul.f32 v43, v43  }
0xc3: {  	s20 =	ssub.f32 s7, s18;
	v44 =	vpack.i.f32.bf16 v44, v56;
	v45 =	vpack.i.f32.bf16 v46, v47;
	v61 =	vmov s17  }
0xc4: {  	v55 =	vmov s16;
	v51 =	vpack.i.f32.bf16 v61, v61;
	v46 =	vpack.i.f32.bf16 v49, v48  }
0xc5: {  	s17 =	smul.f32 s20, s20;
	v43 =	vpack.i.f32.bf16 v43, v50;
	v62 =	vadd.bf16 v51, v41;
	v63 =	vadd.bf16 v51, v42  }
0xc6: {  	v48 =	vpack.i.f32.bf16 v55, v55;
	v56 =	vadd.bf16 v51, v40;
	v57 =	vadd.bf16 v51, v44  }
0xc7: {  	v58 =	vmov s17;
	v59 =	vadd.bf16 v51, v45;
	v60 =	vadd.bf16 v51, v46  }
0xc8: {  	v61 =	vadd.bf16 v51, v43;
	v49 =	vpack.i.f32.bf16 v58, v58;
	v39 =	vmin.bf16 v39, v62  }
0xc9: {  	v38 =	vmin.bf16 v38, v63;
	v62 =	vadd.bf16 v49, v41;
	v63 =	vadd.bf16 v49, v42  }
0xca: {  	v37 =	vmin.bf16 v37, v56;
	v53 =	vadd.bf16 v49, v40;
	v54 =	vadd.bf16 v49, v44  }
0xcb: {  	v36 =	vmin.bf16 v36, v57;
	v56 =	vadd.bf16 v49, v45;
	v57 =	vadd.bf16 v49, v46  }
0xcc: {  	v58 =	vadd.bf16 v49, v43;
	v41 =	vadd.bf16 v48, v41  }
0xcd: {  	v35 =	vmin.bf16 v35, v59;
	v42 =	vadd.bf16 v48, v42;
	v40 =	vadd.bf16 v48, v40  }
0xce: {  	v34 =	vmin.bf16 v34, v60;
	v59 =	vadd.bf16 v48, v44;
	v60 =	vadd.bf16 v48, v45  }
0xcf: {  	v33 =	vmin.bf16 v33, v61;
	v61 =	vadd.bf16 v48, v46;
	v48 =	vadd.bf16 v48, v43  }
0xd0: {  	v32 =	vmin.bf16 v32, v62;
	v31 =	vmin.bf16 v31, v63;
	v30 =	vmin.bf16 v30, v53  }
0xd1: {  	v29 =	vmin.bf16 v29, v54;
	v28 =	vmin.bf16 v28, v56;
	v27 =	vmin.bf16 v27, v57  }
0xd2: {  	v26 =	vmin.bf16 v26, v58;
	v24 =	vmin.bf16 v24, v42;
	v42 =	vbroadcast v17, $0x4  }
0xd3: {  	v25 =	vmin.bf16 v25, v41;
	v23 =	vmin.bf16 v23, v40;
	v22 =	vmin.bf16 v22, v59  }
0xd4: {  	v21 =	vmin.bf16 v21, v60;
	v62 =	vsub.f32 v1, v42;
	v63 =	vsub.f32 v2, v42  }
0xd5: {  	v20 =	vmin.bf16 v20, v61;
	v50 =	vsub.f32 v3, v42;
	v51 =	vsub.f32 v4, v42  }
0xd6: {  	v19 =	vmin.bf16 v19, v48;
	v52 =	vsub.f32 v5, v42;
	v54 =	vsub.f32 v6, v42  }
0xd7: {  	v55 =	vsub.f32 v7, v42;
	v41 =	vmul.f32 v62, v62;
	v49 =	vmul.f32 v63, v63  }
0xd8: {  	v56 =	vsub.f32 v8, v42;
	v53 =	vmul.f32 v50, v50;
	v40 =	vmul.f32 v51, v51  }
0xd9: {  	v57 =	vsub.f32 v9, v42;
	v45 =	vmul.f32 v52, v52;
	v44 =	vmul.f32 v54, v54  }
0xda: {  	v59 =	vsub.f32 v10, v42;
	s21 =	spop (v2sf);
	v58 =	vmul.f32 v55, v55;
	v60 =	vmul.f32 v56, v56  }
0xdb: {  	v61 =	vmul.f32 v57, v57;
	v62 =	vsub.f32 v11, v42;
	v63 =	vsub.f32 v12, v42;
	s22 =	ssub.f32 s6, s21  }
0xdc: {  	v46 =	vmul.f32 v59, v59;
	v54 =	vsub.f32 v13, v42;
	v42 =	vsub.f32 v14, v42  }
0xdd: {  	(v2sf) =	vpush v18, $0x5;
	v41 =	vpack.i.f32.bf16 v49, v41;
	v40 =	vpack.i.f32.bf16 v40, v53;
	s17 =	smul.f32 s22, s22  }
0xde: {  	v44 =	vpack.i.f32.bf16 v44, v45;
	v48 =	vmul.f32 v62, v62;
	v49 =	vmul.f32 v63, v63  }
0xdf: {  	s23 =	ssub.f32 s7, s21;
	v50 =	vmul.f32 v54, v54;
	v42 =	vmul.f32 v42, v42;
	v55 =	vmov s17  }
0xe0: {  	s16 =	ssub.f32 s8, s21;
	v43 =	vpack.i.f32.bf16 v60, v58;
	v46 =	vpack.i.f32.bf16 v46, v61;
	v51 =	vpack.i.f32.bf16 v55, v55  }
0xe1: {  	v47 =	vpack.i.f32.bf16 v49, v48;
	s17 =	smul.f32 s23, s23;
	v56 =	vadd.bf16 v51, v41;
	v57 =	vadd.bf16 v51, v40  }
0xe2: {  	s16 =	smul.f32 s16, s16;
	v42 =	vpack.i.f32.bf16 v42, v50;
	v58 =	vadd.bf16 v51, v44;
	v59 =	vadd.bf16 v51, v43  }
0xe3: {  	v60 =	vadd.bf16 v51, v46;
	v61 =	vmov s17;
	v62 =	vadd.bf16 v51, v47  }
0xe4: {  	v51 =	vadd.bf16 v51, v42;
	v49 =	vpack.i.f32.bf16 v61, v61;
	v61 =	vmov s16  }
0xe5: {  	v39 =	vmin.bf16 v39, v56;
	v38 =	vmin.bf16 v38, v57;
	v37 =	vmin.bf16 v37, v58  }
0xe6: {  	v36 =	vmin.bf16 v36, v59;
	v63 =	vadd.bf16 v49, v41;
	v56 =	vadd.bf16 v49, v40  }
0xe7: {  	v35 =	vmin.bf16 v35, v60;
	v57 =	vadd.bf16 v49, v44;
	v34 =	vmin.bf16 v34, v62  }
0xe8: {  	v33 =	vmin.bf16 v33, v51;
	v58 =	vadd.bf16 v49, v43;
	v59 =	vadd.bf16 v49, v46  }
0xe9: {  	v60 =	vadd.bf16 v49, v47;
	v62 =	vadd.bf16 v49, v42;
	v32 =	vmin.bf16 v32, v63  }
0xea: {  	v31 =	vmin.bf16 v31, v56;
	v30 =	vmin.bf16 v30, v57;
	v63 =	vpack.i.f32.bf16 v61, v61  }
0xeb: {  	v29 =	vmin.bf16 v29, v58;
	v28 =	vmin.bf16 v28, v59;
	v41 =	vadd.bf16 v63, v41  }
0xec: {  	v27 =	vmin.bf16 v27, v60;
	v40 =	vadd.bf16 v63, v40;
	v44 =	vadd.bf16 v63, v44  }
0xed: {  	v26 =	vmin.bf16 v26, v62;
	v52 =	vadd.bf16 v63, v43;
	v53 =	vadd.bf16 v63, v46  }
0xee: {  	v43 =	vbroadcast v17, $0x5;
	v54 =	vadd.bf16 v63, v47;
	v56 =	vadd.bf16 v63, v42  }
0xef: {  	v25 =	vmin.bf16 v25, v41;
	v24 =	vmin.bf16 v24, v40;
	v23 =	vmin.bf16 v23, v44  }
0xf0: {  	v22 =	vmin.bf16 v22, v52;
	v55 =	vsub.f32 v1, v43;
	v57 =	vsub.f32 v2, v43  }
0xf1: {  	v21 =	vmin.bf16 v21, v53;
	v58 =	vsub.f32 v3, v43;
	v59 =	vsub.f32 v4, v43  }
0xf2: {  	v60 =	vsub.f32 v5, v43;
	v61 =	vsub.f32 v6, v43;
	v20 =	vmin.bf16 v20, v54  }
0xf3: {  	v19 =	vmin.bf16 v19, v56;
	v51 =	vsub.f32 v7, v43;
	v52 =	vsub.f32 v8, v43  }
0xf4: {  	v53 =	vsub.f32 v9, v43;
	v44 =	vmul.f32 v55, v55;
	v42 =	vmul.f32 v57, v57  }
0xf5: {  	v56 =	vsub.f32 v11, v43;
	v62 =	vmul.f32 v58, v58;
	v63 =	vmul.f32 v59, v59  }
0xf6: {  	s24 =	spop (v2sf);
	(v2sf) =	vpush v18, $0x6;
	v49 =	vmul.f32 v60, v60;
	v50 =	vmul.f32 v61, v61  }
0xf7: {  	v54 =	vmul.f32 v52, v52;
	v55 =	vsub.f32 v10, v43;
	v57 =	vsub.f32 v12, v43  }
0xf8: {  	s25 =	ssub.f32 s6, s24;
	v45 =	vmul.f32 v53, v53;
	v58 =	vsub.f32 v13, v43;
	v43 =	vsub.f32 v14, v43  }
0xf9: {  	v48 =	vmul.f32 v56, v56;
	v42 =	vpack.i.f32.bf16 v42, v44;
	v44 =	vmul.f32 v51, v51  }
0xfa: {  	s16 =	ssub.f32 s8, s24;
	v40 =	vpack.i.f32.bf16 v50, v49;
	s17 =	smul.f32 s25, s25;
	v47 =	vmul.f32 v55, v55;
	v49 =	vmul.f32 v57, v57  }
0xfb: {  	v41 =	vpack.i.f32.bf16 v63, v62;
	v50 =	vmul.f32 v58, v58;
	v43 =	vmul.f32 v43, v43  }
0xfc: {  	s26 =	ssub.f32 s7, s24;
	s16 =	smul.f32 s16, s16;
	v59 =	vmov s17;
	v44 =	vpack.i.f32.bf16 v54, v44;
	v45 =	vpack.i.f32.bf16 v47, v45  }
0xfd: {  	v47 =	vpack.i.f32.bf16 v49, v48;
	v43 =	vpack.i.f32.bf16 v43, v50;
	v51 =	vpack.i.f32.bf16 v59, v59  }
0xfe: {  	s17 =	smul.f32 s26, s26;
	v54 =	vmov s16;
	v60 =	vadd.bf16 v51, v42;
	v61 =	vadd.bf16 v51, v41  }
0xff: {  	v49 =	vpack.i.f32.bf16 v54, v54;
	v62 =	vadd.bf16 v51, v40;
	v63 =	vadd.bf16 v51, v44  }
0x100: {  	v56 =	vadd.bf16 v51, v45;
	v57 =	vmov s17;
	v58 =	vadd.bf16 v51, v47  }
0x101: {  	v51 =	vadd.bf16 v51, v43;
	v50 =	vpack.i.f32.bf16 v57, v57;
	v57 =	vadd.bf16 v49, v45  }
0x102: {  	v39 =	vmin.bf16 v39, v60;
	v38 =	vmin.bf16 v38, v61;
	v59 =	vadd.bf16 v50, v42  }
0x103: {  	v37 =	vmin.bf16 v37, v62;
	v60 =	vadd.bf16 v50, v41;
	v61 =	vadd.bf16 v50, v40  }
0x104: {  	v36 =	vmin.bf16 v36, v63;
	v62 =	vadd.bf16 v50, v44;
	v63 =	vadd.bf16 v50, v45  }
0x105: {  	v35 =	vmin.bf16 v35, v56;
	v55 =	vadd.bf16 v50, v47;
	v50 =	vadd.bf16 v50, v43  }
0x106: {  	v34 =	vmin.bf16 v34, v58;
	v42 =	vadd.bf16 v49, v42;
	v41 =	vadd.bf16 v49, v41  }
0x107: {  	v33 =	vmin.bf16 v33, v51;
	v40 =	vadd.bf16 v49, v40;
	v56 =	vadd.bf16 v49, v44  }
0x108: {  	v58 =	vadd.bf16 v49, v47;
	v21 =	vmin.bf16 v21, v57;
	v32 =	vmin.bf16 v32, v59  }
0x109: {  	v31 =	vmin.bf16 v31, v60;
	v30 =	vmin.bf16 v30, v61;
	v29 =	vmin.bf16 v29, v62  }
0x10a: {  	v28 =	vmin.bf16 v28, v63;
	v25 =	vmin.bf16 v25, v42;
	v42 =	vbroadcast v17, $0x6  }
0x10b: {  	v27 =	vmin.bf16 v27, v55;
	v26 =	vmin.bf16 v26, v50;
	v24 =	vmin.bf16 v24, v41  }
0x10c: {  	v23 =	vmin.bf16 v23, v40;
	v61 =	vadd.bf16 v49, v43;
	v59 =	vsub.f32 v1, v42  }
0x10d: {  	v22 =	vmin.bf16 v22, v56;
	v60 =	vsub.f32 v2, v42;
	v63 =	vsub.f32 v3, v42  }
0x10e: {  	v20 =	vmin.bf16 v20, v58;
	v48 =	vsub.f32 v4, v42;
	v49 =	vsub.f32 v5, v42  }
0x10f: {  	v19 =	vmin.bf16 v19, v61;
	v50 =	vsub.f32 v6, v42;
	v54 =	vsub.f32 v7, v42  }
0x110: {  	v55 =	vsub.f32 v8, v42;
	v62 =	vmul.f32 v59, v59;
	v41 =	vmul.f32 v60, v60  }
0x111: {  	v56 =	vsub.f32 v9, v42;
	v51 =	vmul.f32 v63, v63;
	v52 =	vmul.f32 v48, v48  }
0x112: {  	v58 =	vsub.f32 v10, v42;
	s28 =	spop (v2sf);
	v40 =	vmul.f32 v49, v49;
	v53 =	vmul.f32 v50, v50  }
0x113: {  	v61 =	vsub.f32 v13, v42;
	v57 =	vmul.f32 v54, v54;
	v44 =	vmul.f32 v55, v55;
	s29 =	ssub.f32 s6, s28  }
0x114: {  	v47 =	vmul.f32 v56, v56;
	v59 =	vsub.f32 v11, v42;
	v46 =	vmul.f32 v58, v58  }
0x115: {  	v60 =	vsub.f32 v12, v42;
	v42 =	vsub.f32 v14, v42;
	v50 =	vmul.f32 v61, v61;
	s17 =	smul.f32 s29, s29  }
0x116: {  	(v2sf) =	vpush v18, $0x7;
	v41 =	vpack.i.f32.bf16 v41, v62;
	v43 =	vpack.i.f32.bf16 v52, v51  }
0x117: {  	v40 =	vpack.i.f32.bf16 v53, v40;
	v48 =	vmul.f32 v59, v59;
	v62 =	vmov s17  }
0x118: {  	s30 =	ssub.f32 s7, s28;
	v49 =	vmul.f32 v60, v60;
	v42 =	vmul.f32 v42, v42;
	v51 =	vpack.i.f32.bf16 v62, v62  }
0x119: {  	v44 =	vpack.i.f32.bf16 v44, v57;
	v45 =	vpack.i.f32.bf16 v46, v47;
	v63 =	vadd.bf16 v51, v41  }
0x11a: {  	v46 =	vpack.i.f32.bf16 v49, v48;
	s17 =	smul.f32 s30, s30;
	v56 =	vadd.bf16 v51, v43;
	v57 =	vadd.bf16 v51, v40  }
0x11b: {  	v42 =	vpack.i.f32.bf16 v42, v50;
	v58 =	vadd.bf16 v51, v44;
	v60 =	vadd.bf16 v51, v45  }
0x11c: {  	v59 =	vmov s17;
	v61 =	vadd.bf16 v51, v46;
	v62 =	vadd.bf16 v51, v42  }
0x11d: {  	s16 =	ssub.f32 s8, s28;
	v49 =	vpack.i.f32.bf16 v59, v59;
	v39 =	vmin.bf16 v39, v63;
	v38 =	vmin.bf16 v38, v56  }
0x11e: {  	v37 =	vmin.bf16 v37, v57;
	v63 =	vadd.bf16 v49, v41;
	v36 =	vmin.bf16 v36, v58  }
0x11f: {  	s16 =	smul.f32 s16, s16;
	v53 =	vadd.bf16 v49, v43;
	v35 =	vmin.bf16 v35, v60;
	v34 =	vmin.bf16 v34, v61  }
0x120: {  	v54 =	vadd.bf16 v49, v40;
	v33 =	vmin.bf16 v33, v62;
	v55 =	vadd.bf16 v49, v44  }
0x121: {  	v56 =	vmov s16;
	v57 =	vadd.bf16 v49, v45;
	v58 =	vadd.bf16 v49, v46  }
0x122: {  	v59 =	vadd.bf16 v49, v42;
	v48 =	vpack.i.f32.bf16 v56, v56;
	v32 =	vmin.bf16 v32, v63  }
0x123: {  	v31 =	vmin.bf16 v31, v53;
	v30 =	vmin.bf16 v30, v54;
	v29 =	vmin.bf16 v29, v55  }
0x124: {  	v41 =	vadd.bf16 v48, v41;
	v28 =	vmin.bf16 v28, v57;
	v43 =	vadd.bf16 v48, v43  }
0x125: {  	v27 =	vmin.bf16 v27, v58;
	v40 =	vadd.bf16 v48, v40;
	v60 =	vadd.bf16 v48, v44  }
0x126: {  	v61 =	vadd.bf16 v48, v45;
	v24 =	vmin.bf16 v24, v43;
	v43 =	vbroadcast v17, $0x7  }
0x127: {  	v26 =	vmin.bf16 v26, v59;
	v62 =	vadd.bf16 v48, v46;
	v50 =	vadd.bf16 v48, v42  }
0x128: {  	v25 =	vmin.bf16 v25, v41;
	v23 =	vmin.bf16 v23, v40;
	v63 =	vsub.f32 v1, v43  }
0x129: {  	v22 =	vmin.bf16 v22, v60;
	v49 =	vsub.f32 v2, v43;
	v52 =	vsub.f32 v3, v43  }
0x12a: {  	v21 =	vmin.bf16 v21, v61;
	v53 =	vsub.f32 v4, v43;
	v54 =	vsub.f32 v5, v43  }
0x12b: {  	v20 =	vmin.bf16 v20, v62;
	v56 =	vsub.f32 v6, v43;
	v57 =	vsub.f32 v7, v43  }
0x12c: {  	v58 =	vsub.f32 v8, v43;
	v41 =	vmul.f32 v63, v63;
	v51 =	vmul.f32 v49, v49  }
0x12d: {  	v59 =	vsub.f32 v9, v43;
	v55 =	vmul.f32 v52, v52;
	v40 =	vmul.f32 v53, v53  }
0x12e: {  	s31 =	spop (v2sf);
	v61 =	vsub.f32 v10, v43;
	v45 =	vmul.f32 v54, v54;
	v44 =	vmul.f32 v56, v56  }
0x12f: {  	v19 =	vmin.bf16 v19, v50;
	s18 =	ssub.f32 s6, s31;
	v60 =	vmul.f32 v57, v57;
	v62 =	vmul.f32 v58, v58  }
0x130: {  	(v2sf) =	vpush v18, $0x8;
	v63 =	vmul.f32 v59, v59;
	v46 =	vmul.f32 v61, v61  }
0x131: {  	v56 =	vsub.f32 v12, v43;
	v57 =	vsub.f32 v13, v43;
	s17 =	smul.f32 s18, s18;
	v41 =	vpack.i.f32.bf16 v51, v41  }
0x132: {  	v40 =	vpack.i.f32.bf16 v40, v55;
	v44 =	vpack.i.f32.bf16 v44, v45;
	v55 =	vsub.f32 v11, v43  }
0x133: {  	v43 =	vsub.f32 v14, v43;
	v49 =	vmul.f32 v56, v56;
	v58 =	vmov s17  }
0x134: {  	s19 =	ssub.f32 s7, s31;
	v50 =	vmul.f32 v57, v57;
	v42 =	vpack.i.f32.bf16 v62, v60;
	v51 =	vpack.i.f32.bf16 v58, v58  }
0x135: {  	v46 =	vpack.i.f32.bf16 v46, v63;
	v48 =	vmul.f32 v55, v55;
	v59 =	vadd.bf16 v51, v41  }
0x136: {  	s17 =	smul.f32 s19, s19;
	v43 =	vmul.f32 v43, v43;
	v60 =	vadd.bf16 v51, v40;
	v61 =	vadd.bf16 v51, v44  }
0x137: {  	v62 =	vadd.bf16 v51, v42;
	v63 =	vadd.bf16 v51, v46  }
0x138: {  	v55 =	vmov s17;
	v47 =	vpack.i.f32.bf16 v49, v48;
	v43 =	vpack.i.f32.bf16 v43, v50  }
0x139: {  	s16 =	ssub.f32 s8, s31;
	v49 =	vpack.i.f32.bf16 v55, v55;
	v39 =	vmin.bf16 v39, v59;
	v38 =	vmin.bf16 v38, v60  }
0x13a: {  	v37 =	vmin.bf16 v37, v61;
	v56 =	vadd.bf16 v51, v47;
	v51 =	vadd.bf16 v51, v43  }
0x13b: {  	s16 =	smul.f32 s16, s16;
	v36 =	vmin.bf16 v36, v62;
	v57 =	vadd.bf16 v49, v41;
	v58 =	vadd.bf16 v49, v40  }
0x13c: {  	v35 =	vmin.bf16 v35, v63;
	v59 =	vadd.bf16 v49, v44;
	v60 =	vadd.bf16 v49, v42  }
0x13d: {  	v61 =	vadd.bf16 v49, v46;
	v62 =	vadd.bf16 v49, v47;
	v63 =	vmov s16  }
0x13e: {  	v52 =	vadd.bf16 v49, v43;
	v53 =	vpack.i.f32.bf16 v63, v63;
	v34 =	vmin.bf16 v34, v56  }
0x13f: {  	v33 =	vmin.bf16 v33, v51;
	v32 =	vmin.bf16 v32, v57;
	v31 =	vmin.bf16 v31, v58  }
0x140: {  	v30 =	vmin.bf16 v30, v59;
	v29 =	vmin.bf16 v29, v60;
	v28 =	vmin.bf16 v28, v61  }
0x141: {  	v27 =	vmin.bf16 v27, v62;
	v41 =	vadd.bf16 v53, v41;
	v40 =	vadd.bf16 v53, v40  }
0x142: {  	v26 =	vmin.bf16 v26, v52;
	v44 =	vadd.bf16 v53, v44;
	v54 =	vadd.bf16 v53, v42  }
0x143: {  	v42 =	vbroadcast v17, $0x8;
	v55 =	vadd.bf16 v53, v46;
	v56 =	vadd.bf16 v53, v47  }
0x144: {  	v58 =	vadd.bf16 v53, v43;
	v25 =	vmin.bf16 v25, v41;
	v24 =	vmin.bf16 v24, v40  }
0x145: {  	v23 =	vmin.bf16 v23, v44;
	v57 =	vsub.f32 v1, v42;
	v59 =	vsub.f32 v2, v42  }
0x146: {  	v22 =	vmin.bf16 v22, v54;
	v60 =	vsub.f32 v3, v42;
	v61 =	vsub.f32 v4, v42  }
0x147: {  	v21 =	vmin.bf16 v21, v55;
	v62 =	vsub.f32 v5, v42;
	v63 =	vsub.f32 v6, v42  }
0x148: {  	v20 =	vmin.bf16 v20, v56;
	v19 =	vmin.bf16 v19, v58;
	v54 =	vsub.f32 v7, v42  }
0x149: {  	v55 =	vsub.f32 v8, v42;
	v44 =	vmul.f32 v57, v57;
	v43 =	vmul.f32 v59, v59  }
0x14a: {  	v56 =	vsub.f32 v9, v42;
	v50 =	vmul.f32 v60, v60;
	v51 =	vmul.f32 v61, v61  }
0x14b: {  	v58 =	vsub.f32 v10, v42;
	v52 =	vmul.f32 v62, v62;
	v53 =	vmul.f32 v63, v63;
	s20 =	spop (v2sf)  }
0x14c: {  	v57 =	vmul.f32 v55, v55;
	v45 =	vmul.f32 v56, v56;
	v59 =	vsub.f32 v11, v42;
	s21 =	ssub.f32 s6, s20  }
0x14d: {  	v60 =	vsub.f32 v12, v42;
	v47 =	vmul.f32 v58, v58;
	v61 =	vsub.f32 v13, v42  }
0x14e: {  	v42 =	vsub.f32 v14, v42;
	(v2sf) =	vpush v18, $0x9;
	v43 =	vpack.i.f32.bf16 v43, v44;
	s17 =	smul.f32 s21, s21  }
0x14f: {  	v41 =	vpack.i.f32.bf16 v51, v50;
	v40 =	vpack.i.f32.bf16 v53, v52;
	v44 =	vmul.f32 v54, v54  }
0x150: {  	v48 =	vmul.f32 v59, v59;
	v49 =	vmul.f32 v60, v60;
	v62 =	vmov s17  }
0x151: {  	s22 =	ssub.f32 s7, s20;
	v50 =	vmul.f32 v61, v61;
	v42 =	vmul.f32 v42, v42;
	v51 =	vpack.i.f32.bf16 v62, v62  }
0x152: {  	v45 =	vpack.i.f32.bf16 v47, v45;
	v44 =	vpack.i.f32.bf16 v57, v44;
	v63 =	vadd.bf16 v51, v43  }
0x153: {  	v47 =	vpack.i.f32.bf16 v49, v48;
	s17 =	smul.f32 s22, s22;
	v56 =	vadd.bf16 v51, v41;
	v57 =	vadd.bf16 v51, v40  }
0x154: {  	v42 =	vpack.i.f32.bf16 v42, v50;
	v58 =	vadd.bf16 v51, v44;
	v59 =	vadd.bf16 v51, v45  }
0x155: {  	v60 =	vmov s17;
	v61 =	vadd.bf16 v51, v47;
	v51 =	vadd.bf16 v51, v42  }
0x156: {  	s16 =	ssub.f32 s8, s20;
	v50 =	vpack.i.f32.bf16 v60, v60;
	v39 =	vmin.bf16 v39, v63;
	v38 =	vmin.bf16 v38, v56  }
0x157: {  	v37 =	vmin.bf16 v37, v57;
	v62 =	vadd.bf16 v50, v43;
	v63 =	vadd.bf16 v50, v41  }
0x158: {  	s16 =	smul.f32 s16, s16;
	v36 =	vmin.bf16 v36, v58;
	v55 =	vadd.bf16 v50, v40;
	v35 =	vmin.bf16 v35, v59  }
0x159: {  	v34 =	vmin.bf16 v34, v61;
	v33 =	vmin.bf16 v33, v51;
	v56 =	vadd.bf16 v50, v44  }
0x15a: {  	v57 =	vadd.bf16 v50, v45;
	v58 =	vmov s16;
	v59 =	vadd.bf16 v50, v47  }
0x15b: {  	v50 =	vadd.bf16 v50, v42;
	v49 =	vpack.i.f32.bf16 v58, v58;
	v32 =	vmin.bf16 v32, v62  }
0x15c: {  	v31 =	vmin.bf16 v31, v63;
	v30 =	vmin.bf16 v30, v55;
	v29 =	vmin.bf16 v29, v56  }
0x15d: {  	v28 =	vmin.bf16 v28, v57;
	v43 =	vadd.bf16 v49, v43;
	v41 =	vadd.bf16 v49, v41  }
0x15e: {  	v27 =	vmin.bf16 v27, v59;
	v40 =	vadd.bf16 v49, v40;
	v60 =	vadd.bf16 v49, v44  }
0x15f: {  	v26 =	vmin.bf16 v26, v50;
	v61 =	vadd.bf16 v49, v45;
	v62 =	vadd.bf16 v49, v47  }
0x160: {  	v48 =	vadd.bf16 v49, v42;
	v25 =	vmin.bf16 v25, v43;
	v43 =	vbroadcast v17, $0x9  }
0x161: {  	v24 =	vmin.bf16 v24, v41;
	v23 =	vmin.bf16 v23, v40;
	v22 =	vmin.bf16 v22, v60  }
0x162: {  	v21 =	vmin.bf16 v21, v61;
	v63 =	vsub.f32 v1, v43;
	v47 =	vsub.f32 v2, v43  }
0x163: {  	v20 =	vmin.bf16 v20, v62;
	v50 =	vsub.f32 v3, v43;
	v51 =	vsub.f32 v4, v43  }
0x164: {  	v19 =	vmin.bf16 v19, v48;
	v52 =	vsub.f32 v5, v43;
	v53 =	vsub.f32 v6, v43  }
0x165: {  	v57 =	vsub.f32 v7, v43;
	v58 =	vsub.f32 v8, v43;
	v49 =	vmul.f32 v63, v63  }
0x166: {  	v59 =	vsub.f32 v9, v43;
	v41 =	vmul.f32 v47, v47;
	v54 =	vmul.f32 v50, v50  }
0x167: {  	v61 =	vsub.f32 v10, v43;
	v55 =	vmul.f32 v51, v51;
	v40 =	vmul.f32 v52, v52  }
0x168: {  	s23 =	spop (v2sf);
	v62 =	vsub.f32 v11, v43;
	v56 =	vmul.f32 v53, v53;
	v60 =	vmul.f32 v57, v57  }
0x169: {  	(v2sf) =	vpush v18, $0xA;
	s24 =	ssub.f32 s6, s23;
	v44 =	vmul.f32 v58, v58;
	v47 =	vmul.f32 v59, v59  }
0x16a: {  	v46 =	vmul.f32 v61, v61;
	v63 =	vsub.f32 v12, v43;
	v48 =	vmul.f32 v62, v62  }
0x16b: {  	s17 =	smul.f32 s24, s24;
	v41 =	vpack.i.f32.bf16 v41, v49;
	v42 =	vpack.i.f32.bf16 v55, v54;
	v40 =	vpack.i.f32.bf16 v56, v40  }
0x16c: {  	s25 =	ssub.f32 s7, s23;
	v54 =	vsub.f32 v13, v43;
	v43 =	vsub.f32 v14, v43;
	v49 =	vmul.f32 v63, v63  }
0x16d: {  	v44 =	vpack.i.f32.bf16 v44, v60;
	v45 =	vpack.i.f32.bf16 v46, v47;
	v55 =	vmov s17  }
0x16e: {  	s17 =	smul.f32 s25, s25;
	v50 =	vmul.f32 v54, v54;
	v51 =	vpack.i.f32.bf16 v55, v55;
	v43 =	vmul.f32 v43, v43  }
0x16f: {  	v46 =	vpack.i.f32.bf16 v49, v48;
	v56 =	vadd.bf16 v51, v41;
	v57 =	vadd.bf16 v51, v42  }
0x170: {  	v58 =	vadd.bf16 v51, v40;
	v59 =	vadd.bf16 v51, v44;
	v60 =	vmov s17  }
0x171: {  	v61 =	vadd.bf16 v51, v45;
	v62 =	vadd.bf16 v51, v46;
	v43 =	vpack.i.f32.bf16 v43, v50  }
0x172: {  	s16 =	ssub.f32 s8, s23;
	v49 =	vpack.i.f32.bf16 v60, v60;
	v39 =	vmin.bf16 v39, v56;
	v38 =	vmin.bf16 v38, v57  }
0x173: {  	v37 =	vmin.bf16 v37, v58;
	v63 =	vadd.bf16 v51, v43;
	v54 =	vadd.bf16 v49, v41  }
0x174: {  	s16 =	smul.f32 s16, s16;
	v36 =	vmin.bf16 v36, v59;
	v55 =	vadd.bf16 v49, v42;
	v35 =	vmin.bf16 v35, v61  }
0x175: {  	v34 =	vmin.bf16 v34, v62;
	v56 =	vadd.bf16 v49, v40;
	v57 =	vadd.bf16 v49, v44  }
0x176: {  	v58 =	vmov s16;
	v59 =	vadd.bf16 v49, v45;
	v60 =	vadd.bf16 v49, v46  }
0x177: {  	v61 =	vadd.bf16 v49, v43;
	v48 =	vpack.i.f32.bf16 v58, v58;
	v33 =	vmin.bf16 v33, v63  }
0x178: {  	v32 =	vmin.bf16 v32, v54;
	v31 =	vmin.bf16 v31, v55;
	v30 =	vmin.bf16 v30, v56  }
0x179: {  	v29 =	vmin.bf16 v29, v57;
	v41 =	vadd.bf16 v48, v41;
	v42 =	vadd.bf16 v48, v42  }
0x17a: {  	v28 =	vmin.bf16 v28, v59;
	v27 =	vmin.bf16 v27, v60;
	v40 =	vadd.bf16 v48, v40  }
0x17b: {  	v62 =	vadd.bf16 v48, v44;
	v24 =	vmin.bf16 v24, v42;
	v42 =	vbroadcast v17, $0xA  }
0x17c: {  	v26 =	vmin.bf16 v26, v61;
	v63 =	vadd.bf16 v48, v45;
	v49 =	vadd.bf16 v48, v46  }
0x17d: {  	v52 =	vadd.bf16 v48, v43;
	v25 =	vmin.bf16 v25, v41;
	v50 =	vsub.f32 v1, v42  }
0x17e: {  	v23 =	vmin.bf16 v23, v40;
	v51 =	vsub.f32 v2, v42;
	v54 =	vsub.f32 v3, v42  }
0x17f: {  	v22 =	vmin.bf16 v22, v62;
	v55 =	vsub.f32 v4, v42;
	v56 =	vsub.f32 v5, v42  }
0x180: {  	v21 =	vmin.bf16 v21, v63;
	v58 =	vsub.f32 v6, v42;
	v59 =	vsub.f32 v7, v42  }
0x181: {  	v60 =	vsub.f32 v8, v42;
	v41 =	vmul.f32 v50, v50;
	v53 =	vmul.f32 v51, v51  }
0x182: {  	v61 =	vsub.f32 v9, v42;
	v57 =	vmul.f32 v54, v54;
	v40 =	vmul.f32 v55, v55  }
0x183: {  	s26 =	spop (v2sf);
	v62 =	vsub.f32 v10, v42;
	v45 =	vmul.f32 v56, v56;
	v44 =	vmul.f32 v58, v58  }
0x184: {  	v20 =	vmin.bf16 v20, v49;
	s28 =	ssub.f32 s6, s26;
	v43 =	vmul.f32 v59, v59;
	v63 =	vmul.f32 v60, v60  }
0x185: {  	(v2sf) =	vpush v18, $0xB;
	v56 =	vmul.f32 v61, v61;
	v46 =	vmul.f32 v62, v62  }
0x186: {  	v58 =	vsub.f32 v12, v42;
	v59 =	vsub.f32 v13, v42;
	s17 =	smul.f32 s28, s28;
	v41 =	vpack.i.f32.bf16 v53, v41  }
0x187: {  	v40 =	vpack.i.f32.bf16 v40, v57;
	v44 =	vpack.i.f32.bf16 v44, v45;
	v57 =	vsub.f32 v11, v42  }
0x188: {  	v42 =	vsub.f32 v14, v42;
	v49 =	vmul.f32 v58, v58;
	v60 =	vmov s17  }
0x189: {  	s29 =	ssub.f32 s7, s26;
	v50 =	vmul.f32 v59, v59;
	v43 =	vpack.i.f32.bf16 v63, v43;
	v51 =	vpack.i.f32.bf16 v60, v60  }
0x18a: {  	v46 =	vpack.i.f32.bf16 v46, v56;
	v48 =	vmul.f32 v57, v57;
	v61 =	vadd.bf16 v51, v41  }
0x18b: {  	s17 =	smul.f32 s29, s29;
	v42 =	vmul.f32 v42, v42;
	v62 =	vadd.bf16 v51, v40;
	v63 =	vadd.bf16 v51, v44  }
0x18c: {  	v19 =	vmin.bf16 v19, v52;
	v56 =	vadd.bf16 v51, v43;
	v57 =	vadd.bf16 v51, v46  }
0x18d: {  	v58 =	vmov s17;
	v47 =	vpack.i.f32.bf16 v49, v48;
	v42 =	vpack.i.f32.bf16 v42, v50  }
0x18e: {  	s16 =	ssub.f32 s8, s26;
	v49 =	vpack.i.f32.bf16 v58, v58;
	v39 =	vmin.bf16 v39, v61;
	v38 =	vmin.bf16 v38, v62  }
0x18f: {  	v37 =	vmin.bf16 v37, v63;
	v59 =	vadd.bf16 v51, v47;
	v51 =	vadd.bf16 v51, v42  }
0x190: {  	s16 =	smul.f32 s16, s16;
	v36 =	vmin.bf16 v36, v56;
	v60 =	vadd.bf16 v49, v41;
	v61 =	vadd.bf16 v49, v40  }
0x191: {  	v35 =	vmin.bf16 v35, v57;
	v62 =	vadd.bf16 v49, v44;
	v63 =	vadd.bf16 v49, v43  }
0x192: {  	v54 =	vadd.bf16 v49, v46;
	v55 =	vadd.bf16 v49, v47;
	v56 =	vmov s16  }
0x193: {  	v57 =	vadd.bf16 v49, v42;
	v58 =	vpack.i.f32.bf16 v56, v56;
	v34 =	vmin.bf16 v34, v59  }
0x194: {  	v33 =	vmin.bf16 v33, v51;
	v32 =	vmin.bf16 v32, v60;
	v31 =	vmin.bf16 v31, v61  }
0x195: {  	v30 =	vmin.bf16 v30, v62;
	v29 =	vmin.bf16 v29, v63;
	v28 =	vmin.bf16 v28, v54  }
0x196: {  	v27 =	vmin.bf16 v27, v55;
	v41 =	vadd.bf16 v58, v41;
	v40 =	vadd.bf16 v58, v40  }
0x197: {  	v26 =	vmin.bf16 v26, v57;
	v44 =	vadd.bf16 v58, v44;
	v59 =	vadd.bf16 v58, v43  }
0x198: {  	v43 =	vbroadcast v17, $0xB;
	v60 =	vadd.bf16 v58, v46;
	v61 =	vadd.bf16 v58, v47  }
0x199: {  	v63 =	vadd.bf16 v58, v42;
	v25 =	vmin.bf16 v25, v41;
	v24 =	vmin.bf16 v24, v40  }
0x19a: {  	v23 =	vmin.bf16 v23, v44;
	v62 =	vsub.f32 v1, v43;
	v51 =	vsub.f32 v2, v43  }
0x19b: {  	v22 =	vmin.bf16 v22, v59;
	v52 =	vsub.f32 v3, v43;
	v53 =	vsub.f32 v4, v43  }
0x19c: {  	v21 =	vmin.bf16 v21, v60;
	v54 =	vsub.f32 v5, v43;
	v55 =	vsub.f32 v6, v43  }
0x19d: {  	v20 =	vmin.bf16 v20, v61;
	v19 =	vmin.bf16 v19, v63;
	v44 =	vmul.f32 v62, v62  }
0x19e: {  	v60 =	vsub.f32 v7, v43;
	v42 =	vmul.f32 v51, v51;
	v56 =	vmul.f32 v52, v52  }
0x19f: {  	v61 =	vsub.f32 v8, v43;
	v57 =	vmul.f32 v53, v53;
	v58 =	vmul.f32 v54, v54  }
0x1a0: {  	v59 =	vmul.f32 v55, v55;
	s30 =	spop (v2sf);
	v62 =	vsub.f32 v9, v43;
	v54 =	vsub.f32 v10, v43  }
0x1a1: {  	v63 =	vmul.f32 v61, v61;
	v55 =	vsub.f32 v11, v43;
	(v2sf) =	vpush v18, $0xC;
	s31 =	ssub.f32 s6, s30  }
0x1a2: {  	v42 =	vpack.i.f32.bf16 v42, v44;
	v41 =	vpack.i.f32.bf16 v57, v56;
	v40 =	vpack.i.f32.bf16 v59, v58  }
0x1a3: {  	v44 =	vmul.f32 v60, v60;
	v45 =	vmul.f32 v62, v62;
	v56 =	vsub.f32 v12, v43;
	s17 =	smul.f32 s31, s31  }
0x1a4: {  	v47 =	vmul.f32 v54, v54;
	v57 =	vsub.f32 v13, v43;
	v43 =	vsub.f32 v14, v43  }
0x1a5: {  	v48 =	vmul.f32 v55, v55;
	v49 =	vmul.f32 v56, v56;
	v58 =	vmov s17  }
0x1a6: {  	s18 =	ssub.f32 s7, s30;
	v50 =	vmul.f32 v57, v57;
	v43 =	vmul.f32 v43, v43;
	v51 =	vpack.i.f32.bf16 v58, v58  }
0x1a7: {  	v44 =	vpack.i.f32.bf16 v63, v44;
	v45 =	vpack.i.f32.bf16 v47, v45;
	v59 =	vadd.bf16 v51, v42  }
0x1a8: {  	s17 =	smul.f32 s18, s18;
	v47 =	vpack.i.f32.bf16 v49, v48;
	v60 =	vadd.bf16 v51, v41;
	v61 =	vadd.bf16 v51, v40  }
0x1a9: {  	v43 =	vpack.i.f32.bf16 v43, v50;
	v62 =	vadd.bf16 v51, v44;
	v63 =	vadd.bf16 v51, v45  }
0x1aa: {  	v56 =	vmov s17;
	v57 =	vadd.bf16 v51, v47;
	v51 =	vadd.bf16 v51, v43  }
0x1ab: {  	s16 =	ssub.f32 s8, s30;
	v50 =	vpack.i.f32.bf16 v56, v56;
	v39 =	vmin.bf16 v39, v59;
	v38 =	vmin.bf16 v38, v60  }
0x1ac: {  	v37 =	vmin.bf16 v37, v61;
	v58 =	vadd.bf16 v50, v42;
	v59 =	vadd.bf16 v50, v41  }
0x1ad: {  	s16 =	smul.f32 s16, s16;
	v36 =	vmin.bf16 v36, v62;
	v60 =	vadd.bf16 v50, v40;
	v35 =	vmin.bf16 v35, v63  }
0x1ae: {  	v34 =	vmin.bf16 v34, v57;
	v33 =	vmin.bf16 v33, v51;
	v61 =	vadd.bf16 v50, v44  }
0x1af: {  	v62 =	vadd.bf16 v50, v45;
	v63 =	vmov s16;
	v54 =	vadd.bf16 v50, v47  }
0x1b0: {  	v50 =	vadd.bf16 v50, v43;
	v49 =	vpack.i.f32.bf16 v63, v63;
	v32 =	vmin.bf16 v32, v58  }
0x1b1: {  	v31 =	vmin.bf16 v31, v59;
	v30 =	vmin.bf16 v30, v60;
	v29 =	vmin.bf16 v29, v61  }
0x1b2: {  	v28 =	vmin.bf16 v28, v62;
	v42 =	vadd.bf16 v49, v42;
	v41 =	vadd.bf16 v49, v41  }
0x1b3: {  	v27 =	vmin.bf16 v27, v54;
	v40 =	vadd.bf16 v49, v40;
	v55 =	vadd.bf16 v49, v44  }
0x1b4: {  	v26 =	vmin.bf16 v26, v50;
	v56 =	vadd.bf16 v49, v45;
	v57 =	vadd.bf16 v49, v47  }
0x1b5: {  	v60 =	vadd.bf16 v49, v43;
	v25 =	vmin.bf16 v25, v42;
	v42 =	vbroadcast v17, $0xC  }
0x1b6: {  	v24 =	vmin.bf16 v24, v41;
	v23 =	vmin.bf16 v23, v40;
	v22 =	vmin.bf16 v22, v55  }
0x1b7: {  	v21 =	vmin.bf16 v21, v56;
	v58 =	vsub.f32 v1, v42;
	v59 =	vsub.f32 v2, v42  }
0x1b8: {  	v20 =	vmin.bf16 v20, v57;
	v62 =	vsub.f32 v3, v42;
	v63 =	vsub.f32 v4, v42  }
0x1b9: {  	v19 =	vmin.bf16 v19, v60;
	v48 =	vsub.f32 v5, v42;
	v49 =	vsub.f32 v6, v42  }
0x1ba: {  	v53 =	vsub.f32 v7, v42;
	v54 =	vsub.f32 v8, v42;
	v61 =	vmul.f32 v58, v58  }
0x1bb: {  	v55 =	vsub.f32 v9, v42;
	v41 =	vmul.f32 v59, v59;
	v50 =	vmul.f32 v62, v62  }
0x1bc: {  	v57 =	vsub.f32 v10, v42;
	v51 =	vmul.f32 v63, v63;
	v40 =	vmul.f32 v48, v48  }
0x1bd: {  	s19 =	spop (v2sf);
	v60 =	vsub.f32 v13, v42;
	v52 =	vmul.f32 v49, v49;
	v56 =	vmul.f32 v53, v53  }
0x1be: {  	(v2sf) =	vpush v18, $0xD;
	s20 =	ssub.f32 s6, s19;
	v44 =	vmul.f32 v54, v54;
	v47 =	vmul.f32 v55, v55  }
0x1bf: {  	s16 =	ssub.f32 s8, s19;
	v58 =	vsub.f32 v11, v42;
	v46 =	vmul.f32 v57, v57;
	v59 =	vsub.f32 v12, v42  }
0x1c0: {  	v42 =	vsub.f32 v14, v42;
	s17 =	smul.f32 s20, s20;
	v41 =	vpack.i.f32.bf16 v41, v61;
	v43 =	vpack.i.f32.bf16 v51, v50  }
0x1c1: {  	s16 =	smul.f32 s16, s16;
	v40 =	vpack.i.f32.bf16 v52, v40;
	v48 =	vmul.f32 v58, v58;
	v49 =	vmul.f32 v59, v59  }
0x1c2: {  	s21 =	ssub.f32 s7, s19;
	v50 =	vmul.f32 v60, v60;
	v42 =	vmul.f32 v42, v42;
	v44 =	vpack.i.f32.bf16 v44, v56  }
0x1c3: {  	v45 =	vpack.i.f32.bf16 v46, v47;
	v61 =	vmov s17;
	v55 =	vmov s16  }
0x1c4: {  	s17 =	smul.f32 s21, s21;
	v51 =	vpack.i.f32.bf16 v61, v61;
	v46 =	vpack.i.f32.bf16 v49, v48;
	v42 =	vpack.i.f32.bf16 v42, v50  }
0x1c5: {  	v48 =	vpack.i.f32.bf16 v55, v55;
	v62 =	vadd.bf16 v51, v41;
	v63 =	vadd.bf16 v51, v43  }
0x1c6: {  	v56 =	vadd.bf16 v51, v40;
	v57 =	vadd.bf16 v51, v44;
	v58 =	vmov s17  }
0x1c7: {  	v59 =	vadd.bf16 v51, v45;
	v60 =	vadd.bf16 v51, v46;
	v49 =	vpack.i.f32.bf16 v58, v58  }
0x1c8: {  	v61 =	vadd.bf16 v51, v42;
	v39 =	vmin.bf16 v39, v62;
	v62 =	vadd.bf16 v49, v41  }
0x1c9: {  	v38 =	vmin.bf16 v38, v63;
	v63 =	vadd.bf16 v49, v43;
	v53 =	vadd.bf16 v49, v40  }
0x1ca: {  	v37 =	vmin.bf16 v37, v56;
	v54 =	vadd.bf16 v49, v44;
	v56 =	vadd.bf16 v49, v45  }
0x1cb: {  	v36 =	vmin.bf16 v36, v57;
	v57 =	vadd.bf16 v49, v46;
	v58 =	vadd.bf16 v49, v42  }
0x1cc: {  	v35 =	vmin.bf16 v35, v59;
	v41 =	vadd.bf16 v48, v41;
	v43 =	vadd.bf16 v48, v43  }
0x1cd: {  	v34 =	vmin.bf16 v34, v60;
	v40 =	vadd.bf16 v48, v40;
	v59 =	vadd.bf16 v48, v44  }
0x1ce: {  	v33 =	vmin.bf16 v33, v61;
	v60 =	vadd.bf16 v48, v45;
	v61 =	vadd.bf16 v48, v46  }
0x1cf: {  	v48 =	vadd.bf16 v48, v42;
	v32 =	vmin.bf16 v32, v62;
	v31 =	vmin.bf16 v31, v63  }
0x1d0: {  	v30 =	vmin.bf16 v30, v53;
	v29 =	vmin.bf16 v29, v54;
	v28 =	vmin.bf16 v28, v56  }
0x1d1: {  	v27 =	vmin.bf16 v27, v57;
	v24 =	vmin.bf16 v24, v43;
	v43 =	vbroadcast v17, $0xD  }
0x1d2: {  	v26 =	vmin.bf16 v26, v58;
	v25 =	vmin.bf16 v25, v41;
	v23 =	vmin.bf16 v23, v40  }
0x1d3: {  	v22 =	vmin.bf16 v22, v59;
	v21 =	vmin.bf16 v21, v60;
	v62 =	vsub.f32 v1, v43  }
0x1d4: {  	v20 =	vmin.bf16 v20, v61;
	v63 =	vsub.f32 v2, v43;
	v50 =	vsub.f32 v3, v43  }
0x1d5: {  	v19 =	vmin.bf16 v19, v48;
	v51 =	vsub.f32 v4, v43;
	v52 =	vsub.f32 v5, v43  }
0x1d6: {  	v54 =	vsub.f32 v6, v43;
	v55 =	vsub.f32 v7, v43;
	v41 =	vmul.f32 v62, v62  }
0x1d7: {  	v56 =	vsub.f32 v8, v43;
	v49 =	vmul.f32 v63, v63;
	v53 =	vmul.f32 v50, v50  }
0x1d8: {  	v57 =	vsub.f32 v9, v43;
	v40 =	vmul.f32 v51, v51;
	v45 =	vmul.f32 v52, v52  }
0x1d9: {  	v59 =	vsub.f32 v10, v43;
	s22 =	spop (v2sf);
	v44 =	vmul.f32 v54, v54;
	v58 =	vmul.f32 v55, v55  }
0x1da: {  	v60 =	vmul.f32 v56, v56;
	v61 =	vmul.f32 v57, v57;
	v62 =	vsub.f32 v11, v43;
	s23 =	ssub.f32 s6, s22  }
0x1db: {  	v46 =	vmul.f32 v59, v59;
	v63 =	vsub.f32 v12, v43;
	v54 =	vsub.f32 v13, v43  }
0x1dc: {  	v43 =	vsub.f32 v14, v43;
	(v2sf) =	vpush v18, $0xE;
	v41 =	vpack.i.f32.bf16 v49, v41;
	s17 =	smul.f32 s23, s23  }
0x1dd: {  	v40 =	vpack.i.f32.bf16 v40, v53;
	v44 =	vpack.i.f32.bf16 v44, v45;
	v48 =	vmul.f32 v62, v62  }
0x1de: {  	s24 =	ssub.f32 s7, s22;
	v49 =	vmul.f32 v63, v63;
	v50 =	vmul.f32 v54, v54;
	v55 =	vmov s17  }
0x1df: {  	v43 =	vmul.f32 v43, v43;
	v42 =	vpack.i.f32.bf16 v60, v58;
	v51 =	vpack.i.f32.bf16 v55, v55  }
0x1e0: {  	s16 =	ssub.f32 s8, s22;
	v46 =	vpack.i.f32.bf16 v46, v61;
	v47 =	vpack.i.f32.bf16 v49, v48;
	s17 =	smul.f32 s24, s24;
	v56 =	vadd.bf16 v51, v41  }
0x1e1: {  	v43 =	vpack.i.f32.bf16 v43, v50;
	v57 =	vadd.bf16 v51, v40;
	v58 =	vadd.bf16 v51, v44  }
0x1e2: {  	s16 =	smul.f32 s16, s16;
	v59 =	vadd.bf16 v51, v42;
	v60 =	vadd.bf16 v51, v46;
	v61 =	vmov s17  }
0x1e3: {  	v62 =	vadd.bf16 v51, v47;
	v51 =	vadd.bf16 v51, v43;
	v49 =	vpack.i.f32.bf16 v61, v61  }
0x1e4: {  	v61 =	vmov s16;
	v39 =	vmin.bf16 v39, v56;
	v38 =	vmin.bf16 v38, v57  }
0x1e5: {  	v37 =	vmin.bf16 v37, v58;
	v36 =	vmin.bf16 v36, v59;
	v63 =	vadd.bf16 v49, v41  }
0x1e6: {  	v56 =	vadd.bf16 v49, v40;
	v35 =	vmin.bf16 v35, v60;
	v57 =	vadd.bf16 v49, v44  }
0x1e7: {  	v34 =	vmin.bf16 v34, v62;
	v58 =	vadd.bf16 v49, v42;
	v59 =	vadd.bf16 v49, v46  }
0x1e8: {  	v33 =	vmin.bf16 v33, v51;
	v60 =	vadd.bf16 v49, v47;
	v62 =	vadd.bf16 v49, v43  }
0x1e9: {  	v32 =	vmin.bf16 v32, v63;
	v31 =	vmin.bf16 v31, v56;
	v30 =	vmin.bf16 v30, v57  }
0x1ea: {  	v29 =	vmin.bf16 v29, v58;
	v63 =	vpack.i.f32.bf16 v61, v61;
	v28 =	vmin.bf16 v28, v59  }
0x1eb: {  	v27 =	vmin.bf16 v27, v60;
	v41 =	vadd.bf16 v63, v41;
	v40 =	vadd.bf16 v63, v40  }
0x1ec: {  	v26 =	vmin.bf16 v26, v62;
	v44 =	vadd.bf16 v63, v44;
	v52 =	vadd.bf16 v63, v42  }
0x1ed: {  	v42 =	vbroadcast v17, $0xE;
	v53 =	vadd.bf16 v63, v46;
	v54 =	vadd.bf16 v63, v47  }
0x1ee: {  	v56 =	vadd.bf16 v63, v43;
	v17 =	vbroadcast v17, $0xF;
	v25 =	vmin.bf16 v25, v41  }
0x1ef: {  	v24 =	vmin.bf16 v24, v40;
	v23 =	vmin.bf16 v23, v44;
	v55 =	vsub.f32 v1, v42  }
0x1f0: {  	v22 =	vmin.bf16 v22, v52;
	v57 =	vsub.f32 v2, v42;
	v58 =	vsub.f32 v3, v42  }
0x1f1: {  	v21 =	vmin.bf16 v21, v53;
	v59 =	vsub.f32 v4, v42;
	v60 =	vsub.f32 v5, v42  }
0x1f2: {  	v61 =	vsub.f32 v6, v42;
	v20 =	vmin.bf16 v20, v54;
	v19 =	vmin.bf16 v19, v56  }
0x1f3: {  	v51 =	vsub.f32 v7, v42;
	v52 =	vsub.f32 v8, v42;
	v44 =	vmul.f32 v55, v55  }
0x1f4: {  	v53 =	vsub.f32 v9, v42;
	v43 =	vmul.f32 v57, v57;
	v62 =	vmul.f32 v58, v58  }
0x1f5: {  	v56 =	vsub.f32 v11, v42;
	v63 =	vmul.f32 v59, v59;
	v49 =	vmul.f32 v60, v60  }
0x1f6: {  	s25 =	spop (v2sf);
	(v2sf) =	vpush v18, $0xF;
	v50 =	vmul.f32 v61, v61;
	v54 =	vmul.f32 v52, v52  }
0x1f7: {  	v55 =	vsub.f32 v10, v42;
	v45 =	vmul.f32 v53, v53;
	v57 =	vsub.f32 v12, v42  }
0x1f8: {  	s26 =	ssub.f32 s6, s25;
	v58 =	vsub.f32 v13, v42;
	v42 =	vsub.f32 v14, v42;
	v48 =	vmul.f32 v56, v56  }
0x1f9: {  	v52 =	vsub.f32 v5, v17;
	v53 =	vsub.f32 v6, v17;
	v43 =	vpack.i.f32.bf16 v43, v44  }
0x1fa: {  	v41 =	vpack.i.f32.bf16 v63, v62;
	v44 =	vmul.f32 v51, v51;
	s17 =	smul.f32 s26, s26;
	v47 =	vmul.f32 v55, v55  }
0x1fb: {  	v40 =	vpack.i.f32.bf16 v50, v49;
	v49 =	vmul.f32 v57, v57;
	v50 =	vmul.f32 v58, v58  }
0x1fc: {  	v42 =	vmul.f32 v42, v42;
	v55 =	vsub.f32 v8, v17;
	v59 =	vmov s17  }
0x1fd: {  	s28 =	ssub.f32 s7, s25;
	v44 =	vpack.i.f32.bf16 v54, v44;
	v45 =	vpack.i.f32.bf16 v47, v45;
	v47 =	vpack.i.f32.bf16 v49, v48  }
0x1fe: {  	v49 =	vsub.f32 v2, v17;
	v54 =	vsub.f32 v7, v17;
	v51 =	vpack.i.f32.bf16 v59, v59  }
0x1ff: {  	s17 =	smul.f32 s28, s28;
	v60 =	vadd.bf16 v51, v43;
	v61 =	vadd.bf16 v51, v41  }
0x200: {  	v42 =	vpack.i.f32.bf16 v42, v50;
	v62 =	vadd.bf16 v51, v40;
	v63 =	vadd.bf16 v51, v44  }
0x201: {  	v56 =	vadd.bf16 v51, v45;
	v57 =	vmov s17;
	v58 =	vadd.bf16 v51, v47  }
0x202: {  	s16 =	ssub.f32 s8, s25;
	v51 =	vadd.bf16 v51, v42;
	v50 =	vpack.i.f32.bf16 v57, v57;
	v57 =	vmul.f32 v54, v54  }
0x203: {  	v39 =	vmin.bf16 v39, v60;
	v38 =	vmin.bf16 v38, v61;
	v37 =	vmin.bf16 v37, v62  }
0x204: {  	s16 =	smul.f32 s16, s16;
	v59 =	vadd.bf16 v50, v43;
	v60 =	vadd.bf16 v50, v41;
	v36 =	vmin.bf16 v36, v63  }
0x205: {  	v18 =	vadd.bf16 v50, v40;
	v35 =	vmin.bf16 v35, v56;
	v34 =	vmin.bf16 v34, v58  }
0x206: {  	v33 =	vmin.bf16 v33, v51;
	v61 =	vadd.bf16 v50, v45;
	v62 =	vmov s16  }
0x207: {  	v63 =	vadd.bf16 v50, v47;
	v51 =	vsub.f32 v4, v17;
	v56 =	vmul.f32 v53, v53  }
0x208: {  	v58 =	vmul.f32 v55, v55;
	v48 =	vpack.i.f32.bf16 v62, v62;
	v62 =	vsub.f32 v12, v17  }
0x209: {  	v32 =	vmin.bf16 v32, v59;
	v18 =	vmin.bf16 v30, v18;
	v30 =	vadd.bf16 v50, v44  }
0x20a: {  	v31 =	vmin.bf16 v31, v60;
	v50 =	vadd.bf16 v50, v42;
	v41 =	vadd.bf16 v48, v41  }
0x20b: {  	v28 =	vmin.bf16 v28, v61;
	v44 =	vadd.bf16 v48, v44;
	v46 =	vadd.bf16 v48, v45  }
0x20c: {  	v27 =	vmin.bf16 v27, v63;
	v59 =	vsub.f32 v9, v17;
	v60 =	vsub.f32 v10, v17  }
0x20d: {  	v61 =	vsub.f32 v11, v17;
	v29 =	vmin.bf16 v29, v30;
	v30 =	vadd.bf16 v48, v43  }
0x20e: {  	v63 =	vsub.f32 v13, v17;
	v26 =	vmin.bf16 v26, v50;
	v24 =	vmin.bf16 v24, v41  }
0x20f: {  	v22 =	vmin.bf16 v22, v44;
	v25 =	vmin.bf16 v25, v30;
	v30 =	vadd.bf16 v48, v40  }
0x210: {  	v21 =	vmin.bf16 v21, v46;
	v50 =	vsub.f32 v3, v17;
	v41 =	vmul.f32 v49, v49  }
0x211: {  	v43 =	vmul.f32 v51, v51;
	s29 =	spop (v2sf);
	v23 =	vmin.bf16 v23, v30;
	v30 =	vadd.bf16 v48, v47  }
0x212: {  	v44 =	vpack.i.f32.bf16 v58, v57;
	v45 =	vmul.f32 v61, v61;
	s16 =	ssub.f32 s8, s29;
	v47 =	vsub.f32 v1, v17  }
0x213: {  	v46 =	vmul.f32 v62, v62;
	v17 =	vsub.f32 v14, v17;
	v20 =	vmin.bf16 v20, v30  }
0x214: {  	s30 =	ssub.f32 s6, s29;
	s16 =	smul.f32 s16, s16;
	v30 =	vadd.bf16 v48, v42;
	v40 =	vmul.f32 v47, v47;
	v42 =	vmul.f32 v50, v50  }
0x215: {  	v45 =	vpack.i.f32.bf16 v46, v45;
	v47 =	vmul.f32 v63, v63;
	v17 =	vmul.f32 v17, v17  }
0x216: {  	s17 =	smul.f32 s30, s30;
	v61 =	vmov s16;
	v19 =	vmin.bf16 v19, v30;
	v30 =	vmul.f32 v52, v52  }
0x217: {  	s31 =	ssub.f32 s7, s29;
	v40 =	vpack.i.f32.bf16 v41, v40;
	v41 =	vpack.i.f32.bf16 v43, v42;
	v42 =	vmul.f32 v60, v60  }
0x218: {  	v52 =	vmov s17;
	v17 =	vpack.i.f32.bf16 v17, v47;
	v47 =	vpack.i.f32.bf16 v61, v61  }
0x219: {  	s17 =	smul.f32 s31, s31;
	v48 =	vpack.i.f32.bf16 v52, v52;
	v63 =	vadd.bf16 v47, v45;
	v43 =	vpack.i.f32.bf16 v56, v30  }
0x21a: {  	v30 =	vmul.f32 v59, v59;
	v53 =	vadd.bf16 v48, v40;
	v55 =	vadd.bf16 v48, v44  }
0x21b: {  	v56 =	vmov s17;
	v57 =	vadd.bf16 v48, v45;
	v54 =	vadd.bf16 v48, v43  }
0x21c: {  	v46 =	vpack.i.f32.bf16 v56, v56;
	v42 =	vpack.i.f32.bf16 v42, v30;
	v30 =	vadd.bf16 v48, v41  }
0x21d: {  	v20 =	vmin.bf16 v20, v63;
	v39 =	vmin.bf16 v39, v53;
	v36 =	vmin.bf16 v36, v55  }
0x21e: {  	v58 =	vadd.bf16 v46, v41;
	v38 =	vmin.bf16 v38, v30;
	v30 =	vadd.bf16 v48, v42  }
0x21f: {  	v34 =	vmin.bf16 v34, v57;
	v59 =	vadd.bf16 v46, v43;
	v60 =	vadd.bf16 v46, v44  }
0x220: {  	v62 =	vadd.bf16 v46, v45;
	v35 =	vmin.bf16 v35, v30;
	v30 =	vadd.bf16 v46, v40  }
0x221: {  	v41 =	vadd.bf16 v47, v41;
	v43 =	vadd.bf16 v47, v43;
	v37 =	vmin.bf16 v37, v54  }
0x222: {  	v32 =	vmin.bf16 v32, v30;
	v30 =	vmin.bf16 v18, v59;
	v18 =	vadd.bf16 v46, v42  }
0x223: {  	p0 =	sne.s32 s15, $0x7C0;
	v48 =	vadd.bf16 v48, v17;
	v31 =	vmin.bf16 v31, v58;
	v29 =	vmin.bf16 v29, v60  }
.Ltmp0:
0x224: {  	v27 =	vmin.bf16 v27, v62;
	v28 =	vmin.bf16 v28, v18;
	v18 =	vadd.bf16 v46, v17;
	(pc) =	sbr.rel @p0 .LBB2_2-.Ltmp0, $4  }
0x225: {  	v24 =	vmin.bf16 v24, v41;
	v40 =	vadd.bf16 v47, v40;
	v42 =	vadd.bf16 v47, v42  }
0x226: {  	v17 =	vadd.bf16 v47, v17;
	v26 =	vmin.bf16 v26, v18;
	v18 =	vadd.bf16 v47, v44  }
0x227: {  	v23 =	vmin.bf16 v23, v43;
	v33 =	vmin.bf16 v33, v48;
	v25 =	vmin.bf16 v25, v40  }
0x228: {  	s15 =	sadd.s32 $0x40, s15;
	v21 =	vmin.bf16 v21, v42;
	v19 =	vmin.bf16 v19, v17;
	v22 =	vmin.bf16 v22, v18  }
0x229: {  	v17 =	vadd.f32 $5.000000000e-01, v15;
	v18 =	vadd.f32 $5.000000000e-01, v16;
	_ =	sdelay $0x1  }
0x22a: {  	v17 =	vtrunc.f32 v17;
	v18 =	vtrunc.f32 v18  }
0x22b: {  	v17 =	vcvt.f32.s32 v17;
	v18 =	vcvt.f32.s32 v18;
	_ =	sdelay $0x1  }
0x22c: {  	vm0 =	vgt.s32 v17, $0x0;
	vm1 =	vgt.s32 v18, $0x0  }
0x22d: {  	v17 =	vnsel vm0, $0x0, v17;
	v18 =	vnsel vm1, $0x0, v18  }
0x22e: {  	v17 =	vmin.u32 v17, $0xDF;
	v18 =	vmin.u32 v18, $0xDF  }
0x22f: {  	v17 =	vcvt.s32.f32 v17;
	v18 =	vcvt.s32.f32 v18;
	_ =	sdelay $0x1  }
0x230: {  	v15 =	vsub.f32 v15, v17;
	v45 =	vsub.f32 v16, v18;
	_ =	sdelay $0x1  }
0x231: {  	v15 =	vmul.f32 v15, v15;
	v16 =	vmul.f32 v45, v45;
	_ =	sdelay $0x1  }
0x232: {  	v15 =	vadd.f32 v16, v15;
	_ =	sdelay $0x1  }
0x233: {  	v16 =	vshra.s32 v15, $0x1;
	v46 =	vmul.f32 $5.000000000e-01, v15  }
0x234: {  	v16 =	vsub.s32 $0x5F3759DF, v16  }
0x235: {  	v40 =	vunpack.i.l.bf16.f32 v39;
	v47 =	vmul.f32 v16, v46  }
0x236: {  	v41 =	vshra.s32 v40, $0x1;
	v42 =	vmul.f32 $5.000000000e-01, v40  }
0x237: {  	v41 =	vsub.s32 $0x5F3759DF, v41;
	v18 =	vmul.f32 v16, v47  }
0x238: {  	v43 =	vmul.f32 v41, v42  }
0x239: {  	v18 =	vsub.f32 $1.500000000e+00, v18  }
0x23a: {  	v48 =	vmul.f32 v41, v43  }
0x23b: {  	v16 =	vmul.f32 v16, v18;
	v18 =	vunpack.i.u.bf16.f32 v39  }
0x23c: {  	v39 =	vsub.f32 $1.500000000e+00, v48;
	v49 =	vshra.s32 v18, $0x1;
	v44 =	vmul.f32 $5.000000000e-01, v18  }
0x23d: {  	v17 =	vmul.f32 v16, v46;
	v43 =	vsub.s32 $0x5F3759DF, v49  }
0x23e: {  	v39 =	vmul.f32 v41, v39;
	v45 =	vmul.f32 v43, v44  }
0x23f: {  	v17 =	vmul.f32 v17, v16  }
0x240: {  	v42 =	vmul.f32 v39, v42;
	v50 =	vmul.f32 v43, v45;
	v45 =	vunpack.i.l.bf16.f32 v38  }
0x241: {  	v38 =	vunpack.i.u.bf16.f32 v38;
	v46 =	vshra.s32 v45, $0x1;
	v47 =	vmul.f32 $5.000000000e-01, v45  }
0x242: {  	v17 =	vsub.f32 $1.500000000e+00, v17;
	v51 =	vsub.f32 $1.500000000e+00, v50;
	v52 =	vsub.s32 $0x5F3759DF, v46  }
0x243: {  	v42 =	vmul.f32 v42, v39;
	v56 =	vshra.s32 v38, $0x1;
	v46 =	vmul.f32 v52, v47  }
0x244: {  	v57 =	vmul.f32 $5.000000000e-01, v38;
	v59 =	vsub.s32 $0x5F3759DF, v56;
	v53 =	vmul.f32 v43, v51  }
0x245: {  	v16 =	vmul.f32 v17, v16;
	v54 =	vsub.f32 $1.500000000e+00, v42;
	v55 =	vmul.f32 v52, v46  }
0x246: {  	v43 =	vmul.f32 v53, v44;
	v44 =	vmul.f32 v59, v57  }
0x247: {  	v15 =	vmul.f32 v16, v15;
	v17 =	vmul.f32 v54, v39;
	v58 =	vsub.f32 $1.500000000e+00, v55  }
0x248: {  	v43 =	vmul.f32 v43, v53;
	v61 =	vmul.f32 v59, v44  }
0x249: {  	v17 =	vmul.f32 v17, v40;
	v39 =	vmul.f32 v52, v58  }
0x24a: {  	v60 =	vsub.f32 $1.500000000e+00, v43;
	v43 =	vunpack.i.l.bf16.f32 v37;
	v51 =	vsub.f32 $1.500000000e+00, v61  }
0x24b: {  	v62 =	vmul.f32 v39, v47;
	v63 =	vshra.s32 v43, $0x1;
	v48 =	vmul.f32 $5.000000000e-01, v43  }
0x24c: {  	v16 =	vmul.f32 v60, v53;
	v52 =	vsub.s32 $0x5F3759DF, v63;
	v53 =	vmul.f32 v59, v51  }
0x24d: {  	v37 =	vunpack.i.u.bf16.f32 v37;
	v44 =	vmul.f32 v62, v39;
	v47 =	vmul.f32 v52, v48  }
0x24e: {  	v56 =	vshra.s32 v37, $0x1;
	v42 =	vmul.f32 v53, v57;
	v57 =	vmul.f32 $5.000000000e-01, v37  }
0x24f: {  	v59 =	vsub.s32 $0x5F3759DF, v56;
	v54 =	vsub.f32 $1.500000000e+00, v44;
	v55 =	vmul.f32 v52, v47  }
0x250: {  	v15 =	vadd.f32 v17, v15;
	v42 =	vmul.f32 v42, v53;
	v44 =	vmul.f32 v59, v57  }
0x251: {  	v16 =	vmul.f32 v16, v18;
	v18 =	vmul.f32 v54, v39;
	v58 =	vsub.f32 $1.500000000e+00, v55  }
0x252: {  	v62 =	vsub.f32 $1.500000000e+00, v42;
	v63 =	vmul.f32 v59, v44;
	v42 =	vunpack.i.l.bf16.f32 v36  }
0x253: {  	v36 =	vunpack.i.u.bf16.f32 v36;
	v60 =	vmul.f32 v18, v45;
	v61 =	vmul.f32 v52, v58  }
0x254: {  	v49 =	vshra.s32 v42, $0x1;
	v50 =	vmul.f32 $5.000000000e-01, v42;
	v58 =	vmul.f32 $5.000000000e-01, v36  }
0x255: {  	v17 =	vmul.f32 v62, v53;
	v51 =	vsub.f32 $1.500000000e+00, v63;
	v52 =	vsub.s32 $0x5F3759DF, v49  }
0x256: {  	v15 =	vadd.f32 v15, v16;
	v48 =	vmul.f32 v61, v48;
	v45 =	vmul.f32 v52, v50  }
0x257: {  	v41 =	vunpack.i.l.bf16.f32 v35;
	v53 =	vmul.f32 v17, v38;
	v54 =	vmul.f32 v59, v51  }
0x258: {  	v15 =	vadd.f32 v60, v15;
	v44 =	vmul.f32 v48, v61;
	v56 =	vmul.f32 v52, v45  }
0x259: {  	v51 =	vmul.f32 $5.000000000e-01, v41;
	v40 =	vmul.f32 v54, v57;
	v57 =	vshra.s32 v36, $0x1  }
0x25a: {  	v55 =	vsub.f32 $1.500000000e+00, v44;
	v59 =	vsub.f32 $1.500000000e+00, v56;
	v60 =	vsub.s32 $0x5F3759DF, v57  }
0x25b: {  	v40 =	vmul.f32 v40, v54;
	v44 =	vmul.f32 v60, v58  }
0x25c: {  	v35 =	vunpack.i.u.bf16.f32 v35;
	v18 =	vmul.f32 v55, v61;
	v62 =	vmul.f32 v52, v59  }
0x25d: {  	v15 =	vadd.f32 v15, v53;
	v59 =	vmul.f32 $5.000000000e-01, v35;
	v48 =	vmul.f32 v60, v44  }
0x25e: {  	v63 =	vsub.f32 $1.500000000e+00, v40;
	v49 =	vmul.f32 v62, v50;
	v50 =	vshra.s32 v41, $0x1  }
0x25f: {  	v61 =	vmul.f32 v18, v43;
	v52 =	vsub.f32 $1.500000000e+00, v48;
	v53 =	vsub.s32 $0x5F3759DF, v50  }
0x260: {  	v43 =	vmul.f32 v49, v62;
	v44 =	vmul.f32 v53, v51  }
0x261: {  	v40 =	vunpack.i.l.bf16.f32 v34;
	v17 =	vmul.f32 v63, v54;
	v55 =	vmul.f32 v60, v52  }
0x262: {  	v15 =	vadd.f32 v61, v15;
	v56 =	vsub.f32 $1.500000000e+00, v43;
	v57 =	vmul.f32 v53, v44  }
0x263: {  	v54 =	vmul.f32 v17, v37;
	v39 =	vmul.f32 v55, v58;
	v58 =	vshra.s32 v35, $0x1  }
0x264: {  	v18 =	vmul.f32 v56, v62;
	v60 =	vsub.f32 $1.500000000e+00, v57;
	v61 =	vsub.s32 $0x5F3759DF, v58  }
0x265: {  	v34 =	vunpack.i.u.bf16.f32 v34;
	v39 =	vmul.f32 v39, v55;
	v43 =	vmul.f32 v61, v59  }
0x266: {  	v52 =	vmul.f32 $5.000000000e-01, v40;
	v15 =	vadd.f32 v15, v54;
	v63 =	vmul.f32 v53, v60  }
0x267: {  	v62 =	vmul.f32 v18, v42;
	v48 =	vsub.f32 $1.500000000e+00, v39;
	v49 =	vmul.f32 v61, v43  }
0x268: {  	v60 =	vmul.f32 $5.000000000e-01, v34;
	v50 =	vmul.f32 v63, v51;
	v51 =	vshra.s32 v40, $0x1  }
0x269: {  	v17 =	vmul.f32 v48, v55;
	v53 =	vsub.f32 $1.500000000e+00, v49;
	v54 =	vsub.s32 $0x5F3759DF, v51  }
0x26a: {  	v42 =	vmul.f32 v50, v63;
	v43 =	vmul.f32 v54, v52  }
0x26b: {  	v39 =	vunpack.i.l.bf16.f32 v33;
	v15 =	vadd.f32 v62, v15;
	v56 =	vmul.f32 v61, v53  }
0x26c: {  	v55 =	vmul.f32 v17, v36;
	v57 =	vsub.f32 $1.500000000e+00, v42;
	v58 =	vmul.f32 v54, v43  }
0x26d: {  	v53 =	vmul.f32 $5.000000000e-01, v39;
	v38 =	vmul.f32 v56, v59;
	v59 =	vshra.s32 v34, $0x1  }
0x26e: {  	v18 =	vmul.f32 v57, v63;
	v61 =	vsub.f32 $1.500000000e+00, v58;
	v62 =	vsub.s32 $0x5F3759DF, v59  }
0x26f: {  	v38 =	vmul.f32 v38, v56;
	v42 =	vmul.f32 v62, v60  }
0x270: {  	v33 =	vunpack.i.u.bf16.f32 v33;
	v63 =	vmul.f32 v18, v41;
	v48 =	vmul.f32 v54, v61  }
0x271: {  	v15 =	vadd.f32 v15, v55;
	v61 =	vmul.f32 $5.000000000e-01, v33;
	v50 =	vmul.f32 v62, v42  }
0x272: {  	v49 =	vsub.f32 $1.500000000e+00, v38;
	v51 =	vmul.f32 v48, v52;
	v52 =	vshra.s32 v39, $0x1  }
0x273: {  	v38 =	vunpack.i.l.bf16.f32 v32;
	v54 =	vsub.f32 $1.500000000e+00, v50;
	v55 =	vsub.s32 $0x5F3759DF, v52  }
0x274: {  	v32 =	vunpack.i.u.bf16.f32 v32;
	v41 =	vmul.f32 v51, v48;
	v42 =	vmul.f32 v55, v53  }
0x275: {  	v15 =	vadd.f32 v63, v15;
	v17 =	vmul.f32 v49, v56;
	v57 =	vmul.f32 v62, v54  }
0x276: {  	v51 =	vmul.f32 $5.000000000e-01, v38;
	v58 =	vsub.f32 $1.500000000e+00, v41;
	v59 =	vmul.f32 v55, v42  }
0x277: {  	v56 =	vmul.f32 v17, v35;
	v37 =	vmul.f32 v57, v60;
	v60 =	vshra.s32 v33, $0x1  }
0x278: {  	v18 =	vmul.f32 v58, v48;
	v62 =	vsub.f32 $1.500000000e+00, v59;
	v63 =	vsub.s32 $0x5F3759DF, v60  }
0x279: {  	v50 =	vshra.s32 v38, $0x1;
	v59 =	vmul.f32 $5.000000000e-01, v32;
	v41 =	vmul.f32 v63, v61  }
0x27a: {  	v15 =	vadd.f32 v15, v56;
	v37 =	vmul.f32 v37, v57;
	v46 =	vmul.f32 v55, v62  }
0x27b: {  	v58 =	vshra.s32 v32, $0x1;
	v45 =	vmul.f32 v18, v40;
	v48 =	vmul.f32 v63, v41  }
0x27c: {  	v47 =	vsub.f32 $1.500000000e+00, v37;
	v49 =	vmul.f32 v46, v53;
	v53 =	vsub.s32 $0x5F3759DF, v50  }
0x27d: {  	v37 =	vunpack.i.l.bf16.f32 v31;
	v52 =	vsub.f32 $1.500000000e+00, v48;
	v41 =	vmul.f32 v53, v51  }
0x27e: {  	v31 =	vunpack.i.u.bf16.f32 v31;
	v17 =	vmul.f32 v47, v57;
	v40 =	vmul.f32 v49, v46  }
0x27f: {  	v15 =	vadd.f32 v45, v15;
	v55 =	vmul.f32 v63, v52;
	v57 =	vmul.f32 v53, v41  }
0x280: {  	v49 =	vmul.f32 $5.000000000e-01, v37;
	v54 =	vmul.f32 v17, v34;
	v56 =	vsub.f32 $1.500000000e+00, v40  }
0x281: {  	v36 =	vmul.f32 v55, v61;
	v60 =	vsub.f32 $1.500000000e+00, v57;
	v61 =	vsub.s32 $0x5F3759DF, v58  }
0x282: {  	v48 =	vshra.s32 v37, $0x1;
	v18 =	vmul.f32 v56, v46;
	v40 =	vmul.f32 v61, v59  }
0x283: {  	v15 =	vadd.f32 v15, v54;
	v36 =	vmul.f32 v36, v55;
	v63 =	vmul.f32 v53, v60  }
0x284: {  	v57 =	vmul.f32 $5.000000000e-01, v31;
	v56 =	vshra.s32 v31, $0x1;
	v46 =	vmul.f32 v61, v40  }
0x285: {  	v62 =	vmul.f32 v18, v39;
	v45 =	vsub.f32 $1.500000000e+00, v36;
	v47 =	vmul.f32 v63, v51  }
0x286: {  	v51 =	vsub.s32 $0x5F3759DF, v48;
	v36 =	vunpack.i.l.bf16.f32 v30;
	v50 =	vsub.f32 $1.500000000e+00, v46  }
0x287: {  	v30 =	vunpack.i.u.bf16.f32 v30;
	v40 =	vmul.f32 v51, v49;
	v39 =	vmul.f32 v47, v63  }
0x288: {  	v15 =	vadd.f32 v62, v15;
	v17 =	vmul.f32 v45, v55;
	v53 =	vmul.f32 v61, v50  }
0x289: {  	v46 =	vmul.f32 $5.000000000e-01, v36;
	v55 =	vmul.f32 v51, v40;
	v54 =	vsub.f32 $1.500000000e+00, v39  }
0x28a: {  	v52 =	vmul.f32 v17, v33;
	v35 =	vmul.f32 v53, v59;
	v59 =	vsub.s32 $0x5F3759DF, v56  }
0x28b: {  	v58 =	vsub.f32 $1.500000000e+00, v55;
	v18 =	vmul.f32 v54, v63;
	v39 =	vmul.f32 v59, v57  }
0x28c: {  	v45 =	vshra.s32 v36, $0x1;
	v54 =	vmul.f32 $5.000000000e-01, v30;
	v35 =	vmul.f32 v35, v53  }
0x28d: {  	v48 =	vsub.s32 $0x5F3759DF, v45;
	v61 =	vmul.f32 v51, v58;
	v60 =	vmul.f32 v18, v38  }
0x28e: {  	v15 =	vadd.f32 v15, v52;
	v63 =	vmul.f32 v59, v39;
	v39 =	vmul.f32 v48, v46  }
0x28f: {  	v62 =	vsub.f32 $1.500000000e+00, v35;
	v44 =	vmul.f32 v61, v49;
	v35 =	vunpack.i.l.bf16.f32 v29  }
0x290: {  	v29 =	vunpack.i.u.bf16.f32 v29;
	v47 =	vsub.f32 $1.500000000e+00, v63;
	v52 =	vmul.f32 v48, v39  }
0x291: {  	v15 =	vadd.f32 v60, v15;
	v63 =	vmul.f32 $5.000000000e-01, v35;
	v17 =	vmul.f32 v62, v53  }
0x292: {  	v38 =	vmul.f32 v44, v61;
	v53 =	vshra.s32 v30, $0x1;
	v50 =	vmul.f32 v59, v47  }
0x293: {  	v55 =	vsub.f32 $1.500000000e+00, v52;
	v56 =	vsub.s32 $0x5F3759DF, v53;
	v49 =	vmul.f32 v17, v32  }
0x294: {  	v51 =	vsub.f32 $1.500000000e+00, v38;
	v38 =	vmul.f32 v56, v54;
	v34 =	vmul.f32 v50, v57  }
0x295: {  	v62 =	vshra.s32 v35, $0x1;
	v58 =	vmul.f32 v48, v55;
	v48 =	vmul.f32 $5.000000000e-01, v29  }
0x296: {  	v42 =	vsub.s32 $0x5F3759DF, v62;
	v18 =	vmul.f32 v51, v61;
	v60 =	vmul.f32 v56, v38  }
0x297: {  	v47 =	vshra.s32 v29, $0x1;
	v38 =	vmul.f32 v42, v63;
	v34 =	vmul.f32 v34, v50  }
0x298: {  	v15 =	vadd.f32 v15, v49;
	v61 =	vmul.f32 v58, v46;
	v57 =	vmul.f32 v18, v37  }
0x299: {  	v41 =	vsub.f32 $1.500000000e+00, v60;
	v46 =	vmul.f32 v42, v38;
	v59 =	vsub.f32 $1.500000000e+00, v34  }
0x29a: {  	v37 =	vmul.f32 v61, v58;
	v34 =	vunpack.i.l.bf16.f32 v28;
	v28 =	vunpack.i.u.bf16.f32 v28  }
0x29b: {  	v15 =	vadd.f32 v57, v15;
	v44 =	vmul.f32 v56, v41;
	v57 =	vmul.f32 $5.000000000e-01, v34  }
0x29c: {  	v49 =	vsub.f32 $1.500000000e+00, v46;
	v41 =	vmul.f32 $5.000000000e-01, v28;
	v17 =	vmul.f32 v59, v50  }
0x29d: {  	v45 =	vsub.f32 $1.500000000e+00, v37;
	v50 =	vsub.s32 $0x5F3759DF, v47;
	v33 =	vmul.f32 v44, v54  }
0x29e: {  	v37 =	vmul.f32 v50, v48;
	v52 =	vmul.f32 v42, v49  }
0x29f: {  	v56 =	vshra.s32 v34, $0x1;
	v43 =	vmul.f32 v17, v31;
	v18 =	vmul.f32 v45, v58  }
0x2a0: {  	v59 =	vsub.s32 $0x5F3759DF, v56;
	v33 =	vmul.f32 v33, v44;
	v54 =	vmul.f32 v50, v37  }
0x2a1: {  	v40 =	vshra.s32 v28, $0x1;
	v55 =	vmul.f32 v52, v63;
	v37 =	vmul.f32 v59, v57  }
0x2a2: {  	v15 =	vadd.f32 v15, v43;
	v51 =	vmul.f32 v18, v36;
	v43 =	vsub.s32 $0x5F3759DF, v40  }
0x2a3: {  	v53 =	vsub.f32 $1.500000000e+00, v33;
	v58 =	vsub.f32 $1.500000000e+00, v54;
	v36 =	vmul.f32 v55, v52  }
0x2a4: {  	v63 =	vmul.f32 v59, v37;
	v33 =	vunpack.i.l.bf16.f32 v27;
	v27 =	vunpack.i.u.bf16.f32 v27  }
0x2a5: {  	v15 =	vadd.f32 v51, v15;
	v17 =	vmul.f32 v53, v44;
	v61 =	vmul.f32 v50, v58  }
0x2a6: {  	v62 =	vsub.f32 $1.500000000e+00, v36;
	v36 =	vmul.f32 v43, v41;
	v50 =	vmul.f32 $5.000000000e-01, v33  }
0x2a7: {  	v42 =	vsub.f32 $1.500000000e+00, v63;
	v58 =	vmul.f32 $5.000000000e-01, v27;
	v60 =	vmul.f32 v17, v30  }
0x2a8: {  	v49 =	vshra.s32 v33, $0x1;
	v32 =	vmul.f32 v61, v48;
	v18 =	vmul.f32 v62, v52  }
0x2a9: {  	v45 =	vmul.f32 v59, v42;
	v47 =	vmul.f32 v43, v36;
	v52 =	vsub.s32 $0x5F3759DF, v49  }
0x2aa: {  	v36 =	vmul.f32 v52, v50;
	v32 =	vmul.f32 v32, v61  }
0x2ab: {  	v15 =	vadd.f32 v15, v60;
	v44 =	vmul.f32 v18, v35;
	v48 =	vmul.f32 v45, v57  }
0x2ac: {  	v51 =	vsub.f32 $1.500000000e+00, v47;
	v57 =	vshra.s32 v27, $0x1;
	v56 =	vmul.f32 v52, v36  }
0x2ad: {  	v60 =	vsub.s32 $0x5F3759DF, v57;
	v46 =	vsub.f32 $1.500000000e+00, v32;
	v35 =	vmul.f32 v48, v45  }
0x2ae: {  	v54 =	vmul.f32 v43, v51;
	v32 =	vunpack.i.l.bf16.f32 v26;
	v26 =	vunpack.i.u.bf16.f32 v26  }
0x2af: {  	v59 =	vsub.f32 $1.500000000e+00, v56;
	v43 =	vmul.f32 $5.000000000e-01, v32;
	v51 =	vmul.f32 $5.000000000e-01, v26  }
0x2b0: {  	v17 =	vmul.f32 v46, v61;
	v55 =	vsub.f32 $1.500000000e+00, v35;
	v31 =	vmul.f32 v54, v41  }
0x2b1: {  	v15 =	vadd.f32 v44, v15;
	v35 =	vmul.f32 v60, v58;
	v62 =	vmul.f32 v52, v59  }
0x2b2: {  	v42 =	vshra.s32 v32, $0x1;
	v53 =	vmul.f32 v17, v29;
	v18 =	vmul.f32 v55, v45  }
0x2b3: {  	v31 =	vmul.f32 v31, v54;
	v40 =	vmul.f32 v60, v35;
	v45 =	vsub.s32 $0x5F3759DF, v42  }
0x2b4: {  	v41 =	vmul.f32 v62, v50;
	v35 =	vmul.f32 v45, v43  }
0x2b5: {  	v50 =	vshra.s32 v26, $0x1;
	v15 =	vadd.f32 v15, v53;
	v61 =	vmul.f32 v18, v34  }
0x2b6: {  	v63 =	vsub.f32 $1.500000000e+00, v31;
	v44 =	vsub.f32 $1.500000000e+00, v40;
	v53 =	vsub.s32 $0x5F3759DF, v50  }
0x2b7: {  	v31 =	vunpack.i.l.bf16.f32 v25;
	v34 =	vmul.f32 v41, v62;
	v49 =	vmul.f32 v45, v35  }
0x2b8: {  	v59 =	vshra.s32 v31, $0x1;
	v17 =	vmul.f32 v63, v54;
	v15 =	vadd.f32 v61, v15  }
0x2b9: {  	v47 =	vmul.f32 v60, v44;
	v60 =	vmul.f32 $5.000000000e-01, v31;
	v63 =	vunpack.i.u.bf16.f32 v25  }
0x2ba: {  	v25 =	vunpack.i.l.bf16.f32 v23;
	v48 =	vsub.f32 $1.500000000e+00, v34;
	v34 =	vmul.f32 v53, v51  }
0x2bb: {  	v52 =	vsub.f32 $1.500000000e+00, v49;
	v41 =	vmul.f32 $5.000000000e-01, v63;
	v46 =	vmul.f32 v17, v28  }
0x2bc: {  	v40 =	vshra.s32 v63, $0x1;
	v30 =	vmul.f32 v47, v58;
	v18 =	vmul.f32 v48, v62  }
0x2bd: {  	v55 =	vmul.f32 v45, v52;
	v57 =	vmul.f32 v53, v34;
	v62 =	vsub.s32 $0x5F3759DF, v59  }
0x2be: {  	v29 =	vsub.s32 $0x5F3759DF, v40;
	v30 =	vmul.f32 v30, v47;
	v34 =	vmul.f32 v62, v60  }
0x2bf: {  	v54 =	vmul.f32 v18, v33;
	v58 =	vmul.f32 v55, v43;
	v61 =	vsub.f32 $1.500000000e+00, v57  }
0x2c0: {  	v43 =	vmul.f32 v29, v41;
	v56 =	vsub.f32 $1.500000000e+00, v30;
	v34 =	vmul.f32 v62, v34  }
0x2c1: {  	v23 =	vunpack.i.u.bf16.f32 v23;
	v33 =	vmul.f32 v58, v55;
	v28 =	vmul.f32 v53, v61  }
0x2c2: {  	v15 =	vadd.f32 v15, v46;
	v45 =	vmul.f32 v29, v43;
	v17 =	vmul.f32 v56, v47  }
0x2c3: {  	v40 =	vshra.s32 v23, $0x1;
	v44 =	vsub.f32 $1.500000000e+00, v34;
	v33 =	vsub.f32 $1.500000000e+00, v33  }
0x2c4: {  	v42 =	vmul.f32 v28, v51;
	v48 =	vsub.f32 $1.500000000e+00, v45;
	v17 =	vmul.f32 v17, v27  }
0x2c5: {  	v15 =	vadd.f32 v54, v15;
	v47 =	vmul.f32 v62, v44;
	v18 =	vmul.f32 v33, v55  }
0x2c6: {  	v16 =	vmul.f32 v42, v28;
	v27 =	vmul.f32 v29, v48;
	v42 =	vsub.s32 $0x5F3759DF, v40  }
0x2c7: {  	v15 =	vadd.f32 v15, v17;
	v49 =	vmul.f32 v47, v60;
	v46 =	vmul.f32 v18, v32  }
0x2c8: {  	v16 =	vsub.f32 $1.500000000e+00, v16;
	v52 =	vmul.f32 v27, v41;
	v18 =	vunpack.i.u.bf16.f32 v24  }
0x2c9: {  	v41 =	vmul.f32 $5.000000000e-01, v23;
	v17 =	vmul.f32 v49, v47;
	v56 =	vshra.s32 v18, $0x1  }
0x2ca: {  	v57 =	vmul.f32 $5.000000000e-01, v18;
	v15 =	vadd.f32 v46, v15;
	v16 =	vmul.f32 v16, v28  }
0x2cb: {  	v28 =	vunpack.i.l.bf16.f32 v24;
	v54 =	vmul.f32 v52, v27;
	v33 =	vmul.f32 v42, v41  }
0x2cc: {  	v46 =	vunpack.i.l.bf16.f32 v22;
	v50 =	vshra.s32 v28, $0x1;
	v51 =	vmul.f32 $5.000000000e-01, v28  }
0x2cd: {  	v17 =	vsub.f32 $1.500000000e+00, v17;
	v16 =	vmul.f32 v16, v26;
	v29 =	vsub.s32 $0x5F3759DF, v50  }
0x2ce: {  	v48 =	vmul.f32 $5.000000000e-01, v46;
	v26 =	vsub.s32 $0x5F3759DF, v56;
	v53 =	vmul.f32 v29, v51  }
0x2cf: {  	v17 =	vmul.f32 v17, v47;
	v15 =	vadd.f32 v15, v16;
	v16 =	vsub.f32 $1.500000000e+00, v54  }
0x2d0: {  	v62 =	vshra.s32 v25, $0x1;
	v58 =	vmul.f32 v26, v57;
	v55 =	vmul.f32 v29, v53  }
0x2d1: {  	v45 =	vmul.f32 v42, v33;
	v47 =	vshra.s32 v46, $0x1;
	v16 =	vmul.f32 v16, v27  }
0x2d2: {  	v17 =	vmul.f32 v17, v31;
	v60 =	vmul.f32 v26, v58;
	v24 =	vsub.f32 $1.500000000e+00, v55  }
0x2d3: {  	v50 =	vsub.s32 $0x5F3759DF, v47;
	v16 =	vmul.f32 v16, v63;
	v63 =	vmul.f32 $5.000000000e-01, v25  }
0x2d4: {  	v59 =	vmul.f32 v29, v24;
	v24 =	vsub.f32 $1.500000000e+00, v60;
	v29 =	vsub.s32 $0x5F3759DF, v62  }
0x2d5: {  	v49 =	vsub.f32 $1.500000000e+00, v45;
	v52 =	vmul.f32 v50, v48;
	v39 =	vmul.f32 v29, v63  }
0x2d6: {  	v53 =	vunpack.i.u.bf16.f32 v22;
	v61 =	vmul.f32 v59, v51;
	v24 =	vmul.f32 v26, v24  }
0x2d7: {  	v54 =	vshra.s32 v53, $0x1;
	v26 =	vmul.f32 v42, v49;
	v31 =	vmul.f32 v29, v39  }
0x2d8: {  	v15 =	vadd.f32 v17, v15;
	v27 =	vmul.f32 v61, v59;
	v44 =	vmul.f32 v24, v57  }
0x2d9: {  	v55 =	vmul.f32 $5.000000000e-01, v53;
	v34 =	vmul.f32 v26, v41;
	v31 =	vsub.f32 $1.500000000e+00, v31  }
0x2da: {  	v15 =	vadd.f32 v15, v16;
	v43 =	vsub.f32 $1.500000000e+00, v27;
	v27 =	vmul.f32 v44, v24  }
0x2db: {  	v58 =	vmul.f32 v34, v26;
	v29 =	vmul.f32 v29, v31;
	v31 =	vsub.s32 $0x5F3759DF, v54  }
0x2dc: {  	v16 =	vmul.f32 v43, v59;
	v51 =	vsub.f32 $1.500000000e+00, v27;
	v27 =	vmul.f32 v50, v52  }
0x2dd: {  	v56 =	vmul.f32 v31, v55;
	v62 =	vsub.f32 $1.500000000e+00, v58  }
0x2de: {  	v30 =	vmul.f32 v29, v63;
	v16 =	vmul.f32 v16, v28;
	v27 =	vsub.f32 $1.500000000e+00, v27  }
0x2df: {  	v17 =	vmul.f32 v51, v24;
	v60 =	vmul.f32 v31, v56;
	v24 =	vunpack.i.l.bf16.f32 v21  }
0x2e0: {  	v21 =	vunpack.i.u.bf16.f32 v21;
	v30 =	vmul.f32 v30, v29;
	v39 =	vshra.s32 v24, $0x1  }
0x2e1: {  	v40 =	vmul.f32 $5.000000000e-01, v24;
	v41 =	vshra.s32 v21, $0x1;
	v42 =	vmul.f32 $5.000000000e-01, v21  }
0x2e2: {  	v59 =	vmul.f32 v50, v27;
	v17 =	vmul.f32 v17, v18;
	v27 =	vsub.f32 $1.500000000e+00, v60  }
0x2e3: {  	v28 =	vsub.s32 $0x5F3759DF, v41;
	v57 =	vsub.f32 $1.500000000e+00, v30;
	v30 =	vmul.f32 v62, v26  }
0x2e4: {  	v26 =	vsub.s32 $0x5F3759DF, v39;
	v44 =	vmul.f32 v28, v42;
	v63 =	vmul.f32 v59, v48  }
0x2e5: {  	v34 =	vmul.f32 v31, v27;
	v43 =	vmul.f32 v26, v40  }
0x2e6: {  	v15 =	vadd.f32 v16, v15;
	v61 =	vmul.f32 v57, v29;
	v36 =	vmul.f32 v30, v23  }
0x2e7: {  	v47 =	vmul.f32 v28, v44;
	v32 =	vmul.f32 v63, v59  }
0x2e8: {  	v15 =	vadd.f32 v15, v17;
	v38 =	vmul.f32 v34, v55;
	v45 =	vmul.f32 v26, v43  }
0x2e9: {  	v29 =	vmul.f32 v61, v25;
	v50 =	vsub.f32 $1.500000000e+00, v47;
	v37 =	vsub.f32 $1.500000000e+00, v32  }
0x2ea: {  	v23 =	vmul.f32 v38, v34;
	v48 =	vsub.f32 $1.500000000e+00, v45;
	v32 =	vunpack.i.l.bf16.f32 v19  }
0x2eb: {  	v19 =	vunpack.i.u.bf16.f32 v19;
	v18 =	vmul.f32 v28, v50;
	v16 =	vmul.f32 v37, v59  }
0x2ec: {  	v15 =	vadd.f32 v29, v15;
	v60 =	vmul.f32 $5.000000000e-01, v32;
	v63 =	vmul.f32 $5.000000000e-01, v19  }
0x2ed: {  	v59 =	vshra.s32 v32, $0x1;
	v16 =	vmul.f32 v16, v46;
	v46 =	vsub.f32 $1.500000000e+00, v23  }
0x2ee: {  	v15 =	vadd.f32 v15, v36;
	v28 =	vmul.f32 v18, v42;
	v33 =	vsub.s32 $0x5F3759DF, v59  }
0x2ef: {  	v23 =	vunpack.i.l.bf16.f32 v20;
	v20 =	vunpack.i.u.bf16.f32 v20;
	v49 =	vmul.f32 v46, v34  }
0x2f0: {  	v61 =	vmul.f32 v33, v60;
	v51 =	vshra.s32 v23, $0x1;
	v52 =	vmul.f32 $5.000000000e-01, v23  }
0x2f1: {  	v57 =	vmul.f32 $5.000000000e-01, v20;
	v17 =	vmul.f32 v49, v53;
	v53 =	vsub.s32 $0x5F3759DF, v51  }
0x2f2: {  	v56 =	vshra.s32 v20, $0x1;
	v28 =	vmul.f32 v28, v18;
	v55 =	vmul.f32 v53, v52  }
0x2f3: {  	v15 =	vadd.f32 v16, v15;
	v16 =	vmul.f32 v26, v48;
	v29 =	vsub.s32 $0x5F3759DF, v56  }
0x2f4: {  	v62 =	vshra.s32 v19, $0x1;
	v58 =	vmul.f32 v29, v57;
	v27 =	vmul.f32 v53, v55  }
0x2f5: {  	v41 =	vsub.s32 $0x5F3759DF, v62;
	v35 =	vmul.f32 v33, v61;
	v54 =	vmul.f32 v16, v40  }
0x2f6: {  	v36 =	vmul.f32 v41, v63;
	v31 =	vmul.f32 v29, v58;
	v27 =	vsub.f32 $1.500000000e+00, v27  }
0x2f7: {  	v28 =	vsub.f32 $1.500000000e+00, v28;
	v44 =	vsub.f32 $1.500000000e+00, v35;
	v25 =	vmul.f32 v54, v16  }
0x2f8: {  	v45 =	vmul.f32 v41, v36;
	v40 =	vsub.f32 $1.500000000e+00, v31;
	v22 =	vmul.f32 v53, v27  }
0x2f9: {  	v18 =	vmul.f32 v28, v18;
	v46 =	vmul.f32 v33, v44;
	v25 =	vsub.f32 $1.500000000e+00, v25  }
0x2fa: {  	v43 =	vmul.f32 v29, v40;
	v42 =	vmul.f32 v22, v52  }
0x2fb: {  	v47 =	vsub.f32 $1.500000000e+00, v45;
	v50 =	vmul.f32 v18, v21;
	v16 =	vmul.f32 v25, v16  }
0x2fc: {  	v15 =	vadd.f32 v15, v17;
	v29 =	vmul.f32 v43, v57;
	v17 =	vmul.f32 v42, v22  }
0x2fd: {  	v49 =	vmul.f32 v46, v60;
	v25 =	vmul.f32 v41, v47  }
0x2fe: {  	v16 =	vmul.f32 v16, v24;
	v48 =	vmul.f32 v29, v43;
	v17 =	vsub.f32 $1.500000000e+00, v17  }
0x2ff: {  	v53 =	vmul.f32 v25, v63;
	v52 =	vmul.f32 v49, v46  }
0x300: {  	v15 =	vadd.f32 v16, v15;
	v51 =	vsub.f32 $1.500000000e+00, v48;
	v17 =	vmul.f32 v17, v22  }
0x301: {  	v57 =	vmul.f32 v53, v25;
	v56 =	vsub.f32 $1.500000000e+00, v52  }
0x302: {  	v15 =	vadd.f32 v15, v50;
	v55 =	vmul.f32 v51, v43;
	v54 =	vmul.f32 v17, v23  }
0x303: {  	v60 =	vsub.f32 $1.500000000e+00, v57  }
0x304: {  	v59 =	vmul.f32 v56, v46;
	v58 =	vmul.f32 v55, v20;
	v15 =	vadd.f32 v54, v15;
	_ =	sdelay $0x1  }
0x305: {  	v62 =	vmul.f32 v60, v25;
	v61 =	vmul.f32 v59, v32;
	v15 =	vadd.f32 v15, v58;
	_ =	sdelay $0x1  }
0x306: {  	v63 =	vmul.f32 v62, v19;
	v15 =	vadd.f32 v61, v15;
	_ =	sdelay $0x1  }
0x307: {  	v15 =	vadd.f32 v15, v63;
	_ =	sdelay $0x1  }
0x308: {  	(xrf2) =	vadd.scan.msk.f32 $0xffff, v15;
	_ =	sdelay $0x9  }
0x309: {  	v15, _, _ =	vpop (xrf2)  }
0x30a: {  	s14 =	sadd.s32 $0x1, s14;
	v15 =	vbroadcast v15, $0xF  }
0x30b: {  	p0 =	sne.s32 s14, s10  }
.Ltmp1:
0x30c: {  	[tilespmem:$0x400] =	vst v15;
	(pc) =	sbr.rel @p0 .LBB2_1-.Ltmp1, $4  }
0x30d: {  	[hbm4b:s9+s2] =	stream.linear.scatter [tilespmem:s13], [sflag:$0x1], $0x80, $0x38;
	[tilespmem:$0x480] =	vst v63  }
0x30e: {  	_ =	swait.ge [sflag:s11], $0x80  }
0x30f: {  	[sflag:s11] =	ssyncset.done $0x0  }
0x310: {  	[sflag:s11] =	ssyncadd.s32 $0xFFFFFF80  }
0x311: {  	_ =	sfence.sel $0x180000  }
0x312: {  	[bflag:$0x0] =	sbarrier.arrive $0xFFFF  }
0x313: {  	p0 =	sne.s32 s1, $0x0;
	_ =	strace $0x90000047  }
0x314: {  	s0 =	sadd.s32 @!p0 $0x100000, s0;
	[bflag:$0x2] =	sbarrier.arrive $0xFFFF  }
0x315: {  	[sflag:s0] =	ssyncadd.tile.s32 @!p0 $0x1;
	_ =	shalt  }
.Lfunc_end2:
_tile_overlayer_lowered:
.L_overlay_start_2:
0x316: {  	(tag) =	ssettag $0x2  }
0x317: {  	s0 =	rddreg [dreg:$0x0];
	s2 =	stileid.u32  }
0x318: {  	s1 =	rddreg [dreg:$0x1];
	p0 =	sne.s32 s2, $0x0  }
0x319: {  	s3 =	rddreg [dreg:$0x2];
	[bflag:$0x3] =	sbarrier.arrive $0xFFFF;
	s2 =	simm.s32 @!p0 $0x1C01  }
0x31a: {  	[timem:s3], [sflag:s2] =	dma.local @!p0 [hbm:s0], s1  }
0x31b: {  	s0 =	simm.s32 @!p0 $0x1  }
0x31c: {  	_ =	swait.ge @!p0 [sflag:s0], s1  }
0x31d: {  	s1 =	ssub.s32 @!p0 $0x0, s1;
	[sflag:s0] =	ssyncset.done @!p0 $0x0  }
0x31e: {  	[sflag:s0] =	ssyncadd.s32 @!p0 s1  }
0x31f: {  	[bflag:$0x3] =	sbarrier.arrive $0xFFFF  }
0x320: {  	_ =	shalt  }

</sc_bundles>
